<compile_context>
chip_gen: v7x
topology: tpu7x:2x2x1
jax: 0.10.2.dev20260603
libtpu: 0.0.44.dev20260713+nightly
codegen_flags: <defaults>
</compile_context>

<pallas_src>
import functools

import jax
import jax.numpy as jnp
from jax import lax
from jax.experimental import pallas as pl
from jax.experimental.pallas import tpu as pltpu
from jax.experimental.pallas import tpu_sc as plsc

N = 10000
NPAD = 10240
E = 320000
NC = 2
NS = 16
NW = NC * NS
EPW = E // NW
CE = 125
CH = EPW // CE
K = 8
SLICE = NPAD // NS

R = 2048
G = (N + R - 1) // R

_MESH = plsc.VectorSubcoreMesh(core_axis_name="c", subcore_axis_name="s")
_SC_PARAMS = pltpu.CompilerParams(use_tc_tiling_on_sc=False)


def _sc_degree(e4):

    @functools.partial(
        pl.kernel,
        mesh=_MESH,
        out_type=jax.ShapeDtypeStruct((NC, NPAD), jnp.float32),
        compiler_params=_SC_PARAMS,
        scratch_types=[
            pltpu.VMEM((CH, CE), jnp.int32),
            pltpu.VMEM((128,), jnp.float32),
            pltpu.VMEM((SLICE,), jnp.float32),
            pltpu.VMEM_SHARED((NPAD,), jnp.float32),
        ],
    )
    def k(dst_hbm, out_hbm, dst_v, ones_v, zbuf_v, acc):
        c = lax.axis_index("c")
        s = lax.axis_index("s")
        wid = c * NS + s
        for i in range(128 // 16):
            ones_v[pl.ds(i * 16, 16)] = jnp.ones((16,), jnp.float32)
        for i in range(SLICE // 16):
            zbuf_v[pl.ds(i * 16, 16)] = jnp.zeros((16,), jnp.float32)
        pltpu.sync_copy(zbuf_v, acc.at[pl.ds(s * SLICE, SLICE)])
        plsc.subcore_barrier()
        pltpu.sync_copy(dst_hbm.at[1, wid], dst_v)

        def body(g, carry):
            pltpu.sync_copy(ones_v.at[pl.ds(0, CE)], acc.at[dst_v.at[g]],
                            add=True)
            return carry

        lax.fori_loop(0, CH, body, 0)
        plsc.subcore_barrier()
        pltpu.sync_copy(acc.at[pl.ds(s * SLICE, SLICE)],
                        out_hbm.at[c, pl.ds(s * SLICE, SLICE)])

    return k(e4)


def _sc_agg(e4, xws, C):

    @functools.partial(
        pl.kernel,
        mesh=_MESH,
        out_type=jax.ShapeDtypeStruct((NC, NPAD, C), jnp.float32),
        compiler_params=_SC_PARAMS,
        scratch_types=[
            pltpu.VMEM((CH, CE), jnp.int32),
            pltpu.VMEM((CH, CE), jnp.int32),
            pltpu.VMEM((K, CE, C), jnp.float32),
            pltpu.VMEM_SHARED((NPAD, C), jnp.float32),
            pltpu.SemaphoreType.DMA((K,)),
            pltpu.SemaphoreType.DMA((K,)),
        ],
    )
    def k(e_hbm, xws_hbm, z_hbm, out_hbm, src_v, dst_v, msg_v,
          acc, gsem, ssem):
        c = lax.axis_index("c")
        s = lax.axis_index("s")
        wid = c * NS + s
        pltpu.sync_copy(z_hbm, acc.at[pl.ds(s * SLICE, SLICE)])
        plsc.subcore_barrier()
        pltpu.sync_copy(e_hbm.at[0, wid], src_v)
        pltpu.sync_copy(e_hbm.at[1, wid], dst_v)

        def body(i, carry):
            g0 = i * K
            for kk in range(K):
                @pl.when(i > 0)
                def _():
                    pltpu.make_async_copy(
                        msg_v.at[kk], acc.at[dst_v.at[g0 - K + kk]],
                        ssem.at[kk]).wait()
                pltpu.async_copy(xws_hbm.at[src_v.at[g0 + kk]],
                                 msg_v.at[kk], gsem.at[kk])
            for kk in range(K):
                pltpu.make_async_copy(xws_hbm.at[src_v.at[g0 + kk]],
                                      msg_v.at[kk], gsem.at[kk]).wait()
                pltpu.async_copy(msg_v.at[kk], acc.at[dst_v.at[g0 + kk]],
                                 ssem.at[kk], add=True)
            return carry

        lax.fori_loop(0, CH // K, body, 0)
        for kk in range(K):
            pltpu.make_async_copy(
                msg_v.at[kk], acc.at[dst_v.at[CH - K + kk]],
                ssem.at[kk]).wait()
        plsc.subcore_barrier()
        pltpu.sync_copy(acc.at[pl.ds(s * SLICE, SLICE)],
                        out_hbm.at[c, pl.ds(s * SLICE, SLICE)])

    return k(e4, xws, jnp.zeros((SLICE, C), jnp.float32))


def _tc1(x, degT, W1):

    def body(x_ref, degp_ref, w_ref, xws_ref, dis_ref):
        i = pl.program_id(0)
        dslc = degp_ref[:, pl.ds(i * R, R)]
        deg_row = dslc[0:1, :] + dslc[1:2, :] + 1.0
        dis = 1.0 / jnp.sqrt(jnp.transpose(deg_row))
        xw = jnp.dot(x_ref[...], w_ref[...], preferred_element_type=jnp.float32)
        xws_ref[...] = xw * dis
        dis_ref[...] = dis

    return pl.pallas_call(
        body,
        grid=(G,),
        in_specs=[
            pl.BlockSpec((R, 128), lambda i: (i, 0)),
            pl.BlockSpec((NC, NPAD), lambda i: (0, 0)),
            pl.BlockSpec((128, 64), lambda i: (0, 0)),
        ],
        out_specs=[
            pl.BlockSpec((R, 64), lambda i: (i, 0)),
            pl.BlockSpec((R, 1), lambda i: (i, 0)),
        ],
        out_shape=[
            jax.ShapeDtypeStruct((N, 64), jnp.float32),
            jax.ShapeDtypeStruct((N, 1), jnp.float32),
        ],
    )(x, degT, W1)


def _tc_mid(parts, xws, dis, b, W, C_in, C_out):

    def body(p_ref, xws_ref, dis_ref, b_ref, w_ref, out_ref):
        agg = p_ref[0] + p_ref[1] + xws_ref[...]
        h = jnp.maximum(dis_ref[...] * agg + b_ref[...], 0.0)
        hw = jnp.dot(h, w_ref[...], preferred_element_type=jnp.float32)
        out_ref[...] = hw * dis_ref[...]

    return pl.pallas_call(
        body,
        grid=(G,),
        in_specs=[
            pl.BlockSpec((NC, R, C_in), lambda i: (0, i, 0)),
            pl.BlockSpec((R, C_in), lambda i: (i, 0)),
            pl.BlockSpec((R, 1), lambda i: (i, 0)),
            pl.BlockSpec((1, C_in), lambda i: (0, 0)),
            pl.BlockSpec((C_in, C_out), lambda i: (0, 0)),
        ],
        out_specs=pl.BlockSpec((R, C_out), lambda i: (i, 0)),
        out_shape=jax.ShapeDtypeStruct((N, C_out), jnp.float32),
    )(parts, xws, dis, b, W)


def _tc_last(parts, xws, dis, b):

    def body(p_ref, xws_ref, dis_ref, b_ref, out_ref):
        agg = (p_ref[0] + p_ref[1] + xws_ref[...])[:, :2]
        out_ref[...] = jnp.maximum(dis_ref[...] * agg + b_ref[...], 0.0)

    return pl.pallas_call(
        body,
        grid=(G,),
        in_specs=[
            pl.BlockSpec((NC, R, 16), lambda i: (0, i, 0)),
            pl.BlockSpec((R, 16), lambda i: (i, 0)),
            pl.BlockSpec((R, 1), lambda i: (i, 0)),
            pl.BlockSpec((1, 2), lambda i: (0, 0)),
        ],
        out_specs=pl.BlockSpec((R, 2), lambda i: (i, 0)),
        out_shape=jax.ShapeDtypeStruct((N, 2), jnp.float32),
    )(parts, xws, dis, b)


def kernel(x, edge_index, W1, b1, W2, b2, W3, b3):
    e4 = edge_index.astype(jnp.int32).reshape(2, NW, CH, CE)

    degp = _sc_degree(e4)

    xws1, dis = _tc1(x, degp, W1)
    p1 = _sc_agg(e4, xws1, 64)
    xws2 = _tc_mid(p1, xws1, dis, b1.reshape(1, -1), W2, 64, 32)
    p2 = _sc_agg(e4, xws2, 32)
    W3p = jnp.concatenate([W3, jnp.zeros((W3.shape[0], 14), W3.dtype)], axis=1)
    xws3 = _tc_mid(p2, xws2, dis, b2.reshape(1, -1), W3p, 32, 16)
    p3 = _sc_agg(e4, xws3, 16)
    return _tc_last(p3, xws3, dis, b3.reshape(1, -1))

# --- scband reference (transcript-rebuilt; emitter-appended) ---
"""Pipeline reference for scband-gcnencoder-24481313587386 (READ-ONLY COPY).

The authoritative reference and input builder live on the scoring server;
editing this copy changes nothing except your own understanding.
"""

import jax, jax.numpy as jnp
import numpy as np

N_NODES = 10000
IN_CHANNELS = 128
N_EDGES = 320000


def gcn_conv(x, src, dst, W, b, n_nodes):
    # PyG-style GCNConv: add self-loops, symmetric normalization, then aggregate.
    loop = jnp.arange(n_nodes, dtype=src.dtype)
    src_f = jnp.concatenate([src, loop])
    dst_f = jnp.concatenate([dst, loop])
    deg = jnp.zeros((n_nodes,), dtype=x.dtype).at[dst_f].add(1.0)
    deg_inv_sqrt = jnp.where(deg > 0, 1.0 / jnp.sqrt(deg), 0.0)
    norm = deg_inv_sqrt[src_f] * deg_inv_sqrt[dst_f]
    xw = x @ W
    msg = xw[src_f] * norm[:, None]
    out = jnp.zeros((n_nodes, W.shape[1]), dtype=x.dtype).at[dst_f].add(msg)
    return out + b


def setup_inputs(seed: int = 0) -> dict:
    key = jax.random.key(seed)
    k_x, k_e, k1, k2, k3 = jax.random.split(key, 5)
    x = jax.random.normal(k_x, (N_NODES, IN_CHANNELS), dtype=jnp.float32)
    edge_index = jax.random.randint(k_e, (2, N_EDGES), 0, N_NODES, dtype=jnp.int64)
    c0, c1, c2, c3 = IN_CHANNELS, IN_CHANNELS // 2, IN_CHANNELS // 4, 2
    W1 = jax.random.normal(k1, (c0, c1), dtype=jnp.float32) * (1.0 / np.sqrt(c0))
    b1 = jnp.zeros((c1,), dtype=jnp.float32)
    W2 = jax.random.normal(k2, (c1, c2), dtype=jnp.float32) * (1.0 / np.sqrt(c1))
    b2 = jnp.zeros((c2,), dtype=jnp.float32)
    W3 = jax.random.normal(k3, (c2, c3), dtype=jnp.float32) * (1.0 / np.sqrt(c2))
    b3 = jnp.zeros((c3,), dtype=jnp.float32)
    return {"x": x, "edge_index": edge_index, "W1": W1, "b1": b1, "W2": W2, "b2": b2, "W3": W3, "b3": b3}


def reference(x, edge_index, W1, b1, W2, b2, W3, b3):
    # GCNEncoder.forward: 3x (GCNConv -> ReLU -> Dropout). Dropout is identity in eval mode.
    src, dst = edge_index[0], edge_index[1]
    n_nodes = x.shape[0]
    h = gcn_conv(x, src, dst, W1, b1, n_nodes)
    h = jax.nn.relu(h)
    h = gcn_conv(h, src, dst, W2, b2, n_nodes)
    h = jax.nn.relu(h)
    h = gcn_conv(h, src, dst, W3, b3, n_nodes)
    h = jax.nn.relu(h)
    return h

if __name__ == "__main__":
    import jax
    _d = setup_inputs()
    print(jax.jit(kernel)(*tuple(_d.values())))

</pallas_src>

<mosaic_0001>
#map = affine_map<(d0, d1) -> (0, 0, 0, 0)>
#map1 = affine_map<(d0, d1) -> (0, 0)>
#map2 = affine_map<(d0, d1) -> (0, 0, 0)>
module attributes {stable_mosaic.version = 14 : i64} {
  func.func @k(%arg0: i32, %arg1: i32, %arg2: memref<2x32x80x125xi32, #tpu.memory_space<hbm>>, %arg3: memref<10000x32xf32, #tpu.memory_space<hbm>>, %arg4: memref<640x32xf32, #tpu.memory_space<hbm>>, %arg5: memref<2x10240x32xf32, #tpu.memory_space<hbm>>, %arg6: memref<80x125xi32, #tpu.memory_space<vmem>>, %arg7: memref<80x125xi32, #tpu.memory_space<vmem>>, %arg8: memref<8x125x32xf32, #tpu.memory_space<vmem>>, %arg9: memref<10240x32xf32, #tpu.memory_space<vmem_shared>>, %arg10: memref<8x!tpu.dma_semaphore, #tpu.memory_space<semaphore_mem>>, %arg11: memref<8x!tpu.dma_semaphore, #tpu.memory_space<semaphore_mem>>) attributes {dimension_semantics = [#tpu.dimension_semantics<core_parallel>, #tpu.dimension_semantics<subcore_parallel>], iteration_bounds = array<i64: 2, 16>, scalar_prefetch = 0 : i64, scratch_operands = 6 : i64, tpu.core_type = #tpu.core_type<sc_vector_subcore>, window_params = [{transform_indices = #map}, {transform_indices = #map1}, {transform_indices = #map1}, {transform_indices = #map2}]} {
    %mul3A = arith.constant 16 : i32
    %mul3A_0 = arith.muli %arg0, %mul3A : i32
    %add3A = arith.addi %mul3A_0, %arg1 : i32
    %mul3A_1 = arith.constant 640 : i32
    %mul3A_2 = arith.muli %arg1, %mul3A_1 : i32
    "tpu.region"() ({
      %run_scoped3A_133 = tpu.sem_alloc : memref<!tpu.dma_semaphore, #tpu.memory_space<semaphore_mem>>
      %dma_start3A = arith.constant 0 : i32
      %dma_start3A_134 = tpu.memref_slice %arg9[%mul3A_2, %dma_start3A] : memref<10240x32xf32, #tpu.memory_space<vmem_shared>> -> memref<640x32xf32, #tpu.memory_space<vmem_shared>>
      tpu.enqueue_dma source(%arg4 : memref<640x32xf32, #tpu.memory_space<hbm>>) target(%dma_start3A_134 : memref<640x32xf32, #tpu.memory_space<vmem_shared>>) target_semaphore(%run_scoped3A_133 : memref<!tpu.dma_semaphore, #tpu.memory_space<semaphore_mem>>)
      %dma_wait3A_135 = arith.constant 0 : i32
      %dma_wait3A_136 = tpu.memref_slice %arg9[%mul3A_2, %dma_wait3A_135] : memref<10240x32xf32, #tpu.memory_space<vmem_shared>> -> memref<640x32xf32, #tpu.memory_space<vmem_shared>>
      tpu.wait_dma2 semaphore(%run_scoped3A_133 : memref<!tpu.dma_semaphore, #tpu.memory_space<semaphore_mem>>) src(%arg4 : memref<640x32xf32, #tpu.memory_space<hbm>>) dst(%dma_wait3A_136 : memref<640x32xf32, #tpu.memory_space<vmem_shared>>)
      tpu.yield
    }) : () -> ()
    %barrier3A = arith.constant 0 : index
    tpu.barrier barrier_id(%barrier3A)
    %run_scoped3A = arith.constant 0 : i32
    "tpu.region"() ({
      %run_scoped3A_133 = tpu.sem_alloc : memref<!tpu.dma_semaphore, #tpu.memory_space<semaphore_mem>>
      %dma_start3A = arith.constant 0 : i32
      %dma_start3A_134 = arith.constant 0 : i32
      %dma_start3A_135 = tpu.memref_slice %arg2[%run_scoped3A, %add3A, %dma_start3A, %dma_start3A_134] : memref<2x32x80x125xi32, #tpu.memory_space<hbm>> -> memref<1x1x80x125xi32, #tpu.memory_space<hbm>>
      %dma_start3A_136 = tpu.memref_squeeze %dma_start3A_135 : memref<1x1x80x125xi32, #tpu.memory_space<hbm>> -> memref<80x125xi32, #tpu.memory_space<hbm>>
      %dma_start3A_137 = arith.constant 0 : i32
      %dma_start3A_138 = arith.constant 0 : i32
      %dma_start3A_139 = tpu.memref_slice %arg2[%run_scoped3A, %add3A, %dma_start3A_137, %dma_start3A_138] : memref<2x32x80x125xi32, #tpu.memory_space<hbm>> -> memref<1x1x80x125xi32, #tpu.memory_space<hbm>>
      %dma_start3A_140 = tpu.memref_squeeze %dma_start3A_139 : memref<1x1x80x125xi32, #tpu.memory_space<hbm>> -> memref<80x125xi32, #tpu.memory_space<hbm>>
      tpu.enqueue_dma source(%dma_start3A_140 : memref<80x125xi32, #tpu.memory_space<hbm>>) target(%arg6 : memref<80x125xi32, #tpu.memory_space<vmem>>) target_semaphore(%run_scoped3A_133 : memref<!tpu.dma_semaphore, #tpu.memory_space<semaphore_mem>>)
      %dma_wait3A_141 = arith.constant 0 : i32
      %dma_wait3A_142 = arith.constant 0 : i32
      %dma_wait3A_143 = tpu.memref_slice %arg2[%run_scoped3A, %add3A, %dma_wait3A_141, %dma_wait3A_142] : memref<2x32x80x125xi32, #tpu.memory_space<hbm>> -> memref<1x1x80x125xi32, #tpu.memory_space<hbm>>
      %dma_wait3A_144 = tpu.memref_squeeze %dma_wait3A_143 : memref<1x1x80x125xi32, #tpu.memory_space<hbm>> -> memref<80x125xi32, #tpu.memory_space<hbm>>
      %dma_wait3A_145 = arith.constant 0 : i32
      %dma_wait3A_146 = arith.constant 0 : i32
      %dma_wait3A_147 = tpu.memref_slice %arg2[%run_scoped3A, %add3A, %dma_wait3A_145, %dma_wait3A_146] : memref<2x32x80x125xi32, #tpu.memory_space<hbm>> -> memref<1x1x80x125xi32, #tpu.memory_space<hbm>>
      %dma_wait3A_148 = tpu.memref_squeeze %dma_wait3A_147 : memref<1x1x80x125xi32, #tpu.memory_space<hbm>> -> memref<80x125xi32, #tpu.memory_space<hbm>>
      tpu.wait_dma2 semaphore(%run_scoped3A_133 : memref<!tpu.dma_semaphore, #tpu.memory_space<semaphore_mem>>) src(%dma_wait3A_148 : memref<80x125xi32, #tpu.memory_space<hbm>>) dst(%arg6 : memref<80x125xi32, #tpu.memory_space<vmem>>)
      tpu.yield
    }) : () -> ()
    %run_scoped3A_3 = arith.constant 1 : i32
    "tpu.region"() ({
      %run_scoped3A_133 = tpu.sem_alloc : memref<!tpu.dma_semaphore, #tpu.memory_space<semaphore_mem>>
      %dma_start3A = arith.constant 0 : i32
      %dma_start3A_134 = arith.constant 0 : i32
      %dma_start3A_135 = tpu.memref_slice %arg2[%run_scoped3A_3, %add3A, %dma_start3A, %dma_start3A_134] : memref<2x32x80x125xi32, #tpu.memory_space<hbm>> -> memref<1x1x80x125xi32, #tpu.memory_space<hbm>>
      %dma_start3A_136 = tpu.memref_squeeze %dma_start3A_135 : memref<1x1x80x125xi32, #tpu.memory_space<hbm>> -> memref<80x125xi32, #tpu.memory_space<hbm>>
      %dma_start3A_137 = arith.constant 0 : i32
      %dma_start3A_138 = arith.constant 0 : i32
      %dma_start3A_139 = tpu.memref_slice %arg2[%run_scoped3A_3, %add3A, %dma_start3A_137, %dma_start3A_138] : memref<2x32x80x125xi32, #tpu.memory_space<hbm>> -> memref<1x1x80x125xi32, #tpu.memory_space<hbm>>
      %dma_start3A_140 = tpu.memref_squeeze %dma_start3A_139 : memref<1x1x80x125xi32, #tpu.memory_space<hbm>> -> memref<80x125xi32, #tpu.memory_space<hbm>>
      tpu.enqueue_dma source(%dma_start3A_140 : memref<80x125xi32, #tpu.memory_space<hbm>>) target(%arg7 : memref<80x125xi32, #tpu.memory_space<vmem>>) target_semaphore(%run_scoped3A_133 : memref<!tpu.dma_semaphore, #tpu.memory_space<semaphore_mem>>)
      %dma_wait3A_141 = arith.constant 0 : i32
      %dma_wait3A_142 = arith.constant 0 : i32
      %dma_wait3A_143 = tpu.memref_slice %arg2[%run_scoped3A_3, %add3A, %dma_wait3A_141, %dma_wait3A_142] : memref<2x32x80x125xi32, #tpu.memory_space<hbm>> -> memref<1x1x80x125xi32, #tpu.memory_space<hbm>>
      %dma_wait3A_144 = tpu.memref_squeeze %dma_wait3A_143 : memref<1x1x80x125xi32, #tpu.memory_space<hbm>> -> memref<80x125xi32, #tpu.memory_space<hbm>>
      %dma_wait3A_145 = arith.constant 0 : i32
      %dma_wait3A_146 = arith.constant 0 : i32
      %dma_wait3A_147 = tpu.memref_slice %arg2[%run_scoped3A_3, %add3A, %dma_wait3A_145, %dma_wait3A_146] : memref<2x32x80x125xi32, #tpu.memory_space<hbm>> -> memref<1x1x80x125xi32, #tpu.memory_space<hbm>>
      %dma_wait3A_148 = tpu.memref_squeeze %dma_wait3A_147 : memref<1x1x80x125xi32, #tpu.memory_space<hbm>> -> memref<80x125xi32, #tpu.memory_space<hbm>>
      tpu.wait_dma2 semaphore(%run_scoped3A_133 : memref<!tpu.dma_semaphore, #tpu.memory_space<semaphore_mem>>) src(%dma_wait3A_148 : memref<80x125xi32, #tpu.memory_space<hbm>>) dst(%arg7 : memref<80x125xi32, #tpu.memory_space<vmem>>)
      tpu.yield
    }) : () -> ()
    %scan3A = arith.constant 0 : i32
    %scan3A_4 = arith.constant 0 : i32
    %scan3A_5 = arith.constant 10 : i32
    %scan3A_6 = arith.addi %scan3A_4, %scan3A_5 : i32
    %scan3A_7 = arith.constant 1 : i32
    scf.for %scan3A_133 = %scan3A_4 to %scan3A_6 step %scan3A_7  : i32 {
      %mul3A_134 = arith.constant 8 : i32
      %mul3A_135 = arith.muli %scan3A_133, %mul3A_134 : i32
      %gt3A = arith.constant 0 : i32
      %gt3A_136 = arith.cmpi sgt, %scan3A_133, %gt3A : i32
      %convert_element_type3A = arith.extui %gt3A_136 : i1 to i32
      %cond3A = arith.constant 0 : i32
      %cond3A_137 = arith.cmpi ne, %convert_element_type3A, %cond3A : i32
      scf.if %cond3A_137 {
        %sub3A = arith.constant 8 : i32
        %sub3A_556 = arith.subi %mul3A_135, %sub3A : i32
        %add3A_557 = arith.constant 0 : i32
        %add3A_558 = arith.addi %sub3A_556, %add3A_557 : i32
        %dma_wait3A_559 = arith.constant 0 : i32
        %dma_wait3A_560 = arith.constant 0 : i32
        %dma_wait3A_561 = arith.constant 0 : i32
        %dma_wait3A_562 = arith.constant 0 : i32
        %dma_wait3A_563 = tpu.memref_slice %arg8[%dma_wait3A_559, %dma_wait3A_561, %dma_wait3A_562] : memref<8x125x32xf32, #tpu.memory_space<vmem>> -> memref<1x125x32xf32, #tpu.memory_space<vmem>>
        %dma_wait3A_564 = tpu.memref_squeeze %dma_wait3A_563 : memref<1x125x32xf32, #tpu.memory_space<vmem>> -> memref<125x32xf32, #tpu.memory_space<vmem>>
        %dma_wait3A_565 = arith.constant 0 : i32
        %dma_wait3A_566 = tpu.memref_slice %arg7[%add3A_558, %dma_wait3A_565] : memref<80x125xi32, #tpu.memory_space<vmem>> -> memref<1x125xi32, #tpu.memory_space<vmem>>
        %dma_wait3A_567 = tpu.memref_squeeze %dma_wait3A_566 : memref<1x125xi32, #tpu.memory_space<vmem>> -> memref<125xi32, #tpu.memory_space<vmem>>
        %dma_wait3A_568 = arith.constant 0 : i32
        %dma_wait3A_569 = arith.constant 0 : i32
        %dma_wait3A_570 = tpu.memref_slice %arg9[%dma_wait3A_568, %dma_wait3A_569] : memref<10240x32xf32, #tpu.memory_space<vmem_shared>> -> memref<10240x32xf32, #tpu.memory_space<vmem_shared>>
        %dma_wait3A_571 = tpu.memref_slice %arg11[%dma_wait3A_560] : memref<8x!tpu.dma_semaphore, #tpu.memory_space<semaphore_mem>> -> memref<1x!tpu.dma_semaphore, #tpu.memory_space<semaphore_mem>>
        %dma_wait3A_572 = tpu.memref_squeeze %dma_wait3A_571 : memref<1x!tpu.dma_semaphore, #tpu.memory_space<semaphore_mem>> -> memref<!tpu.dma_semaphore, #tpu.memory_space<semaphore_mem>>
        tpu.wait_indirect_dma semaphore(%dma_wait3A_572 : memref<!tpu.dma_semaphore, #tpu.memory_space<semaphore_mem>>) src(%dma_wait3A_564 : memref<125x32xf32, #tpu.memory_space<vmem>>) dst(%dma_wait3A_570 : memref<10240x32xf32, #tpu.memory_space<vmem_shared>>)
      } else {
      }
      %add3A_138 = arith.constant 0 : i32
      %add3A_139 = arith.addi %mul3A_135, %add3A_138 : i32
      %dma_start3A = arith.constant 0 : i32
      %dma_start3A_140 = arith.constant 0 : i32
      %dma_start3A_141 = arith.constant 0 : i32
      %dma_start3A_142 = arith.constant 0 : i32
      %dma_start3A_143 = tpu.memref_slice %arg8[%dma_start3A, %dma_start3A_141, %dma_start3A_142] : memref<8x125x32xf32, #tpu.memory_space<vmem>> -> memref<1x125x32xf32, #tpu.memory_space<vmem>>
      %dma_start3A_144 = tpu.memref_squeeze %dma_start3A_143 : memref<1x125x32xf32, #tpu.memory_space<vmem>> -> memref<125x32xf32, #tpu.memory_space<vmem>>
      %dma_start3A_145 = arith.constant 0 : i32
      %dma_start3A_146 = tpu.memref_slice %arg6[%add3A_139, %dma_start3A_145] : memref<80x125xi32, #tpu.memory_space<vmem>> -> memref<1x125xi32, #tpu.memory_space<vmem>>
      %dma_start3A_147 = tpu.memref_squeeze %dma_start3A_146 : memref<1x125xi32, #tpu.memory_space<vmem>> -> memref<125xi32, #tpu.memory_space<vmem>>
      %dma_start3A_148 = arith.constant 0 : i32
      %dma_start3A_149 = arith.constant 0 : i32
      %dma_start3A_150 = tpu.memref_slice %arg3[%dma_start3A_148, %dma_start3A_149] : memref<10000x32xf32, #tpu.memory_space<hbm>> -> memref<10000x32xf32, #tpu.memory_space<hbm>>
      %dma_start3A_151 = tpu.memref_slice %arg10[%dma_start3A_140] : memref<8x!tpu.dma_semaphore, #tpu.memory_space<semaphore_mem>> -> memref<1x!tpu.dma_semaphore, #tpu.memory_space<semaphore_mem>>
      %dma_start3A_152 = tpu.memref_squeeze %dma_start3A_151 : memref<1x!tpu.dma_semaphore, #tpu.memory_space<semaphore_mem>> -> memref<!tpu.dma_semaphore, #tpu.memory_space<semaphore_mem>>
      tpu.enqueue_indirect_dma source(%dma_start3A_150 : memref<10000x32xf32, #tpu.memory_space<hbm>>) target(%dma_start3A_144 : memref<125x32xf32, #tpu.memory_space<vmem>>) offsets(%dma_start3A_147 : memref<125xi32, #tpu.memory_space<vmem>>) semaphore(%dma_start3A_152 : memref<!tpu.dma_semaphore, #tpu.memory_space<semaphore_mem>>)
      %gt3A_153 = arith.constant 0 : i32
      %gt3A_154 = arith.cmpi sgt, %scan3A_133, %gt3A_153 : i32
      %convert_element_type3A_155 = arith.extui %gt3A_154 : i1 to i32
      %cond3A_156 = arith.constant 0 : i32
      %cond3A_157 = arith.cmpi ne, %convert_element_type3A_155, %cond3A_156 : i32
      scf.if %cond3A_157 {
        %sub3A = arith.constant 8 : i32
        %sub3A_556 = arith.subi %mul3A_135, %sub3A : i32
        %add3A_557 = arith.constant 1 : i32
        %add3A_558 = arith.addi %sub3A_556, %add3A_557 : i32
        %dma_wait3A_559 = arith.constant 1 : i32
        %dma_wait3A_560 = arith.constant 1 : i32
        %dma_wait3A_561 = arith.constant 0 : i32
        %dma_wait3A_562 = arith.constant 0 : i32
        %dma_wait3A_563 = tpu.memref_slice %arg8[%dma_wait3A_559, %dma_wait3A_561, %dma_wait3A_562] : memref<8x125x32xf32, #tpu.memory_space<vmem>> -> memref<1x125x32xf32, #tpu.memory_space<vmem>>
        %dma_wait3A_564 = tpu.memref_squeeze %dma_wait3A_563 : memref<1x125x32xf32, #tpu.memory_space<vmem>> -> memref<125x32xf32, #tpu.memory_space<vmem>>
        %dma_wait3A_565 = arith.constant 0 : i32
        %dma_wait3A_566 = tpu.memref_slice %arg7[%add3A_558, %dma_wait3A_565] : memref<80x125xi32, #tpu.memory_space<vmem>> -> memref<1x125xi32, #tpu.memory_space<vmem>>
        %dma_wait3A_567 = tpu.memref_squeeze %dma_wait3A_566 : memref<1x125xi32, #tpu.memory_space<vmem>> -> memref<125xi32, #tpu.memory_space<vmem>>
        %dma_wait3A_568 = arith.constant 0 : i32
        %dma_wait3A_569 = arith.constant 0 : i32
        %dma_wait3A_570 = tpu.memref_slice %arg9[%dma_wait3A_568, %dma_wait3A_569] : memref<10240x32xf32, #tpu.memory_space<vmem_shared>> -> memref<10240x32xf32, #tpu.memory_space<vmem_shared>>
        %dma_wait3A_571 = tpu.memref_slice %arg11[%dma_wait3A_560] : memref<8x!tpu.dma_semaphore, #tpu.memory_space<semaphore_mem>> -> memref<1x!tpu.dma_semaphore, #tpu.memory_space<semaphore_mem>>
        %dma_wait3A_572 = tpu.memref_squeeze %dma_wait3A_571 : memref<1x!tpu.dma_semaphore, #tpu.memory_space<semaphore_mem>> -> memref<!tpu.dma_semaphore, #tpu.memory_space<semaphore_mem>>
        tpu.wait_indirect_dma semaphore(%dma_wait3A_572 : memref<!tpu.dma_semaphore, #tpu.memory_space<semaphore_mem>>) src(%dma_wait3A_564 : memref<125x32xf32, #tpu.memory_space<vmem>>) dst(%dma_wait3A_570 : memref<10240x32xf32, #tpu.memory_space<vmem_shared>>)
      } else {
      }
      %add3A_158 = arith.constant 1 : i32
      %add3A_159 = arith.addi %mul3A_135, %add3A_158 : i32
      %dma_start3A_160 = arith.constant 1 : i32
      %dma_start3A_161 = arith.constant 1 : i32
      %dma_start3A_162 = arith.constant 0 : i32
      %dma_start3A_163 = arith.constant 0 : i32
      %dma_start3A_164 = tpu.memref_slice %arg8[%dma_start3A_160, %dma_start3A_162, %dma_start3A_163] : memref<8x125x32xf32, #tpu.memory_space<vmem>> -> memref<1x125x32xf32, #tpu.memory_space<vmem>>
      %dma_start3A_165 = tpu.memref_squeeze %dma_start3A_164 : memref<1x125x32xf32, #tpu.memory_space<vmem>> -> memref<125x32xf32, #tpu.memory_space<vmem>>
      %dma_start3A_166 = arith.constant 0 : i32
      %dma_start3A_167 = tpu.memref_slice %arg6[%add3A_159, %dma_start3A_166] : memref<80x125xi32, #tpu.memory_space<vmem>> -> memref<1x125xi32, #tpu.memory_space<vmem>>
      %dma_start3A_168 = tpu.memref_squeeze %dma_start3A_167 : memref<1x125xi32, #tpu.memory_space<vmem>> -> memref<125xi32, #tpu.memory_space<vmem>>
      %dma_start3A_169 = arith.constant 0 : i32
      %dma_start3A_170 = arith.constant 0 : i32
      %dma_start3A_171 = tpu.memref_slice %arg3[%dma_start3A_169, %dma_start3A_170] : memref<10000x32xf32, #tpu.memory_space<hbm>> -> memref<10000x32xf32, #tpu.memory_space<hbm>>
      %dma_start3A_172 = tpu.memref_slice %arg10[%dma_start3A_161] : memref<8x!tpu.dma_semaphore, #tpu.memory_space<semaphore_mem>> -> memref<1x!tpu.dma_semaphore, #tpu.memory_space<semaphore_mem>>
      %dma_start3A_173 = tpu.memref_squeeze %dma_start3A_172 : memref<1x!tpu.dma_semaphore, #tpu.memory_space<semaphore_mem>> -> memref<!tpu.dma_semaphore, #tpu.memory_space<semaphore_mem>>
      tpu.enqueue_indirect_dma source(%dma_start3A_171 : memref<10000x32xf32, #tpu.memory_space<hbm>>) target(%dma_start3A_165 : memref<125x32xf32, #tpu.memory_space<vmem>>) offsets(%dma_start3A_168 : memref<125xi32, #tpu.memory_space<vmem>>) semaphore(%dma_start3A_173 : memref<!tpu.dma_semaphore, #tpu.memory_space<semaphore_mem>>)
      %gt3A_174 = arith.constant 0 : i32
      %gt3A_175 = arith.cmpi sgt, %scan3A_133, %gt3A_174 : i32
      %convert_element_type3A_176 = arith.extui %gt3A_175 : i1 to i32
      %cond3A_177 = arith.constant 0 : i32
      %cond3A_178 = arith.cmpi ne, %convert_element_type3A_176, %cond3A_177 : i32
      scf.if %cond3A_178 {
        %sub3A = arith.constant 8 : i32
        %sub3A_556 = arith.subi %mul3A_135, %sub3A : i32
        %add3A_557 = arith.constant 2 : i32
        %add3A_558 = arith.addi %sub3A_556, %add3A_557 : i32
        %dma_wait3A_559 = arith.constant 2 : i32
        %dma_wait3A_560 = arith.constant 2 : i32
        %dma_wait3A_561 = arith.constant 0 : i32
        %dma_wait3A_562 = arith.constant 0 : i32
        %dma_wait3A_563 = tpu.memref_slice %arg8[%dma_wait3A_559, %dma_wait3A_561, %dma_wait3A_562] : memref<8x125x32xf32, #tpu.memory_space<vmem>> -> memref<1x125x32xf32, #tpu.memory_space<vmem>>
        %dma_wait3A_564 = tpu.memref_squeeze %dma_wait3A_563 : memref<1x125x32xf32, #tpu.memory_space<vmem>> -> memref<125x32xf32, #tpu.memory_space<vmem>>
        %dma_wait3A_565 = arith.constant 0 : i32
        %dma_wait3A_566 = tpu.memref_slice %arg7[%add3A_558, %dma_wait3A_565] : memref<80x125xi32, #tpu.memory_space<vmem>> -> memref<1x125xi32, #tpu.memory_space<vmem>>
        %dma_wait3A_567 = tpu.memref_squeeze %dma_wait3A_566 : memref<1x125xi32, #tpu.memory_space<vmem>> -> memref<125xi32, #tpu.memory_space<vmem>>
        %dma_wait3A_568 = arith.constant 0 : i32
        %dma_wait3A_569 = arith.constant 0 : i32
        %dma_wait3A_570 = tpu.memref_slice %arg9[%dma_wait3A_568, %dma_wait3A_569] : memref<10240x32xf32, #tpu.memory_space<vmem_shared>> -> memref<10240x32xf32, #tpu.memory_space<vmem_shared>>
        %dma_wait3A_571 = tpu.memref_slice %arg11[%dma_wait3A_560] : memref<8x!tpu.dma_semaphore, #tpu.memory_space<semaphore_mem>> -> memref<1x!tpu.dma_semaphore, #tpu.memory_space<semaphore_mem>>
        %dma_wait3A_572 = tpu.memref_squeeze %dma_wait3A_571 : memref<1x!tpu.dma_semaphore, #tpu.memory_space<semaphore_mem>> -> memref<!tpu.dma_semaphore, #tpu.memory_space<semaphore_mem>>
        tpu.wait_indirect_dma semaphore(%dma_wait3A_572 : memref<!tpu.dma_semaphore, #tpu.memory_space<semaphore_mem>>) src(%dma_wait3A_564 : memref<125x32xf32, #tpu.memory_space<vmem>>) dst(%dma_wait3A_570 : memref<10240x32xf32, #tpu.memory_space<vmem_shared>>)
      } else {
      }
      %add3A_179 = arith.constant 2 : i32
      %add3A_180 = arith.addi %mul3A_135, %add3A_179 : i32
      %dma_start3A_181 = arith.constant 2 : i32
      %dma_start3A_182 = arith.constant 2 : i32
      %dma_start3A_183 = arith.constant 0 : i32
      %dma_start3A_184 = arith.constant 0 : i32
      %dma_start3A_185 = tpu.memref_slice %arg8[%dma_start3A_181, %dma_start3A_183, %dma_start3A_184] : memref<8x125x32xf32, #tpu.memory_space<vmem>> -> memref<1x125x32xf32, #tpu.memory_space<vmem>>
      %dma_start3A_186 = tpu.memref_squeeze %dma_start3A_185 : memref<1x125x32xf32, #tpu.memory_space<vmem>> -> memref<125x32xf32, #tpu.memory_space<vmem>>
      %dma_start3A_187 = arith.constant 0 : i32
      %dma_start3A_188 = tpu.memref_slice %arg6[%add3A_180, %dma_start3A_187] : memref<80x125xi32, #tpu.memory_space<vmem>> -> memref<1x125xi32, #tpu.memory_space<vmem>>
      %dma_start3A_189 = tpu.memref_squeeze %dma_start3A_188 : memref<1x125xi32, #tpu.memory_space<vmem>> -> memref<125xi32, #tpu.memory_space<vmem>>
      %dma_start3A_190 = arith.constant 0 : i32
      %dma_start3A_191 = arith.constant 0 : i32
      %dma_start3A_192 = tpu.memref_slice %arg3[%dma_start3A_190, %dma_start3A_191] : memref<10000x32xf32, #tpu.memory_space<hbm>> -> memref<10000x32xf32, #tpu.memory_space<hbm>>
      %dma_start3A_193 = tpu.memref_slice %arg10[%dma_start3A_182] : memref<8x!tpu.dma_semaphore, #tpu.memory_space<semaphore_mem>> -> memref<1x!tpu.dma_semaphore, #tpu.memory_space<semaphore_mem>>
      %dma_start3A_194 = tpu.memref_squeeze %dma_start3A_193 : memref<1x!tpu.dma_semaphore, #tpu.memory_space<semaphore_mem>> -> memref<!tpu.dma_semaphore, #tpu.memory_space<semaphore_mem>>
      tpu.enqueue_indirect_dma source(%dma_start3A_192 : memref<10000x32xf32, #tpu.memory_space<hbm>>) target(%dma_start3A_186 : memref<125x32xf32, #tpu.memory_space<vmem>>) offsets(%dma_start3A_189 : memref<125xi32, #tpu.memory_space<vmem>>) semaphore(%dma_start3A_194 : memref<!tpu.dma_semaphore, #tpu.memory_space<semaphore_mem>>)
      %gt3A_195 = arith.constant 0 : i32
      %gt3A_196 = arith.cmpi sgt, %scan3A_133, %gt3A_195 : i32
      %convert_element_type3A_197 = arith.extui %gt3A_196 : i1 to i32
      %cond3A_198 = arith.constant 0 : i32
      %cond3A_199 = arith.cmpi ne, %convert_element_type3A_197, %cond3A_198 : i32
      scf.if %cond3A_199 {
        %sub3A = arith.constant 8 : i32
        %sub3A_556 = arith.subi %mul3A_135, %sub3A : i32
        %add3A_557 = arith.constant 3 : i32
        %add3A_558 = arith.addi %sub3A_556, %add3A_557 : i32
        %dma_wait3A_559 = arith.constant 3 : i32
        %dma_wait3A_560 = arith.constant 3 : i32
        %dma_wait3A_561 = arith.constant 0 : i32
        %dma_wait3A_562 = arith.constant 0 : i32
        %dma_wait3A_563 = tpu.memref_slice %arg8[%dma_wait3A_559, %dma_wait3A_561, %dma_wait3A_562] : memref<8x125x32xf32, #tpu.memory_space<vmem>> -> memref<1x125x32xf32, #tpu.memory_space<vmem>>
        %dma_wait3A_564 = tpu.memref_squeeze %dma_wait3A_563 : memref<1x125x32xf32, #tpu.memory_space<vmem>> -> memref<125x32xf32, #tpu.memory_space<vmem>>
        %dma_wait3A_565 = arith.constant 0 : i32
        %dma_wait3A_566 = tpu.memref_slice %arg7[%add3A_558, %dma_wait3A_565] : memref<80x125xi32, #tpu.memory_space<vmem>> -> memref<1x125xi32, #tpu.memory_space<vmem>>
        %dma_wait3A_567 = tpu.memref_squeeze %dma_wait3A_566 : memref<1x125xi32, #tpu.memory_space<vmem>> -> memref<125xi32, #tpu.memory_space<vmem>>
        %dma_wait3A_568 = arith.constant 0 : i32
        %dma_wait3A_569 = arith.constant 0 : i32
        %dma_wait3A_570 = tpu.memref_slice %arg9[%dma_wait3A_568, %dma_wait3A_569] : memref<10240x32xf32, #tpu.memory_space<vmem_shared>> -> memref<10240x32xf32, #tpu.memory_space<vmem_shared>>
        %dma_wait3A_571 = tpu.memref_slice %arg11[%dma_wait3A_560] : memref<8x!tpu.dma_semaphore, #tpu.memory_space<semaphore_mem>> -> memref<1x!tpu.dma_semaphore, #tpu.memory_space<semaphore_mem>>
        %dma_wait3A_572 = tpu.memref_squeeze %dma_wait3A_571 : memref<1x!tpu.dma_semaphore, #tpu.memory_space<semaphore_mem>> -> memref<!tpu.dma_semaphore, #tpu.memory_space<semaphore_mem>>
        tpu.wait_indirect_dma semaphore(%dma_wait3A_572 : memref<!tpu.dma_semaphore, #tpu.memory_space<semaphore_mem>>) src(%dma_wait3A_564 : memref<125x32xf32, #tpu.memory_space<vmem>>) dst(%dma_wait3A_570 : memref<10240x32xf32, #tpu.memory_space<vmem_shared>>)
      } else {
      }
      %add3A_200 = arith.constant 3 : i32
      %add3A_201 = arith.addi %mul3A_135, %add3A_200 : i32
      %dma_start3A_202 = arith.constant 3 : i32
      %dma_start3A_203 = arith.constant 3 : i32
      %dma_start3A_204 = arith.constant 0 : i32
      %dma_start3A_205 = arith.constant 0 : i32
      %dma_start3A_206 = tpu.memref_slice %arg8[%dma_start3A_202, %dma_start3A_204, %dma_start3A_205] : memref<8x125x32xf32, #tpu.memory_space<vmem>> -> memref<1x125x32xf32, #tpu.memory_space<vmem>>
      %dma_start3A_207 = tpu.memref_squeeze %dma_start3A_206 : memref<1x125x32xf32, #tpu.memory_space<vmem>> -> memref<125x32xf32, #tpu.memory_space<vmem>>
      %dma_start3A_208 = arith.constant 0 : i32
      %dma_start3A_209 = tpu.memref_slice %arg6[%add3A_201, %dma_start3A_208] : memref<80x125xi32, #tpu.memory_space<vmem>> -> memref<1x125xi32, #tpu.memory_space<vmem>>
      %dma_start3A_210 = tpu.memref_squeeze %dma_start3A_209 : memref<1x125xi32, #tpu.memory_space<vmem>> -> memref<125xi32, #tpu.memory_space<vmem>>
      %dma_start3A_211 = arith.constant 0 : i32
      %dma_start3A_212 = arith.constant 0 : i32
      %dma_start3A_213 = tpu.memref_slice %arg3[%dma_start3A_211, %dma_start3A_212] : memref<10000x32xf32, #tpu.memory_space<hbm>> -> memref<10000x32xf32, #tpu.memory_space<hbm>>
      %dma_start3A_214 = tpu.memref_slice %arg10[%dma_start3A_203] : memref<8x!tpu.dma_semaphore, #tpu.memory_space<semaphore_mem>> -> memref<1x!tpu.dma_semaphore, #tpu.memory_space<semaphore_mem>>
      %dma_start3A_215 = tpu.memref_squeeze %dma_start3A_214 : memref<1x!tpu.dma_semaphore, #tpu.memory_space<semaphore_mem>> -> memref<!tpu.dma_semaphore, #tpu.memory_space<semaphore_mem>>
      tpu.enqueue_indirect_dma source(%dma_start3A_213 : memref<10000x32xf32, #tpu.memory_space<hbm>>) target(%dma_start3A_207 : memref<125x32xf32, #tpu.memory_space<vmem>>) offsets(%dma_start3A_210 : memref<125xi32, #tpu.memory_space<vmem>>) semaphore(%dma_start3A_215 : memref<!tpu.dma_semaphore, #tpu.memory_space<semaphore_mem>>)
      %gt3A_216 = arith.constant 0 : i32
      %gt3A_217 = arith.cmpi sgt, %scan3A_133, %gt3A_216 : i32
      %convert_element_type3A_218 = arith.extui %gt3A_217 : i1 to i32
      %cond3A_219 = arith.constant 0 : i32
      %cond3A_220 = arith.cmpi ne, %convert_element_type3A_218, %cond3A_219 : i32
      scf.if %cond3A_220 {
        %sub3A = arith.constant 8 : i32
        %sub3A_556 = arith.subi %mul3A_135, %sub3A : i32
        %add3A_557 = arith.constant 4 : i32
        %add3A_558 = arith.addi %sub3A_556, %add3A_557 : i32
        %dma_wait3A_559 = arith.constant 4 : i32
        %dma_wait3A_560 = arith.constant 4 : i32
        %dma_wait3A_561 = arith.constant 0 : i32
        %dma_wait3A_562 = arith.constant 0 : i32
        %dma_wait3A_563 = tpu.memref_slice %arg8[%dma_wait3A_559, %dma_wait3A_561, %dma_wait3A_562] : memref<8x125x32xf32, #tpu.memory_space<vmem>> -> memref<1x125x32xf32, #tpu.memory_space<vmem>>
        %dma_wait3A_564 = tpu.memref_squeeze %dma_wait3A_563 : memref<1x125x32xf32, #tpu.memory_space<vmem>> -> memref<125x32xf32, #tpu.memory_space<vmem>>
        %dma_wait3A_565 = arith.constant 0 : i32
        %dma_wait3A_566 = tpu.memref_slice %arg7[%add3A_558, %dma_wait3A_565] : memref<80x125xi32, #tpu.memory_space<vmem>> -> memref<1x125xi32, #tpu.memory_space<vmem>>
        %dma_wait3A_567 = tpu.memref_squeeze %dma_wait3A_566 : memref<1x125xi32, #tpu.memory_space<vmem>> -> memref<125xi32, #tpu.memory_space<vmem>>
        %dma_wait3A_568 = arith.constant 0 : i32
        %dma_wait3A_569 = arith.constant 0 : i32
        %dma_wait3A_570 = tpu.memref_slice %arg9[%dma_wait3A_568, %dma_wait3A_569] : memref<10240x32xf32, #tpu.memory_space<vmem_shared>> -> memref<10240x32xf32, #tpu.memory_space<vmem_shared>>
        %dma_wait3A_571 = tpu.memref_slice %arg11[%dma_wait3A_560] : memref<8x!tpu.dma_semaphore, #tpu.memory_space<semaphore_mem>> -> memref<1x!tpu.dma_semaphore, #tpu.memory_space<semaphore_mem>>
        %dma_wait3A_572 = tpu.memref_squeeze %dma_wait3A_571 : memref<1x!tpu.dma_semaphore, #tpu.memory_space<semaphore_mem>> -> memref<!tpu.dma_semaphore, #tpu.memory_space<semaphore_mem>>
        tpu.wait_indirect_dma semaphore(%dma_wait3A_572 : memref<!tpu.dma_semaphore, #tpu.memory_space<semaphore_mem>>) src(%dma_wait3A_564 : memref<125x32xf32, #tpu.memory_space<vmem>>) dst(%dma_wait3A_570 : memref<10240x32xf32, #tpu.memory_space<vmem_shared>>)
      } else {
      }
      %add3A_221 = arith.constant 4 : i32
      %add3A_222 = arith.addi %mul3A_135, %add3A_221 : i32
      %dma_start3A_223 = arith.constant 4 : i32
      %dma_start3A_224 = arith.constant 4 : i32
      %dma_start3A_225 = arith.constant 0 : i32
      %dma_start3A_226 = arith.constant 0 : i32
      %dma_start3A_227 = tpu.memref_slice %arg8[%dma_start3A_223, %dma_start3A_225, %dma_start3A_226] : memref<8x125x32xf32, #tpu.memory_space<vmem>> -> memref<1x125x32xf32, #tpu.memory_space<vmem>>
      %dma_start3A_228 = tpu.memref_squeeze %dma_start3A_227 : memref<1x125x32xf32, #tpu.memory_space<vmem>> -> memref<125x32xf32, #tpu.memory_space<vmem>>
      %dma_start3A_229 = arith.constant 0 : i32
      %dma_start3A_230 = tpu.memref_slice %arg6[%add3A_222, %dma_start3A_229] : memref<80x125xi32, #tpu.memory_space<vmem>> -> memref<1x125xi32, #tpu.memory_space<vmem>>
      %dma_start3A_231 = tpu.memref_squeeze %dma_start3A_230 : memref<1x125xi32, #tpu.memory_space<vmem>> -> memref<125xi32, #tpu.memory_space<vmem>>
      %dma_start3A_232 = arith.constant 0 : i32
      %dma_start3A_233 = arith.constant 0 : i32
      %dma_start3A_234 = tpu.memref_slice %arg3[%dma_start3A_232, %dma_start3A_233] : memref<10000x32xf32, #tpu.memory_space<hbm>> -> memref<10000x32xf32, #tpu.memory_space<hbm>>
      %dma_start3A_235 = tpu.memref_slice %arg10[%dma_start3A_224] : memref<8x!tpu.dma_semaphore, #tpu.memory_space<semaphore_mem>> -> memref<1x!tpu.dma_semaphore, #tpu.memory_space<semaphore_mem>>
      %dma_start3A_236 = tpu.memref_squeeze %dma_start3A_235 : memref<1x!tpu.dma_semaphore, #tpu.memory_space<semaphore_mem>> -> memref<!tpu.dma_semaphore, #tpu.memory_space<semaphore_mem>>
      tpu.enqueue_indirect_dma source(%dma_start3A_234 : memref<10000x32xf32, #tpu.memory_space<hbm>>) target(%dma_start3A_228 : memref<125x32xf32, #tpu.memory_space<vmem>>) offsets(%dma_start3A_231 : memref<125xi32, #tpu.memory_space<vmem>>) semaphore(%dma_start3A_236 : memref<!tpu.dma_semaphore, #tpu.memory_space<semaphore_mem>>)
      %gt3A_237 = arith.constant 0 : i32
      %gt3A_238 = arith.cmpi sgt, %scan3A_133, %gt3A_237 : i32
      %convert_element_type3A_239 = arith.extui %gt3A_238 : i1 to i32
      %cond3A_240 = arith.constant 0 : i32
      %cond3A_241 = arith.cmpi ne, %convert_element_type3A_239, %cond3A_240 : i32
      scf.if %cond3A_241 {
        %sub3A = arith.constant 8 : i32
        %sub3A_556 = arith.subi %mul3A_135, %sub3A : i32
        %add3A_557 = arith.constant 5 : i32
        %add3A_558 = arith.addi %sub3A_556, %add3A_557 : i32
        %dma_wait3A_559 = arith.constant 5 : i32
        %dma_wait3A_560 = arith.constant 5 : i32
        %dma_wait3A_561 = arith.constant 0 : i32
        %dma_wait3A_562 = arith.constant 0 : i32
        %dma_wait3A_563 = tpu.memref_slice %arg8[%dma_wait3A_559, %dma_wait3A_561, %dma_wait3A_562] : memref<8x125x32xf32, #tpu.memory_space<vmem>> -> memref<1x125x32xf32, #tpu.memory_space<vmem>>
        %dma_wait3A_564 = tpu.memref_squeeze %dma_wait3A_563 : memref<1x125x32xf32, #tpu.memory_space<vmem>> -> memref<125x32xf32, #tpu.memory_space<vmem>>
        %dma_wait3A_565 = arith.constant 0 : i32
        %dma_wait3A_566 = tpu.memref_slice %arg7[%add3A_558, %dma_wait3A_565] : memref<80x125xi32, #tpu.memory_space<vmem>> -> memref<1x125xi32, #tpu.memory_space<vmem>>
        %dma_wait3A_567 = tpu.memref_squeeze %dma_wait3A_566 : memref<1x125xi32, #tpu.memory_space<vmem>> -> memref<125xi32, #tpu.memory_space<vmem>>
        %dma_wait3A_568 = arith.constant 0 : i32
        %dma_wait3A_569 = arith.constant 0 : i32
        %dma_wait3A_570 = tpu.memref_slice %arg9[%dma_wait3A_568, %dma_wait3A_569] : memref<10240x32xf32, #tpu.memory_space<vmem_shared>> -> memref<10240x32xf32, #tpu.memory_space<vmem_shared>>
        %dma_wait3A_571 = tpu.memref_slice %arg11[%dma_wait3A_560] : memref<8x!tpu.dma_semaphore, #tpu.memory_space<semaphore_mem>> -> memref<1x!tpu.dma_semaphore, #tpu.memory_space<semaphore_mem>>
        %dma_wait3A_572 = tpu.memref_squeeze %dma_wait3A_571 : memref<1x!tpu.dma_semaphore, #tpu.memory_space<semaphore_mem>> -> memref<!tpu.dma_semaphore, #tpu.memory_space<semaphore_mem>>
        tpu.wait_indirect_dma semaphore(%dma_wait3A_572 : memref<!tpu.dma_semaphore, #tpu.memory_space<semaphore_mem>>) src(%dma_wait3A_564 : memref<125x32xf32, #tpu.memory_space<vmem>>) dst(%dma_wait3A_570 : memref<10240x32xf32, #tpu.memory_space<vmem_shared>>)
      } else {
      }
      %add3A_242 = arith.constant 5 : i32
      %add3A_243 = arith.addi %mul3A_135, %add3A_242 : i32
      %dma_start3A_244 = arith.constant 5 : i32
      %dma_start3A_245 = arith.constant 5 : i32
      %dma_start3A_246 = arith.constant 0 : i32
      %dma_start3A_247 = arith.constant 0 : i32
      %dma_start3A_248 = tpu.memref_slice %arg8[%dma_start3A_244, %dma_start3A_246, %dma_start3A_247] : memref<8x125x32xf32, #tpu.memory_space<vmem>> -> memref<1x125x32xf32, #tpu.memory_space<vmem>>
      %dma_start3A_249 = tpu.memref_squeeze %dma_start3A_248 : memref<1x125x32xf32, #tpu.memory_space<vmem>> -> memref<125x32xf32, #tpu.memory_space<vmem>>
      %dma_start3A_250 = arith.constant 0 : i32
      %dma_start3A_251 = tpu.memref_slice %arg6[%add3A_243, %dma_start3A_250] : memref<80x125xi32, #tpu.memory_space<vmem>> -> memref<1x125xi32, #tpu.memory_space<vmem>>
      %dma_start3A_252 = tpu.memref_squeeze %dma_start3A_251 : memref<1x125xi32, #tpu.memory_space<vmem>> -> memref<125xi32, #tpu.memory_space<vmem>>
      %dma_start3A_253 = arith.constant 0 : i32
      %dma_start3A_254 = arith.constant 0 : i32
      %dma_start3A_255 = tpu.memref_slice %arg3[%dma_start3A_253, %dma_start3A_254] : memref<10000x32xf32, #tpu.memory_space<hbm>> -> memref<10000x32xf32, #tpu.memory_space<hbm>>
      %dma_start3A_256 = tpu.memref_slice %arg10[%dma_start3A_245] : memref<8x!tpu.dma_semaphore, #tpu.memory_space<semaphore_mem>> -> memref<1x!tpu.dma_semaphore, #tpu.memory_space<semaphore_mem>>
      %dma_start3A_257 = tpu.memref_squeeze %dma_start3A_256 : memref<1x!tpu.dma_semaphore, #tpu.memory_space<semaphore_mem>> -> memref<!tpu.dma_semaphore, #tpu.memory_space<semaphore_mem>>
      tpu.enqueue_indirect_dma source(%dma_start3A_255 : memref<10000x32xf32, #tpu.memory_space<hbm>>) target(%dma_start3A_249 : memref<125x32xf32, #tpu.memory_space<vmem>>) offsets(%dma_start3A_252 : memref<125xi32, #tpu.memory_space<vmem>>) semaphore(%dma_start3A_257 : memref<!tpu.dma_semaphore, #tpu.memory_space<semaphore_mem>>)
      %gt3A_258 = arith.constant 0 : i32
      %gt3A_259 = arith.cmpi sgt, %scan3A_133, %gt3A_258 : i32
      %convert_element_type3A_260 = arith.extui %gt3A_259 : i1 to i32
      %cond3A_261 = arith.constant 0 : i32
      %cond3A_262 = arith.cmpi ne, %convert_element_type3A_260, %cond3A_261 : i32
      scf.if %cond3A_262 {
        %sub3A = arith.constant 8 : i32
        %sub3A_556 = arith.subi %mul3A_135, %sub3A : i32
        %add3A_557 = arith.constant 6 : i32
        %add3A_558 = arith.addi %sub3A_556, %add3A_557 : i32
        %dma_wait3A_559 = arith.constant 6 : i32
        %dma_wait3A_560 = arith.constant 6 : i32
        %dma_wait3A_561 = arith.constant 0 : i32
        %dma_wait3A_562 = arith.constant 0 : i32
        %dma_wait3A_563 = tpu.memref_slice %arg8[%dma_wait3A_559, %dma_wait3A_561, %dma_wait3A_562] : memref<8x125x32xf32, #tpu.memory_space<vmem>> -> memref<1x125x32xf32, #tpu.memory_space<vmem>>
        %dma_wait3A_564 = tpu.memref_squeeze %dma_wait3A_563 : memref<1x125x32xf32, #tpu.memory_space<vmem>> -> memref<125x32xf32, #tpu.memory_space<vmem>>
        %dma_wait3A_565 = arith.constant 0 : i32
        %dma_wait3A_566 = tpu.memref_slice %arg7[%add3A_558, %dma_wait3A_565] : memref<80x125xi32, #tpu.memory_space<vmem>> -> memref<1x125xi32, #tpu.memory_space<vmem>>
        %dma_wait3A_567 = tpu.memref_squeeze %dma_wait3A_566 : memref<1x125xi32, #tpu.memory_space<vmem>> -> memref<125xi32, #tpu.memory_space<vmem>>
        %dma_wait3A_568 = arith.constant 0 : i32
        %dma_wait3A_569 = arith.constant 0 : i32
        %dma_wait3A_570 = tpu.memref_slice %arg9[%dma_wait3A_568, %dma_wait3A_569] : memref<10240x32xf32, #tpu.memory_space<vmem_shared>> -> memref<10240x32xf32, #tpu.memory_space<vmem_shared>>
        %dma_wait3A_571 = tpu.memref_slice %arg11[%dma_wait3A_560] : memref<8x!tpu.dma_semaphore, #tpu.memory_space<semaphore_mem>> -> memref<1x!tpu.dma_semaphore, #tpu.memory_space<semaphore_mem>>
        %dma_wait3A_572 = tpu.memref_squeeze %dma_wait3A_571 : memref<1x!tpu.dma_semaphore, #tpu.memory_space<semaphore_mem>> -> memref<!tpu.dma_semaphore, #tpu.memory_space<semaphore_mem>>
        tpu.wait_indirect_dma semaphore(%dma_wait3A_572 : memref<!tpu.dma_semaphore, #tpu.memory_space<semaphore_mem>>) src(%dma_wait3A_564 : memref<125x32xf32, #tpu.memory_space<vmem>>) dst(%dma_wait3A_570 : memref<10240x32xf32, #tpu.memory_space<vmem_shared>>)
      } else {
      }
      %add3A_263 = arith.constant 6 : i32
      %add3A_264 = arith.addi %mul3A_135, %add3A_263 : i32
      %dma_start3A_265 = arith.constant 6 : i32
      %dma_start3A_266 = arith.constant 6 : i32
      %dma_start3A_267 = arith.constant 0 : i32
      %dma_start3A_268 = arith.constant 0 : i32
      %dma_start3A_269 = tpu.memref_slice %arg8[%dma_start3A_265, %dma_start3A_267, %dma_start3A_268] : memref<8x125x32xf32, #tpu.memory_space<vmem>> -> memref<1x125x32xf32, #tpu.memory_space<vmem>>
      %dma_start3A_270 = tpu.memref_squeeze %dma_start3A_269 : memref<1x125x32xf32, #tpu.memory_space<vmem>> -> memref<125x32xf32, #tpu.memory_space<vmem>>
      %dma_start3A_271 = arith.constant 0 : i32
      %dma_start3A_272 = tpu.memref_slice %arg6[%add3A_264, %dma_start3A_271] : memref<80x125xi32, #tpu.memory_space<vmem>> -> memref<1x125xi32, #tpu.memory_space<vmem>>
      %dma_start3A_273 = tpu.memref_squeeze %dma_start3A_272 : memref<1x125xi32, #tpu.memory_space<vmem>> -> memref<125xi32, #tpu.memory_space<vmem>>
      %dma_start3A_274 = arith.constant 0 : i32
      %dma_start3A_275 = arith.constant 0 : i32
      %dma_start3A_276 = tpu.memref_slice %arg3[%dma_start3A_274, %dma_start3A_275] : memref<10000x32xf32, #tpu.memory_space<hbm>> -> memref<10000x32xf32, #tpu.memory_space<hbm>>
      %dma_start3A_277 = tpu.memref_slice %arg10[%dma_start3A_266] : memref<8x!tpu.dma_semaphore, #tpu.memory_space<semaphore_mem>> -> memref<1x!tpu.dma_semaphore, #tpu.memory_space<semaphore_mem>>
      %dma_start3A_278 = tpu.memref_squeeze %dma_start3A_277 : memref<1x!tpu.dma_semaphore, #tpu.memory_space<semaphore_mem>> -> memref<!tpu.dma_semaphore, #tpu.memory_space<semaphore_mem>>
      tpu.enqueue_indirect_dma source(%dma_start3A_276 : memref<10000x32xf32, #tpu.memory_space<hbm>>) target(%dma_start3A_270 : memref<125x32xf32, #tpu.memory_space<vmem>>) offsets(%dma_start3A_273 : memref<125xi32, #tpu.memory_space<vmem>>) semaphore(%dma_start3A_278 : memref<!tpu.dma_semaphore, #tpu.memory_space<semaphore_mem>>)
      %gt3A_279 = arith.constant 0 : i32
      %gt3A_280 = arith.cmpi sgt, %scan3A_133, %gt3A_279 : i32
      %convert_element_type3A_281 = arith.extui %gt3A_280 : i1 to i32
      %cond3A_282 = arith.constant 0 : i32
      %cond3A_283 = arith.cmpi ne, %convert_element_type3A_281, %cond3A_282 : i32
      scf.if %cond3A_283 {
        %sub3A = arith.constant 8 : i32
        %sub3A_556 = arith.subi %mul3A_135, %sub3A : i32
        %add3A_557 = arith.constant 7 : i32
        %add3A_558 = arith.addi %sub3A_556, %add3A_557 : i32
        %dma_wait3A_559 = arith.constant 7 : i32
        %dma_wait3A_560 = arith.constant 7 : i32
        %dma_wait3A_561 = arith.constant 0 : i32
        %dma_wait3A_562 = arith.constant 0 : i32
        %dma_wait3A_563 = tpu.memref_slice %arg8[%dma_wait3A_559, %dma_wait3A_561, %dma_wait3A_562] : memref<8x125x32xf32, #tpu.memory_space<vmem>> -> memref<1x125x32xf32, #tpu.memory_space<vmem>>
        %dma_wait3A_564 = tpu.memref_squeeze %dma_wait3A_563 : memref<1x125x32xf32, #tpu.memory_space<vmem>> -> memref<125x32xf32, #tpu.memory_space<vmem>>
        %dma_wait3A_565 = arith.constant 0 : i32
        %dma_wait3A_566 = tpu.memref_slice %arg7[%add3A_558, %dma_wait3A_565] : memref<80x125xi32, #tpu.memory_space<vmem>> -> memref<1x125xi32, #tpu.memory_space<vmem>>
        %dma_wait3A_567 = tpu.memref_squeeze %dma_wait3A_566 : memref<1x125xi32, #tpu.memory_space<vmem>> -> memref<125xi32, #tpu.memory_space<vmem>>
        %dma_wait3A_568 = arith.constant 0 : i32
        %dma_wait3A_569 = arith.constant 0 : i32
        %dma_wait3A_570 = tpu.memref_slice %arg9[%dma_wait3A_568, %dma_wait3A_569] : memref<10240x32xf32, #tpu.memory_space<vmem_shared>> -> memref<10240x32xf32, #tpu.memory_space<vmem_shared>>
        %dma_wait3A_571 = tpu.memref_slice %arg11[%dma_wait3A_560] : memref<8x!tpu.dma_semaphore, #tpu.memory_space<semaphore_mem>> -> memref<1x!tpu.dma_semaphore, #tpu.memory_space<semaphore_mem>>
        %dma_wait3A_572 = tpu.memref_squeeze %dma_wait3A_571 : memref<1x!tpu.dma_semaphore, #tpu.memory_space<semaphore_mem>> -> memref<!tpu.dma_semaphore, #tpu.memory_space<semaphore_mem>>
        tpu.wait_indirect_dma semaphore(%dma_wait3A_572 : memref<!tpu.dma_semaphore, #tpu.memory_space<semaphore_mem>>) src(%dma_wait3A_564 : memref<125x32xf32, #tpu.memory_space<vmem>>) dst(%dma_wait3A_570 : memref<10240x32xf32, #tpu.memory_space<vmem_shared>>)
      } else {
      }
      %add3A_284 = arith.constant 7 : i32
      %add3A_285 = arith.addi %mul3A_135, %add3A_284 : i32
      %dma_start3A_286 = arith.constant 7 : i32
      %dma_start3A_287 = arith.constant 7 : i32
      %dma_start3A_288 = arith.constant 0 : i32
      %dma_start3A_289 = arith.constant 0 : i32
      %dma_start3A_290 = tpu.memref_slice %arg8[%dma_start3A_286, %dma_start3A_288, %dma_start3A_289] : memref<8x125x32xf32, #tpu.memory_space<vmem>> -> memref<1x125x32xf32, #tpu.memory_space<vmem>>
      %dma_start3A_291 = tpu.memref_squeeze %dma_start3A_290 : memref<1x125x32xf32, #tpu.memory_space<vmem>> -> memref<125x32xf32, #tpu.memory_space<vmem>>
      %dma_start3A_292 = arith.constant 0 : i32
      %dma_start3A_293 = tpu.memref_slice %arg6[%add3A_285, %dma_start3A_292] : memref<80x125xi32, #tpu.memory_space<vmem>> -> memref<1x125xi32, #tpu.memory_space<vmem>>
      %dma_start3A_294 = tpu.memref_squeeze %dma_start3A_293 : memref<1x125xi32, #tpu.memory_space<vmem>> -> memref<125xi32, #tpu.memory_space<vmem>>
      %dma_start3A_295 = arith.constant 0 : i32
      %dma_start3A_296 = arith.constant 0 : i32
      %dma_start3A_297 = tpu.memref_slice %arg3[%dma_start3A_295, %dma_start3A_296] : memref<10000x32xf32, #tpu.memory_space<hbm>> -> memref<10000x32xf32, #tpu.memory_space<hbm>>
      %dma_start3A_298 = tpu.memref_slice %arg10[%dma_start3A_287] : memref<8x!tpu.dma_semaphore, #tpu.memory_space<semaphore_mem>> -> memref<1x!tpu.dma_semaphore, #tpu.memory_space<semaphore_mem>>
      %dma_start3A_299 = tpu.memref_squeeze %dma_start3A_298 : memref<1x!tpu.dma_semaphore, #tpu.memory_space<semaphore_mem>> -> memref<!tpu.dma_semaphore, #tpu.memory_space<semaphore_mem>>
      tpu.enqueue_indirect_dma source(%dma_start3A_297 : memref<10000x32xf32, #tpu.memory_space<hbm>>) target(%dma_start3A_291 : memref<125x32xf32, #tpu.memory_space<vmem>>) offsets(%dma_start3A_294 : memref<125xi32, #tpu.memory_space<vmem>>) semaphore(%dma_start3A_299 : memref<!tpu.dma_semaphore, #tpu.memory_space<semaphore_mem>>)
      %add3A_300 = arith.constant 0 : i32
      %add3A_301 = arith.addi %mul3A_135, %add3A_300 : i32
      %dma_wait3A_302 = arith.constant 0 : i32
      %dma_wait3A_303 = arith.constant 0 : i32
      %dma_wait3A_304 = arith.constant 0 : i32
      %dma_wait3A_305 = arith.constant 0 : i32
      %dma_wait3A_306 = tpu.memref_slice %arg8[%dma_wait3A_302, %dma_wait3A_304, %dma_wait3A_305] : memref<8x125x32xf32, #tpu.memory_space<vmem>> -> memref<1x125x32xf32, #tpu.memory_space<vmem>>
      %dma_wait3A_307 = tpu.memref_squeeze %dma_wait3A_306 : memref<1x125x32xf32, #tpu.memory_space<vmem>> -> memref<125x32xf32, #tpu.memory_space<vmem>>
      %dma_wait3A_308 = arith.constant 0 : i32
      %dma_wait3A_309 = tpu.memref_slice %arg6[%add3A_301, %dma_wait3A_308] : memref<80x125xi32, #tpu.memory_space<vmem>> -> memref<1x125xi32, #tpu.memory_space<vmem>>
      %dma_wait3A_310 = tpu.memref_squeeze %dma_wait3A_309 : memref<1x125xi32, #tpu.memory_space<vmem>> -> memref<125xi32, #tpu.memory_space<vmem>>
      %dma_wait3A_311 = arith.constant 0 : i32
      %dma_wait3A_312 = arith.constant 0 : i32
      %dma_wait3A_313 = tpu.memref_slice %arg3[%dma_wait3A_311, %dma_wait3A_312] : memref<10000x32xf32, #tpu.memory_space<hbm>> -> memref<10000x32xf32, #tpu.memory_space<hbm>>
      %dma_wait3A_314 = tpu.memref_slice %arg10[%dma_wait3A_303] : memref<8x!tpu.dma_semaphore, #tpu.memory_space<semaphore_mem>> -> memref<1x!tpu.dma_semaphore, #tpu.memory_space<semaphore_mem>>
      %dma_wait3A_315 = tpu.memref_squeeze %dma_wait3A_314 : memref<1x!tpu.dma_semaphore, #tpu.memory_space<semaphore_mem>> -> memref<!tpu.dma_semaphore, #tpu.memory_space<semaphore_mem>>
      tpu.wait_indirect_dma semaphore(%dma_wait3A_315 : memref<!tpu.dma_semaphore, #tpu.memory_space<semaphore_mem>>) src(%dma_wait3A_313 : memref<10000x32xf32, #tpu.memory_space<hbm>>) dst(%dma_wait3A_307 : memref<125x32xf32, #tpu.memory_space<vmem>>)
      %add3A_316 = arith.constant 0 : i32
      %add3A_317 = arith.addi %mul3A_135, %add3A_316 : i32
      %dma_start3A_318 = arith.constant 0 : i32
      %dma_start3A_319 = arith.constant 0 : i32
      %dma_start3A_320 = arith.constant 0 : i32
      %dma_start3A_321 = arith.constant 0 : i32
      %dma_start3A_322 = tpu.memref_slice %arg8[%dma_start3A_318, %dma_start3A_320, %dma_start3A_321] : memref<8x125x32xf32, #tpu.memory_space<vmem>> -> memref<1x125x32xf32, #tpu.memory_space<vmem>>
      %dma_start3A_323 = tpu.memref_squeeze %dma_start3A_322 : memref<1x125x32xf32, #tpu.memory_space<vmem>> -> memref<125x32xf32, #tpu.memory_space<vmem>>
      %dma_start3A_324 = arith.constant 0 : i32
      %dma_start3A_325 = tpu.memref_slice %arg7[%add3A_317, %dma_start3A_324] : memref<80x125xi32, #tpu.memory_space<vmem>> -> memref<1x125xi32, #tpu.memory_space<vmem>>
      %dma_start3A_326 = tpu.memref_squeeze %dma_start3A_325 : memref<1x125xi32, #tpu.memory_space<vmem>> -> memref<125xi32, #tpu.memory_space<vmem>>
      %dma_start3A_327 = arith.constant 0 : i32
      %dma_start3A_328 = arith.constant 0 : i32
      %dma_start3A_329 = tpu.memref_slice %arg9[%dma_start3A_327, %dma_start3A_328] : memref<10240x32xf32, #tpu.memory_space<vmem_shared>> -> memref<10240x32xf32, #tpu.memory_space<vmem_shared>>
      %dma_start3A_330 = tpu.memref_slice %arg11[%dma_start3A_319] : memref<8x!tpu.dma_semaphore, #tpu.memory_space<semaphore_mem>> -> memref<1x!tpu.dma_semaphore, #tpu.memory_space<semaphore_mem>>
      %dma_start3A_331 = tpu.memref_squeeze %dma_start3A_330 : memref<1x!tpu.dma_semaphore, #tpu.memory_space<semaphore_mem>> -> memref<!tpu.dma_semaphore, #tpu.memory_space<semaphore_mem>>
      tpu.enqueue_indirect_dma source(%dma_start3A_323 : memref<125x32xf32, #tpu.memory_space<vmem>>) target(%dma_start3A_329 : memref<10240x32xf32, #tpu.memory_space<vmem_shared>>) offsets(%dma_start3A_326 : memref<125xi32, #tpu.memory_space<vmem>>) semaphore(%dma_start3A_331 : memref<!tpu.dma_semaphore, #tpu.memory_space<semaphore_mem>>) {add = true}
      %add3A_332 = arith.constant 1 : i32
      %add3A_333 = arith.addi %mul3A_135, %add3A_332 : i32
      %dma_wait3A_334 = arith.constant 1 : i32
      %dma_wait3A_335 = arith.constant 1 : i32
      %dma_wait3A_336 = arith.constant 0 : i32
      %dma_wait3A_337 = arith.constant 0 : i32
      %dma_wait3A_338 = tpu.memref_slice %arg8[%dma_wait3A_334, %dma_wait3A_336, %dma_wait3A_337] : memref<8x125x32xf32, #tpu.memory_space<vmem>> -> memref<1x125x32xf32, #tpu.memory_space<vmem>>
      %dma_wait3A_339 = tpu.memref_squeeze %dma_wait3A_338 : memref<1x125x32xf32, #tpu.memory_space<vmem>> -> memref<125x32xf32, #tpu.memory_space<vmem>>
      %dma_wait3A_340 = arith.constant 0 : i32
      %dma_wait3A_341 = tpu.memref_slice %arg6[%add3A_333, %dma_wait3A_340] : memref<80x125xi32, #tpu.memory_space<vmem>> -> memref<1x125xi32, #tpu.memory_space<vmem>>
      %dma_wait3A_342 = tpu.memref_squeeze %dma_wait3A_341 : memref<1x125xi32, #tpu.memory_space<vmem>> -> memref<125xi32, #tpu.memory_space<vmem>>
      %dma_wait3A_343 = arith.constant 0 : i32
      %dma_wait3A_344 = arith.constant 0 : i32
      %dma_wait3A_345 = tpu.memref_slice %arg3[%dma_wait3A_343, %dma_wait3A_344] : memref<10000x32xf32, #tpu.memory_space<hbm>> -> memref<10000x32xf32, #tpu.memory_space<hbm>>
      %dma_wait3A_346 = tpu.memref_slice %arg10[%dma_wait3A_335] : memref<8x!tpu.dma_semaphore, #tpu.memory_space<semaphore_mem>> -> memref<1x!tpu.dma_semaphore, #tpu.memory_space<semaphore_mem>>
      %dma_wait3A_347 = tpu.memref_squeeze %dma_wait3A_346 : memref<1x!tpu.dma_semaphore, #tpu.memory_space<semaphore_mem>> -> memref<!tpu.dma_semaphore, #tpu.memory_space<semaphore_mem>>
      tpu.wait_indirect_dma semaphore(%dma_wait3A_347 : memref<!tpu.dma_semaphore, #tpu.memory_space<semaphore_mem>>) src(%dma_wait3A_345 : memref<10000x32xf32, #tpu.memory_space<hbm>>) dst(%dma_wait3A_339 : memref<125x32xf32, #tpu.memory_space<vmem>>)
      %add3A_348 = arith.constant 1 : i32
      %add3A_349 = arith.addi %mul3A_135, %add3A_348 : i32
      %dma_start3A_350 = arith.constant 1 : i32
      %dma_start3A_351 = arith.constant 1 : i32
      %dma_start3A_352 = arith.constant 0 : i32
      %dma_start3A_353 = arith.constant 0 : i32
      %dma_start3A_354 = tpu.memref_slice %arg8[%dma_start3A_350, %dma_start3A_352, %dma_start3A_353] : memref<8x125x32xf32, #tpu.memory_space<vmem>> -> memref<1x125x32xf32, #tpu.memory_space<vmem>>
      %dma_start3A_355 = tpu.memref_squeeze %dma_start3A_354 : memref<1x125x32xf32, #tpu.memory_space<vmem>> -> memref<125x32xf32, #tpu.memory_space<vmem>>
      %dma_start3A_356 = arith.constant 0 : i32
      %dma_start3A_357 = tpu.memref_slice %arg7[%add3A_349, %dma_start3A_356] : memref<80x125xi32, #tpu.memory_space<vmem>> -> memref<1x125xi32, #tpu.memory_space<vmem>>
      %dma_start3A_358 = tpu.memref_squeeze %dma_start3A_357 : memref<1x125xi32, #tpu.memory_space<vmem>> -> memref<125xi32, #tpu.memory_space<vmem>>
      %dma_start3A_359 = arith.constant 0 : i32
      %dma_start3A_360 = arith.constant 0 : i32
      %dma_start3A_361 = tpu.memref_slice %arg9[%dma_start3A_359, %dma_start3A_360] : memref<10240x32xf32, #tpu.memory_space<vmem_shared>> -> memref<10240x32xf32, #tpu.memory_space<vmem_shared>>
      %dma_start3A_362 = tpu.memref_slice %arg11[%dma_start3A_351] : memref<8x!tpu.dma_semaphore, #tpu.memory_space<semaphore_mem>> -> memref<1x!tpu.dma_semaphore, #tpu.memory_space<semaphore_mem>>
      %dma_start3A_363 = tpu.memref_squeeze %dma_start3A_362 : memref<1x!tpu.dma_semaphore, #tpu.memory_space<semaphore_mem>> -> memref<!tpu.dma_semaphore, #tpu.memory_space<semaphore_mem>>
      tpu.enqueue_indirect_dma source(%dma_start3A_355 : memref<125x32xf32, #tpu.memory_space<vmem>>) target(%dma_start3A_361 : memref<10240x32xf32, #tpu.memory_space<vmem_shared>>) offsets(%dma_start3A_358 : memref<125xi32, #tpu.memory_space<vmem>>) semaphore(%dma_start3A_363 : memref<!tpu.dma_semaphore, #tpu.memory_space<semaphore_mem>>) {add = true}
      %add3A_364 = arith.constant 2 : i32
      %add3A_365 = arith.addi %mul3A_135, %add3A_364 : i32
      %dma_wait3A_366 = arith.constant 2 : i32
      %dma_wait3A_367 = arith.constant 2 : i32
      %dma_wait3A_368 = arith.constant 0 : i32
      %dma_wait3A_369 = arith.constant 0 : i32
      %dma_wait3A_370 = tpu.memref_slice %arg8[%dma_wait3A_366, %dma_wait3A_368, %dma_wait3A_369] : memref<8x125x32xf32, #tpu.memory_space<vmem>> -> memref<1x125x32xf32, #tpu.memory_space<vmem>>
      %dma_wait3A_371 = tpu.memref_squeeze %dma_wait3A_370 : memref<1x125x32xf32, #tpu.memory_space<vmem>> -> memref<125x32xf32, #tpu.memory_space<vmem>>
      %dma_wait3A_372 = arith.constant 0 : i32
      %dma_wait3A_373 = tpu.memref_slice %arg6[%add3A_365, %dma_wait3A_372] : memref<80x125xi32, #tpu.memory_space<vmem>> -> memref<1x125xi32, #tpu.memory_space<vmem>>
      %dma_wait3A_374 = tpu.memref_squeeze %dma_wait3A_373 : memref<1x125xi32, #tpu.memory_space<vmem>> -> memref<125xi32, #tpu.memory_space<vmem>>
      %dma_wait3A_375 = arith.constant 0 : i32
      %dma_wait3A_376 = arith.constant 0 : i32
      %dma_wait3A_377 = tpu.memref_slice %arg3[%dma_wait3A_375, %dma_wait3A_376] : memref<10000x32xf32, #tpu.memory_space<hbm>> -> memref<10000x32xf32, #tpu.memory_space<hbm>>
      %dma_wait3A_378 = tpu.memref_slice %arg10[%dma_wait3A_367] : memref<8x!tpu.dma_semaphore, #tpu.memory_space<semaphore_mem>> -> memref<1x!tpu.dma_semaphore, #tpu.memory_space<semaphore_mem>>
      %dma_wait3A_379 = tpu.memref_squeeze %dma_wait3A_378 : memref<1x!tpu.dma_semaphore, #tpu.memory_space<semaphore_mem>> -> memref<!tpu.dma_semaphore, #tpu.memory_space<semaphore_mem>>
      tpu.wait_indirect_dma semaphore(%dma_wait3A_379 : memref<!tpu.dma_semaphore, #tpu.memory_space<semaphore_mem>>) src(%dma_wait3A_377 : memref<10000x32xf32, #tpu.memory_space<hbm>>) dst(%dma_wait3A_371 : memref<125x32xf32, #tpu.memory_space<vmem>>)
      %add3A_380 = arith.constant 2 : i32
      %add3A_381 = arith.addi %mul3A_135, %add3A_380 : i32
      %dma_start3A_382 = arith.constant 2 : i32
      %dma_start3A_383 = arith.constant 2 : i32
      %dma_start3A_384 = arith.constant 0 : i32
      %dma_start3A_385 = arith.constant 0 : i32
      %dma_start3A_386 = tpu.memref_slice %arg8[%dma_start3A_382, %dma_start3A_384, %dma_start3A_385] : memref<8x125x32xf32, #tpu.memory_space<vmem>> -> memref<1x125x32xf32, #tpu.memory_space<vmem>>
      %dma_start3A_387 = tpu.memref_squeeze %dma_start3A_386 : memref<1x125x32xf32, #tpu.memory_space<vmem>> -> memref<125x32xf32, #tpu.memory_space<vmem>>
      %dma_start3A_388 = arith.constant 0 : i32
      %dma_start3A_389 = tpu.memref_slice %arg7[%add3A_381, %dma_start3A_388] : memref<80x125xi32, #tpu.memory_space<vmem>> -> memref<1x125xi32, #tpu.memory_space<vmem>>
      %dma_start3A_390 = tpu.memref_squeeze %dma_start3A_389 : memref<1x125xi32, #tpu.memory_space<vmem>> -> memref<125xi32, #tpu.memory_space<vmem>>
      %dma_start3A_391 = arith.constant 0 : i32
      %dma_start3A_392 = arith.constant 0 : i32
      %dma_start3A_393 = tpu.memref_slice %arg9[%dma_start3A_391, %dma_start3A_392] : memref<10240x32xf32, #tpu.memory_space<vmem_shared>> -> memref<10240x32xf32, #tpu.memory_space<vmem_shared>>
      %dma_start3A_394 = tpu.memref_slice %arg11[%dma_start3A_383] : memref<8x!tpu.dma_semaphore, #tpu.memory_space<semaphore_mem>> -> memref<1x!tpu.dma_semaphore, #tpu.memory_space<semaphore_mem>>
      %dma_start3A_395 = tpu.memref_squeeze %dma_start3A_394 : memref<1x!tpu.dma_semaphore, #tpu.memory_space<semaphore_mem>> -> memref<!tpu.dma_semaphore, #tpu.memory_space<semaphore_mem>>
      tpu.enqueue_indirect_dma source(%dma_start3A_387 : memref<125x32xf32, #tpu.memory_space<vmem>>) target(%dma_start3A_393 : memref<10240x32xf32, #tpu.memory_space<vmem_shared>>) offsets(%dma_start3A_390 : memref<125xi32, #tpu.memory_space<vmem>>) semaphore(%dma_start3A_395 : memref<!tpu.dma_semaphore, #tpu.memory_space<semaphore_mem>>) {add = true}
      %add3A_396 = arith.constant 3 : i32
      %add3A_397 = arith.addi %mul3A_135, %add3A_396 : i32
      %dma_wait3A_398 = arith.constant 3 : i32
      %dma_wait3A_399 = arith.constant 3 : i32
      %dma_wait3A_400 = arith.constant 0 : i32
      %dma_wait3A_401 = arith.constant 0 : i32
      %dma_wait3A_402 = tpu.memref_slice %arg8[%dma_wait3A_398, %dma_wait3A_400, %dma_wait3A_401] : memref<8x125x32xf32, #tpu.memory_space<vmem>> -> memref<1x125x32xf32, #tpu.memory_space<vmem>>
      %dma_wait3A_403 = tpu.memref_squeeze %dma_wait3A_402 : memref<1x125x32xf32, #tpu.memory_space<vmem>> -> memref<125x32xf32, #tpu.memory_space<vmem>>
      %dma_wait3A_404 = arith.constant 0 : i32
      %dma_wait3A_405 = tpu.memref_slice %arg6[%add3A_397, %dma_wait3A_404] : memref<80x125xi32, #tpu.memory_space<vmem>> -> memref<1x125xi32, #tpu.memory_space<vmem>>
      %dma_wait3A_406 = tpu.memref_squeeze %dma_wait3A_405 : memref<1x125xi32, #tpu.memory_space<vmem>> -> memref<125xi32, #tpu.memory_space<vmem>>
      %dma_wait3A_407 = arith.constant 0 : i32
      %dma_wait3A_408 = arith.constant 0 : i32
      %dma_wait3A_409 = tpu.memref_slice %arg3[%dma_wait3A_407, %dma_wait3A_408] : memref<10000x32xf32, #tpu.memory_space<hbm>> -> memref<10000x32xf32, #tpu.memory_space<hbm>>
      %dma_wait3A_410 = tpu.memref_slice %arg10[%dma_wait3A_399] : memref<8x!tpu.dma_semaphore, #tpu.memory_space<semaphore_mem>> -> memref<1x!tpu.dma_semaphore, #tpu.memory_space<semaphore_mem>>
      %dma_wait3A_411 = tpu.memref_squeeze %dma_wait3A_410 : memref<1x!tpu.dma_semaphore, #tpu.memory_space<semaphore_mem>> -> memref<!tpu.dma_semaphore, #tpu.memory_space<semaphore_mem>>
      tpu.wait_indirect_dma semaphore(%dma_wait3A_411 : memref<!tpu.dma_semaphore, #tpu.memory_space<semaphore_mem>>) src(%dma_wait3A_409 : memref<10000x32xf32, #tpu.memory_space<hbm>>) dst(%dma_wait3A_403 : memref<125x32xf32, #tpu.memory_space<vmem>>)
      %add3A_412 = arith.constant 3 : i32
      %add3A_413 = arith.addi %mul3A_135, %add3A_412 : i32
      %dma_start3A_414 = arith.constant 3 : i32
      %dma_start3A_415 = arith.constant 3 : i32
      %dma_start3A_416 = arith.constant 0 : i32
      %dma_start3A_417 = arith.constant 0 : i32
      %dma_start3A_418 = tpu.memref_slice %arg8[%dma_start3A_414, %dma_start3A_416, %dma_start3A_417] : memref<8x125x32xf32, #tpu.memory_space<vmem>> -> memref<1x125x32xf32, #tpu.memory_space<vmem>>
      %dma_start3A_419 = tpu.memref_squeeze %dma_start3A_418 : memref<1x125x32xf32, #tpu.memory_space<vmem>> -> memref<125x32xf32, #tpu.memory_space<vmem>>
      %dma_start3A_420 = arith.constant 0 : i32
      %dma_start3A_421 = tpu.memref_slice %arg7[%add3A_413, %dma_start3A_420] : memref<80x125xi32, #tpu.memory_space<vmem>> -> memref<1x125xi32, #tpu.memory_space<vmem>>
      %dma_start3A_422 = tpu.memref_squeeze %dma_start3A_421 : memref<1x125xi32, #tpu.memory_space<vmem>> -> memref<125xi32, #tpu.memory_space<vmem>>
      %dma_start3A_423 = arith.constant 0 : i32
      %dma_start3A_424 = arith.constant 0 : i32
      %dma_start3A_425 = tpu.memref_slice %arg9[%dma_start3A_423, %dma_start3A_424] : memref<10240x32xf32, #tpu.memory_space<vmem_shared>> -> memref<10240x32xf32, #tpu.memory_space<vmem_shared>>
      %dma_start3A_426 = tpu.memref_slice %arg11[%dma_start3A_415] : memref<8x!tpu.dma_semaphore, #tpu.memory_space<semaphore_mem>> -> memref<1x!tpu.dma_semaphore, #tpu.memory_space<semaphore_mem>>
      %dma_start3A_427 = tpu.memref_squeeze %dma_start3A_426 : memref<1x!tpu.dma_semaphore, #tpu.memory_space<semaphore_mem>> -> memref<!tpu.dma_semaphore, #tpu.memory_space<semaphore_mem>>
      tpu.enqueue_indirect_dma source(%dma_start3A_419 : memref<125x32xf32, #tpu.memory_space<vmem>>) target(%dma_start3A_425 : memref<10240x32xf32, #tpu.memory_space<vmem_shared>>) offsets(%dma_start3A_422 : memref<125xi32, #tpu.memory_space<vmem>>) semaphore(%dma_start3A_427 : memref<!tpu.dma_semaphore, #tpu.memory_space<semaphore_mem>>) {add = true}
      %add3A_428 = arith.constant 4 : i32
      %add3A_429 = arith.addi %mul3A_135, %add3A_428 : i32
      %dma_wait3A_430 = arith.constant 4 : i32
      %dma_wait3A_431 = arith.constant 4 : i32
      %dma_wait3A_432 = arith.constant 0 : i32
      %dma_wait3A_433 = arith.constant 0 : i32
      %dma_wait3A_434 = tpu.memref_slice %arg8[%dma_wait3A_430, %dma_wait3A_432, %dma_wait3A_433] : memref<8x125x32xf32, #tpu.memory_space<vmem>> -> memref<1x125x32xf32, #tpu.memory_space<vmem>>
      %dma_wait3A_435 = tpu.memref_squeeze %dma_wait3A_434 : memref<1x125x32xf32, #tpu.memory_space<vmem>> -> memref<125x32xf32, #tpu.memory_space<vmem>>
      %dma_wait3A_436 = arith.constant 0 : i32
      %dma_wait3A_437 = tpu.memref_slice %arg6[%add3A_429, %dma_wait3A_436] : memref<80x125xi32, #tpu.memory_space<vmem>> -> memref<1x125xi32, #tpu.memory_space<vmem>>
      %dma_wait3A_438 = tpu.memref_squeeze %dma_wait3A_437 : memref<1x125xi32, #tpu.memory_space<vmem>> -> memref<125xi32, #tpu.memory_space<vmem>>
      %dma_wait3A_439 = arith.constant 0 : i32
      %dma_wait3A_440 = arith.constant 0 : i32
      %dma_wait3A_441 = tpu.memref_slice %arg3[%dma_wait3A_439, %dma_wait3A_440] : memref<10000x32xf32, #tpu.memory_space<hbm>> -> memref<10000x32xf32, #tpu.memory_space<hbm>>
      %dma_wait3A_442 = tpu.memref_slice %arg10[%dma_wait3A_431] : memref<8x!tpu.dma_semaphore, #tpu.memory_space<semaphore_mem>> -> memref<1x!tpu.dma_semaphore, #tpu.memory_space<semaphore_mem>>
      %dma_wait3A_443 = tpu.memref_squeeze %dma_wait3A_442 : memref<1x!tpu.dma_semaphore, #tpu.memory_space<semaphore_mem>> -> memref<!tpu.dma_semaphore, #tpu.memory_space<semaphore_mem>>
      tpu.wait_indirect_dma semaphore(%dma_wait3A_443 : memref<!tpu.dma_semaphore, #tpu.memory_space<semaphore_mem>>) src(%dma_wait3A_441 : memref<10000x32xf32, #tpu.memory_space<hbm>>) dst(%dma_wait3A_435 : memref<125x32xf32, #tpu.memory_space<vmem>>)
      %add3A_444 = arith.constant 4 : i32
      %add3A_445 = arith.addi %mul3A_135, %add3A_444 : i32
      %dma_start3A_446 = arith.constant 4 : i32
      %dma_start3A_447 = arith.constant 4 : i32
      %dma_start3A_448 = arith.constant 0 : i32
      %dma_start3A_449 = arith.constant 0 : i32
      %dma_start3A_450 = tpu.memref_slice %arg8[%dma_start3A_446, %dma_start3A_448, %dma_start3A_449] : memref<8x125x32xf32, #tpu.memory_space<vmem>> -> memref<1x125x32xf32, #tpu.memory_space<vmem>>
      %dma_start3A_451 = tpu.memref_squeeze %dma_start3A_450 : memref<1x125x32xf32, #tpu.memory_space<vmem>> -> memref<125x32xf32, #tpu.memory_space<vmem>>
      %dma_start3A_452 = arith.constant 0 : i32
      %dma_start3A_453 = tpu.memref_slice %arg7[%add3A_445, %dma_start3A_452] : memref<80x125xi32, #tpu.memory_space<vmem>> -> memref<1x125xi32, #tpu.memory_space<vmem>>
      %dma_start3A_454 = tpu.memref_squeeze %dma_start3A_453 : memref<1x125xi32, #tpu.memory_space<vmem>> -> memref<125xi32, #tpu.memory_space<vmem>>
      %dma_start3A_455 = arith.constant 0 : i32
      %dma_start3A_456 = arith.constant 0 : i32
      %dma_start3A_457 = tpu.memref_slice %arg9[%dma_start3A_455, %dma_start3A_456] : memref<10240x32xf32, #tpu.memory_space<vmem_shared>> -> memref<10240x32xf32, #tpu.memory_space<vmem_shared>>
      %dma_start3A_458 = tpu.memref_slice %arg11[%dma_start3A_447] : memref<8x!tpu.dma_semaphore, #tpu.memory_space<semaphore_mem>> -> memref<1x!tpu.dma_semaphore, #tpu.memory_space<semaphore_mem>>
      %dma_start3A_459 = tpu.memref_squeeze %dma_start3A_458 : memref<1x!tpu.dma_semaphore, #tpu.memory_space<semaphore_mem>> -> memref<!tpu.dma_semaphore, #tpu.memory_space<semaphore_mem>>
      tpu.enqueue_indirect_dma source(%dma_start3A_451 : memref<125x32xf32, #tpu.memory_space<vmem>>) target(%dma_start3A_457 : memref<10240x32xf32, #tpu.memory_space<vmem_shared>>) offsets(%dma_start3A_454 : memref<125xi32, #tpu.memory_space<vmem>>) semaphore(%dma_start3A_459 : memref<!tpu.dma_semaphore, #tpu.memory_space<semaphore_mem>>) {add = true}
      %add3A_460 = arith.constant 5 : i32
      %add3A_461 = arith.addi %mul3A_135, %add3A_460 : i32
      %dma_wait3A_462 = arith.constant 5 : i32
      %dma_wait3A_463 = arith.constant 5 : i32
      %dma_wait3A_464 = arith.constant 0 : i32
      %dma_wait3A_465 = arith.constant 0 : i32
      %dma_wait3A_466 = tpu.memref_slice %arg8[%dma_wait3A_462, %dma_wait3A_464, %dma_wait3A_465] : memref<8x125x32xf32, #tpu.memory_space<vmem>> -> memref<1x125x32xf32, #tpu.memory_space<vmem>>
      %dma_wait3A_467 = tpu.memref_squeeze %dma_wait3A_466 : memref<1x125x32xf32, #tpu.memory_space<vmem>> -> memref<125x32xf32, #tpu.memory_space<vmem>>
      %dma_wait3A_468 = arith.constant 0 : i32
      %dma_wait3A_469 = tpu.memref_slice %arg6[%add3A_461, %dma_wait3A_468] : memref<80x125xi32, #tpu.memory_space<vmem>> -> memref<1x125xi32, #tpu.memory_space<vmem>>
      %dma_wait3A_470 = tpu.memref_squeeze %dma_wait3A_469 : memref<1x125xi32, #tpu.memory_space<vmem>> -> memref<125xi32, #tpu.memory_space<vmem>>
      %dma_wait3A_471 = arith.constant 0 : i32
      %dma_wait3A_472 = arith.constant 0 : i32
      %dma_wait3A_473 = tpu.memref_slice %arg3[%dma_wait3A_471, %dma_wait3A_472] : memref<10000x32xf32, #tpu.memory_space<hbm>> -> memref<10000x32xf32, #tpu.memory_space<hbm>>
      %dma_wait3A_474 = tpu.memref_slice %arg10[%dma_wait3A_463] : memref<8x!tpu.dma_semaphore, #tpu.memory_space<semaphore_mem>> -> memref<1x!tpu.dma_semaphore, #tpu.memory_space<semaphore_mem>>
      %dma_wait3A_475 = tpu.memref_squeeze %dma_wait3A_474 : memref<1x!tpu.dma_semaphore, #tpu.memory_space<semaphore_mem>> -> memref<!tpu.dma_semaphore, #tpu.memory_space<semaphore_mem>>
      tpu.wait_indirect_dma semaphore(%dma_wait3A_475 : memref<!tpu.dma_semaphore, #tpu.memory_space<semaphore_mem>>) src(%dma_wait3A_473 : memref<10000x32xf32, #tpu.memory_space<hbm>>) dst(%dma_wait3A_467 : memref<125x32xf32, #tpu.memory_space<vmem>>)
      %add3A_476 = arith.constant 5 : i32
      %add3A_477 = arith.addi %mul3A_135, %add3A_476 : i32
      %dma_start3A_478 = arith.constant 5 : i32
      %dma_start3A_479 = arith.constant 5 : i32
      %dma_start3A_480 = arith.constant 0 : i32
      %dma_start3A_481 = arith.constant 0 : i32
      %dma_start3A_482 = tpu.memref_slice %arg8[%dma_start3A_478, %dma_start3A_480, %dma_start3A_481] : memref<8x125x32xf32, #tpu.memory_space<vmem>> -> memref<1x125x32xf32, #tpu.memory_space<vmem>>
      %dma_start3A_483 = tpu.memref_squeeze %dma_start3A_482 : memref<1x125x32xf32, #tpu.memory_space<vmem>> -> memref<125x32xf32, #tpu.memory_space<vmem>>
      %dma_start3A_484 = arith.constant 0 : i32
      %dma_start3A_485 = tpu.memref_slice %arg7[%add3A_477, %dma_start3A_484] : memref<80x125xi32, #tpu.memory_space<vmem>> -> memref<1x125xi32, #tpu.memory_space<vmem>>
      %dma_start3A_486 = tpu.memref_squeeze %dma_start3A_485 : memref<1x125xi32, #tpu.memory_space<vmem>> -> memref<125xi32, #tpu.memory_space<vmem>>
      %dma_start3A_487 = arith.constant 0 : i32
      %dma_start3A_488 = arith.constant 0 : i32
      %dma_start3A_489 = tpu.memref_slice %arg9[%dma_start3A_487, %dma_start3A_488] : memref<10240x32xf32, #tpu.memory_space<vmem_shared>> -> memref<10240x32xf32, #tpu.memory_space<vmem_shared>>
      %dma_start3A_490 = tpu.memref_slice %arg11[%dma_start3A_479] : memref<8x!tpu.dma_semaphore, #tpu.memory_space<semaphore_mem>> -> memref<1x!tpu.dma_semaphore, #tpu.memory_space<semaphore_mem>>
      %dma_start3A_491 = tpu.memref_squeeze %dma_start3A_490 : memref<1x!tpu.dma_semaphore, #tpu.memory_space<semaphore_mem>> -> memref<!tpu.dma_semaphore, #tpu.memory_space<semaphore_mem>>
      tpu.enqueue_indirect_dma source(%dma_start3A_483 : memref<125x32xf32, #tpu.memory_space<vmem>>) target(%dma_start3A_489 : memref<10240x32xf32, #tpu.memory_space<vmem_shared>>) offsets(%dma_start3A_486 : memref<125xi32, #tpu.memory_space<vmem>>) semaphore(%dma_start3A_491 : memref<!tpu.dma_semaphore, #tpu.memory_space<semaphore_mem>>) {add = true}
      %add3A_492 = arith.constant 6 : i32
      %add3A_493 = arith.addi %mul3A_135, %add3A_492 : i32
      %dma_wait3A_494 = arith.constant 6 : i32
      %dma_wait3A_495 = arith.constant 6 : i32
      %dma_wait3A_496 = arith.constant 0 : i32
      %dma_wait3A_497 = arith.constant 0 : i32
      %dma_wait3A_498 = tpu.memref_slice %arg8[%dma_wait3A_494, %dma_wait3A_496, %dma_wait3A_497] : memref<8x125x32xf32, #tpu.memory_space<vmem>> -> memref<1x125x32xf32, #tpu.memory_space<vmem>>
      %dma_wait3A_499 = tpu.memref_squeeze %dma_wait3A_498 : memref<1x125x32xf32, #tpu.memory_space<vmem>> -> memref<125x32xf32, #tpu.memory_space<vmem>>
      %dma_wait3A_500 = arith.constant 0 : i32
      %dma_wait3A_501 = tpu.memref_slice %arg6[%add3A_493, %dma_wait3A_500] : memref<80x125xi32, #tpu.memory_space<vmem>> -> memref<1x125xi32, #tpu.memory_space<vmem>>
      %dma_wait3A_502 = tpu.memref_squeeze %dma_wait3A_501 : memref<1x125xi32, #tpu.memory_space<vmem>> -> memref<125xi32, #tpu.memory_space<vmem>>
      %dma_wait3A_503 = arith.constant 0 : i32
      %dma_wait3A_504 = arith.constant 0 : i32
      %dma_wait3A_505 = tpu.memref_slice %arg3[%dma_wait3A_503, %dma_wait3A_504] : memref<10000x32xf32, #tpu.memory_space<hbm>> -> memref<10000x32xf32, #tpu.memory_space<hbm>>
      %dma_wait3A_506 = tpu.memref_slice %arg10[%dma_wait3A_495] : memref<8x!tpu.dma_semaphore, #tpu.memory_space<semaphore_mem>> -> memref<1x!tpu.dma_semaphore, #tpu.memory_space<semaphore_mem>>
      %dma_wait3A_507 = tpu.memref_squeeze %dma_wait3A_506 : memref<1x!tpu.dma_semaphore, #tpu.memory_space<semaphore_mem>> -> memref<!tpu.dma_semaphore, #tpu.memory_space<semaphore_mem>>
      tpu.wait_indirect_dma semaphore(%dma_wait3A_507 : memref<!tpu.dma_semaphore, #tpu.memory_space<semaphore_mem>>) src(%dma_wait3A_505 : memref<10000x32xf32, #tpu.memory_space<hbm>>) dst(%dma_wait3A_499 : memref<125x32xf32, #tpu.memory_space<vmem>>)
      %add3A_508 = arith.constant 6 : i32
      %add3A_509 = arith.addi %mul3A_135, %add3A_508 : i32
      %dma_start3A_510 = arith.constant 6 : i32
      %dma_start3A_511 = arith.constant 6 : i32
      %dma_start3A_512 = arith.constant 0 : i32
      %dma_start3A_513 = arith.constant 0 : i32
      %dma_start3A_514 = tpu.memref_slice %arg8[%dma_start3A_510, %dma_start3A_512, %dma_start3A_513] : memref<8x125x32xf32, #tpu.memory_space<vmem>> -> memref<1x125x32xf32, #tpu.memory_space<vmem>>
      %dma_start3A_515 = tpu.memref_squeeze %dma_start3A_514 : memref<1x125x32xf32, #tpu.memory_space<vmem>> -> memref<125x32xf32, #tpu.memory_space<vmem>>
      %dma_start3A_516 = arith.constant 0 : i32
      %dma_start3A_517 = tpu.memref_slice %arg7[%add3A_509, %dma_start3A_516] : memref<80x125xi32, #tpu.memory_space<vmem>> -> memref<1x125xi32, #tpu.memory_space<vmem>>
      %dma_start3A_518 = tpu.memref_squeeze %dma_start3A_517 : memref<1x125xi32, #tpu.memory_space<vmem>> -> memref<125xi32, #tpu.memory_space<vmem>>
      %dma_start3A_519 = arith.constant 0 : i32
      %dma_start3A_520 = arith.constant 0 : i32
      %dma_start3A_521 = tpu.memref_slice %arg9[%dma_start3A_519, %dma_start3A_520] : memref<10240x32xf32, #tpu.memory_space<vmem_shared>> -> memref<10240x32xf32, #tpu.memory_space<vmem_shared>>
      %dma_start3A_522 = tpu.memref_slice %arg11[%dma_start3A_511] : memref<8x!tpu.dma_semaphore, #tpu.memory_space<semaphore_mem>> -> memref<1x!tpu.dma_semaphore, #tpu.memory_space<semaphore_mem>>
      %dma_start3A_523 = tpu.memref_squeeze %dma_start3A_522 : memref<1x!tpu.dma_semaphore, #tpu.memory_space<semaphore_mem>> -> memref<!tpu.dma_semaphore, #tpu.memory_space<semaphore_mem>>
      tpu.enqueue_indirect_dma source(%dma_start3A_515 : memref<125x32xf32, #tpu.memory_space<vmem>>) target(%dma_start3A_521 : memref<10240x32xf32, #tpu.memory_space<vmem_shared>>) offsets(%dma_start3A_518 : memref<125xi32, #tpu.memory_space<vmem>>) semaphore(%dma_start3A_523 : memref<!tpu.dma_semaphore, #tpu.memory_space<semaphore_mem>>) {add = true}
      %add3A_524 = arith.constant 7 : i32
      %add3A_525 = arith.addi %mul3A_135, %add3A_524 : i32
      %dma_wait3A_526 = arith.constant 7 : i32
      %dma_wait3A_527 = arith.constant 7 : i32
      %dma_wait3A_528 = arith.constant 0 : i32
      %dma_wait3A_529 = arith.constant 0 : i32
      %dma_wait3A_530 = tpu.memref_slice %arg8[%dma_wait3A_526, %dma_wait3A_528, %dma_wait3A_529] : memref<8x125x32xf32, #tpu.memory_space<vmem>> -> memref<1x125x32xf32, #tpu.memory_space<vmem>>
      %dma_wait3A_531 = tpu.memref_squeeze %dma_wait3A_530 : memref<1x125x32xf32, #tpu.memory_space<vmem>> -> memref<125x32xf32, #tpu.memory_space<vmem>>
      %dma_wait3A_532 = arith.constant 0 : i32
      %dma_wait3A_533 = tpu.memref_slice %arg6[%add3A_525, %dma_wait3A_532] : memref<80x125xi32, #tpu.memory_space<vmem>> -> memref<1x125xi32, #tpu.memory_space<vmem>>
      %dma_wait3A_534 = tpu.memref_squeeze %dma_wait3A_533 : memref<1x125xi32, #tpu.memory_space<vmem>> -> memref<125xi32, #tpu.memory_space<vmem>>
      %dma_wait3A_535 = arith.constant 0 : i32
      %dma_wait3A_536 = arith.constant 0 : i32
      %dma_wait3A_537 = tpu.memref_slice %arg3[%dma_wait3A_535, %dma_wait3A_536] : memref<10000x32xf32, #tpu.memory_space<hbm>> -> memref<10000x32xf32, #tpu.memory_space<hbm>>
      %dma_wait3A_538 = tpu.memref_slice %arg10[%dma_wait3A_527] : memref<8x!tpu.dma_semaphore, #tpu.memory_space<semaphore_mem>> -> memref<1x!tpu.dma_semaphore, #tpu.memory_space<semaphore_mem>>
      %dma_wait3A_539 = tpu.memref_squeeze %dma_wait3A_538 : memref<1x!tpu.dma_semaphore, #tpu.memory_space<semaphore_mem>> -> memref<!tpu.dma_semaphore, #tpu.memory_space<semaphore_mem>>
      tpu.wait_indirect_dma semaphore(%dma_wait3A_539 : memref<!tpu.dma_semaphore, #tpu.memory_space<semaphore_mem>>) src(%dma_wait3A_537 : memref<10000x32xf32, #tpu.memory_space<hbm>>) dst(%dma_wait3A_531 : memref<125x32xf32, #tpu.memory_space<vmem>>)
      %add3A_540 = arith.constant 7 : i32
      %add3A_541 = arith.addi %mul3A_135, %add3A_540 : i32
      %dma_start3A_542 = arith.constant 7 : i32
      %dma_start3A_543 = arith.constant 7 : i32
      %dma_start3A_544 = arith.constant 0 : i32
      %dma_start3A_545 = arith.constant 0 : i32
      %dma_start3A_546 = tpu.memref_slice %arg8[%dma_start3A_542, %dma_start3A_544, %dma_start3A_545] : memref<8x125x32xf32, #tpu.memory_space<vmem>> -> memref<1x125x32xf32, #tpu.memory_space<vmem>>
      %dma_start3A_547 = tpu.memref_squeeze %dma_start3A_546 : memref<1x125x32xf32, #tpu.memory_space<vmem>> -> memref<125x32xf32, #tpu.memory_space<vmem>>
      %dma_start3A_548 = arith.constant 0 : i32
      %dma_start3A_549 = tpu.memref_slice %arg7[%add3A_541, %dma_start3A_548] : memref<80x125xi32, #tpu.memory_space<vmem>> -> memref<1x125xi32, #tpu.memory_space<vmem>>
      %dma_start3A_550 = tpu.memref_squeeze %dma_start3A_549 : memref<1x125xi32, #tpu.memory_space<vmem>> -> memref<125xi32, #tpu.memory_space<vmem>>
      %dma_start3A_551 = arith.constant 0 : i32
      %dma_start3A_552 = arith.constant 0 : i32
      %dma_start3A_553 = tpu.memref_slice %arg9[%dma_start3A_551, %dma_start3A_552] : memref<10240x32xf32, #tpu.memory_space<vmem_shared>> -> memref<10240x32xf32, #tpu.memory_space<vmem_shared>>
      %dma_start3A_554 = tpu.memref_slice %arg11[%dma_start3A_543] : memref<8x!tpu.dma_semaphore, #tpu.memory_space<semaphore_mem>> -> memref<1x!tpu.dma_semaphore, #tpu.memory_space<semaphore_mem>>
      %dma_start3A_555 = tpu.memref_squeeze %dma_start3A_554 : memref<1x!tpu.dma_semaphore, #tpu.memory_space<semaphore_mem>> -> memref<!tpu.dma_semaphore, #tpu.memory_space<semaphore_mem>>
      tpu.enqueue_indirect_dma source(%dma_start3A_547 : memref<125x32xf32, #tpu.memory_space<vmem>>) target(%dma_start3A_553 : memref<10240x32xf32, #tpu.memory_space<vmem_shared>>) offsets(%dma_start3A_550 : memref<125xi32, #tpu.memory_space<vmem>>) semaphore(%dma_start3A_555 : memref<!tpu.dma_semaphore, #tpu.memory_space<semaphore_mem>>) {add = true}
    }
    %scan3A_8 = arith.constant 10 : i32
    %dma_wait3A = arith.constant 0 : i32
    %dma_wait3A_9 = arith.constant 72 : i32
    %dma_wait3A_10 = arith.constant 0 : i32
    %dma_wait3A_11 = arith.constant 0 : i32
    %dma_wait3A_12 = arith.constant 0 : i32
    %dma_wait3A_13 = tpu.memref_slice %arg8[%dma_wait3A, %dma_wait3A_11, %dma_wait3A_12] : memref<8x125x32xf32, #tpu.memory_space<vmem>> -> memref<1x125x32xf32, #tpu.memory_space<vmem>>
    %dma_wait3A_14 = tpu.memref_squeeze %dma_wait3A_13 : memref<1x125x32xf32, #tpu.memory_space<vmem>> -> memref<125x32xf32, #tpu.memory_space<vmem>>
    %dma_wait3A_15 = arith.constant 0 : i32
    %dma_wait3A_16 = tpu.memref_slice %arg7[%dma_wait3A_9, %dma_wait3A_15] : memref<80x125xi32, #tpu.memory_space<vmem>> -> memref<1x125xi32, #tpu.memory_space<vmem>>
    %dma_wait3A_17 = tpu.memref_squeeze %dma_wait3A_16 : memref<1x125xi32, #tpu.memory_space<vmem>> -> memref<125xi32, #tpu.memory_space<vmem>>
    %dma_wait3A_18 = arith.constant 0 : i32
    %dma_wait3A_19 = arith.constant 0 : i32
    %dma_wait3A_20 = tpu.memref_slice %arg9[%dma_wait3A_18, %dma_wait3A_19] : memref<10240x32xf32, #tpu.memory_space<vmem_shared>> -> memref<10240x32xf32, #tpu.memory_space<vmem_shared>>
    %dma_wait3A_21 = tpu.memref_slice %arg11[%dma_wait3A_10] : memref<8x!tpu.dma_semaphore, #tpu.memory_space<semaphore_mem>> -> memref<1x!tpu.dma_semaphore, #tpu.memory_space<semaphore_mem>>
    %dma_wait3A_22 = tpu.memref_squeeze %dma_wait3A_21 : memref<1x!tpu.dma_semaphore, #tpu.memory_space<semaphore_mem>> -> memref<!tpu.dma_semaphore, #tpu.memory_space<semaphore_mem>>
    tpu.wait_indirect_dma semaphore(%dma_wait3A_22 : memref<!tpu.dma_semaphore, #tpu.memory_space<semaphore_mem>>) src(%dma_wait3A_14 : memref<125x32xf32, #tpu.memory_space<vmem>>) dst(%dma_wait3A_20 : memref<10240x32xf32, #tpu.memory_space<vmem_shared>>)
    %dma_wait3A_23 = arith.constant 1 : i32
    %dma_wait3A_24 = arith.constant 73 : i32
    %dma_wait3A_25 = arith.constant 1 : i32
    %dma_wait3A_26 = arith.constant 0 : i32
    %dma_wait3A_27 = arith.constant 0 : i32
    %dma_wait3A_28 = tpu.memref_slice %arg8[%dma_wait3A_23, %dma_wait3A_26, %dma_wait3A_27] : memref<8x125x32xf32, #tpu.memory_space<vmem>> -> memref<1x125x32xf32, #tpu.memory_space<vmem>>
    %dma_wait3A_29 = tpu.memref_squeeze %dma_wait3A_28 : memref<1x125x32xf32, #tpu.memory_space<vmem>> -> memref<125x32xf32, #tpu.memory_space<vmem>>
    %dma_wait3A_30 = arith.constant 0 : i32
    %dma_wait3A_31 = tpu.memref_slice %arg7[%dma_wait3A_24, %dma_wait3A_30] : memref<80x125xi32, #tpu.memory_space<vmem>> -> memref<1x125xi32, #tpu.memory_space<vmem>>
    %dma_wait3A_32 = tpu.memref_squeeze %dma_wait3A_31 : memref<1x125xi32, #tpu.memory_space<vmem>> -> memref<125xi32, #tpu.memory_space<vmem>>
    %dma_wait3A_33 = arith.constant 0 : i32
    %dma_wait3A_34 = arith.constant 0 : i32
    %dma_wait3A_35 = tpu.memref_slice %arg9[%dma_wait3A_33, %dma_wait3A_34] : memref<10240x32xf32, #tpu.memory_space<vmem_shared>> -> memref<10240x32xf32, #tpu.memory_space<vmem_shared>>
    %dma_wait3A_36 = tpu.memref_slice %arg11[%dma_wait3A_25] : memref<8x!tpu.dma_semaphore, #tpu.memory_space<semaphore_mem>> -> memref<1x!tpu.dma_semaphore, #tpu.memory_space<semaphore_mem>>
    %dma_wait3A_37 = tpu.memref_squeeze %dma_wait3A_36 : memref<1x!tpu.dma_semaphore, #tpu.memory_space<semaphore_mem>> -> memref<!tpu.dma_semaphore, #tpu.memory_space<semaphore_mem>>
    tpu.wait_indirect_dma semaphore(%dma_wait3A_37 : memref<!tpu.dma_semaphore, #tpu.memory_space<semaphore_mem>>) src(%dma_wait3A_29 : memref<125x32xf32, #tpu.memory_space<vmem>>) dst(%dma_wait3A_35 : memref<10240x32xf32, #tpu.memory_space<vmem_shared>>)
    %dma_wait3A_38 = arith.constant 2 : i32
    %dma_wait3A_39 = arith.constant 74 : i32
    %dma_wait3A_40 = arith.constant 2 : i32
    %dma_wait3A_41 = arith.constant 0 : i32
    %dma_wait3A_42 = arith.constant 0 : i32
    %dma_wait3A_43 = tpu.memref_slice %arg8[%dma_wait3A_38, %dma_wait3A_41, %dma_wait3A_42] : memref<8x125x32xf32, #tpu.memory_space<vmem>> -> memref<1x125x32xf32, #tpu.memory_space<vmem>>
    %dma_wait3A_44 = tpu.memref_squeeze %dma_wait3A_43 : memref<1x125x32xf32, #tpu.memory_space<vmem>> -> memref<125x32xf32, #tpu.memory_space<vmem>>
    %dma_wait3A_45 = arith.constant 0 : i32
    %dma_wait3A_46 = tpu.memref_slice %arg7[%dma_wait3A_39, %dma_wait3A_45] : memref<80x125xi32, #tpu.memory_space<vmem>> -> memref<1x125xi32, #tpu.memory_space<vmem>>
    %dma_wait3A_47 = tpu.memref_squeeze %dma_wait3A_46 : memref<1x125xi32, #tpu.memory_space<vmem>> -> memref<125xi32, #tpu.memory_space<vmem>>
    %dma_wait3A_48 = arith.constant 0 : i32
    %dma_wait3A_49 = arith.constant 0 : i32
    %dma_wait3A_50 = tpu.memref_slice %arg9[%dma_wait3A_48, %dma_wait3A_49] : memref<10240x32xf32, #tpu.memory_space<vmem_shared>> -> memref<10240x32xf32, #tpu.memory_space<vmem_shared>>
    %dma_wait3A_51 = tpu.memref_slice %arg11[%dma_wait3A_40] : memref<8x!tpu.dma_semaphore, #tpu.memory_space<semaphore_mem>> -> memref<1x!tpu.dma_semaphore, #tpu.memory_space<semaphore_mem>>
    %dma_wait3A_52 = tpu.memref_squeeze %dma_wait3A_51 : memref<1x!tpu.dma_semaphore, #tpu.memory_space<semaphore_mem>> -> memref<!tpu.dma_semaphore, #tpu.memory_space<semaphore_mem>>
    tpu.wait_indirect_dma semaphore(%dma_wait3A_52 : memref<!tpu.dma_semaphore, #tpu.memory_space<semaphore_mem>>) src(%dma_wait3A_44 : memref<125x32xf32, #tpu.memory_space<vmem>>) dst(%dma_wait3A_50 : memref<10240x32xf32, #tpu.memory_space<vmem_shared>>)
    %dma_wait3A_53 = arith.constant 3 : i32
    %dma_wait3A_54 = arith.constant 75 : i32
    %dma_wait3A_55 = arith.constant 3 : i32
    %dma_wait3A_56 = arith.constant 0 : i32
    %dma_wait3A_57 = arith.constant 0 : i32
    %dma_wait3A_58 = tpu.memref_slice %arg8[%dma_wait3A_53, %dma_wait3A_56, %dma_wait3A_57] : memref<8x125x32xf32, #tpu.memory_space<vmem>> -> memref<1x125x32xf32, #tpu.memory_space<vmem>>
    %dma_wait3A_59 = tpu.memref_squeeze %dma_wait3A_58 : memref<1x125x32xf32, #tpu.memory_space<vmem>> -> memref<125x32xf32, #tpu.memory_space<vmem>>
    %dma_wait3A_60 = arith.constant 0 : i32
    %dma_wait3A_61 = tpu.memref_slice %arg7[%dma_wait3A_54, %dma_wait3A_60] : memref<80x125xi32, #tpu.memory_space<vmem>> -> memref<1x125xi32, #tpu.memory_space<vmem>>
    %dma_wait3A_62 = tpu.memref_squeeze %dma_wait3A_61 : memref<1x125xi32, #tpu.memory_space<vmem>> -> memref<125xi32, #tpu.memory_space<vmem>>
    %dma_wait3A_63 = arith.constant 0 : i32
    %dma_wait3A_64 = arith.constant 0 : i32
    %dma_wait3A_65 = tpu.memref_slice %arg9[%dma_wait3A_63, %dma_wait3A_64] : memref<10240x32xf32, #tpu.memory_space<vmem_shared>> -> memref<10240x32xf32, #tpu.memory_space<vmem_shared>>
    %dma_wait3A_66 = tpu.memref_slice %arg11[%dma_wait3A_55] : memref<8x!tpu.dma_semaphore, #tpu.memory_space<semaphore_mem>> -> memref<1x!tpu.dma_semaphore, #tpu.memory_space<semaphore_mem>>
    %dma_wait3A_67 = tpu.memref_squeeze %dma_wait3A_66 : memref<1x!tpu.dma_semaphore, #tpu.memory_space<semaphore_mem>> -> memref<!tpu.dma_semaphore, #tpu.memory_space<semaphore_mem>>
    tpu.wait_indirect_dma semaphore(%dma_wait3A_67 : memref<!tpu.dma_semaphore, #tpu.memory_space<semaphore_mem>>) src(%dma_wait3A_59 : memref<125x32xf32, #tpu.memory_space<vmem>>) dst(%dma_wait3A_65 : memref<10240x32xf32, #tpu.memory_space<vmem_shared>>)
    %dma_wait3A_68 = arith.constant 4 : i32
    %dma_wait3A_69 = arith.constant 76 : i32
    %dma_wait3A_70 = arith.constant 4 : i32
    %dma_wait3A_71 = arith.constant 0 : i32
    %dma_wait3A_72 = arith.constant 0 : i32
    %dma_wait3A_73 = tpu.memref_slice %arg8[%dma_wait3A_68, %dma_wait3A_71, %dma_wait3A_72] : memref<8x125x32xf32, #tpu.memory_space<vmem>> -> memref<1x125x32xf32, #tpu.memory_space<vmem>>
    %dma_wait3A_74 = tpu.memref_squeeze %dma_wait3A_73 : memref<1x125x32xf32, #tpu.memory_space<vmem>> -> memref<125x32xf32, #tpu.memory_space<vmem>>
    %dma_wait3A_75 = arith.constant 0 : i32
    %dma_wait3A_76 = tpu.memref_slice %arg7[%dma_wait3A_69, %dma_wait3A_75] : memref<80x125xi32, #tpu.memory_space<vmem>> -> memref<1x125xi32, #tpu.memory_space<vmem>>
    %dma_wait3A_77 = tpu.memref_squeeze %dma_wait3A_76 : memref<1x125xi32, #tpu.memory_space<vmem>> -> memref<125xi32, #tpu.memory_space<vmem>>
    %dma_wait3A_78 = arith.constant 0 : i32
    %dma_wait3A_79 = arith.constant 0 : i32
    %dma_wait3A_80 = tpu.memref_slice %arg9[%dma_wait3A_78, %dma_wait3A_79] : memref<10240x32xf32, #tpu.memory_space<vmem_shared>> -> memref<10240x32xf32, #tpu.memory_space<vmem_shared>>
    %dma_wait3A_81 = tpu.memref_slice %arg11[%dma_wait3A_70] : memref<8x!tpu.dma_semaphore, #tpu.memory_space<semaphore_mem>> -> memref<1x!tpu.dma_semaphore, #tpu.memory_space<semaphore_mem>>
    %dma_wait3A_82 = tpu.memref_squeeze %dma_wait3A_81 : memref<1x!tpu.dma_semaphore, #tpu.memory_space<semaphore_mem>> -> memref<!tpu.dma_semaphore, #tpu.memory_space<semaphore_mem>>
    tpu.wait_indirect_dma semaphore(%dma_wait3A_82 : memref<!tpu.dma_semaphore, #tpu.memory_space<semaphore_mem>>) src(%dma_wait3A_74 : memref<125x32xf32, #tpu.memory_space<vmem>>) dst(%dma_wait3A_80 : memref<10240x32xf32, #tpu.memory_space<vmem_shared>>)
    %dma_wait3A_83 = arith.constant 5 : i32
    %dma_wait3A_84 = arith.constant 77 : i32
    %dma_wait3A_85 = arith.constant 5 : i32
    %dma_wait3A_86 = arith.constant 0 : i32
    %dma_wait3A_87 = arith.constant 0 : i32
    %dma_wait3A_88 = tpu.memref_slice %arg8[%dma_wait3A_83, %dma_wait3A_86, %dma_wait3A_87] : memref<8x125x32xf32, #tpu.memory_space<vmem>> -> memref<1x125x32xf32, #tpu.memory_space<vmem>>
    %dma_wait3A_89 = tpu.memref_squeeze %dma_wait3A_88 : memref<1x125x32xf32, #tpu.memory_space<vmem>> -> memref<125x32xf32, #tpu.memory_space<vmem>>
    %dma_wait3A_90 = arith.constant 0 : i32
    %dma_wait3A_91 = tpu.memref_slice %arg7[%dma_wait3A_84, %dma_wait3A_90] : memref<80x125xi32, #tpu.memory_space<vmem>> -> memref<1x125xi32, #tpu.memory_space<vmem>>
    %dma_wait3A_92 = tpu.memref_squeeze %dma_wait3A_91 : memref<1x125xi32, #tpu.memory_space<vmem>> -> memref<125xi32, #tpu.memory_space<vmem>>
    %dma_wait3A_93 = arith.constant 0 : i32
    %dma_wait3A_94 = arith.constant 0 : i32
    %dma_wait3A_95 = tpu.memref_slice %arg9[%dma_wait3A_93, %dma_wait3A_94] : memref<10240x32xf32, #tpu.memory_space<vmem_shared>> -> memref<10240x32xf32, #tpu.memory_space<vmem_shared>>
    %dma_wait3A_96 = tpu.memref_slice %arg11[%dma_wait3A_85] : memref<8x!tpu.dma_semaphore, #tpu.memory_space<semaphore_mem>> -> memref<1x!tpu.dma_semaphore, #tpu.memory_space<semaphore_mem>>
    %dma_wait3A_97 = tpu.memref_squeeze %dma_wait3A_96 : memref<1x!tpu.dma_semaphore, #tpu.memory_space<semaphore_mem>> -> memref<!tpu.dma_semaphore, #tpu.memory_space<semaphore_mem>>
    tpu.wait_indirect_dma semaphore(%dma_wait3A_97 : memref<!tpu.dma_semaphore, #tpu.memory_space<semaphore_mem>>) src(%dma_wait3A_89 : memref<125x32xf32, #tpu.memory_space<vmem>>) dst(%dma_wait3A_95 : memref<10240x32xf32, #tpu.memory_space<vmem_shared>>)
    %dma_wait3A_98 = arith.constant 6 : i32
    %dma_wait3A_99 = arith.constant 78 : i32
    %dma_wait3A_100 = arith.constant 6 : i32
    %dma_wait3A_101 = arith.constant 0 : i32
    %dma_wait3A_102 = arith.constant 0 : i32
    %dma_wait3A_103 = tpu.memref_slice %arg8[%dma_wait3A_98, %dma_wait3A_101, %dma_wait3A_102] : memref<8x125x32xf32, #tpu.memory_space<vmem>> -> memref<1x125x32xf32, #tpu.memory_space<vmem>>
    %dma_wait3A_104 = tpu.memref_squeeze %dma_wait3A_103 : memref<1x125x32xf32, #tpu.memory_space<vmem>> -> memref<125x32xf32, #tpu.memory_space<vmem>>
    %dma_wait3A_105 = arith.constant 0 : i32
    %dma_wait3A_106 = tpu.memref_slice %arg7[%dma_wait3A_99, %dma_wait3A_105] : memref<80x125xi32, #tpu.memory_space<vmem>> -> memref<1x125xi32, #tpu.memory_space<vmem>>
    %dma_wait3A_107 = tpu.memref_squeeze %dma_wait3A_106 : memref<1x125xi32, #tpu.memory_space<vmem>> -> memref<125xi32, #tpu.memory_space<vmem>>
    %dma_wait3A_108 = arith.constant 0 : i32
    %dma_wait3A_109 = arith.constant 0 : i32
    %dma_wait3A_110 = tpu.memref_slice %arg9[%dma_wait3A_108, %dma_wait3A_109] : memref<10240x32xf32, #tpu.memory_space<vmem_shared>> -> memref<10240x32xf32, #tpu.memory_space<vmem_shared>>
    %dma_wait3A_111 = tpu.memref_slice %arg11[%dma_wait3A_100] : memref<8x!tpu.dma_semaphore, #tpu.memory_space<semaphore_mem>> -> memref<1x!tpu.dma_semaphore, #tpu.memory_space<semaphore_mem>>
    %dma_wait3A_112 = tpu.memref_squeeze %dma_wait3A_111 : memref<1x!tpu.dma_semaphore, #tpu.memory_space<semaphore_mem>> -> memref<!tpu.dma_semaphore, #tpu.memory_space<semaphore_mem>>
    tpu.wait_indirect_dma semaphore(%dma_wait3A_112 : memref<!tpu.dma_semaphore, #tpu.memory_space<semaphore_mem>>) src(%dma_wait3A_104 : memref<125x32xf32, #tpu.memory_space<vmem>>) dst(%dma_wait3A_110 : memref<10240x32xf32, #tpu.memory_space<vmem_shared>>)
    %dma_wait3A_113 = arith.constant 7 : i32
    %dma_wait3A_114 = arith.constant 79 : i32
    %dma_wait3A_115 = arith.constant 7 : i32
    %dma_wait3A_116 = arith.constant 0 : i32
    %dma_wait3A_117 = arith.constant 0 : i32
    %dma_wait3A_118 = tpu.memref_slice %arg8[%dma_wait3A_113, %dma_wait3A_116, %dma_wait3A_117] : memref<8x125x32xf32, #tpu.memory_space<vmem>> -> memref<1x125x32xf32, #tpu.memory_space<vmem>>
    %dma_wait3A_119 = tpu.memref_squeeze %dma_wait3A_118 : memref<1x125x32xf32, #tpu.memory_space<vmem>> -> memref<125x32xf32, #tpu.memory_space<vmem>>
    %dma_wait3A_120 = arith.constant 0 : i32
    %dma_wait3A_121 = tpu.memref_slice %arg7[%dma_wait3A_114, %dma_wait3A_120] : memref<80x125xi32, #tpu.memory_space<vmem>> -> memref<1x125xi32, #tpu.memory_space<vmem>>
    %dma_wait3A_122 = tpu.memref_squeeze %dma_wait3A_121 : memref<1x125xi32, #tpu.memory_space<vmem>> -> memref<125xi32, #tpu.memory_space<vmem>>
    %dma_wait3A_123 = arith.constant 0 : i32
    %dma_wait3A_124 = arith.constant 0 : i32
    %dma_wait3A_125 = tpu.memref_slice %arg9[%dma_wait3A_123, %dma_wait3A_124] : memref<10240x32xf32, #tpu.memory_space<vmem_shared>> -> memref<10240x32xf32, #tpu.memory_space<vmem_shared>>
    %dma_wait3A_126 = tpu.memref_slice %arg11[%dma_wait3A_115] : memref<8x!tpu.dma_semaphore, #tpu.memory_space<semaphore_mem>> -> memref<1x!tpu.dma_semaphore, #tpu.memory_space<semaphore_mem>>
    %dma_wait3A_127 = tpu.memref_squeeze %dma_wait3A_126 : memref<1x!tpu.dma_semaphore, #tpu.memory_space<semaphore_mem>> -> memref<!tpu.dma_semaphore, #tpu.memory_space<semaphore_mem>>
    tpu.wait_indirect_dma semaphore(%dma_wait3A_127 : memref<!tpu.dma_semaphore, #tpu.memory_space<semaphore_mem>>) src(%dma_wait3A_119 : memref<125x32xf32, #tpu.memory_space<vmem>>) dst(%dma_wait3A_125 : memref<10240x32xf32, #tpu.memory_space<vmem_shared>>)
    %barrier3A_128 = arith.constant 0 : index
    tpu.barrier barrier_id(%barrier3A_128)
    %mul3A_129 = arith.constant 640 : i32
    %mul3A_130 = arith.muli %arg1, %mul3A_129 : i32
    %mul3A_131 = arith.constant 640 : i32
    %mul3A_132 = arith.muli %arg1, %mul3A_131 : i32
    "tpu.region"() ({
      %run_scoped3A_133 = tpu.sem_alloc : memref<!tpu.dma_semaphore, #tpu.memory_space<semaphore_mem>>
      %dma_start3A = arith.constant 0 : i32
      %dma_start3A_134 = tpu.memref_slice %arg5[%arg0, %mul3A_132, %dma_start3A] : memref<2x10240x32xf32, #tpu.memory_space<hbm>> -> memref<1x640x32xf32, #tpu.memory_space<hbm>>
      %dma_start3A_135 = tpu.memref_squeeze %dma_start3A_134 : memref<1x640x32xf32, #tpu.memory_space<hbm>> -> memref<640x32xf32, #tpu.memory_space<hbm>>
      %dma_start3A_136 = arith.constant 0 : i32
      %dma_start3A_137 = tpu.memref_slice %arg9[%mul3A_130, %dma_start3A_136] : memref<10240x32xf32, #tpu.memory_space<vmem_shared>> -> memref<640x32xf32, #tpu.memory_space<vmem_shared>>
      tpu.enqueue_dma source(%dma_start3A_137 : memref<640x32xf32, #tpu.memory_space<vmem_shared>>) target(%dma_start3A_135 : memref<640x32xf32, #tpu.memory_space<hbm>>) target_semaphore(%run_scoped3A_133 : memref<!tpu.dma_semaphore, #tpu.memory_space<semaphore_mem>>)
      %dma_wait3A_138 = arith.constant 0 : i32
      %dma_wait3A_139 = tpu.memref_slice %arg5[%arg0, %mul3A_132, %dma_wait3A_138] : memref<2x10240x32xf32, #tpu.memory_space<hbm>> -> memref<1x640x32xf32, #tpu.memory_space<hbm>>
      %dma_wait3A_140 = tpu.memref_squeeze %dma_wait3A_139 : memref<1x640x32xf32, #tpu.memory_space<hbm>> -> memref<640x32xf32, #tpu.memory_space<hbm>>
      %dma_wait3A_141 = arith.constant 0 : i32
      %dma_wait3A_142 = tpu.memref_slice %arg9[%mul3A_130, %dma_wait3A_141] : memref<10240x32xf32, #tpu.memory_space<vmem_shared>> -> memref<640x32xf32, #tpu.memory_space<vmem_shared>>
      tpu.wait_dma2 semaphore(%run_scoped3A_133 : memref<!tpu.dma_semaphore, #tpu.memory_space<semaphore_mem>>) src(%dma_wait3A_142 : memref<640x32xf32, #tpu.memory_space<vmem_shared>>) dst(%dma_wait3A_140 : memref<640x32xf32, #tpu.memory_space<hbm>>)
      tpu.yield
    }) : () -> ()
    return
  }
}

#map = affine_map<(d0, d1) -> (0, 0, 0, 0)>
#map1 = affine_map<(d0, d1) -> (0, 0)>
module attributes {stable_mosaic.version = 14 : i64} {
  func.func @k(%arg0: i32, %arg1: i32, %arg2: memref<2x32x80x125xi32, #tpu.memory_space<hbm>>, %arg3: memref<2x10240xf32, #tpu.memory_space<hbm>>, %arg4: memref<80x125xi32, #tpu.memory_space<vmem>>, %arg5: memref<128xf32, #tpu.memory_space<vmem>>, %arg6: memref<640xf32, #tpu.memory_space<vmem>>, %arg7: memref<10240xf32, #tpu.memory_space<vmem_shared>>) attributes {dimension_semantics = [#tpu.dimension_semantics<core_parallel>, #tpu.dimension_semantics<subcore_parallel>], iteration_bounds = array<i64: 2, 16>, scalar_prefetch = 0 : i64, scratch_operands = 4 : i64, tpu.core_type = #tpu.core_type<sc_vector_subcore>, window_params = [{transform_indices = #map}, {transform_indices = #map1}]} {
    %mul3A = arith.constant 16 : i32
    %mul3A_0 = arith.muli %arg0, %mul3A : i32
    %add3A = arith.addi %mul3A_0, %arg1 : i32
    %broadcast_in_dim3A = arith.constant 1.000000e+00 : f32
    %broadcast_in_dim3A_1 = vector.broadcast %broadcast_in_dim3A : f32 to vector<16xf32>
    %swap3A = arith.constant 0 : index
    %swap3A_2 = tpu.vector_load %arg5[%swap3A] {strides = array<i32>} : memref<128xf32, #tpu.memory_space<vmem>>, vector<16xf32>,
    %swap3A_3 = vector.shape_cast %swap3A_2 : vector<16xf32> to vector<16xf32>
    %swap3A_4 = vector.shape_cast %broadcast_in_dim3A_1 : vector<16xf32> to vector<16xf32>
    tpu.vector_store %arg5[%swap3A], %swap3A_4 {strides = array<i32>} : memref<128xf32, #tpu.memory_space<vmem>>, vector<16xf32>,
    %broadcast_in_dim3A_5 = arith.constant 1.000000e+00 : f32
    %broadcast_in_dim3A_6 = vector.broadcast %broadcast_in_dim3A_5 : f32 to vector<16xf32>
    %swap3A_7 = arith.constant 16 : index
    %swap3A_8 = tpu.vector_load %arg5[%swap3A_7] {strides = array<i32>} : memref<128xf32, #tpu.memory_space<vmem>>, vector<16xf32>,
    %swap3A_9 = vector.shape_cast %swap3A_8 : vector<16xf32> to vector<16xf32>
    %swap3A_10 = vector.shape_cast %broadcast_in_dim3A_6 : vector<16xf32> to vector<16xf32>
    tpu.vector_store %arg5[%swap3A_7], %swap3A_10 {strides = array<i32>} : memref<128xf32, #tpu.memory_space<vmem>>, vector<16xf32>,
    %broadcast_in_dim3A_11 = arith.constant 1.000000e+00 : f32
    %broadcast_in_dim3A_12 = vector.broadcast %broadcast_in_dim3A_11 : f32 to vector<16xf32>
    %swap3A_13 = arith.constant 32 : index
    %swap3A_14 = tpu.vector_load %arg5[%swap3A_13] {strides = array<i32>} : memref<128xf32, #tpu.memory_space<vmem>>, vector<16xf32>,
    %swap3A_15 = vector.shape_cast %swap3A_14 : vector<16xf32> to vector<16xf32>
    %swap3A_16 = vector.shape_cast %broadcast_in_dim3A_12 : vector<16xf32> to vector<16xf32>
    tpu.vector_store %arg5[%swap3A_13], %swap3A_16 {strides = array<i32>} : memref<128xf32, #tpu.memory_space<vmem>>, vector<16xf32>,
    %broadcast_in_dim3A_17 = arith.constant 1.000000e+00 : f32
    %broadcast_in_dim3A_18 = vector.broadcast %broadcast_in_dim3A_17 : f32 to vector<16xf32>
    %swap3A_19 = arith.constant 48 : index
    %swap3A_20 = tpu.vector_load %arg5[%swap3A_19] {strides = array<i32>} : memref<128xf32, #tpu.memory_space<vmem>>, vector<16xf32>,
    %swap3A_21 = vector.shape_cast %swap3A_20 : vector<16xf32> to vector<16xf32>
    %swap3A_22 = vector.shape_cast %broadcast_in_dim3A_18 : vector<16xf32> to vector<16xf32>
    tpu.vector_store %arg5[%swap3A_19], %swap3A_22 {strides = array<i32>} : memref<128xf32, #tpu.memory_space<vmem>>, vector<16xf32>,
    %broadcast_in_dim3A_23 = arith.constant 1.000000e+00 : f32
    %broadcast_in_dim3A_24 = vector.broadcast %broadcast_in_dim3A_23 : f32 to vector<16xf32>
    %swap3A_25 = arith.constant 64 : index
    %swap3A_26 = tpu.vector_load %arg5[%swap3A_25] {strides = array<i32>} : memref<128xf32, #tpu.memory_space<vmem>>, vector<16xf32>,
    %swap3A_27 = vector.shape_cast %swap3A_26 : vector<16xf32> to vector<16xf32>
    %swap3A_28 = vector.shape_cast %broadcast_in_dim3A_24 : vector<16xf32> to vector<16xf32>
    tpu.vector_store %arg5[%swap3A_25], %swap3A_28 {strides = array<i32>} : memref<128xf32, #tpu.memory_space<vmem>>, vector<16xf32>,
    %broadcast_in_dim3A_29 = arith.constant 1.000000e+00 : f32
    %broadcast_in_dim3A_30 = vector.broadcast %broadcast_in_dim3A_29 : f32 to vector<16xf32>
    %swap3A_31 = arith.constant 80 : index
    %swap3A_32 = tpu.vector_load %arg5[%swap3A_31] {strides = array<i32>} : memref<128xf32, #tpu.memory_space<vmem>>, vector<16xf32>,
    %swap3A_33 = vector.shape_cast %swap3A_32 : vector<16xf32> to vector<16xf32>
    %swap3A_34 = vector.shape_cast %broadcast_in_dim3A_30 : vector<16xf32> to vector<16xf32>
    tpu.vector_store %arg5[%swap3A_31], %swap3A_34 {strides = array<i32>} : memref<128xf32, #tpu.memory_space<vmem>>, vector<16xf32>,
    %broadcast_in_dim3A_35 = arith.constant 1.000000e+00 : f32
    %broadcast_in_dim3A_36 = vector.broadcast %broadcast_in_dim3A_35 : f32 to vector<16xf32>
    %swap3A_37 = arith.constant 96 : index
    %swap3A_38 = tpu.vector_load %arg5[%swap3A_37] {strides = array<i32>} : memref<128xf32, #tpu.memory_space<vmem>>, vector<16xf32>,
    %swap3A_39 = vector.shape_cast %swap3A_38 : vector<16xf32> to vector<16xf32>
    %swap3A_40 = vector.shape_cast %broadcast_in_dim3A_36 : vector<16xf32> to vector<16xf32>
    tpu.vector_store %arg5[%swap3A_37], %swap3A_40 {strides = array<i32>} : memref<128xf32, #tpu.memory_space<vmem>>, vector<16xf32>,
    %broadcast_in_dim3A_41 = arith.constant 1.000000e+00 : f32
    %broadcast_in_dim3A_42 = vector.broadcast %broadcast_in_dim3A_41 : f32 to vector<16xf32>
    %swap3A_43 = arith.constant 112 : index
    %swap3A_44 = tpu.vector_load %arg5[%swap3A_43] {strides = array<i32>} : memref<128xf32, #tpu.memory_space<vmem>>, vector<16xf32>,
    %swap3A_45 = vector.shape_cast %swap3A_44 : vector<16xf32> to vector<16xf32>
    %swap3A_46 = vector.shape_cast %broadcast_in_dim3A_42 : vector<16xf32> to vector<16xf32>
    tpu.vector_store %arg5[%swap3A_43], %swap3A_46 {strides = array<i32>} : memref<128xf32, #tpu.memory_space<vmem>>, vector<16xf32>,
    %broadcast_in_dim3A_47 = arith.constant 0.000000e+00 : f32
    %broadcast_in_dim3A_48 = vector.broadcast %broadcast_in_dim3A_47 : f32 to vector<16xf32>
    %swap3A_49 = arith.constant 0 : index
    %swap3A_50 = tpu.vector_load %arg6[%swap3A_49] {strides = array<i32>} : memref<640xf32, #tpu.memory_space<vmem>>, vector<16xf32>,
    %swap3A_51 = vector.shape_cast %swap3A_50 : vector<16xf32> to vector<16xf32>
    %swap3A_52 = vector.shape_cast %broadcast_in_dim3A_48 : vector<16xf32> to vector<16xf32>
    tpu.vector_store %arg6[%swap3A_49], %swap3A_52 {strides = array<i32>} : memref<640xf32, #tpu.memory_space<vmem>>, vector<16xf32>,
    %broadcast_in_dim3A_53 = arith.constant 0.000000e+00 : f32
    %broadcast_in_dim3A_54 = vector.broadcast %broadcast_in_dim3A_53 : f32 to vector<16xf32>
    %swap3A_55 = arith.constant 16 : index
    %swap3A_56 = tpu.vector_load %arg6[%swap3A_55] {strides = array<i32>} : memref<640xf32, #tpu.memory_space<vmem>>, vector<16xf32>,
    %swap3A_57 = vector.shape_cast %swap3A_56 : vector<16xf32> to vector<16xf32>
    %swap3A_58 = vector.shape_cast %broadcast_in_dim3A_54 : vector<16xf32> to vector<16xf32>
    tpu.vector_store %arg6[%swap3A_55], %swap3A_58 {strides = array<i32>} : memref<640xf32, #tpu.memory_space<vmem>>, vector<16xf32>,
    %broadcast_in_dim3A_59 = arith.constant 0.000000e+00 : f32
    %broadcast_in_dim3A_60 = vector.broadcast %broadcast_in_dim3A_59 : f32 to vector<16xf32>
    %swap3A_61 = arith.constant 32 : index
    %swap3A_62 = tpu.vector_load %arg6[%swap3A_61] {strides = array<i32>} : memref<640xf32, #tpu.memory_space<vmem>>, vector<16xf32>,
    %swap3A_63 = vector.shape_cast %swap3A_62 : vector<16xf32> to vector<16xf32>
    %swap3A_64 = vector.shape_cast %broadcast_in_dim3A_60 : vector<16xf32> to vector<16xf32>
    tpu.vector_store %arg6[%swap3A_61], %swap3A_64 {strides = array<i32>} : memref<640xf32, #tpu.memory_space<vmem>>, vector<16xf32>,
    %broadcast_in_dim3A_65 = arith.constant 0.000000e+00 : f32
    %broadcast_in_dim3A_66 = vector.broadcast %broadcast_in_dim3A_65 : f32 to vector<16xf32>
    %swap3A_67 = arith.constant 48 : index
    %swap3A_68 = tpu.vector_load %arg6[%swap3A_67] {strides = array<i32>} : memref<640xf32, #tpu.memory_space<vmem>>, vector<16xf32>,
    %swap3A_69 = vector.shape_cast %swap3A_68 : vector<16xf32> to vector<16xf32>
    %swap3A_70 = vector.shape_cast %broadcast_in_dim3A_66 : vector<16xf32> to vector<16xf32>
    tpu.vector_store %arg6[%swap3A_67], %swap3A_70 {strides = array<i32>} : memref<640xf32, #tpu.memory_space<vmem>>, vector<16xf32>,
    %broadcast_in_dim3A_71 = arith.constant 0.000000e+00 : f32
    %broadcast_in_dim3A_72 = vector.broadcast %broadcast_in_dim3A_71 : f32 to vector<16xf32>
    %swap3A_73 = arith.constant 64 : index
    %swap3A_74 = tpu.vector_load %arg6[%swap3A_73] {strides = array<i32>} : memref<640xf32, #tpu.memory_space<vmem>>, vector<16xf32>,
    %swap3A_75 = vector.shape_cast %swap3A_74 : vector<16xf32> to vector<16xf32>
    %swap3A_76 = vector.shape_cast %broadcast_in_dim3A_72 : vector<16xf32> to vector<16xf32>
    tpu.vector_store %arg6[%swap3A_73], %swap3A_76 {strides = array<i32>} : memref<640xf32, #tpu.memory_space<vmem>>, vector<16xf32>,
    %broadcast_in_dim3A_77 = arith.constant 0.000000e+00 : f32
    %broadcast_in_dim3A_78 = vector.broadcast %broadcast_in_dim3A_77 : f32 to vector<16xf32>
    %swap3A_79 = arith.constant 80 : index
    %swap3A_80 = tpu.vector_load %arg6[%swap3A_79] {strides = array<i32>} : memref<640xf32, #tpu.memory_space<vmem>>, vector<16xf32>,
    %swap3A_81 = vector.shape_cast %swap3A_80 : vector<16xf32> to vector<16xf32>
    %swap3A_82 = vector.shape_cast %broadcast_in_dim3A_78 : vector<16xf32> to vector<16xf32>
    tpu.vector_store %arg6[%swap3A_79], %swap3A_82 {strides = array<i32>} : memref<640xf32, #tpu.memory_space<vmem>>, vector<16xf32>,
    %broadcast_in_dim3A_83 = arith.constant 0.000000e+00 : f32
    %broadcast_in_dim3A_84 = vector.broadcast %broadcast_in_dim3A_83 : f32 to vector<16xf32>
    %swap3A_85 = arith.constant 96 : index
    %swap3A_86 = tpu.vector_load %arg6[%swap3A_85] {strides = array<i32>} : memref<640xf32, #tpu.memory_space<vmem>>, vector<16xf32>,
    %swap3A_87 = vector.shape_cast %swap3A_86 : vector<16xf32> to vector<16xf32>
    %swap3A_88 = vector.shape_cast %broadcast_in_dim3A_84 : vector<16xf32> to vector<16xf32>
    tpu.vector_store %arg6[%swap3A_85], %swap3A_88 {strides = array<i32>} : memref<640xf32, #tpu.memory_space<vmem>>, vector<16xf32>,
    %broadcast_in_dim3A_89 = arith.constant 0.000000e+00 : f32
    %broadcast_in_dim3A_90 = vector.broadcast %broadcast_in_dim3A_89 : f32 to vector<16xf32>
    %swap3A_91 = arith.constant 112 : index
    %swap3A_92 = tpu.vector_load %arg6[%swap3A_91] {strides = array<i32>} : memref<640xf32, #tpu.memory_space<vmem>>, vector<16xf32>,
    %swap3A_93 = vector.shape_cast %swap3A_92 : vector<16xf32> to vector<16xf32>
    %swap3A_94 = vector.shape_cast %broadcast_in_dim3A_90 : vector<16xf32> to vector<16xf32>
    tpu.vector_store %arg6[%swap3A_91], %swap3A_94 {strides = array<i32>} : memref<640xf32, #tpu.memory_space<vmem>>, vector<16xf32>,
    %broadcast_in_dim3A_95 = arith.constant 0.000000e+00 : f32
    %broadcast_in_dim3A_96 = vector.broadcast %broadcast_in_dim3A_95 : f32 to vector<16xf32>
    %swap3A_97 = arith.constant 128 : index
    %swap3A_98 = tpu.vector_load %arg6[%swap3A_97] {strides = array<i32>} : memref<640xf32, #tpu.memory_space<vmem>>, vector<16xf32>,
    %swap3A_99 = vector.shape_cast %swap3A_98 : vector<16xf32> to vector<16xf32>
    %swap3A_100 = vector.shape_cast %broadcast_in_dim3A_96 : vector<16xf32> to vector<16xf32>
    tpu.vector_store %arg6[%swap3A_97], %swap3A_100 {strides = array<i32>} : memref<640xf32, #tpu.memory_space<vmem>>, vector<16xf32>,
    %broadcast_in_dim3A_101 = arith.constant 0.000000e+00 : f32
    %broadcast_in_dim3A_102 = vector.broadcast %broadcast_in_dim3A_101 : f32 to vector<16xf32>
    %swap3A_103 = arith.constant 144 : index
    %swap3A_104 = tpu.vector_load %arg6[%swap3A_103] {strides = array<i32>} : memref<640xf32, #tpu.memory_space<vmem>>, vector<16xf32>,
    %swap3A_105 = vector.shape_cast %swap3A_104 : vector<16xf32> to vector<16xf32>
    %swap3A_106 = vector.shape_cast %broadcast_in_dim3A_102 : vector<16xf32> to vector<16xf32>
    tpu.vector_store %arg6[%swap3A_103], %swap3A_106 {strides = array<i32>} : memref<640xf32, #tpu.memory_space<vmem>>, vector<16xf32>,
    %broadcast_in_dim3A_107 = arith.constant 0.000000e+00 : f32
    %broadcast_in_dim3A_108 = vector.broadcast %broadcast_in_dim3A_107 : f32 to vector<16xf32>
    %swap3A_109 = arith.constant 160 : index
    %swap3A_110 = tpu.vector_load %arg6[%swap3A_109] {strides = array<i32>} : memref<640xf32, #tpu.memory_space<vmem>>, vector<16xf32>,
    %swap3A_111 = vector.shape_cast %swap3A_110 : vector<16xf32> to vector<16xf32>
    %swap3A_112 = vector.shape_cast %broadcast_in_dim3A_108 : vector<16xf32> to vector<16xf32>
    tpu.vector_store %arg6[%swap3A_109], %swap3A_112 {strides = array<i32>} : memref<640xf32, #tpu.memory_space<vmem>>, vector<16xf32>,
    %broadcast_in_dim3A_113 = arith.constant 0.000000e+00 : f32
    %broadcast_in_dim3A_114 = vector.broadcast %broadcast_in_dim3A_113 : f32 to vector<16xf32>
    %swap3A_115 = arith.constant 176 : index
    %swap3A_116 = tpu.vector_load %arg6[%swap3A_115] {strides = array<i32>} : memref<640xf32, #tpu.memory_space<vmem>>, vector<16xf32>,
    %swap3A_117 = vector.shape_cast %swap3A_116 : vector<16xf32> to vector<16xf32>
    %swap3A_118 = vector.shape_cast %broadcast_in_dim3A_114 : vector<16xf32> to vector<16xf32>
    tpu.vector_store %arg6[%swap3A_115], %swap3A_118 {strides = array<i32>} : memref<640xf32, #tpu.memory_space<vmem>>, vector<16xf32>,
    %broadcast_in_dim3A_119 = arith.constant 0.000000e+00 : f32
    %broadcast_in_dim3A_120 = vector.broadcast %broadcast_in_dim3A_119 : f32 to vector<16xf32>
    %swap3A_121 = arith.constant 192 : index
    %swap3A_122 = tpu.vector_load %arg6[%swap3A_121] {strides = array<i32>} : memref<640xf32, #tpu.memory_space<vmem>>, vector<16xf32>,
    %swap3A_123 = vector.shape_cast %swap3A_122 : vector<16xf32> to vector<16xf32>
    %swap3A_124 = vector.shape_cast %broadcast_in_dim3A_120 : vector<16xf32> to vector<16xf32>
    tpu.vector_store %arg6[%swap3A_121], %swap3A_124 {strides = array<i32>} : memref<640xf32, #tpu.memory_space<vmem>>, vector<16xf32>,
    %broadcast_in_dim3A_125 = arith.constant 0.000000e+00 : f32
    %broadcast_in_dim3A_126 = vector.broadcast %broadcast_in_dim3A_125 : f32 to vector<16xf32>
    %swap3A_127 = arith.constant 208 : index
    %swap3A_128 = tpu.vector_load %arg6[%swap3A_127] {strides = array<i32>} : memref<640xf32, #tpu.memory_space<vmem>>, vector<16xf32>,
    %swap3A_129 = vector.shape_cast %swap3A_128 : vector<16xf32> to vector<16xf32>
    %swap3A_130 = vector.shape_cast %broadcast_in_dim3A_126 : vector<16xf32> to vector<16xf32>
    tpu.vector_store %arg6[%swap3A_127], %swap3A_130 {strides = array<i32>} : memref<640xf32, #tpu.memory_space<vmem>>, vector<16xf32>,
    %broadcast_in_dim3A_131 = arith.constant 0.000000e+00 : f32
    %broadcast_in_dim3A_132 = vector.broadcast %broadcast_in_dim3A_131 : f32 to vector<16xf32>
    %swap3A_133 = arith.constant 224 : index
    %swap3A_134 = tpu.vector_load %arg6[%swap3A_133] {strides = array<i32>} : memref<640xf32, #tpu.memory_space<vmem>>, vector<16xf32>,
    %swap3A_135 = vector.shape_cast %swap3A_134 : vector<16xf32> to vector<16xf32>
    %swap3A_136 = vector.shape_cast %broadcast_in_dim3A_132 : vector<16xf32> to vector<16xf32>
    tpu.vector_store %arg6[%swap3A_133], %swap3A_136 {strides = array<i32>} : memref<640xf32, #tpu.memory_space<vmem>>, vector<16xf32>,
    %broadcast_in_dim3A_137 = arith.constant 0.000000e+00 : f32
    %broadcast_in_dim3A_138 = vector.broadcast %broadcast_in_dim3A_137 : f32 to vector<16xf32>
    %swap3A_139 = arith.constant 240 : index
    %swap3A_140 = tpu.vector_load %arg6[%swap3A_139] {strides = array<i32>} : memref<640xf32, #tpu.memory_space<vmem>>, vector<16xf32>,
    %swap3A_141 = vector.shape_cast %swap3A_140 : vector<16xf32> to vector<16xf32>
    %swap3A_142 = vector.shape_cast %broadcast_in_dim3A_138 : vector<16xf32> to vector<16xf32>
    tpu.vector_store %arg6[%swap3A_139], %swap3A_142 {strides = array<i32>} : memref<640xf32, #tpu.memory_space<vmem>>, vector<16xf32>,
    %broadcast_in_dim3A_143 = arith.constant 0.000000e+00 : f32
    %broadcast_in_dim3A_144 = vector.broadcast %broadcast_in_dim3A_143 : f32 to vector<16xf32>
    %swap3A_145 = arith.constant 256 : index
    %swap3A_146 = tpu.vector_load %arg6[%swap3A_145] {strides = array<i32>} : memref<640xf32, #tpu.memory_space<vmem>>, vector<16xf32>,
    %swap3A_147 = vector.shape_cast %swap3A_146 : vector<16xf32> to vector<16xf32>
    %swap3A_148 = vector.shape_cast %broadcast_in_dim3A_144 : vector<16xf32> to vector<16xf32>
    tpu.vector_store %arg6[%swap3A_145], %swap3A_148 {strides = array<i32>} : memref<640xf32, #tpu.memory_space<vmem>>, vector<16xf32>,
    %broadcast_in_dim3A_149 = arith.constant 0.000000e+00 : f32
    %broadcast_in_dim3A_150 = vector.broadcast %broadcast_in_dim3A_149 : f32 to vector<16xf32>
    %swap3A_151 = arith.constant 272 : index
    %swap3A_152 = tpu.vector_load %arg6[%swap3A_151] {strides = array<i32>} : memref<640xf32, #tpu.memory_space<vmem>>, vector<16xf32>,
    %swap3A_153 = vector.shape_cast %swap3A_152 : vector<16xf32> to vector<16xf32>
    %swap3A_154 = vector.shape_cast %broadcast_in_dim3A_150 : vector<16xf32> to vector<16xf32>
    tpu.vector_store %arg6[%swap3A_151], %swap3A_154 {strides = array<i32>} : memref<640xf32, #tpu.memory_space<vmem>>, vector<16xf32>,
    %broadcast_in_dim3A_155 = arith.constant 0.000000e+00 : f32
    %broadcast_in_dim3A_156 = vector.broadcast %broadcast_in_dim3A_155 : f32 to vector<16xf32>
    %swap3A_157 = arith.constant 288 : index
    %swap3A_158 = tpu.vector_load %arg6[%swap3A_157] {strides = array<i32>} : memref<640xf32, #tpu.memory_space<vmem>>, vector<16xf32>,
    %swap3A_159 = vector.shape_cast %swap3A_158 : vector<16xf32> to vector<16xf32>
    %swap3A_160 = vector.shape_cast %broadcast_in_dim3A_156 : vector<16xf32> to vector<16xf32>
    tpu.vector_store %arg6[%swap3A_157], %swap3A_160 {strides = array<i32>} : memref<640xf32, #tpu.memory_space<vmem>>, vector<16xf32>,
    %broadcast_in_dim3A_161 = arith.constant 0.000000e+00 : f32
    %broadcast_in_dim3A_162 = vector.broadcast %broadcast_in_dim3A_161 : f32 to vector<16xf32>
    %swap3A_163 = arith.constant 304 : index
    %swap3A_164 = tpu.vector_load %arg6[%swap3A_163] {strides = array<i32>} : memref<640xf32, #tpu.memory_space<vmem>>, vector<16xf32>,
    %swap3A_165 = vector.shape_cast %swap3A_164 : vector<16xf32> to vector<16xf32>
    %swap3A_166 = vector.shape_cast %broadcast_in_dim3A_162 : vector<16xf32> to vector<16xf32>
    tpu.vector_store %arg6[%swap3A_163], %swap3A_166 {strides = array<i32>} : memref<640xf32, #tpu.memory_space<vmem>>, vector<16xf32>,
    %broadcast_in_dim3A_167 = arith.constant 0.000000e+00 : f32
    %broadcast_in_dim3A_168 = vector.broadcast %broadcast_in_dim3A_167 : f32 to vector<16xf32>
    %swap3A_169 = arith.constant 320 : index
    %swap3A_170 = tpu.vector_load %arg6[%swap3A_169] {strides = array<i32>} : memref<640xf32, #tpu.memory_space<vmem>>, vector<16xf32>,
    %swap3A_171 = vector.shape_cast %swap3A_170 : vector<16xf32> to vector<16xf32>
    %swap3A_172 = vector.shape_cast %broadcast_in_dim3A_168 : vector<16xf32> to vector<16xf32>
    tpu.vector_store %arg6[%swap3A_169], %swap3A_172 {strides = array<i32>} : memref<640xf32, #tpu.memory_space<vmem>>, vector<16xf32>,
    %broadcast_in_dim3A_173 = arith.constant 0.000000e+00 : f32
    %broadcast_in_dim3A_174 = vector.broadcast %broadcast_in_dim3A_173 : f32 to vector<16xf32>
    %swap3A_175 = arith.constant 336 : index
    %swap3A_176 = tpu.vector_load %arg6[%swap3A_175] {strides = array<i32>} : memref<640xf32, #tpu.memory_space<vmem>>, vector<16xf32>,
    %swap3A_177 = vector.shape_cast %swap3A_176 : vector<16xf32> to vector<16xf32>
    %swap3A_178 = vector.shape_cast %broadcast_in_dim3A_174 : vector<16xf32> to vector<16xf32>
    tpu.vector_store %arg6[%swap3A_175], %swap3A_178 {strides = array<i32>} : memref<640xf32, #tpu.memory_space<vmem>>, vector<16xf32>,
    %broadcast_in_dim3A_179 = arith.constant 0.000000e+00 : f32
    %broadcast_in_dim3A_180 = vector.broadcast %broadcast_in_dim3A_179 : f32 to vector<16xf32>
    %swap3A_181 = arith.constant 352 : index
    %swap3A_182 = tpu.vector_load %arg6[%swap3A_181] {strides = array<i32>} : memref<640xf32, #tpu.memory_space<vmem>>, vector<16xf32>,
    %swap3A_183 = vector.shape_cast %swap3A_182 : vector<16xf32> to vector<16xf32>
    %swap3A_184 = vector.shape_cast %broadcast_in_dim3A_180 : vector<16xf32> to vector<16xf32>
    tpu.vector_store %arg6[%swap3A_181], %swap3A_184 {strides = array<i32>} : memref<640xf32, #tpu.memory_space<vmem>>, vector<16xf32>,
    %broadcast_in_dim3A_185 = arith.constant 0.000000e+00 : f32
    %broadcast_in_dim3A_186 = vector.broadcast %broadcast_in_dim3A_185 : f32 to vector<16xf32>
    %swap3A_187 = arith.constant 368 : index
    %swap3A_188 = tpu.vector_load %arg6[%swap3A_187] {strides = array<i32>} : memref<640xf32, #tpu.memory_space<vmem>>, vector<16xf32>,
    %swap3A_189 = vector.shape_cast %swap3A_188 : vector<16xf32> to vector<16xf32>
    %swap3A_190 = vector.shape_cast %broadcast_in_dim3A_186 : vector<16xf32> to vector<16xf32>
    tpu.vector_store %arg6[%swap3A_187], %swap3A_190 {strides = array<i32>} : memref<640xf32, #tpu.memory_space<vmem>>, vector<16xf32>,
    %broadcast_in_dim3A_191 = arith.constant 0.000000e+00 : f32
    %broadcast_in_dim3A_192 = vector.broadcast %broadcast_in_dim3A_191 : f32 to vector<16xf32>
    %swap3A_193 = arith.constant 384 : index
    %swap3A_194 = tpu.vector_load %arg6[%swap3A_193] {strides = array<i32>} : memref<640xf32, #tpu.memory_space<vmem>>, vector<16xf32>,
    %swap3A_195 = vector.shape_cast %swap3A_194 : vector<16xf32> to vector<16xf32>
    %swap3A_196 = vector.shape_cast %broadcast_in_dim3A_192 : vector<16xf32> to vector<16xf32>
    tpu.vector_store %arg6[%swap3A_193], %swap3A_196 {strides = array<i32>} : memref<640xf32, #tpu.memory_space<vmem>>, vector<16xf32>,
    %broadcast_in_dim3A_197 = arith.constant 0.000000e+00 : f32
    %broadcast_in_dim3A_198 = vector.broadcast %broadcast_in_dim3A_197 : f32 to vector<16xf32>
    %swap3A_199 = arith.constant 400 : index
    %swap3A_200 = tpu.vector_load %arg6[%swap3A_199] {strides = array<i32>} : memref<640xf32, #tpu.memory_space<vmem>>, vector<16xf32>,
    %swap3A_201 = vector.shape_cast %swap3A_200 : vector<16xf32> to vector<16xf32>
    %swap3A_202 = vector.shape_cast %broadcast_in_dim3A_198 : vector<16xf32> to vector<16xf32>
    tpu.vector_store %arg6[%swap3A_199], %swap3A_202 {strides = array<i32>} : memref<640xf32, #tpu.memory_space<vmem>>, vector<16xf32>,
    %broadcast_in_dim3A_203 = arith.constant 0.000000e+00 : f32
    %broadcast_in_dim3A_204 = vector.broadcast %broadcast_in_dim3A_203 : f32 to vector<16xf32>
    %swap3A_205 = arith.constant 416 : index
    %swap3A_206 = tpu.vector_load %arg6[%swap3A_205] {strides = array<i32>} : memref<640xf32, #tpu.memory_space<vmem>>, vector<16xf32>,
    %swap3A_207 = vector.shape_cast %swap3A_206 : vector<16xf32> to vector<16xf32>
    %swap3A_208 = vector.shape_cast %broadcast_in_dim3A_204 : vector<16xf32> to vector<16xf32>
    tpu.vector_store %arg6[%swap3A_205], %swap3A_208 {strides = array<i32>} : memref<640xf32, #tpu.memory_space<vmem>>, vector<16xf32>,
    %broadcast_in_dim3A_209 = arith.constant 0.000000e+00 : f32
    %broadcast_in_dim3A_210 = vector.broadcast %broadcast_in_dim3A_209 : f32 to vector<16xf32>
    %swap3A_211 = arith.constant 432 : index
    %swap3A_212 = tpu.vector_load %arg6[%swap3A_211] {strides = array<i32>} : memref<640xf32, #tpu.memory_space<vmem>>, vector<16xf32>,
    %swap3A_213 = vector.shape_cast %swap3A_212 : vector<16xf32> to vector<16xf32>
    %swap3A_214 = vector.shape_cast %broadcast_in_dim3A_210 : vector<16xf32> to vector<16xf32>
    tpu.vector_store %arg6[%swap3A_211], %swap3A_214 {strides = array<i32>} : memref<640xf32, #tpu.memory_space<vmem>>, vector<16xf32>,
    %broadcast_in_dim3A_215 = arith.constant 0.000000e+00 : f32
    %broadcast_in_dim3A_216 = vector.broadcast %broadcast_in_dim3A_215 : f32 to vector<16xf32>
    %swap3A_217 = arith.constant 448 : index
    %swap3A_218 = tpu.vector_load %arg6[%swap3A_217] {strides = array<i32>} : memref<640xf32, #tpu.memory_space<vmem>>, vector<16xf32>,
    %swap3A_219 = vector.shape_cast %swap3A_218 : vector<16xf32> to vector<16xf32>
    %swap3A_220 = vector.shape_cast %broadcast_in_dim3A_216 : vector<16xf32> to vector<16xf32>
    tpu.vector_store %arg6[%swap3A_217], %swap3A_220 {strides = array<i32>} : memref<640xf32, #tpu.memory_space<vmem>>, vector<16xf32>,
    %broadcast_in_dim3A_221 = arith.constant 0.000000e+00 : f32
    %broadcast_in_dim3A_222 = vector.broadcast %broadcast_in_dim3A_221 : f32 to vector<16xf32>
    %swap3A_223 = arith.constant 464 : index
    %swap3A_224 = tpu.vector_load %arg6[%swap3A_223] {strides = array<i32>} : memref<640xf32, #tpu.memory_space<vmem>>, vector<16xf32>,
    %swap3A_225 = vector.shape_cast %swap3A_224 : vector<16xf32> to vector<16xf32>
    %swap3A_226 = vector.shape_cast %broadcast_in_dim3A_222 : vector<16xf32> to vector<16xf32>
    tpu.vector_store %arg6[%swap3A_223], %swap3A_226 {strides = array<i32>} : memref<640xf32, #tpu.memory_space<vmem>>, vector<16xf32>,
    %broadcast_in_dim3A_227 = arith.constant 0.000000e+00 : f32
    %broadcast_in_dim3A_228 = vector.broadcast %broadcast_in_dim3A_227 : f32 to vector<16xf32>
    %swap3A_229 = arith.constant 480 : index
    %swap3A_230 = tpu.vector_load %arg6[%swap3A_229] {strides = array<i32>} : memref<640xf32, #tpu.memory_space<vmem>>, vector<16xf32>,
    %swap3A_231 = vector.shape_cast %swap3A_230 : vector<16xf32> to vector<16xf32>
    %swap3A_232 = vector.shape_cast %broadcast_in_dim3A_228 : vector<16xf32> to vector<16xf32>
    tpu.vector_store %arg6[%swap3A_229], %swap3A_232 {strides = array<i32>} : memref<640xf32, #tpu.memory_space<vmem>>, vector<16xf32>,
    %broadcast_in_dim3A_233 = arith.constant 0.000000e+00 : f32
    %broadcast_in_dim3A_234 = vector.broadcast %broadcast_in_dim3A_233 : f32 to vector<16xf32>
    %swap3A_235 = arith.constant 496 : index
    %swap3A_236 = tpu.vector_load %arg6[%swap3A_235] {strides = array<i32>} : memref<640xf32, #tpu.memory_space<vmem>>, vector<16xf32>,
    %swap3A_237 = vector.shape_cast %swap3A_236 : vector<16xf32> to vector<16xf32>
    %swap3A_238 = vector.shape_cast %broadcast_in_dim3A_234 : vector<16xf32> to vector<16xf32>
    tpu.vector_store %arg6[%swap3A_235], %swap3A_238 {strides = array<i32>} : memref<640xf32, #tpu.memory_space<vmem>>, vector<16xf32>,
    %broadcast_in_dim3A_239 = arith.constant 0.000000e+00 : f32
    %broadcast_in_dim3A_240 = vector.broadcast %broadcast_in_dim3A_239 : f32 to vector<16xf32>
    %swap3A_241 = arith.constant 512 : index
    %swap3A_242 = tpu.vector_load %arg6[%swap3A_241] {strides = array<i32>} : memref<640xf32, #tpu.memory_space<vmem>>, vector<16xf32>,
    %swap3A_243 = vector.shape_cast %swap3A_242 : vector<16xf32> to vector<16xf32>
    %swap3A_244 = vector.shape_cast %broadcast_in_dim3A_240 : vector<16xf32> to vector<16xf32>
    tpu.vector_store %arg6[%swap3A_241], %swap3A_244 {strides = array<i32>} : memref<640xf32, #tpu.memory_space<vmem>>, vector<16xf32>,
    %broadcast_in_dim3A_245 = arith.constant 0.000000e+00 : f32
    %broadcast_in_dim3A_246 = vector.broadcast %broadcast_in_dim3A_245 : f32 to vector<16xf32>
    %swap3A_247 = arith.constant 528 : index
    %swap3A_248 = tpu.vector_load %arg6[%swap3A_247] {strides = array<i32>} : memref<640xf32, #tpu.memory_space<vmem>>, vector<16xf32>,
    %swap3A_249 = vector.shape_cast %swap3A_248 : vector<16xf32> to vector<16xf32>
    %swap3A_250 = vector.shape_cast %broadcast_in_dim3A_246 : vector<16xf32> to vector<16xf32>
    tpu.vector_store %arg6[%swap3A_247], %swap3A_250 {strides = array<i32>} : memref<640xf32, #tpu.memory_space<vmem>>, vector<16xf32>,
    %broadcast_in_dim3A_251 = arith.constant 0.000000e+00 : f32
    %broadcast_in_dim3A_252 = vector.broadcast %broadcast_in_dim3A_251 : f32 to vector<16xf32>
    %swap3A_253 = arith.constant 544 : index
    %swap3A_254 = tpu.vector_load %arg6[%swap3A_253] {strides = array<i32>} : memref<640xf32, #tpu.memory_space<vmem>>, vector<16xf32>,
    %swap3A_255 = vector.shape_cast %swap3A_254 : vector<16xf32> to vector<16xf32>
    %swap3A_256 = vector.shape_cast %broadcast_in_dim3A_252 : vector<16xf32> to vector<16xf32>
    tpu.vector_store %arg6[%swap3A_253], %swap3A_256 {strides = array<i32>} : memref<640xf32, #tpu.memory_space<vmem>>, vector<16xf32>,
    %broadcast_in_dim3A_257 = arith.constant 0.000000e+00 : f32
    %broadcast_in_dim3A_258 = vector.broadcast %broadcast_in_dim3A_257 : f32 to vector<16xf32>
    %swap3A_259 = arith.constant 560 : index
    %swap3A_260 = tpu.vector_load %arg6[%swap3A_259] {strides = array<i32>} : memref<640xf32, #tpu.memory_space<vmem>>, vector<16xf32>,
    %swap3A_261 = vector.shape_cast %swap3A_260 : vector<16xf32> to vector<16xf32>
    %swap3A_262 = vector.shape_cast %broadcast_in_dim3A_258 : vector<16xf32> to vector<16xf32>
    tpu.vector_store %arg6[%swap3A_259], %swap3A_262 {strides = array<i32>} : memref<640xf32, #tpu.memory_space<vmem>>, vector<16xf32>,
    %broadcast_in_dim3A_263 = arith.constant 0.000000e+00 : f32
    %broadcast_in_dim3A_264 = vector.broadcast %broadcast_in_dim3A_263 : f32 to vector<16xf32>
    %swap3A_265 = arith.constant 576 : index
    %swap3A_266 = tpu.vector_load %arg6[%swap3A_265] {strides = array<i32>} : memref<640xf32, #tpu.memory_space<vmem>>, vector<16xf32>,
    %swap3A_267 = vector.shape_cast %swap3A_266 : vector<16xf32> to vector<16xf32>
    %swap3A_268 = vector.shape_cast %broadcast_in_dim3A_264 : vector<16xf32> to vector<16xf32>
    tpu.vector_store %arg6[%swap3A_265], %swap3A_268 {strides = array<i32>} : memref<640xf32, #tpu.memory_space<vmem>>, vector<16xf32>,
    %broadcast_in_dim3A_269 = arith.constant 0.000000e+00 : f32
    %broadcast_in_dim3A_270 = vector.broadcast %broadcast_in_dim3A_269 : f32 to vector<16xf32>
    %swap3A_271 = arith.constant 592 : index
    %swap3A_272 = tpu.vector_load %arg6[%swap3A_271] {strides = array<i32>} : memref<640xf32, #tpu.memory_space<vmem>>, vector<16xf32>,
    %swap3A_273 = vector.shape_cast %swap3A_272 : vector<16xf32> to vector<16xf32>
    %swap3A_274 = vector.shape_cast %broadcast_in_dim3A_270 : vector<16xf32> to vector<16xf32>
    tpu.vector_store %arg6[%swap3A_271], %swap3A_274 {strides = array<i32>} : memref<640xf32, #tpu.memory_space<vmem>>, vector<16xf32>,
    %broadcast_in_dim3A_275 = arith.constant 0.000000e+00 : f32
    %broadcast_in_dim3A_276 = vector.broadcast %broadcast_in_dim3A_275 : f32 to vector<16xf32>
    %swap3A_277 = arith.constant 608 : index
    %swap3A_278 = tpu.vector_load %arg6[%swap3A_277] {strides = array<i32>} : memref<640xf32, #tpu.memory_space<vmem>>, vector<16xf32>,
    %swap3A_279 = vector.shape_cast %swap3A_278 : vector<16xf32> to vector<16xf32>
    %swap3A_280 = vector.shape_cast %broadcast_in_dim3A_276 : vector<16xf32> to vector<16xf32>
    tpu.vector_store %arg6[%swap3A_277], %swap3A_280 {strides = array<i32>} : memref<640xf32, #tpu.memory_space<vmem>>, vector<16xf32>,
    %broadcast_in_dim3A_281 = arith.constant 0.000000e+00 : f32
    %broadcast_in_dim3A_282 = vector.broadcast %broadcast_in_dim3A_281 : f32 to vector<16xf32>
    %swap3A_283 = arith.constant 624 : index
    %swap3A_284 = tpu.vector_load %arg6[%swap3A_283] {strides = array<i32>} : memref<640xf32, #tpu.memory_space<vmem>>, vector<16xf32>,
    %swap3A_285 = vector.shape_cast %swap3A_284 : vector<16xf32> to vector<16xf32>
    %swap3A_286 = vector.shape_cast %broadcast_in_dim3A_282 : vector<16xf32> to vector<16xf32>
    tpu.vector_store %arg6[%swap3A_283], %swap3A_286 {strides = array<i32>} : memref<640xf32, #tpu.memory_space<vmem>>, vector<16xf32>,
    %mul3A_287 = arith.constant 640 : i32
    %mul3A_288 = arith.muli %arg1, %mul3A_287 : i32
    "tpu.region"() ({
      %run_scoped3A_299 = tpu.sem_alloc : memref<!tpu.dma_semaphore, #tpu.memory_space<semaphore_mem>>
      %dma_start3A = tpu.memref_slice %arg7[%mul3A_288] : memref<10240xf32, #tpu.memory_space<vmem_shared>> -> memref<640xf32, #tpu.memory_space<vmem_shared>>
      %dma_start3A_300 = tpu.memref_slice %arg7[%mul3A_288] : memref<10240xf32, #tpu.memory_space<vmem_shared>> -> memref<640xf32, #tpu.memory_space<vmem_shared>>
      tpu.enqueue_dma source(%arg6 : memref<640xf32, #tpu.memory_space<vmem>>) target(%dma_start3A_300 : memref<640xf32, #tpu.memory_space<vmem_shared>>) target_semaphore(%run_scoped3A_299 : memref<!tpu.dma_semaphore, #tpu.memory_space<semaphore_mem>>)
      %dma_wait3A = tpu.memref_slice %arg7[%mul3A_288] : memref<10240xf32, #tpu.memory_space<vmem_shared>> -> memref<640xf32, #tpu.memory_space<vmem_shared>>
      %dma_wait3A_301 = tpu.memref_slice %arg7[%mul3A_288] : memref<10240xf32, #tpu.memory_space<vmem_shared>> -> memref<640xf32, #tpu.memory_space<vmem_shared>>
      tpu.wait_dma2 semaphore(%run_scoped3A_299 : memref<!tpu.dma_semaphore, #tpu.memory_space<semaphore_mem>>) src(%arg6 : memref<640xf32, #tpu.memory_space<vmem>>) dst(%dma_wait3A_301 : memref<640xf32, #tpu.memory_space<vmem_shared>>)
      tpu.yield
    }) : () -> ()
    %barrier3A = arith.constant 0 : index
    tpu.barrier barrier_id(%barrier3A)
    %run_scoped3A = arith.constant 1 : i32
    "tpu.region"() ({
      %run_scoped3A_299 = tpu.sem_alloc : memref<!tpu.dma_semaphore, #tpu.memory_space<semaphore_mem>>
      %dma_start3A = arith.constant 0 : i32
      %dma_start3A_300 = arith.constant 0 : i32
      %dma_start3A_301 = tpu.memref_slice %arg2[%run_scoped3A, %add3A, %dma_start3A, %dma_start3A_300] : memref<2x32x80x125xi32, #tpu.memory_space<hbm>> -> memref<1x1x80x125xi32, #tpu.memory_space<hbm>>
      %dma_start3A_302 = tpu.memref_squeeze %dma_start3A_301 : memref<1x1x80x125xi32, #tpu.memory_space<hbm>> -> memref<80x125xi32, #tpu.memory_space<hbm>>
      %dma_start3A_303 = arith.constant 0 : i32
      %dma_start3A_304 = arith.constant 0 : i32
      %dma_start3A_305 = tpu.memref_slice %arg2[%run_scoped3A, %add3A, %dma_start3A_303, %dma_start3A_304] : memref<2x32x80x125xi32, #tpu.memory_space<hbm>> -> memref<1x1x80x125xi32, #tpu.memory_space<hbm>>
      %dma_start3A_306 = tpu.memref_squeeze %dma_start3A_305 : memref<1x1x80x125xi32, #tpu.memory_space<hbm>> -> memref<80x125xi32, #tpu.memory_space<hbm>>
      tpu.enqueue_dma source(%dma_start3A_306 : memref<80x125xi32, #tpu.memory_space<hbm>>) target(%arg4 : memref<80x125xi32, #tpu.memory_space<vmem>>) target_semaphore(%run_scoped3A_299 : memref<!tpu.dma_semaphore, #tpu.memory_space<semaphore_mem>>)
      %dma_wait3A = arith.constant 0 : i32
      %dma_wait3A_307 = arith.constant 0 : i32
      %dma_wait3A_308 = tpu.memref_slice %arg2[%run_scoped3A, %add3A, %dma_wait3A, %dma_wait3A_307] : memref<2x32x80x125xi32, #tpu.memory_space<hbm>> -> memref<1x1x80x125xi32, #tpu.memory_space<hbm>>
      %dma_wait3A_309 = tpu.memref_squeeze %dma_wait3A_308 : memref<1x1x80x125xi32, #tpu.memory_space<hbm>> -> memref<80x125xi32, #tpu.memory_space<hbm>>
      %dma_wait3A_310 = arith.constant 0 : i32
      %dma_wait3A_311 = arith.constant 0 : i32
      %dma_wait3A_312 = tpu.memref_slice %arg2[%run_scoped3A, %add3A, %dma_wait3A_310, %dma_wait3A_311] : memref<2x32x80x125xi32, #tpu.memory_space<hbm>> -> memref<1x1x80x125xi32, #tpu.memory_space<hbm>>
      %dma_wait3A_313 = tpu.memref_squeeze %dma_wait3A_312 : memref<1x1x80x125xi32, #tpu.memory_space<hbm>> -> memref<80x125xi32, #tpu.memory_space<hbm>>
      tpu.wait_dma2 semaphore(%run_scoped3A_299 : memref<!tpu.dma_semaphore, #tpu.memory_space<semaphore_mem>>) src(%dma_wait3A_313 : memref<80x125xi32, #tpu.memory_space<hbm>>) dst(%arg4 : memref<80x125xi32, #tpu.memory_space<vmem>>)
      tpu.yield
    }) : () -> ()
    %scan3A = arith.constant 0 : i32
    %scan3A_289 = arith.constant 0 : i32
    %scan3A_290 = arith.constant 80 : i32
    %scan3A_291 = arith.addi %scan3A_289, %scan3A_290 : i32
    %scan3A_292 = arith.constant 1 : i32
    scf.for %scan3A_299 = %scan3A_289 to %scan3A_291 step %scan3A_292  : i32 {
      "tpu.region"() ({
        %run_scoped3A_300 = tpu.sem_alloc : memref<!tpu.dma_semaphore, #tpu.memory_space<semaphore_mem>>
        %dma_start3A = arith.constant 0 : i32
        %dma_start3A_301 = tpu.memref_slice %arg5[%dma_start3A] : memref<128xf32, #tpu.memory_space<vmem>> -> memref<125xf32, #tpu.memory_space<vmem>>
        %dma_start3A_302 = arith.constant 0 : i32
        %dma_start3A_303 = tpu.memref_slice %arg4[%scan3A_299, %dma_start3A_302] : memref<80x125xi32, #tpu.memory_space<vmem>> -> memref<1x125xi32, #tpu.memory_space<vmem>>
        %dma_start3A_304 = tpu.memref_squeeze %dma_start3A_303 : memref<1x125xi32, #tpu.memory_space<vmem>> -> memref<125xi32, #tpu.memory_space<vmem>>
        %dma_start3A_305 = arith.constant 0 : i32
        %dma_start3A_306 = tpu.memref_slice %arg7[%dma_start3A_305] : memref<10240xf32, #tpu.memory_space<vmem_shared>> -> memref<10240xf32, #tpu.memory_space<vmem_shared>>
        tpu.enqueue_indirect_dma source(%dma_start3A_301 : memref<125xf32, #tpu.memory_space<vmem>>) target(%dma_start3A_306 : memref<10240xf32, #tpu.memory_space<vmem_shared>>) offsets(%dma_start3A_304 : memref<125xi32, #tpu.memory_space<vmem>>) semaphore(%run_scoped3A_300 : memref<!tpu.dma_semaphore, #tpu.memory_space<semaphore_mem>>) {add = true}
        %dma_wait3A = arith.constant 0 : i32
        %dma_wait3A_307 = tpu.memref_slice %arg5[%dma_wait3A] : memref<128xf32, #tpu.memory_space<vmem>> -> memref<125xf32, #tpu.memory_space<vmem>>
        %dma_wait3A_308 = arith.constant 0 : i32
        %dma_wait3A_309 = tpu.memref_slice %arg4[%scan3A_299, %dma_wait3A_308] : memref<80x125xi32, #tpu.memory_space<vmem>> -> memref<1x125xi32, #tpu.memory_space<vmem>>
        %dma_wait3A_310 = tpu.memref_squeeze %dma_wait3A_309 : memref<1x125xi32, #tpu.memory_space<vmem>> -> memref<125xi32, #tpu.memory_space<vmem>>
        %dma_wait3A_311 = arith.constant 0 : i32
        %dma_wait3A_312 = tpu.memref_slice %arg7[%dma_wait3A_311] : memref<10240xf32, #tpu.memory_space<vmem_shared>> -> memref<10240xf32, #tpu.memory_space<vmem_shared>>
        tpu.wait_indirect_dma semaphore(%run_scoped3A_300 : memref<!tpu.dma_semaphore, #tpu.memory_space<semaphore_mem>>) src(%dma_wait3A_307 : memref<125xf32, #tpu.memory_space<vmem>>) dst(%dma_wait3A_312 : memref<10240xf32, #tpu.memory_space<vmem_shared>>)
        tpu.yield
      }) : () -> ()
    }
    %scan3A_293 = arith.constant 80 : i32
    %barrier3A_294 = arith.constant 0 : index
    tpu.barrier barrier_id(%barrier3A_294)
    %mul3A_295 = arith.constant 640 : i32
    %mul3A_296 = arith.muli %arg1, %mul3A_295 : i32
    %mul3A_297 = arith.constant 640 : i32
    %mul3A_298 = arith.muli %arg1, %mul3A_297 : i32
    "tpu.region"() ({
      %run_scoped3A_299 = tpu.sem_alloc : memref<!tpu.dma_semaphore, #tpu.memory_space<semaphore_mem>>
      %dma_start3A = tpu.memref_slice %arg3[%arg0, %mul3A_298] : memref<2x10240xf32, #tpu.memory_space<hbm>> -> memref<1x640xf32, #tpu.memory_space<hbm>>
      %dma_start3A_300 = tpu.memref_squeeze %dma_start3A : memref<1x640xf32, #tpu.memory_space<hbm>> -> memref<640xf32, #tpu.memory_space<hbm>>
      %dma_start3A_301 = tpu.memref_slice %arg7[%mul3A_296] : memref<10240xf32, #tpu.memory_space<vmem_shared>> -> memref<640xf32, #tpu.memory_space<vmem_shared>>
      tpu.enqueue_dma source(%dma_start3A_301 : memref<640xf32, #tpu.memory_space<vmem_shared>>) target(%dma_start3A_300 : memref<640xf32, #tpu.memory_space<hbm>>) target_semaphore(%run_scoped3A_299 : memref<!tpu.dma_semaphore, #tpu.memory_space<semaphore_mem>>)
      %dma_wait3A = tpu.memref_slice %arg3[%arg0, %mul3A_298] : memref<2x10240xf32, #tpu.memory_space<hbm>> -> memref<1x640xf32, #tpu.memory_space<hbm>>
      %dma_wait3A_302 = tpu.memref_squeeze %dma_wait3A : memref<1x640xf32, #tpu.memory_space<hbm>> -> memref<640xf32, #tpu.memory_space<hbm>>
      %dma_wait3A_303 = tpu.memref_slice %arg7[%mul3A_296] : memref<10240xf32, #tpu.memory_space<vmem_shared>> -> memref<640xf32, #tpu.memory_space<vmem_shared>>
      tpu.wait_dma2 semaphore(%run_scoped3A_299 : memref<!tpu.dma_semaphore, #tpu.memory_space<semaphore_mem>>) src(%dma_wait3A_303 : memref<640xf32, #tpu.memory_space<vmem_shared>>) dst(%dma_wait3A_302 : memref<640xf32, #tpu.memory_space<hbm>>)
      tpu.yield
    }) : () -> ()
    return
  }
}

#map = affine_map<(d0, d1) -> (0, 0, 0, 0)>
#map1 = affine_map<(d0, d1) -> (0, 0)>
#map2 = affine_map<(d0, d1) -> (0, 0, 0)>
module attributes {stable_mosaic.version = 14 : i64} {
  func.func @k(%arg0: i32, %arg1: i32, %arg2: memref<2x32x80x125xi32, #tpu.memory_space<hbm>>, %arg3: memref<10000x16xf32, #tpu.memory_space<hbm>>, %arg4: memref<640x16xf32, #tpu.memory_space<hbm>>, %arg5: memref<2x10240x16xf32, #tpu.memory_space<hbm>>, %arg6: memref<80x125xi32, #tpu.memory_space<vmem>>, %arg7: memref<80x125xi32, #tpu.memory_space<vmem>>, %arg8: memref<8x125x16xf32, #tpu.memory_space<vmem>>, %arg9: memref<10240x16xf32, #tpu.memory_space<vmem_shared>>, %arg10: memref<8x!tpu.dma_semaphore, #tpu.memory_space<semaphore_mem>>, %arg11: memref<8x!tpu.dma_semaphore, #tpu.memory_space<semaphore_mem>>) attributes {dimension_semantics = [#tpu.dimension_semantics<core_parallel>, #tpu.dimension_semantics<subcore_parallel>], iteration_bounds = array<i64: 2, 16>, scalar_prefetch = 0 : i64, scratch_operands = 6 : i64, tpu.core_type = #tpu.core_type<sc_vector_subcore>, window_params = [{transform_indices = #map}, {transform_indices = #map1}, {transform_indices = #map1}, {transform_indices = #map2}]} {
    %mul3A = arith.constant 16 : i32
    %mul3A_0 = arith.muli %arg0, %mul3A : i32
    %add3A = arith.addi %mul3A_0, %arg1 : i32
    %mul3A_1 = arith.constant 640 : i32
    %mul3A_2 = arith.muli %arg1, %mul3A_1 : i32
    "tpu.region"() ({
      %run_scoped3A_133 = tpu.sem_alloc : memref<!tpu.dma_semaphore, #tpu.memory_space<semaphore_mem>>
      %dma_start3A = arith.constant 0 : i32
      %dma_start3A_134 = tpu.memref_slice %arg9[%mul3A_2, %dma_start3A] : memref<10240x16xf32, #tpu.memory_space<vmem_shared>> -> memref<640x16xf32, #tpu.memory_space<vmem_shared>>
      tpu.enqueue_dma source(%arg4 : memref<640x16xf32, #tpu.memory_space<hbm>>) target(%dma_start3A_134 : memref<640x16xf32, #tpu.memory_space<vmem_shared>>) target_semaphore(%run_scoped3A_133 : memref<!tpu.dma_semaphore, #tpu.memory_space<semaphore_mem>>)
      %dma_wait3A_135 = arith.constant 0 : i32
      %dma_wait3A_136 = tpu.memref_slice %arg9[%mul3A_2, %dma_wait3A_135] : memref<10240x16xf32, #tpu.memory_space<vmem_shared>> -> memref<640x16xf32, #tpu.memory_space<vmem_shared>>
      tpu.wait_dma2 semaphore(%run_scoped3A_133 : memref<!tpu.dma_semaphore, #tpu.memory_space<semaphore_mem>>) src(%arg4 : memref<640x16xf32, #tpu.memory_space<hbm>>) dst(%dma_wait3A_136 : memref<640x16xf32, #tpu.memory_space<vmem_shared>>)
      tpu.yield
    }) : () -> ()
    %barrier3A = arith.constant 0 : index
    tpu.barrier barrier_id(%barrier3A)
    %run_scoped3A = arith.constant 0 : i32
    "tpu.region"() ({
      %run_scoped3A_133 = tpu.sem_alloc : memref<!tpu.dma_semaphore, #tpu.memory_space<semaphore_mem>>
      %dma_start3A = arith.constant 0 : i32
      %dma_start3A_134 = arith.constant 0 : i32
      %dma_start3A_135 = tpu.memref_slice %arg2[%run_scoped3A, %add3A, %dma_start3A, %dma_start3A_134] : memref<2x32x80x125xi32, #tpu.memory_space<hbm>> -> memref<1x1x80x125xi32, #tpu.memory_space<hbm>>
      %dma_start3A_136 = tpu.memref_squeeze %dma_start3A_135 : memref<1x1x80x125xi32, #tpu.memory_space<hbm>> -> memref<80x125xi32, #tpu.memory_space<hbm>>
      %dma_start3A_137 = arith.constant 0 : i32
      %dma_start3A_138 = arith.constant 0 : i32
      %dma_start3A_139 = tpu.memref_slice %arg2[%run_scoped3A, %add3A, %dma_start3A_137, %dma_start3A_138] : memref<2x32x80x125xi32, #tpu.memory_space<hbm>> -> memref<1x1x80x125xi32, #tpu.memory_space<hbm>>
      %dma_start3A_140 = tpu.memref_squeeze %dma_start3A_139 : memref<1x1x80x125xi32, #tpu.memory_space<hbm>> -> memref<80x125xi32, #tpu.memory_space<hbm>>
      tpu.enqueue_dma source(%dma_start3A_140 : memref<80x125xi32, #tpu.memory_space<hbm>>) target(%arg6 : memref<80x125xi32, #tpu.memory_space<vmem>>) target_semaphore(%run_scoped3A_133 : memref<!tpu.dma_semaphore, #tpu.memory_space<semaphore_mem>>)
      %dma_wait3A_141 = arith.constant 0 : i32
      %dma_wait3A_142 = arith.constant 0 : i32
      %dma_wait3A_143 = tpu.memref_slice %arg2[%run_scoped3A, %add3A, %dma_wait3A_141, %dma_wait3A_142] : memref<2x32x80x125xi32, #tpu.memory_space<hbm>> -> memref<1x1x80x125xi32, #tpu.memory_space<hbm>>
      %dma_wait3A_144 = tpu.memref_squeeze %dma_wait3A_143 : memref<1x1x80x125xi32, #tpu.memory_space<hbm>> -> memref<80x125xi32, #tpu.memory_space<hbm>>
      %dma_wait3A_145 = arith.constant 0 : i32
      %dma_wait3A_146 = arith.constant 0 : i32
      %dma_wait3A_147 = tpu.memref_slice %arg2[%run_scoped3A, %add3A, %dma_wait3A_145, %dma_wait3A_146] : memref<2x32x80x125xi32, #tpu.memory_space<hbm>> -> memref<1x1x80x125xi32, #tpu.memory_space<hbm>>
      %dma_wait3A_148 = tpu.memref_squeeze %dma_wait3A_147 : memref<1x1x80x125xi32, #tpu.memory_space<hbm>> -> memref<80x125xi32, #tpu.memory_space<hbm>>
      tpu.wait_dma2 semaphore(%run_scoped3A_133 : memref<!tpu.dma_semaphore, #tpu.memory_space<semaphore_mem>>) src(%dma_wait3A_148 : memref<80x125xi32, #tpu.memory_space<hbm>>) dst(%arg6 : memref<80x125xi32, #tpu.memory_space<vmem>>)
      tpu.yield
    }) : () -> ()
    %run_scoped3A_3 = arith.constant 1 : i32
    "tpu.region"() ({
      %run_scoped3A_133 = tpu.sem_alloc : memref<!tpu.dma_semaphore, #tpu.memory_space<semaphore_mem>>
      %dma_start3A = arith.constant 0 : i32
      %dma_start3A_134 = arith.constant 0 : i32
      %dma_start3A_135 = tpu.memref_slice %arg2[%run_scoped3A_3, %add3A, %dma_start3A, %dma_start3A_134] : memref<2x32x80x125xi32, #tpu.memory_space<hbm>> -> memref<1x1x80x125xi32, #tpu.memory_space<hbm>>
      %dma_start3A_136 = tpu.memref_squeeze %dma_start3A_135 : memref<1x1x80x125xi32, #tpu.memory_space<hbm>> -> memref<80x125xi32, #tpu.memory_space<hbm>>
      %dma_start3A_137 = arith.constant 0 : i32
      %dma_start3A_138 = arith.constant 0 : i32
      %dma_start3A_139 = tpu.memref_slice %arg2[%run_scoped3A_3, %add3A, %dma_start3A_137, %dma_start3A_138] : memref<2x32x80x125xi32, #tpu.memory_space<hbm>> -> memref<1x1x80x125xi32, #tpu.memory_space<hbm>>
      %dma_start3A_140 = tpu.memref_squeeze %dma_start3A_139 : memref<1x1x80x125xi32, #tpu.memory_space<hbm>> -> memref<80x125xi32, #tpu.memory_space<hbm>>
      tpu.enqueue_dma source(%dma_start3A_140 : memref<80x125xi32, #tpu.memory_space<hbm>>) target(%arg7 : memref<80x125xi32, #tpu.memory_space<vmem>>) target_semaphore(%run_scoped3A_133 : memref<!tpu.dma_semaphore, #tpu.memory_space<semaphore_mem>>)
      %dma_wait3A_141 = arith.constant 0 : i32
      %dma_wait3A_142 = arith.constant 0 : i32
      %dma_wait3A_143 = tpu.memref_slice %arg2[%run_scoped3A_3, %add3A, %dma_wait3A_141, %dma_wait3A_142] : memref<2x32x80x125xi32, #tpu.memory_space<hbm>> -> memref<1x1x80x125xi32, #tpu.memory_space<hbm>>
      %dma_wait3A_144 = tpu.memref_squeeze %dma_wait3A_143 : memref<1x1x80x125xi32, #tpu.memory_space<hbm>> -> memref<80x125xi32, #tpu.memory_space<hbm>>
      %dma_wait3A_145 = arith.constant 0 : i32
      %dma_wait3A_146 = arith.constant 0 : i32
      %dma_wait3A_147 = tpu.memref_slice %arg2[%run_scoped3A_3, %add3A, %dma_wait3A_145, %dma_wait3A_146] : memref<2x32x80x125xi32, #tpu.memory_space<hbm>> -> memref<1x1x80x125xi32, #tpu.memory_space<hbm>>
      %dma_wait3A_148 = tpu.memref_squeeze %dma_wait3A_147 : memref<1x1x80x125xi32, #tpu.memory_space<hbm>> -> memref<80x125xi32, #tpu.memory_space<hbm>>
      tpu.wait_dma2 semaphore(%run_scoped3A_133 : memref<!tpu.dma_semaphore, #tpu.memory_space<semaphore_mem>>) src(%dma_wait3A_148 : memref<80x125xi32, #tpu.memory_space<hbm>>) dst(%arg7 : memref<80x125xi32, #tpu.memory_space<vmem>>)
      tpu.yield
    }) : () -> ()
    %scan3A = arith.constant 0 : i32
    %scan3A_4 = arith.constant 0 : i32
    %scan3A_5 = arith.constant 10 : i32
    %scan3A_6 = arith.addi %scan3A_4, %scan3A_5 : i32
    %scan3A_7 = arith.constant 1 : i32
    scf.for %scan3A_133 = %scan3A_4 to %scan3A_6 step %scan3A_7  : i32 {
      %mul3A_134 = arith.constant 8 : i32
      %mul3A_135 = arith.muli %scan3A_133, %mul3A_134 : i32
      %gt3A = arith.constant 0 : i32
      %gt3A_136 = arith.cmpi sgt, %scan3A_133, %gt3A : i32
      %convert_element_type3A = arith.extui %gt3A_136 : i1 to i32
      %cond3A = arith.constant 0 : i32
      %cond3A_137 = arith.cmpi ne, %convert_element_type3A, %cond3A : i32
      scf.if %cond3A_137 {
        %sub3A = arith.constant 8 : i32
        %sub3A_556 = arith.subi %mul3A_135, %sub3A : i32
        %add3A_557 = arith.constant 0 : i32
        %add3A_558 = arith.addi %sub3A_556, %add3A_557 : i32
        %dma_wait3A_559 = arith.constant 0 : i32
        %dma_wait3A_560 = arith.constant 0 : i32
        %dma_wait3A_561 = arith.constant 0 : i32
        %dma_wait3A_562 = arith.constant 0 : i32
        %dma_wait3A_563 = tpu.memref_slice %arg8[%dma_wait3A_559, %dma_wait3A_561, %dma_wait3A_562] : memref<8x125x16xf32, #tpu.memory_space<vmem>> -> memref<1x125x16xf32, #tpu.memory_space<vmem>>
        %dma_wait3A_564 = tpu.memref_squeeze %dma_wait3A_563 : memref<1x125x16xf32, #tpu.memory_space<vmem>> -> memref<125x16xf32, #tpu.memory_space<vmem>>
        %dma_wait3A_565 = arith.constant 0 : i32
        %dma_wait3A_566 = tpu.memref_slice %arg7[%add3A_558, %dma_wait3A_565] : memref<80x125xi32, #tpu.memory_space<vmem>> -> memref<1x125xi32, #tpu.memory_space<vmem>>
        %dma_wait3A_567 = tpu.memref_squeeze %dma_wait3A_566 : memref<1x125xi32, #tpu.memory_space<vmem>> -> memref<125xi32, #tpu.memory_space<vmem>>
        %dma_wait3A_568 = arith.constant 0 : i32
        %dma_wait3A_569 = arith.constant 0 : i32
        %dma_wait3A_570 = tpu.memref_slice %arg9[%dma_wait3A_568, %dma_wait3A_569] : memref<10240x16xf32, #tpu.memory_space<vmem_shared>> -> memref<10240x16xf32, #tpu.memory_space<vmem_shared>>
        %dma_wait3A_571 = tpu.memref_slice %arg11[%dma_wait3A_560] : memref<8x!tpu.dma_semaphore, #tpu.memory_space<semaphore_mem>> -> memref<1x!tpu.dma_semaphore, #tpu.memory_space<semaphore_mem>>
        %dma_wait3A_572 = tpu.memref_squeeze %dma_wait3A_571 : memref<1x!tpu.dma_semaphore, #tpu.memory_space<semaphore_mem>> -> memref<!tpu.dma_semaphore, #tpu.memory_space<semaphore_mem>>
        tpu.wait_indirect_dma semaphore(%dma_wait3A_572 : memref<!tpu.dma_semaphore, #tpu.memory_space<semaphore_mem>>) src(%dma_wait3A_564 : memref<125x16xf32, #tpu.memory_space<vmem>>) dst(%dma_wait3A_570 : memref<10240x16xf32, #tpu.memory_space<vmem_shared>>)
      } else {
      }
      %add3A_138 = arith.constant 0 : i32
      %add3A_139 = arith.addi %mul3A_135, %add3A_138 : i32
      %dma_start3A = arith.constant 0 : i32
      %dma_start3A_140 = arith.constant 0 : i32
      %dma_start3A_141 = arith.constant 0 : i32
      %dma_start3A_142 = arith.constant 0 : i32
      %dma_start3A_143 = tpu.memref_slice %arg8[%dma_start3A, %dma_start3A_141, %dma_start3A_142] : memref<8x125x16xf32, #tpu.memory_space<vmem>> -> memref<1x125x16xf32, #tpu.memory_space<vmem>>
      %dma_start3A_144 = tpu.memref_squeeze %dma_start3A_143 : memref<1x125x16xf32, #tpu.memory_space<vmem>> -> memref<125x16xf32, #tpu.memory_space<vmem>>
      %dma_start3A_145 = arith.constant 0 : i32
      %dma_start3A_146 = tpu.memref_slice %arg6[%add3A_139, %dma_start3A_145] : memref<80x125xi32, #tpu.memory_space<vmem>> -> memref<1x125xi32, #tpu.memory_space<vmem>>
      %dma_start3A_147 = tpu.memref_squeeze %dma_start3A_146 : memref<1x125xi32, #tpu.memory_space<vmem>> -> memref<125xi32, #tpu.memory_space<vmem>>
      %dma_start3A_148 = arith.constant 0 : i32
      %dma_start3A_149 = arith.constant 0 : i32
      %dma_start3A_150 = tpu.memref_slice %arg3[%dma_start3A_148, %dma_start3A_149] : memref<10000x16xf32, #tpu.memory_space<hbm>> -> memref<10000x16xf32, #tpu.memory_space<hbm>>
      %dma_start3A_151 = tpu.memref_slice %arg10[%dma_start3A_140] : memref<8x!tpu.dma_semaphore, #tpu.memory_space<semaphore_mem>> -> memref<1x!tpu.dma_semaphore, #tpu.memory_space<semaphore_mem>>
      %dma_start3A_152 = tpu.memref_squeeze %dma_start3A_151 : memref<1x!tpu.dma_semaphore, #tpu.memory_space<semaphore_mem>> -> memref<!tpu.dma_semaphore, #tpu.memory_space<semaphore_mem>>
      tpu.enqueue_indirect_dma source(%dma_start3A_150 : memref<10000x16xf32, #tpu.memory_space<hbm>>) target(%dma_start3A_144 : memref<125x16xf32, #tpu.memory_space<vmem>>) offsets(%dma_start3A_147 : memref<125xi32, #tpu.memory_space<vmem>>) semaphore(%dma_start3A_152 : memref<!tpu.dma_semaphore, #tpu.memory_space<semaphore_mem>>)
      %gt3A_153 = arith.constant 0 : i32
      %gt3A_154 = arith.cmpi sgt, %scan3A_133, %gt3A_153 : i32
      %convert_element_type3A_155 = arith.extui %gt3A_154 : i1 to i32
      %cond3A_156 = arith.constant 0 : i32
      %cond3A_157 = arith.cmpi ne, %convert_element_type3A_155, %cond3A_156 : i32
      scf.if %cond3A_157 {
        %sub3A = arith.constant 8 : i32
        %sub3A_556 = arith.subi %mul3A_135, %sub3A : i32
        %add3A_557 = arith.constant 1 : i32
        %add3A_558 = arith.addi %sub3A_556, %add3A_557 : i32
        %dma_wait3A_559 = arith.constant 1 : i32
        %dma_wait3A_560 = arith.constant 1 : i32
        %dma_wait3A_561 = arith.constant 0 : i32
        %dma_wait3A_562 = arith.constant 0 : i32
        %dma_wait3A_563 = tpu.memref_slice %arg8[%dma_wait3A_559, %dma_wait3A_561, %dma_wait3A_562] : memref<8x125x16xf32, #tpu.memory_space<vmem>> -> memref<1x125x16xf32, #tpu.memory_space<vmem>>
        %dma_wait3A_564 = tpu.memref_squeeze %dma_wait3A_563 : memref<1x125x16xf32, #tpu.memory_space<vmem>> -> memref<125x16xf32, #tpu.memory_space<vmem>>
        %dma_wait3A_565 = arith.constant 0 : i32
        %dma_wait3A_566 = tpu.memref_slice %arg7[%add3A_558, %dma_wait3A_565] : memref<80x125xi32, #tpu.memory_space<vmem>> -> memref<1x125xi32, #tpu.memory_space<vmem>>
        %dma_wait3A_567 = tpu.memref_squeeze %dma_wait3A_566 : memref<1x125xi32, #tpu.memory_space<vmem>> -> memref<125xi32, #tpu.memory_space<vmem>>
        %dma_wait3A_568 = arith.constant 0 : i32
        %dma_wait3A_569 = arith.constant 0 : i32
        %dma_wait3A_570 = tpu.memref_slice %arg9[%dma_wait3A_568, %dma_wait3A_569] : memref<10240x16xf32, #tpu.memory_space<vmem_shared>> -> memref<10240x16xf32, #tpu.memory_space<vmem_shared>>
        %dma_wait3A_571 = tpu.memref_slice %arg11[%dma_wait3A_560] : memref<8x!tpu.dma_semaphore, #tpu.memory_space<semaphore_mem>> -> memref<1x!tpu.dma_semaphore, #tpu.memory_space<semaphore_mem>>
        %dma_wait3A_572 = tpu.memref_squeeze %dma_wait3A_571 : memref<1x!tpu.dma_semaphore, #tpu.memory_space<semaphore_mem>> -> memref<!tpu.dma_semaphore, #tpu.memory_space<semaphore_mem>>
        tpu.wait_indirect_dma semaphore(%dma_wait3A_572 : memref<!tpu.dma_semaphore, #tpu.memory_space<semaphore_mem>>) src(%dma_wait3A_564 : memref<125x16xf32, #tpu.memory_space<vmem>>) dst(%dma_wait3A_570 : memref<10240x16xf32, #tpu.memory_space<vmem_shared>>)
      } else {
      }
      %add3A_158 = arith.constant 1 : i32
      %add3A_159 = arith.addi %mul3A_135, %add3A_158 : i32
      %dma_start3A_160 = arith.constant 1 : i32
      %dma_start3A_161 = arith.constant 1 : i32
      %dma_start3A_162 = arith.constant 0 : i32
      %dma_start3A_163 = arith.constant 0 : i32
      %dma_start3A_164 = tpu.memref_slice %arg8[%dma_start3A_160, %dma_start3A_162, %dma_start3A_163] : memref<8x125x16xf32, #tpu.memory_space<vmem>> -> memref<1x125x16xf32, #tpu.memory_space<vmem>>
      %dma_start3A_165 = tpu.memref_squeeze %dma_start3A_164 : memref<1x125x16xf32, #tpu.memory_space<vmem>> -> memref<125x16xf32, #tpu.memory_space<vmem>>
      %dma_start3A_166 = arith.constant 0 : i32
      %dma_start3A_167 = tpu.memref_slice %arg6[%add3A_159, %dma_start3A_166] : memref<80x125xi32, #tpu.memory_space<vmem>> -> memref<1x125xi32, #tpu.memory_space<vmem>>
      %dma_start3A_168 = tpu.memref_squeeze %dma_start3A_167 : memref<1x125xi32, #tpu.memory_space<vmem>> -> memref<125xi32, #tpu.memory_space<vmem>>
      %dma_start3A_169 = arith.constant 0 : i32
      %dma_start3A_170 = arith.constant 0 : i32
      %dma_start3A_171 = tpu.memref_slice %arg3[%dma_start3A_169, %dma_start3A_170] : memref<10000x16xf32, #tpu.memory_space<hbm>> -> memref<10000x16xf32, #tpu.memory_space<hbm>>
      %dma_start3A_172 = tpu.memref_slice %arg10[%dma_start3A_161] : memref<8x!tpu.dma_semaphore, #tpu.memory_space<semaphore_mem>> -> memref<1x!tpu.dma_semaphore, #tpu.memory_space<semaphore_mem>>
      %dma_start3A_173 = tpu.memref_squeeze %dma_start3A_172 : memref<1x!tpu.dma_semaphore, #tpu.memory_space<semaphore_mem>> -> memref<!tpu.dma_semaphore, #tpu.memory_space<semaphore_mem>>
      tpu.enqueue_indirect_dma source(%dma_start3A_171 : memref<10000x16xf32, #tpu.memory_space<hbm>>) target(%dma_start3A_165 : memref<125x16xf32, #tpu.memory_space<vmem>>) offsets(%dma_start3A_168 : memref<125xi32, #tpu.memory_space<vmem>>) semaphore(%dma_start3A_173 : memref<!tpu.dma_semaphore, #tpu.memory_space<semaphore_mem>>)
      %gt3A_174 = arith.constant 0 : i32
      %gt3A_175 = arith.cmpi sgt, %scan3A_133, %gt3A_174 : i32
      %convert_element_type3A_176 = arith.extui %gt3A_175 : i1 to i32
      %cond3A_177 = arith.constant 0 : i32
      %cond3A_178 = arith.cmpi ne, %convert_element_type3A_176, %cond3A_177 : i32
      scf.if %cond3A_178 {
        %sub3A = arith.constant 8 : i32
        %sub3A_556 = arith.subi %mul3A_135, %sub3A : i32
        %add3A_557 = arith.constant 2 : i32
        %add3A_558 = arith.addi %sub3A_556, %add3A_557 : i32
        %dma_wait3A_559 = arith.constant 2 : i32
        %dma_wait3A_560 = arith.constant 2 : i32
        %dma_wait3A_561 = arith.constant 0 : i32
        %dma_wait3A_562 = arith.constant 0 : i32
        %dma_wait3A_563 = tpu.memref_slice %arg8[%dma_wait3A_559, %dma_wait3A_561, %dma_wait3A_562] : memref<8x125x16xf32, #tpu.memory_space<vmem>> -> memref<1x125x16xf32, #tpu.memory_space<vmem>>
        %dma_wait3A_564 = tpu.memref_squeeze %dma_wait3A_563 : memref<1x125x16xf32, #tpu.memory_space<vmem>> -> memref<125x16xf32, #tpu.memory_space<vmem>>
        %dma_wait3A_565 = arith.constant 0 : i32
        %dma_wait3A_566 = tpu.memref_slice %arg7[%add3A_558, %dma_wait3A_565] : memref<80x125xi32, #tpu.memory_space<vmem>> -> memref<1x125xi32, #tpu.memory_space<vmem>>
        %dma_wait3A_567 = tpu.memref_squeeze %dma_wait3A_566 : memref<1x125xi32, #tpu.memory_space<vmem>> -> memref<125xi32, #tpu.memory_space<vmem>>
        %dma_wait3A_568 = arith.constant 0 : i32
        %dma_wait3A_569 = arith.constant 0 : i32
        %dma_wait3A_570 = tpu.memref_slice %arg9[%dma_wait3A_568, %dma_wait3A_569] : memref<10240x16xf32, #tpu.memory_space<vmem_shared>> -> memref<10240x16xf32, #tpu.memory_space<vmem_shared>>
        %dma_wait3A_571 = tpu.memref_slice %arg11[%dma_wait3A_560] : memref<8x!tpu.dma_semaphore, #tpu.memory_space<semaphore_mem>> -> memref<1x!tpu.dma_semaphore, #tpu.memory_space<semaphore_mem>>
        %dma_wait3A_572 = tpu.memref_squeeze %dma_wait3A_571 : memref<1x!tpu.dma_semaphore, #tpu.memory_space<semaphore_mem>> -> memref<!tpu.dma_semaphore, #tpu.memory_space<semaphore_mem>>
        tpu.wait_indirect_dma semaphore(%dma_wait3A_572 : memref<!tpu.dma_semaphore, #tpu.memory_space<semaphore_mem>>) src(%dma_wait3A_564 : memref<125x16xf32, #tpu.memory_space<vmem>>) dst(%dma_wait3A_570 : memref<10240x16xf32, #tpu.memory_space<vmem_shared>>)
      } else {
      }
      %add3A_179 = arith.constant 2 : i32
      %add3A_180 = arith.addi %mul3A_135, %add3A_179 : i32
      %dma_start3A_181 = arith.constant 2 : i32
      %dma_start3A_182 = arith.constant 2 : i32
      %dma_start3A_183 = arith.constant 0 : i32
      %dma_start3A_184 = arith.constant 0 : i32
      %dma_start3A_185 = tpu.memref_slice %arg8[%dma_start3A_181, %dma_start3A_183, %dma_start3A_184] : memref<8x125x16xf32, #tpu.memory_space<vmem>> -> memref<1x125x16xf32, #tpu.memory_space<vmem>>
      %dma_start3A_186 = tpu.memref_squeeze %dma_start3A_185 : memref<1x125x16xf32, #tpu.memory_space<vmem>> -> memref<125x16xf32, #tpu.memory_space<vmem>>
      %dma_start3A_187 = arith.constant 0 : i32
      %dma_start3A_188 = tpu.memref_slice %arg6[%add3A_180, %dma_start3A_187] : memref<80x125xi32, #tpu.memory_space<vmem>> -> memref<1x125xi32, #tpu.memory_space<vmem>>
      %dma_start3A_189 = tpu.memref_squeeze %dma_start3A_188 : memref<1x125xi32, #tpu.memory_space<vmem>> -> memref<125xi32, #tpu.memory_space<vmem>>
      %dma_start3A_190 = arith.constant 0 : i32
      %dma_start3A_191 = arith.constant 0 : i32
      %dma_start3A_192 = tpu.memref_slice %arg3[%dma_start3A_190, %dma_start3A_191] : memref<10000x16xf32, #tpu.memory_space<hbm>> -> memref<10000x16xf32, #tpu.memory_space<hbm>>
      %dma_start3A_193 = tpu.memref_slice %arg10[%dma_start3A_182] : memref<8x!tpu.dma_semaphore, #tpu.memory_space<semaphore_mem>> -> memref<1x!tpu.dma_semaphore, #tpu.memory_space<semaphore_mem>>
      %dma_start3A_194 = tpu.memref_squeeze %dma_start3A_193 : memref<1x!tpu.dma_semaphore, #tpu.memory_space<semaphore_mem>> -> memref<!tpu.dma_semaphore, #tpu.memory_space<semaphore_mem>>
      tpu.enqueue_indirect_dma source(%dma_start3A_192 : memref<10000x16xf32, #tpu.memory_space<hbm>>) target(%dma_start3A_186 : memref<125x16xf32, #tpu.memory_space<vmem>>) offsets(%dma_start3A_189 : memref<125xi32, #tpu.memory_space<vmem>>) semaphore(%dma_start3A_194 : memref<!tpu.dma_semaphore, #tpu.memory_space<semaphore_mem>>)
      %gt3A_195 = arith.constant 0 : i32
      %gt3A_196 = arith.cmpi sgt, %scan3A_133, %gt3A_195 : i32
      %convert_element_type3A_197 = arith.extui %gt3A_196 : i1 to i32
      %cond3A_198 = arith.constant 0 : i32
      %cond3A_199 = arith.cmpi ne, %convert_element_type3A_197, %cond3A_198 : i32
      scf.if %cond3A_199 {
        %sub3A = arith.constant 8 : i32
        %sub3A_556 = arith.subi %mul3A_135, %sub3A : i32
        %add3A_557 = arith.constant 3 : i32
        %add3A_558 = arith.addi %sub3A_556, %add3A_557 : i32
        %dma_wait3A_559 = arith.constant 3 : i32
        %dma_wait3A_560 = arith.constant 3 : i32
        %dma_wait3A_561 = arith.constant 0 : i32
        %dma_wait3A_562 = arith.constant 0 : i32
        %dma_wait3A_563 = tpu.memref_slice %arg8[%dma_wait3A_559, %dma_wait3A_561, %dma_wait3A_562] : memref<8x125x16xf32, #tpu.memory_space<vmem>> -> memref<1x125x16xf32, #tpu.memory_space<vmem>>
        %dma_wait3A_564 = tpu.memref_squeeze %dma_wait3A_563 : memref<1x125x16xf32, #tpu.memory_space<vmem>> -> memref<125x16xf32, #tpu.memory_space<vmem>>
        %dma_wait3A_565 = arith.constant 0 : i32
        %dma_wait3A_566 = tpu.memref_slice %arg7[%add3A_558, %dma_wait3A_565] : memref<80x125xi32, #tpu.memory_space<vmem>> -> memref<1x125xi32, #tpu.memory_space<vmem>>
        %dma_wait3A_567 = tpu.memref_squeeze %dma_wait3A_566 : memref<1x125xi32, #tpu.memory_space<vmem>> -> memref<125xi32, #tpu.memory_space<vmem>>
        %dma_wait3A_568 = arith.constant 0 : i32
        %dma_wait3A_569 = arith.constant 0 : i32
        %dma_wait3A_570 = tpu.memref_slice %arg9[%dma_wait3A_568, %dma_wait3A_569] : memref<10240x16xf32, #tpu.memory_space<vmem_shared>> -> memref<10240x16xf32, #tpu.memory_space<vmem_shared>>
        %dma_wait3A_571 = tpu.memref_slice %arg11[%dma_wait3A_560] : memref<8x!tpu.dma_semaphore, #tpu.memory_space<semaphore_mem>> -> memref<1x!tpu.dma_semaphore, #tpu.memory_space<semaphore_mem>>
        %dma_wait3A_572 = tpu.memref_squeeze %dma_wait3A_571 : memref<1x!tpu.dma_semaphore, #tpu.memory_space<semaphore_mem>> -> memref<!tpu.dma_semaphore, #tpu.memory_space<semaphore_mem>>
        tpu.wait_indirect_dma semaphore(%dma_wait3A_572 : memref<!tpu.dma_semaphore, #tpu.memory_space<semaphore_mem>>) src(%dma_wait3A_564 : memref<125x16xf32, #tpu.memory_space<vmem>>) dst(%dma_wait3A_570 : memref<10240x16xf32, #tpu.memory_space<vmem_shared>>)
      } else {
      }
      %add3A_200 = arith.constant 3 : i32
      %add3A_201 = arith.addi %mul3A_135, %add3A_200 : i32
      %dma_start3A_202 = arith.constant 3 : i32
      %dma_start3A_203 = arith.constant 3 : i32
      %dma_start3A_204 = arith.constant 0 : i32
      %dma_start3A_205 = arith.constant 0 : i32
      %dma_start3A_206 = tpu.memref_slice %arg8[%dma_start3A_202, %dma_start3A_204, %dma_start3A_205] : memref<8x125x16xf32, #tpu.memory_space<vmem>> -> memref<1x125x16xf32, #tpu.memory_space<vmem>>
      %dma_start3A_207 = tpu.memref_squeeze %dma_start3A_206 : memref<1x125x16xf32, #tpu.memory_space<vmem>> -> memref<125x16xf32, #tpu.memory_space<vmem>>
      %dma_start3A_208 = arith.constant 0 : i32
      %dma_start3A_209 = tpu.memref_slice %arg6[%add3A_201, %dma_start3A_208] : memref<80x125xi32, #tpu.memory_space<vmem>> -> memref<1x125xi32, #tpu.memory_space<vmem>>
      %dma_start3A_210 = tpu.memref_squeeze %dma_start3A_209 : memref<1x125xi32, #tpu.memory_space<vmem>> -> memref<125xi32, #tpu.memory_space<vmem>>
      %dma_start3A_211 = arith.constant 0 : i32
      %dma_start3A_212 = arith.constant 0 : i32
      %dma_start3A_213 = tpu.memref_slice %arg3[%dma_start3A_211, %dma_start3A_212] : memref<10000x16xf32, #tpu.memory_space<hbm>> -> memref<10000x16xf32, #tpu.memory_space<hbm>>
      %dma_start3A_214 = tpu.memref_slice %arg10[%dma_start3A_203] : memref<8x!tpu.dma_semaphore, #tpu.memory_space<semaphore_mem>> -> memref<1x!tpu.dma_semaphore, #tpu.memory_space<semaphore_mem>>
      %dma_start3A_215 = tpu.memref_squeeze %dma_start3A_214 : memref<1x!tpu.dma_semaphore, #tpu.memory_space<semaphore_mem>> -> memref<!tpu.dma_semaphore, #tpu.memory_space<semaphore_mem>>
      tpu.enqueue_indirect_dma source(%dma_start3A_213 : memref<10000x16xf32, #tpu.memory_space<hbm>>) target(%dma_start3A_207 : memref<125x16xf32, #tpu.memory_space<vmem>>) offsets(%dma_start3A_210 : memref<125xi32, #tpu.memory_space<vmem>>) semaphore(%dma_start3A_215 : memref<!tpu.dma_semaphore, #tpu.memory_space<semaphore_mem>>)
      %gt3A_216 = arith.constant 0 : i32
      %gt3A_217 = arith.cmpi sgt, %scan3A_133, %gt3A_216 : i32
      %convert_element_type3A_218 = arith.extui %gt3A_217 : i1 to i32
      %cond3A_219 = arith.constant 0 : i32
      %cond3A_220 = arith.cmpi ne, %convert_element_type3A_218, %cond3A_219 : i32
      scf.if %cond3A_220 {
        %sub3A = arith.constant 8 : i32
        %sub3A_556 = arith.subi %mul3A_135, %sub3A : i32
        %add3A_557 = arith.constant 4 : i32
        %add3A_558 = arith.addi %sub3A_556, %add3A_557 : i32
        %dma_wait3A_559 = arith.constant 4 : i32
        %dma_wait3A_560 = arith.constant 4 : i32
        %dma_wait3A_561 = arith.constant 0 : i32
        %dma_wait3A_562 = arith.constant 0 : i32
        %dma_wait3A_563 = tpu.memref_slice %arg8[%dma_wait3A_559, %dma_wait3A_561, %dma_wait3A_562] : memref<8x125x16xf32, #tpu.memory_space<vmem>> -> memref<1x125x16xf32, #tpu.memory_space<vmem>>
        %dma_wait3A_564 = tpu.memref_squeeze %dma_wait3A_563 : memref<1x125x16xf32, #tpu.memory_space<vmem>> -> memref<125x16xf32, #tpu.memory_space<vmem>>
        %dma_wait3A_565 = arith.constant 0 : i32
        %dma_wait3A_566 = tpu.memref_slice %arg7[%add3A_558, %dma_wait3A_565] : memref<80x125xi32, #tpu.memory_space<vmem>> -> memref<1x125xi32, #tpu.memory_space<vmem>>
        %dma_wait3A_567 = tpu.memref_squeeze %dma_wait3A_566 : memref<1x125xi32, #tpu.memory_space<vmem>> -> memref<125xi32, #tpu.memory_space<vmem>>
        %dma_wait3A_568 = arith.constant 0 : i32
        %dma_wait3A_569 = arith.constant 0 : i32
        %dma_wait3A_570 = tpu.memref_slice %arg9[%dma_wait3A_568, %dma_wait3A_569] : memref<10240x16xf32, #tpu.memory_space<vmem_shared>> -> memref<10240x16xf32, #tpu.memory_space<vmem_shared>>
        %dma_wait3A_571 = tpu.memref_slice %arg11[%dma_wait3A_560] : memref<8x!tpu.dma_semaphore, #tpu.memory_space<semaphore_mem>> -> memref<1x!tpu.dma_semaphore, #tpu.memory_space<semaphore_mem>>
        %dma_wait3A_572 = tpu.memref_squeeze %dma_wait3A_571 : memref<1x!tpu.dma_semaphore, #tpu.memory_space<semaphore_mem>> -> memref<!tpu.dma_semaphore, #tpu.memory_space<semaphore_mem>>
        tpu.wait_indirect_dma semaphore(%dma_wait3A_572 : memref<!tpu.dma_semaphore, #tpu.memory_space<semaphore_mem>>) src(%dma_wait3A_564 : memref<125x16xf32, #tpu.memory_space<vmem>>) dst(%dma_wait3A_570 : memref<10240x16xf32, #tpu.memory_space<vmem_shared>>)
      } else {
      }
      %add3A_221 = arith.constant 4 : i32
      %add3A_222 = arith.addi %mul3A_135, %add3A_221 : i32
      %dma_start3A_223 = arith.constant 4 : i32
      %dma_start3A_224 = arith.constant 4 : i32
      %dma_start3A_225 = arith.constant 0 : i32
      %dma_start3A_226 = arith.constant 0 : i32
      %dma_start3A_227 = tpu.memref_slice %arg8[%dma_start3A_223, %dma_start3A_225, %dma_start3A_226] : memref<8x125x16xf32, #tpu.memory_space<vmem>> -> memref<1x125x16xf32, #tpu.memory_space<vmem>>
      %dma_start3A_228 = tpu.memref_squeeze %dma_start3A_227 : memref<1x125x16xf32, #tpu.memory_space<vmem>> -> memref<125x16xf32, #tpu.memory_space<vmem>>
      %dma_start3A_229 = arith.constant 0 : i32
      %dma_start3A_230 = tpu.memref_slice %arg6[%add3A_222, %dma_start3A_229] : memref<80x125xi32, #tpu.memory_space<vmem>> -> memref<1x125xi32, #tpu.memory_space<vmem>>
      %dma_start3A_231 = tpu.memref_squeeze %dma_start3A_230 : memref<1x125xi32, #tpu.memory_space<vmem>> -> memref<125xi32, #tpu.memory_space<vmem>>
      %dma_start3A_232 = arith.constant 0 : i32
      %dma_start3A_233 = arith.constant 0 : i32
      %dma_start3A_234 = tpu.memref_slice %arg3[%dma_start3A_232, %dma_start3A_233] : memref<10000x16xf32, #tpu.memory_space<hbm>> -> memref<10000x16xf32, #tpu.memory_space<hbm>>
      %dma_start3A_235 = tpu.memref_slice %arg10[%dma_start3A_224] : memref<8x!tpu.dma_semaphore, #tpu.memory_space<semaphore_mem>> -> memref<1x!tpu.dma_semaphore, #tpu.memory_space<semaphore_mem>>
      %dma_start3A_236 = tpu.memref_squeeze %dma_start3A_235 : memref<1x!tpu.dma_semaphore, #tpu.memory_space<semaphore_mem>> -> memref<!tpu.dma_semaphore, #tpu.memory_space<semaphore_mem>>
      tpu.enqueue_indirect_dma source(%dma_start3A_234 : memref<10000x16xf32, #tpu.memory_space<hbm>>) target(%dma_start3A_228 : memref<125x16xf32, #tpu.memory_space<vmem>>) offsets(%dma_start3A_231 : memref<125xi32, #tpu.memory_space<vmem>>) semaphore(%dma_start3A_236 : memref<!tpu.dma_semaphore, #tpu.memory_space<semaphore_mem>>)
      %gt3A_237 = arith.constant 0 : i32
      %gt3A_238 = arith.cmpi sgt, %scan3A_133, %gt3A_237 : i32
      %convert_element_type3A_239 = arith.extui %gt3A_238 : i1 to i32
      %cond3A_240 = arith.constant 0 : i32
      %cond3A_241 = arith.cmpi ne, %convert_element_type3A_239, %cond3A_240 : i32
      scf.if %cond3A_241 {
        %sub3A = arith.constant 8 : i32
        %sub3A_556 = arith.subi %mul3A_135, %sub3A : i32
        %add3A_557 = arith.constant 5 : i32
        %add3A_558 = arith.addi %sub3A_556, %add3A_557 : i32
        %dma_wait3A_559 = arith.constant 5 : i32
        %dma_wait3A_560 = arith.constant 5 : i32
        %dma_wait3A_561 = arith.constant 0 : i32
        %dma_wait3A_562 = arith.constant 0 : i32
        %dma_wait3A_563 = tpu.memref_slice %arg8[%dma_wait3A_559, %dma_wait3A_561, %dma_wait3A_562] : memref<8x125x16xf32, #tpu.memory_space<vmem>> -> memref<1x125x16xf32, #tpu.memory_space<vmem>>
        %dma_wait3A_564 = tpu.memref_squeeze %dma_wait3A_563 : memref<1x125x16xf32, #tpu.memory_space<vmem>> -> memref<125x16xf32, #tpu.memory_space<vmem>>
        %dma_wait3A_565 = arith.constant 0 : i32
        %dma_wait3A_566 = tpu.memref_slice %arg7[%add3A_558, %dma_wait3A_565] : memref<80x125xi32, #tpu.memory_space<vmem>> -> memref<1x125xi32, #tpu.memory_space<vmem>>
        %dma_wait3A_567 = tpu.memref_squeeze %dma_wait3A_566 : memref<1x125xi32, #tpu.memory_space<vmem>> -> memref<125xi32, #tpu.memory_space<vmem>>
        %dma_wait3A_568 = arith.constant 0 : i32
        %dma_wait3A_569 = arith.constant 0 : i32
        %dma_wait3A_570 = tpu.memref_slice %arg9[%dma_wait3A_568, %dma_wait3A_569] : memref<10240x16xf32, #tpu.memory_space<vmem_shared>> -> memref<10240x16xf32, #tpu.memory_space<vmem_shared>>
        %dma_wait3A_571 = tpu.memref_slice %arg11[%dma_wait3A_560] : memref<8x!tpu.dma_semaphore, #tpu.memory_space<semaphore_mem>> -> memref<1x!tpu.dma_semaphore, #tpu.memory_space<semaphore_mem>>
        %dma_wait3A_572 = tpu.memref_squeeze %dma_wait3A_571 : memref<1x!tpu.dma_semaphore, #tpu.memory_space<semaphore_mem>> -> memref<!tpu.dma_semaphore, #tpu.memory_space<semaphore_mem>>
        tpu.wait_indirect_dma semaphore(%dma_wait3A_572 : memref<!tpu.dma_semaphore, #tpu.memory_space<semaphore_mem>>) src(%dma_wait3A_564 : memref<125x16xf32, #tpu.memory_space<vmem>>) dst(%dma_wait3A_570 : memref<10240x16xf32, #tpu.memory_space<vmem_shared>>)
      } else {
      }
      %add3A_242 = arith.constant 5 : i32
      %add3A_243 = arith.addi %mul3A_135, %add3A_242 : i32
      %dma_start3A_244 = arith.constant 5 : i32
      %dma_start3A_245 = arith.constant 5 : i32
      %dma_start3A_246 = arith.constant 0 : i32
      %dma_start3A_247 = arith.constant 0 : i32
      %dma_start3A_248 = tpu.memref_slice %arg8[%dma_start3A_244, %dma_start3A_246, %dma_start3A_247] : memref<8x125x16xf32, #tpu.memory_space<vmem>> -> memref<1x125x16xf32, #tpu.memory_space<vmem>>
      %dma_start3A_249 = tpu.memref_squeeze %dma_start3A_248 : memref<1x125x16xf32, #tpu.memory_space<vmem>> -> memref<125x16xf32, #tpu.memory_space<vmem>>
      %dma_start3A_250 = arith.constant 0 : i32
      %dma_start3A_251 = tpu.memref_slice %arg6[%add3A_243, %dma_start3A_250] : memref<80x125xi32, #tpu.memory_space<vmem>> -> memref<1x125xi32, #tpu.memory_space<vmem>>
      %dma_start3A_252 = tpu.memref_squeeze %dma_start3A_251 : memref<1x125xi32, #tpu.memory_space<vmem>> -> memref<125xi32, #tpu.memory_space<vmem>>
      %dma_start3A_253 = arith.constant 0 : i32
      %dma_start3A_254 = arith.constant 0 : i32
      %dma_start3A_255 = tpu.memref_slice %arg3[%dma_start3A_253, %dma_start3A_254] : memref<10000x16xf32, #tpu.memory_space<hbm>> -> memref<10000x16xf32, #tpu.memory_space<hbm>>
      %dma_start3A_256 = tpu.memref_slice %arg10[%dma_start3A_245] : memref<8x!tpu.dma_semaphore, #tpu.memory_space<semaphore_mem>> -> memref<1x!tpu.dma_semaphore, #tpu.memory_space<semaphore_mem>>
      %dma_start3A_257 = tpu.memref_squeeze %dma_start3A_256 : memref<1x!tpu.dma_semaphore, #tpu.memory_space<semaphore_mem>> -> memref<!tpu.dma_semaphore, #tpu.memory_space<semaphore_mem>>
      tpu.enqueue_indirect_dma source(%dma_start3A_255 : memref<10000x16xf32, #tpu.memory_space<hbm>>) target(%dma_start3A_249 : memref<125x16xf32, #tpu.memory_space<vmem>>) offsets(%dma_start3A_252 : memref<125xi32, #tpu.memory_space<vmem>>) semaphore(%dma_start3A_257 : memref<!tpu.dma_semaphore, #tpu.memory_space<semaphore_mem>>)
      %gt3A_258 = arith.constant 0 : i32
      %gt3A_259 = arith.cmpi sgt, %scan3A_133, %gt3A_258 : i32
      %convert_element_type3A_260 = arith.extui %gt3A_259 : i1 to i32
      %cond3A_261 = arith.constant 0 : i32
      %cond3A_262 = arith.cmpi ne, %convert_element_type3A_260, %cond3A_261 : i32
      scf.if %cond3A_262 {
        %sub3A = arith.constant 8 : i32
        %sub3A_556 = arith.subi %mul3A_135, %sub3A : i32
        %add3A_557 = arith.constant 6 : i32
        %add3A_558 = arith.addi %sub3A_556, %add3A_557 : i32
        %dma_wait3A_559 = arith.constant 6 : i32
        %dma_wait3A_560 = arith.constant 6 : i32
        %dma_wait3A_561 = arith.constant 0 : i32
        %dma_wait3A_562 = arith.constant 0 : i32
        %dma_wait3A_563 = tpu.memref_slice %arg8[%dma_wait3A_559, %dma_wait3A_561, %dma_wait3A_562] : memref<8x125x16xf32, #tpu.memory_space<vmem>> -> memref<1x125x16xf32, #tpu.memory_space<vmem>>
        %dma_wait3A_564 = tpu.memref_squeeze %dma_wait3A_563 : memref<1x125x16xf32, #tpu.memory_space<vmem>> -> memref<125x16xf32, #tpu.memory_space<vmem>>
        %dma_wait3A_565 = arith.constant 0 : i32
        %dma_wait3A_566 = tpu.memref_slice %arg7[%add3A_558, %dma_wait3A_565] : memref<80x125xi32, #tpu.memory_space<vmem>> -> memref<1x125xi32, #tpu.memory_space<vmem>>
        %dma_wait3A_567 = tpu.memref_squeeze %dma_wait3A_566 : memref<1x125xi32, #tpu.memory_space<vmem>> -> memref<125xi32, #tpu.memory_space<vmem>>
        %dma_wait3A_568 = arith.constant 0 : i32
        %dma_wait3A_569 = arith.constant 0 : i32
        %dma_wait3A_570 = tpu.memref_slice %arg9[%dma_wait3A_568, %dma_wait3A_569] : memref<10240x16xf32, #tpu.memory_space<vmem_shared>> -> memref<10240x16xf32, #tpu.memory_space<vmem_shared>>
        %dma_wait3A_571 = tpu.memref_slice %arg11[%dma_wait3A_560] : memref<8x!tpu.dma_semaphore, #tpu.memory_space<semaphore_mem>> -> memref<1x!tpu.dma_semaphore, #tpu.memory_space<semaphore_mem>>
        %dma_wait3A_572 = tpu.memref_squeeze %dma_wait3A_571 : memref<1x!tpu.dma_semaphore, #tpu.memory_space<semaphore_mem>> -> memref<!tpu.dma_semaphore, #tpu.memory_space<semaphore_mem>>
        tpu.wait_indirect_dma semaphore(%dma_wait3A_572 : memref<!tpu.dma_semaphore, #tpu.memory_space<semaphore_mem>>) src(%dma_wait3A_564 : memref<125x16xf32, #tpu.memory_space<vmem>>) dst(%dma_wait3A_570 : memref<10240x16xf32, #tpu.memory_space<vmem_shared>>)
      } else {
      }
      %add3A_263 = arith.constant 6 : i32
      %add3A_264 = arith.addi %mul3A_135, %add3A_263 : i32
      %dma_start3A_265 = arith.constant 6 : i32
      %dma_start3A_266 = arith.constant 6 : i32
      %dma_start3A_267 = arith.constant 0 : i32
      %dma_start3A_268 = arith.constant 0 : i32
      %dma_start3A_269 = tpu.memref_slice %arg8[%dma_start3A_265, %dma_start3A_267, %dma_start3A_268] : memref<8x125x16xf32, #tpu.memory_space<vmem>> -> memref<1x125x16xf32, #tpu.memory_space<vmem>>
      %dma_start3A_270 = tpu.memref_squeeze %dma_start3A_269 : memref<1x125x16xf32, #tpu.memory_space<vmem>> -> memref<125x16xf32, #tpu.memory_space<vmem>>
      %dma_start3A_271 = arith.constant 0 : i32
      %dma_start3A_272 = tpu.memref_slice %arg6[%add3A_264, %dma_start3A_271] : memref<80x125xi32, #tpu.memory_space<vmem>> -> memref<1x125xi32, #tpu.memory_space<vmem>>
      %dma_start3A_273 = tpu.memref_squeeze %dma_start3A_272 : memref<1x125xi32, #tpu.memory_space<vmem>> -> memref<125xi32, #tpu.memory_space<vmem>>
      %dma_start3A_274 = arith.constant 0 : i32
      %dma_start3A_275 = arith.constant 0 : i32
      %dma_start3A_276 = tpu.memref_slice %arg3[%dma_start3A_274, %dma_start3A_275] : memref<10000x16xf32, #tpu.memory_space<hbm>> -> memref<10000x16xf32, #tpu.memory_space<hbm>>
      %dma_start3A_277 = tpu.memref_slice %arg10[%dma_start3A_266] : memref<8x!tpu.dma_semaphore, #tpu.memory_space<semaphore_mem>> -> memref<1x!tpu.dma_semaphore, #tpu.memory_space<semaphore_mem>>
      %dma_start3A_278 = tpu.memref_squeeze %dma_start3A_277 : memref<1x!tpu.dma_semaphore, #tpu.memory_space<semaphore_mem>> -> memref<!tpu.dma_semaphore, #tpu.memory_space<semaphore_mem>>
      tpu.enqueue_indirect_dma source(%dma_start3A_276 : memref<10000x16xf32, #tpu.memory_space<hbm>>) target(%dma_start3A_270 : memref<125x16xf32, #tpu.memory_space<vmem>>) offsets(%dma_start3A_273 : memref<125xi32, #tpu.memory_space<vmem>>) semaphore(%dma_start3A_278 : memref<!tpu.dma_semaphore, #tpu.memory_space<semaphore_mem>>)
      %gt3A_279 = arith.constant 0 : i32
      %gt3A_280 = arith.cmpi sgt, %scan3A_133, %gt3A_279 : i32
      %convert_element_type3A_281 = arith.extui %gt3A_280 : i1 to i32
      %cond3A_282 = arith.constant 0 : i32
      %cond3A_283 = arith.cmpi ne, %convert_element_type3A_281, %cond3A_282 : i32
      scf.if %cond3A_283 {
        %sub3A = arith.constant 8 : i32
        %sub3A_556 = arith.subi %mul3A_135, %sub3A : i32
        %add3A_557 = arith.constant 7 : i32
        %add3A_558 = arith.addi %sub3A_556, %add3A_557 : i32
        %dma_wait3A_559 = arith.constant 7 : i32
        %dma_wait3A_560 = arith.constant 7 : i32
        %dma_wait3A_561 = arith.constant 0 : i32
        %dma_wait3A_562 = arith.constant 0 : i32
        %dma_wait3A_563 = tpu.memref_slice %arg8[%dma_wait3A_559, %dma_wait3A_561, %dma_wait3A_562] : memref<8x125x16xf32, #tpu.memory_space<vmem>> -> memref<1x125x16xf32, #tpu.memory_space<vmem>>
        %dma_wait3A_564 = tpu.memref_squeeze %dma_wait3A_563 : memref<1x125x16xf32, #tpu.memory_space<vmem>> -> memref<125x16xf32, #tpu.memory_space<vmem>>
        %dma_wait3A_565 = arith.constant 0 : i32
        %dma_wait3A_566 = tpu.memref_slice %arg7[%add3A_558, %dma_wait3A_565] : memref<80x125xi32, #tpu.memory_space<vmem>> -> memref<1x125xi32, #tpu.memory_space<vmem>>
        %dma_wait3A_567 = tpu.memref_squeeze %dma_wait3A_566 : memref<1x125xi32, #tpu.memory_space<vmem>> -> memref<125xi32, #tpu.memory_space<vmem>>
        %dma_wait3A_568 = arith.constant 0 : i32
        %dma_wait3A_569 = arith.constant 0 : i32
        %dma_wait3A_570 = tpu.memref_slice %arg9[%dma_wait3A_568, %dma_wait3A_569] : memref<10240x16xf32, #tpu.memory_space<vmem_shared>> -> memref<10240x16xf32, #tpu.memory_space<vmem_shared>>
        %dma_wait3A_571 = tpu.memref_slice %arg11[%dma_wait3A_560] : memref<8x!tpu.dma_semaphore, #tpu.memory_space<semaphore_mem>> -> memref<1x!tpu.dma_semaphore, #tpu.memory_space<semaphore_mem>>
        %dma_wait3A_572 = tpu.memref_squeeze %dma_wait3A_571 : memref<1x!tpu.dma_semaphore, #tpu.memory_space<semaphore_mem>> -> memref<!tpu.dma_semaphore, #tpu.memory_space<semaphore_mem>>
        tpu.wait_indirect_dma semaphore(%dma_wait3A_572 : memref<!tpu.dma_semaphore, #tpu.memory_space<semaphore_mem>>) src(%dma_wait3A_564 : memref<125x16xf32, #tpu.memory_space<vmem>>) dst(%dma_wait3A_570 : memref<10240x16xf32, #tpu.memory_space<vmem_shared>>)
      } else {
      }
      %add3A_284 = arith.constant 7 : i32
      %add3A_285 = arith.addi %mul3A_135, %add3A_284 : i32
      %dma_start3A_286 = arith.constant 7 : i32
      %dma_start3A_287 = arith.constant 7 : i32
      %dma_start3A_288 = arith.constant 0 : i32
      %dma_start3A_289 = arith.constant 0 : i32
      %dma_start3A_290 = tpu.memref_slice %arg8[%dma_start3A_286, %dma_start3A_288, %dma_start3A_289] : memref<8x125x16xf32, #tpu.memory_space<vmem>> -> memref<1x125x16xf32, #tpu.memory_space<vmem>>
      %dma_start3A_291 = tpu.memref_squeeze %dma_start3A_290 : memref<1x125x16xf32, #tpu.memory_space<vmem>> -> memref<125x16xf32, #tpu.memory_space<vmem>>
      %dma_start3A_292 = arith.constant 0 : i32
      %dma_start3A_293 = tpu.memref_slice %arg6[%add3A_285, %dma_start3A_292] : memref<80x125xi32, #tpu.memory_space<vmem>> -> memref<1x125xi32, #tpu.memory_space<vmem>>
      %dma_start3A_294 = tpu.memref_squeeze %dma_start3A_293 : memref<1x125xi32, #tpu.memory_space<vmem>> -> memref<125xi32, #tpu.memory_space<vmem>>
      %dma_start3A_295 = arith.constant 0 : i32
      %dma_start3A_296 = arith.constant 0 : i32
      %dma_start3A_297 = tpu.memref_slice %arg3[%dma_start3A_295, %dma_start3A_296] : memref<10000x16xf32, #tpu.memory_space<hbm>> -> memref<10000x16xf32, #tpu.memory_space<hbm>>
      %dma_start3A_298 = tpu.memref_slice %arg10[%dma_start3A_287] : memref<8x!tpu.dma_semaphore, #tpu.memory_space<semaphore_mem>> -> memref<1x!tpu.dma_semaphore, #tpu.memory_space<semaphore_mem>>
      %dma_start3A_299 = tpu.memref_squeeze %dma_start3A_298 : memref<1x!tpu.dma_semaphore, #tpu.memory_space<semaphore_mem>> -> memref<!tpu.dma_semaphore, #tpu.memory_space<semaphore_mem>>
      tpu.enqueue_indirect_dma source(%dma_start3A_297 : memref<10000x16xf32, #tpu.memory_space<hbm>>) target(%dma_start3A_291 : memref<125x16xf32, #tpu.memory_space<vmem>>) offsets(%dma_start3A_294 : memref<125xi32, #tpu.memory_space<vmem>>) semaphore(%dma_start3A_299 : memref<!tpu.dma_semaphore, #tpu.memory_space<semaphore_mem>>)
      %add3A_300 = arith.constant 0 : i32
      %add3A_301 = arith.addi %mul3A_135, %add3A_300 : i32
      %dma_wait3A_302 = arith.constant 0 : i32
      %dma_wait3A_303 = arith.constant 0 : i32
      %dma_wait3A_304 = arith.constant 0 : i32
      %dma_wait3A_305 = arith.constant 0 : i32
      %dma_wait3A_306 = tpu.memref_slice %arg8[%dma_wait3A_302, %dma_wait3A_304, %dma_wait3A_305] : memref<8x125x16xf32, #tpu.memory_space<vmem>> -> memref<1x125x16xf32, #tpu.memory_space<vmem>>
      %dma_wait3A_307 = tpu.memref_squeeze %dma_wait3A_306 : memref<1x125x16xf32, #tpu.memory_space<vmem>> -> memref<125x16xf32, #tpu.memory_space<vmem>>
      %dma_wait3A_308 = arith.constant 0 : i32
      %dma_wait3A_309 = tpu.memref_slice %arg6[%add3A_301, %dma_wait3A_308] : memref<80x125xi32, #tpu.memory_space<vmem>> -> memref<1x125xi32, #tpu.memory_space<vmem>>
      %dma_wait3A_310 = tpu.memref_squeeze %dma_wait3A_309 : memref<1x125xi32, #tpu.memory_space<vmem>> -> memref<125xi32, #tpu.memory_space<vmem>>
      %dma_wait3A_311 = arith.constant 0 : i32
      %dma_wait3A_312 = arith.constant 0 : i32
      %dma_wait3A_313 = tpu.memref_slice %arg3[%dma_wait3A_311, %dma_wait3A_312] : memref<10000x16xf32, #tpu.memory_space<hbm>> -> memref<10000x16xf32, #tpu.memory_space<hbm>>
      %dma_wait3A_314 = tpu.memref_slice %arg10[%dma_wait3A_303] : memref<8x!tpu.dma_semaphore, #tpu.memory_space<semaphore_mem>> -> memref<1x!tpu.dma_semaphore, #tpu.memory_space<semaphore_mem>>
      %dma_wait3A_315 = tpu.memref_squeeze %dma_wait3A_314 : memref<1x!tpu.dma_semaphore, #tpu.memory_space<semaphore_mem>> -> memref<!tpu.dma_semaphore, #tpu.memory_space<semaphore_mem>>
      tpu.wait_indirect_dma semaphore(%dma_wait3A_315 : memref<!tpu.dma_semaphore, #tpu.memory_space<semaphore_mem>>) src(%dma_wait3A_313 : memref<10000x16xf32, #tpu.memory_space<hbm>>) dst(%dma_wait3A_307 : memref<125x16xf32, #tpu.memory_space<vmem>>)
      %add3A_316 = arith.constant 0 : i32
      %add3A_317 = arith.addi %mul3A_135, %add3A_316 : i32
      %dma_start3A_318 = arith.constant 0 : i32
      %dma_start3A_319 = arith.constant 0 : i32
      %dma_start3A_320 = arith.constant 0 : i32
      %dma_start3A_321 = arith.constant 0 : i32
      %dma_start3A_322 = tpu.memref_slice %arg8[%dma_start3A_318, %dma_start3A_320, %dma_start3A_321] : memref<8x125x16xf32, #tpu.memory_space<vmem>> -> memref<1x125x16xf32, #tpu.memory_space<vmem>>
      %dma_start3A_323 = tpu.memref_squeeze %dma_start3A_322 : memref<1x125x16xf32, #tpu.memory_space<vmem>> -> memref<125x16xf32, #tpu.memory_space<vmem>>
      %dma_start3A_324 = arith.constant 0 : i32
      %dma_start3A_325 = tpu.memref_slice %arg7[%add3A_317, %dma_start3A_324] : memref<80x125xi32, #tpu.memory_space<vmem>> -> memref<1x125xi32, #tpu.memory_space<vmem>>
      %dma_start3A_326 = tpu.memref_squeeze %dma_start3A_325 : memref<1x125xi32, #tpu.memory_space<vmem>> -> memref<125xi32, #tpu.memory_space<vmem>>
      %dma_start3A_327 = arith.constant 0 : i32
      %dma_start3A_328 = arith.constant 0 : i32
      %dma_start3A_329 = tpu.memref_slice %arg9[%dma_start3A_327, %dma_start3A_328] : memref<10240x16xf32, #tpu.memory_space<vmem_shared>> -> memref<10240x16xf32, #tpu.memory_space<vmem_shared>>
      %dma_start3A_330 = tpu.memref_slice %arg11[%dma_start3A_319] : memref<8x!tpu.dma_semaphore, #tpu.memory_space<semaphore_mem>> -> memref<1x!tpu.dma_semaphore, #tpu.memory_space<semaphore_mem>>
      %dma_start3A_331 = tpu.memref_squeeze %dma_start3A_330 : memref<1x!tpu.dma_semaphore, #tpu.memory_space<semaphore_mem>> -> memref<!tpu.dma_semaphore, #tpu.memory_space<semaphore_mem>>
      tpu.enqueue_indirect_dma source(%dma_start3A_323 : memref<125x16xf32, #tpu.memory_space<vmem>>) target(%dma_start3A_329 : memref<10240x16xf32, #tpu.memory_space<vmem_shared>>) offsets(%dma_start3A_326 : memref<125xi32, #tpu.memory_space<vmem>>) semaphore(%dma_start3A_331 : memref<!tpu.dma_semaphore, #tpu.memory_space<semaphore_mem>>) {add = true}
      %add3A_332 = arith.constant 1 : i32
      %add3A_333 = arith.addi %mul3A_135, %add3A_332 : i32
      %dma_wait3A_334 = arith.constant 1 : i32
      %dma_wait3A_335 = arith.constant 1 : i32
      %dma_wait3A_336 = arith.constant 0 : i32
      %dma_wait3A_337 = arith.constant 0 : i32
      %dma_wait3A_338 = tpu.memref_slice %arg8[%dma_wait3A_334, %dma_wait3A_336, %dma_wait3A_337] : memref<8x125x16xf32, #tpu.memory_space<vmem>> -> memref<1x125x16xf32, #tpu.memory_space<vmem>>
      %dma_wait3A_339 = tpu.memref_squeeze %dma_wait3A_338 : memref<1x125x16xf32, #tpu.memory_space<vmem>> -> memref<125x16xf32, #tpu.memory_space<vmem>>
      %dma_wait3A_340 = arith.constant 0 : i32
      %dma_wait3A_341 = tpu.memref_slice %arg6[%add3A_333, %dma_wait3A_340] : memref<80x125xi32, #tpu.memory_space<vmem>> -> memref<1x125xi32, #tpu.memory_space<vmem>>
      %dma_wait3A_342 = tpu.memref_squeeze %dma_wait3A_341 : memref<1x125xi32, #tpu.memory_space<vmem>> -> memref<125xi32, #tpu.memory_space<vmem>>
      %dma_wait3A_343 = arith.constant 0 : i32
      %dma_wait3A_344 = arith.constant 0 : i32
      %dma_wait3A_345 = tpu.memref_slice %arg3[%dma_wait3A_343, %dma_wait3A_344] : memref<10000x16xf32, #tpu.memory_space<hbm>> -> memref<10000x16xf32, #tpu.memory_space<hbm>>
      %dma_wait3A_346 = tpu.memref_slice %arg10[%dma_wait3A_335] : memref<8x!tpu.dma_semaphore, #tpu.memory_space<semaphore_mem>> -> memref<1x!tpu.dma_semaphore, #tpu.memory_space<semaphore_mem>>
      %dma_wait3A_347 = tpu.memref_squeeze %dma_wait3A_346 : memref<1x!tpu.dma_semaphore, #tpu.memory_space<semaphore_mem>> -> memref<!tpu.dma_semaphore, #tpu.memory_space<semaphore_mem>>
      tpu.wait_indirect_dma semaphore(%dma_wait3A_347 : memref<!tpu.dma_semaphore, #tpu.memory_space<semaphore_mem>>) src(%dma_wait3A_345 : memref<10000x16xf32, #tpu.memory_space<hbm>>) dst(%dma_wait3A_339 : memref<125x16xf32, #tpu.memory_space<vmem>>)
      %add3A_348 = arith.constant 1 : i32
      %add3A_349 = arith.addi %mul3A_135, %add3A_348 : i32
      %dma_start3A_350 = arith.constant 1 : i32
      %dma_start3A_351 = arith.constant 1 : i32
      %dma_start3A_352 = arith.constant 0 : i32
      %dma_start3A_353 = arith.constant 0 : i32
      %dma_start3A_354 = tpu.memref_slice %arg8[%dma_start3A_350, %dma_start3A_352, %dma_start3A_353] : memref<8x125x16xf32, #tpu.memory_space<vmem>> -> memref<1x125x16xf32, #tpu.memory_space<vmem>>
      %dma_start3A_355 = tpu.memref_squeeze %dma_start3A_354 : memref<1x125x16xf32, #tpu.memory_space<vmem>> -> memref<125x16xf32, #tpu.memory_space<vmem>>
      %dma_start3A_356 = arith.constant 0 : i32
      %dma_start3A_357 = tpu.memref_slice %arg7[%add3A_349, %dma_start3A_356] : memref<80x125xi32, #tpu.memory_space<vmem>> -> memref<1x125xi32, #tpu.memory_space<vmem>>
      %dma_start3A_358 = tpu.memref_squeeze %dma_start3A_357 : memref<1x125xi32, #tpu.memory_space<vmem>> -> memref<125xi32, #tpu.memory_space<vmem>>
      %dma_start3A_359 = arith.constant 0 : i32
      %dma_start3A_360 = arith.constant 0 : i32
      %dma_start3A_361 = tpu.memref_slice %arg9[%dma_start3A_359, %dma_start3A_360] : memref<10240x16xf32, #tpu.memory_space<vmem_shared>> -> memref<10240x16xf32, #tpu.memory_space<vmem_shared>>
      %dma_start3A_362 = tpu.memref_slice %arg11[%dma_start3A_351] : memref<8x!tpu.dma_semaphore, #tpu.memory_space<semaphore_mem>> -> memref<1x!tpu.dma_semaphore, #tpu.memory_space<semaphore_mem>>
      %dma_start3A_363 = tpu.memref_squeeze %dma_start3A_362 : memref<1x!tpu.dma_semaphore, #tpu.memory_space<semaphore_mem>> -> memref<!tpu.dma_semaphore, #tpu.memory_space<semaphore_mem>>
      tpu.enqueue_indirect_dma source(%dma_start3A_355 : memref<125x16xf32, #tpu.memory_space<vmem>>) target(%dma_start3A_361 : memref<10240x16xf32, #tpu.memory_space<vmem_shared>>) offsets(%dma_start3A_358 : memref<125xi32, #tpu.memory_space<vmem>>) semaphore(%dma_start3A_363 : memref<!tpu.dma_semaphore, #tpu.memory_space<semaphore_mem>>) {add = true}
      %add3A_364 = arith.constant 2 : i32
      %add3A_365 = arith.addi %mul3A_135, %add3A_364 : i32
      %dma_wait3A_366 = arith.constant 2 : i32
      %dma_wait3A_367 = arith.constant 2 : i32
      %dma_wait3A_368 = arith.constant 0 : i32
      %dma_wait3A_369 = arith.constant 0 : i32
      %dma_wait3A_370 = tpu.memref_slice %arg8[%dma_wait3A_366, %dma_wait3A_368, %dma_wait3A_369] : memref<8x125x16xf32, #tpu.memory_space<vmem>> -> memref<1x125x16xf32, #tpu.memory_space<vmem>>
      %dma_wait3A_371 = tpu.memref_squeeze %dma_wait3A_370 : memref<1x125x16xf32, #tpu.memory_space<vmem>> -> memref<125x16xf32, #tpu.memory_space<vmem>>
      %dma_wait3A_372 = arith.constant 0 : i32
      %dma_wait3A_373 = tpu.memref_slice %arg6[%add3A_365, %dma_wait3A_372] : memref<80x125xi32, #tpu.memory_space<vmem>> -> memref<1x125xi32, #tpu.memory_space<vmem>>
      %dma_wait3A_374 = tpu.memref_squeeze %dma_wait3A_373 : memref<1x125xi32, #tpu.memory_space<vmem>> -> memref<125xi32, #tpu.memory_space<vmem>>
      %dma_wait3A_375 = arith.constant 0 : i32
      %dma_wait3A_376 = arith.constant 0 : i32
      %dma_wait3A_377 = tpu.memref_slice %arg3[%dma_wait3A_375, %dma_wait3A_376] : memref<10000x16xf32, #tpu.memory_space<hbm>> -> memref<10000x16xf32, #tpu.memory_space<hbm>>
      %dma_wait3A_378 = tpu.memref_slice %arg10[%dma_wait3A_367] : memref<8x!tpu.dma_semaphore, #tpu.memory_space<semaphore_mem>> -> memref<1x!tpu.dma_semaphore, #tpu.memory_space<semaphore_mem>>
      %dma_wait3A_379 = tpu.memref_squeeze %dma_wait3A_378 : memref<1x!tpu.dma_semaphore, #tpu.memory_space<semaphore_mem>> -> memref<!tpu.dma_semaphore, #tpu.memory_space<semaphore_mem>>
      tpu.wait_indirect_dma semaphore(%dma_wait3A_379 : memref<!tpu.dma_semaphore, #tpu.memory_space<semaphore_mem>>) src(%dma_wait3A_377 : memref<10000x16xf32, #tpu.memory_space<hbm>>) dst(%dma_wait3A_371 : memref<125x16xf32, #tpu.memory_space<vmem>>)
      %add3A_380 = arith.constant 2 : i32
      %add3A_381 = arith.addi %mul3A_135, %add3A_380 : i32
      %dma_start3A_382 = arith.constant 2 : i32
      %dma_start3A_383 = arith.constant 2 : i32
      %dma_start3A_384 = arith.constant 0 : i32
      %dma_start3A_385 = arith.constant 0 : i32
      %dma_start3A_386 = tpu.memref_slice %arg8[%dma_start3A_382, %dma_start3A_384, %dma_start3A_385] : memref<8x125x16xf32, #tpu.memory_space<vmem>> -> memref<1x125x16xf32, #tpu.memory_space<vmem>>
      %dma_start3A_387 = tpu.memref_squeeze %dma_start3A_386 : memref<1x125x16xf32, #tpu.memory_space<vmem>> -> memref<125x16xf32, #tpu.memory_space<vmem>>
      %dma_start3A_388 = arith.constant 0 : i32
      %dma_start3A_389 = tpu.memref_slice %arg7[%add3A_381, %dma_start3A_388] : memref<80x125xi32, #tpu.memory_space<vmem>> -> memref<1x125xi32, #tpu.memory_space<vmem>>
      %dma_start3A_390 = tpu.memref_squeeze %dma_start3A_389 : memref<1x125xi32, #tpu.memory_space<vmem>> -> memref<125xi32, #tpu.memory_space<vmem>>
      %dma_start3A_391 = arith.constant 0 : i32
      %dma_start3A_392 = arith.constant 0 : i32
      %dma_start3A_393 = tpu.memref_slice %arg9[%dma_start3A_391, %dma_start3A_392] : memref<10240x16xf32, #tpu.memory_space<vmem_shared>> -> memref<10240x16xf32, #tpu.memory_space<vmem_shared>>
      %dma_start3A_394 = tpu.memref_slice %arg11[%dma_start3A_383] : memref<8x!tpu.dma_semaphore, #tpu.memory_space<semaphore_mem>> -> memref<1x!tpu.dma_semaphore, #tpu.memory_space<semaphore_mem>>
      %dma_start3A_395 = tpu.memref_squeeze %dma_start3A_394 : memref<1x!tpu.dma_semaphore, #tpu.memory_space<semaphore_mem>> -> memref<!tpu.dma_semaphore, #tpu.memory_space<semaphore_mem>>
      tpu.enqueue_indirect_dma source(%dma_start3A_387 : memref<125x16xf32, #tpu.memory_space<vmem>>) target(%dma_start3A_393 : memref<10240x16xf32, #tpu.memory_space<vmem_shared>>) offsets(%dma_start3A_390 : memref<125xi32, #tpu.memory_space<vmem>>) semaphore(%dma_start3A_395 : memref<!tpu.dma_semaphore, #tpu.memory_space<semaphore_mem>>) {add = true}
      %add3A_396 = arith.constant 3 : i32
      %add3A_397 = arith.addi %mul3A_135, %add3A_396 : i32
      %dma_wait3A_398 = arith.constant 3 : i32
      %dma_wait3A_399 = arith.constant 3 : i32
      %dma_wait3A_400 = arith.constant 0 : i32
      %dma_wait3A_401 = arith.constant 0 : i32
      %dma_wait3A_402 = tpu.memref_slice %arg8[%dma_wait3A_398, %dma_wait3A_400, %dma_wait3A_401] : memref<8x125x16xf32, #tpu.memory_space<vmem>> -> memref<1x125x16xf32, #tpu.memory_space<vmem>>
      %dma_wait3A_403 = tpu.memref_squeeze %dma_wait3A_402 : memref<1x125x16xf32, #tpu.memory_space<vmem>> -> memref<125x16xf32, #tpu.memory_space<vmem>>
      %dma_wait3A_404 = arith.constant 0 : i32
      %dma_wait3A_405 = tpu.memref_slice %arg6[%add3A_397, %dma_wait3A_404] : memref<80x125xi32, #tpu.memory_space<vmem>> -> memref<1x125xi32, #tpu.memory_space<vmem>>
      %dma_wait3A_406 = tpu.memref_squeeze %dma_wait3A_405 : memref<1x125xi32, #tpu.memory_space<vmem>> -> memref<125xi32, #tpu.memory_space<vmem>>
      %dma_wait3A_407 = arith.constant 0 : i32
      %dma_wait3A_408 = arith.constant 0 : i32
      %dma_wait3A_409 = tpu.memref_slice %arg3[%dma_wait3A_407, %dma_wait3A_408] : memref<10000x16xf32, #tpu.memory_space<hbm>> -> memref<10000x16xf32, #tpu.memory_space<hbm>>
      %dma_wait3A_410 = tpu.memref_slice %arg10[%dma_wait3A_399] : memref<8x!tpu.dma_semaphore, #tpu.memory_space<semaphore_mem>> -> memref<1x!tpu.dma_semaphore, #tpu.memory_space<semaphore_mem>>
      %dma_wait3A_411 = tpu.memref_squeeze %dma_wait3A_410 : memref<1x!tpu.dma_semaphore, #tpu.memory_space<semaphore_mem>> -> memref<!tpu.dma_semaphore, #tpu.memory_space<semaphore_mem>>
      tpu.wait_indirect_dma semaphore(%dma_wait3A_411 : memref<!tpu.dma_semaphore, #tpu.memory_space<semaphore_mem>>) src(%dma_wait3A_409 : memref<10000x16xf32, #tpu.memory_space<hbm>>) dst(%dma_wait3A_403 : memref<125x16xf32, #tpu.memory_space<vmem>>)
      %add3A_412 = arith.constant 3 : i32
      %add3A_413 = arith.addi %mul3A_135, %add3A_412 : i32
      %dma_start3A_414 = arith.constant 3 : i32
      %dma_start3A_415 = arith.constant 3 : i32
      %dma_start3A_416 = arith.constant 0 : i32
      %dma_start3A_417 = arith.constant 0 : i32
      %dma_start3A_418 = tpu.memref_slice %arg8[%dma_start3A_414, %dma_start3A_416, %dma_start3A_417] : memref<8x125x16xf32, #tpu.memory_space<vmem>> -> memref<1x125x16xf32, #tpu.memory_space<vmem>>
      %dma_start3A_419 = tpu.memref_squeeze %dma_start3A_418 : memref<1x125x16xf32, #tpu.memory_space<vmem>> -> memref<125x16xf32, #tpu.memory_space<vmem>>
      %dma_start3A_420 = arith.constant 0 : i32
      %dma_start3A_421 = tpu.memref_slice %arg7[%add3A_413, %dma_start3A_420] : memref<80x125xi32, #tpu.memory_space<vmem>> -> memref<1x125xi32, #tpu.memory_space<vmem>>
      %dma_start3A_422 = tpu.memref_squeeze %dma_start3A_421 : memref<1x125xi32, #tpu.memory_space<vmem>> -> memref<125xi32, #tpu.memory_space<vmem>>
      %dma_start3A_423 = arith.constant 0 : i32
      %dma_start3A_424 = arith.constant 0 : i32
      %dma_start3A_425 = tpu.memref_slice %arg9[%dma_start3A_423, %dma_start3A_424] : memref<10240x16xf32, #tpu.memory_space<vmem_shared>> -> memref<10240x16xf32, #tpu.memory_space<vmem_shared>>
      %dma_start3A_426 = tpu.memref_slice %arg11[%dma_start3A_415] : memref<8x!tpu.dma_semaphore, #tpu.memory_space<semaphore_mem>> -> memref<1x!tpu.dma_semaphore, #tpu.memory_space<semaphore_mem>>
      %dma_start3A_427 = tpu.memref_squeeze %dma_start3A_426 : memref<1x!tpu.dma_semaphore, #tpu.memory_space<semaphore_mem>> -> memref<!tpu.dma_semaphore, #tpu.memory_space<semaphore_mem>>
      tpu.enqueue_indirect_dma source(%dma_start3A_419 : memref<125x16xf32, #tpu.memory_space<vmem>>) target(%dma_start3A_425 : memref<10240x16xf32, #tpu.memory_space<vmem_shared>>) offsets(%dma_start3A_422 : memref<125xi32, #tpu.memory_space<vmem>>) semaphore(%dma_start3A_427 : memref<!tpu.dma_semaphore, #tpu.memory_space<semaphore_mem>>) {add = true}
      %add3A_428 = arith.constant 4 : i32
      %add3A_429 = arith.addi %mul3A_135, %add3A_428 : i32
      %dma_wait3A_430 = arith.constant 4 : i32
      %dma_wait3A_431 = arith.constant 4 : i32
      %dma_wait3A_432 = arith.constant 0 : i32
      %dma_wait3A_433 = arith.constant 0 : i32
      %dma_wait3A_434 = tpu.memref_slice %arg8[%dma_wait3A_430, %dma_wait3A_432, %dma_wait3A_433] : memref<8x125x16xf32, #tpu.memory_space<vmem>> -> memref<1x125x16xf32, #tpu.memory_space<vmem>>
      %dma_wait3A_435 = tpu.memref_squeeze %dma_wait3A_434 : memref<1x125x16xf32, #tpu.memory_space<vmem>> -> memref<125x16xf32, #tpu.memory_space<vmem>>
      %dma_wait3A_436 = arith.constant 0 : i32
      %dma_wait3A_437 = tpu.memref_slice %arg6[%add3A_429, %dma_wait3A_436] : memref<80x125xi32, #tpu.memory_space<vmem>> -> memref<1x125xi32, #tpu.memory_space<vmem>>
      %dma_wait3A_438 = tpu.memref_squeeze %dma_wait3A_437 : memref<1x125xi32, #tpu.memory_space<vmem>> -> memref<125xi32, #tpu.memory_space<vmem>>
      %dma_wait3A_439 = arith.constant 0 : i32
      %dma_wait3A_440 = arith.constant 0 : i32
      %dma_wait3A_441 = tpu.memref_slice %arg3[%dma_wait3A_439, %dma_wait3A_440] : memref<10000x16xf32, #tpu.memory_space<hbm>> -> memref<10000x16xf32, #tpu.memory_space<hbm>>
      %dma_wait3A_442 = tpu.memref_slice %arg10[%dma_wait3A_431] : memref<8x!tpu.dma_semaphore, #tpu.memory_space<semaphore_mem>> -> memref<1x!tpu.dma_semaphore, #tpu.memory_space<semaphore_mem>>
      %dma_wait3A_443 = tpu.memref_squeeze %dma_wait3A_442 : memref<1x!tpu.dma_semaphore, #tpu.memory_space<semaphore_mem>> -> memref<!tpu.dma_semaphore, #tpu.memory_space<semaphore_mem>>
      tpu.wait_indirect_dma semaphore(%dma_wait3A_443 : memref<!tpu.dma_semaphore, #tpu.memory_space<semaphore_mem>>) src(%dma_wait3A_441 : memref<10000x16xf32, #tpu.memory_space<hbm>>) dst(%dma_wait3A_435 : memref<125x16xf32, #tpu.memory_space<vmem>>)
      %add3A_444 = arith.constant 4 : i32
      %add3A_445 = arith.addi %mul3A_135, %add3A_444 : i32
      %dma_start3A_446 = arith.constant 4 : i32
      %dma_start3A_447 = arith.constant 4 : i32
      %dma_start3A_448 = arith.constant 0 : i32
      %dma_start3A_449 = arith.constant 0 : i32
      %dma_start3A_450 = tpu.memref_slice %arg8[%dma_start3A_446, %dma_start3A_448, %dma_start3A_449] : memref<8x125x16xf32, #tpu.memory_space<vmem>> -> memref<1x125x16xf32, #tpu.memory_space<vmem>>
      %dma_start3A_451 = tpu.memref_squeeze %dma_start3A_450 : memref<1x125x16xf32, #tpu.memory_space<vmem>> -> memref<125x16xf32, #tpu.memory_space<vmem>>
      %dma_start3A_452 = arith.constant 0 : i32
      %dma_start3A_453 = tpu.memref_slice %arg7[%add3A_445, %dma_start3A_452] : memref<80x125xi32, #tpu.memory_space<vmem>> -> memref<1x125xi32, #tpu.memory_space<vmem>>
      %dma_start3A_454 = tpu.memref_squeeze %dma_start3A_453 : memref<1x125xi32, #tpu.memory_space<vmem>> -> memref<125xi32, #tpu.memory_space<vmem>>
      %dma_start3A_455 = arith.constant 0 : i32
      %dma_start3A_456 = arith.constant 0 : i32
      %dma_start3A_457 = tpu.memref_slice %arg9[%dma_start3A_455, %dma_start3A_456] : memref<10240x16xf32, #tpu.memory_space<vmem_shared>> -> memref<10240x16xf32, #tpu.memory_space<vmem_shared>>
      %dma_start3A_458 = tpu.memref_slice %arg11[%dma_start3A_447] : memref<8x!tpu.dma_semaphore, #tpu.memory_space<semaphore_mem>> -> memref<1x!tpu.dma_semaphore, #tpu.memory_space<semaphore_mem>>
      %dma_start3A_459 = tpu.memref_squeeze %dma_start3A_458 : memref<1x!tpu.dma_semaphore, #tpu.memory_space<semaphore_mem>> -> memref<!tpu.dma_semaphore, #tpu.memory_space<semaphore_mem>>
      tpu.enqueue_indirect_dma source(%dma_start3A_451 : memref<125x16xf32, #tpu.memory_space<vmem>>) target(%dma_start3A_457 : memref<10240x16xf32, #tpu.memory_space<vmem_shared>>) offsets(%dma_start3A_454 : memref<125xi32, #tpu.memory_space<vmem>>) semaphore(%dma_start3A_459 : memref<!tpu.dma_semaphore, #tpu.memory_space<semaphore_mem>>) {add = true}
      %add3A_460 = arith.constant 5 : i32
      %add3A_461 = arith.addi %mul3A_135, %add3A_460 : i32
      %dma_wait3A_462 = arith.constant 5 : i32
      %dma_wait3A_463 = arith.constant 5 : i32
      %dma_wait3A_464 = arith.constant 0 : i32
      %dma_wait3A_465 = arith.constant 0 : i32
      %dma_wait3A_466 = tpu.memref_slice %arg8[%dma_wait3A_462, %dma_wait3A_464, %dma_wait3A_465] : memref<8x125x16xf32, #tpu.memory_space<vmem>> -> memref<1x125x16xf32, #tpu.memory_space<vmem>>
      %dma_wait3A_467 = tpu.memref_squeeze %dma_wait3A_466 : memref<1x125x16xf32, #tpu.memory_space<vmem>> -> memref<125x16xf32, #tpu.memory_space<vmem>>
      %dma_wait3A_468 = arith.constant 0 : i32
      %dma_wait3A_469 = tpu.memref_slice %arg6[%add3A_461, %dma_wait3A_468] : memref<80x125xi32, #tpu.memory_space<vmem>> -> memref<1x125xi32, #tpu.memory_space<vmem>>
      %dma_wait3A_470 = tpu.memref_squeeze %dma_wait3A_469 : memref<1x125xi32, #tpu.memory_space<vmem>> -> memref<125xi32, #tpu.memory_space<vmem>>
      %dma_wait3A_471 = arith.constant 0 : i32
      %dma_wait3A_472 = arith.constant 0 : i32
      %dma_wait3A_473 = tpu.memref_slice %arg3[%dma_wait3A_471, %dma_wait3A_472] : memref<10000x16xf32, #tpu.memory_space<hbm>> -> memref<10000x16xf32, #tpu.memory_space<hbm>>
      %dma_wait3A_474 = tpu.memref_slice %arg10[%dma_wait3A_463] : memref<8x!tpu.dma_semaphore, #tpu.memory_space<semaphore_mem>> -> memref<1x!tpu.dma_semaphore, #tpu.memory_space<semaphore_mem>>
      %dma_wait3A_475 = tpu.memref_squeeze %dma_wait3A_474 : memref<1x!tpu.dma_semaphore, #tpu.memory_space<semaphore_mem>> -> memref<!tpu.dma_semaphore, #tpu.memory_space<semaphore_mem>>
      tpu.wait_indirect_dma semaphore(%dma_wait3A_475 : memref<!tpu.dma_semaphore, #tpu.memory_space<semaphore_mem>>) src(%dma_wait3A_473 : memref<10000x16xf32, #tpu.memory_space<hbm>>) dst(%dma_wait3A_467 : memref<125x16xf32, #tpu.memory_space<vmem>>)
      %add3A_476 = arith.constant 5 : i32
      %add3A_477 = arith.addi %mul3A_135, %add3A_476 : i32
      %dma_start3A_478 = arith.constant 5 : i32
      %dma_start3A_479 = arith.constant 5 : i32
      %dma_start3A_480 = arith.constant 0 : i32
      %dma_start3A_481 = arith.constant 0 : i32
      %dma_start3A_482 = tpu.memref_slice %arg8[%dma_start3A_478, %dma_start3A_480, %dma_start3A_481] : memref<8x125x16xf32, #tpu.memory_space<vmem>> -> memref<1x125x16xf32, #tpu.memory_space<vmem>>
      %dma_start3A_483 = tpu.memref_squeeze %dma_start3A_482 : memref<1x125x16xf32, #tpu.memory_space<vmem>> -> memref<125x16xf32, #tpu.memory_space<vmem>>
      %dma_start3A_484 = arith.constant 0 : i32
      %dma_start3A_485 = tpu.memref_slice %arg7[%add3A_477, %dma_start3A_484] : memref<80x125xi32, #tpu.memory_space<vmem>> -> memref<1x125xi32, #tpu.memory_space<vmem>>
      %dma_start3A_486 = tpu.memref_squeeze %dma_start3A_485 : memref<1x125xi32, #tpu.memory_space<vmem>> -> memref<125xi32, #tpu.memory_space<vmem>>
      %dma_start3A_487 = arith.constant 0 : i32
      %dma_start3A_488 = arith.constant 0 : i32
      %dma_start3A_489 = tpu.memref_slice %arg9[%dma_start3A_487, %dma_start3A_488] : memref<10240x16xf32, #tpu.memory_space<vmem_shared>> -> memref<10240x16xf32, #tpu.memory_space<vmem_shared>>
      %dma_start3A_490 = tpu.memref_slice %arg11[%dma_start3A_479] : memref<8x!tpu.dma_semaphore, #tpu.memory_space<semaphore_mem>> -> memref<1x!tpu.dma_semaphore, #tpu.memory_space<semaphore_mem>>
      %dma_start3A_491 = tpu.memref_squeeze %dma_start3A_490 : memref<1x!tpu.dma_semaphore, #tpu.memory_space<semaphore_mem>> -> memref<!tpu.dma_semaphore, #tpu.memory_space<semaphore_mem>>
      tpu.enqueue_indirect_dma source(%dma_start3A_483 : memref<125x16xf32, #tpu.memory_space<vmem>>) target(%dma_start3A_489 : memref<10240x16xf32, #tpu.memory_space<vmem_shared>>) offsets(%dma_start3A_486 : memref<125xi32, #tpu.memory_space<vmem>>) semaphore(%dma_start3A_491 : memref<!tpu.dma_semaphore, #tpu.memory_space<semaphore_mem>>) {add = true}
      %add3A_492 = arith.constant 6 : i32
      %add3A_493 = arith.addi %mul3A_135, %add3A_492 : i32
      %dma_wait3A_494 = arith.constant 6 : i32
      %dma_wait3A_495 = arith.constant 6 : i32
      %dma_wait3A_496 = arith.constant 0 : i32
      %dma_wait3A_497 = arith.constant 0 : i32
      %dma_wait3A_498 = tpu.memref_slice %arg8[%dma_wait3A_494, %dma_wait3A_496, %dma_wait3A_497] : memref<8x125x16xf32, #tpu.memory_space<vmem>> -> memref<1x125x16xf32, #tpu.memory_space<vmem>>
      %dma_wait3A_499 = tpu.memref_squeeze %dma_wait3A_498 : memref<1x125x16xf32, #tpu.memory_space<vmem>> -> memref<125x16xf32, #tpu.memory_space<vmem>>
      %dma_wait3A_500 = arith.constant 0 : i32
      %dma_wait3A_501 = tpu.memref_slice %arg6[%add3A_493, %dma_wait3A_500] : memref<80x125xi32, #tpu.memory_space<vmem>> -> memref<1x125xi32, #tpu.memory_space<vmem>>
      %dma_wait3A_502 = tpu.memref_squeeze %dma_wait3A_501 : memref<1x125xi32, #tpu.memory_space<vmem>> -> memref<125xi32, #tpu.memory_space<vmem>>
      %dma_wait3A_503 = arith.constant 0 : i32
      %dma_wait3A_504 = arith.constant 0 : i32
      %dma_wait3A_505 = tpu.memref_slice %arg3[%dma_wait3A_503, %dma_wait3A_504] : memref<10000x16xf32, #tpu.memory_space<hbm>> -> memref<10000x16xf32, #tpu.memory_space<hbm>>
      %dma_wait3A_506 = tpu.memref_slice %arg10[%dma_wait3A_495] : memref<8x!tpu.dma_semaphore, #tpu.memory_space<semaphore_mem>> -> memref<1x!tpu.dma_semaphore, #tpu.memory_space<semaphore_mem>>
      %dma_wait3A_507 = tpu.memref_squeeze %dma_wait3A_506 : memref<1x!tpu.dma_semaphore, #tpu.memory_space<semaphore_mem>> -> memref<!tpu.dma_semaphore, #tpu.memory_space<semaphore_mem>>
      tpu.wait_indirect_dma semaphore(%dma_wait3A_507 : memref<!tpu.dma_semaphore, #tpu.memory_space<semaphore_mem>>) src(%dma_wait3A_505 : memref<10000x16xf32, #tpu.memory_space<hbm>>) dst(%dma_wait3A_499 : memref<125x16xf32, #tpu.memory_space<vmem>>)
      %add3A_508 = arith.constant 6 : i32
      %add3A_509 = arith.addi %mul3A_135, %add3A_508 : i32
      %dma_start3A_510 = arith.constant 6 : i32
      %dma_start3A_511 = arith.constant 6 : i32
      %dma_start3A_512 = arith.constant 0 : i32
      %dma_start3A_513 = arith.constant 0 : i32
      %dma_start3A_514 = tpu.memref_slice %arg8[%dma_start3A_510, %dma_start3A_512, %dma_start3A_513] : memref<8x125x16xf32, #tpu.memory_space<vmem>> -> memref<1x125x16xf32, #tpu.memory_space<vmem>>
      %dma_start3A_515 = tpu.memref_squeeze %dma_start3A_514 : memref<1x125x16xf32, #tpu.memory_space<vmem>> -> memref<125x16xf32, #tpu.memory_space<vmem>>
      %dma_start3A_516 = arith.constant 0 : i32
      %dma_start3A_517 = tpu.memref_slice %arg7[%add3A_509, %dma_start3A_516] : memref<80x125xi32, #tpu.memory_space<vmem>> -> memref<1x125xi32, #tpu.memory_space<vmem>>
      %dma_start3A_518 = tpu.memref_squeeze %dma_start3A_517 : memref<1x125xi32, #tpu.memory_space<vmem>> -> memref<125xi32, #tpu.memory_space<vmem>>
      %dma_start3A_519 = arith.constant 0 : i32
      %dma_start3A_520 = arith.constant 0 : i32
      %dma_start3A_521 = tpu.memref_slice %arg9[%dma_start3A_519, %dma_start3A_520] : memref<10240x16xf32, #tpu.memory_space<vmem_shared>> -> memref<10240x16xf32, #tpu.memory_space<vmem_shared>>
      %dma_start3A_522 = tpu.memref_slice %arg11[%dma_start3A_511] : memref<8x!tpu.dma_semaphore, #tpu.memory_space<semaphore_mem>> -> memref<1x!tpu.dma_semaphore, #tpu.memory_space<semaphore_mem>>
      %dma_start3A_523 = tpu.memref_squeeze %dma_start3A_522 : memref<1x!tpu.dma_semaphore, #tpu.memory_space<semaphore_mem>> -> memref<!tpu.dma_semaphore, #tpu.memory_space<semaphore_mem>>
      tpu.enqueue_indirect_dma source(%dma_start3A_515 : memref<125x16xf32, #tpu.memory_space<vmem>>) target(%dma_start3A_521 : memref<10240x16xf32, #tpu.memory_space<vmem_shared>>) offsets(%dma_start3A_518 : memref<125xi32, #tpu.memory_space<vmem>>) semaphore(%dma_start3A_523 : memref<!tpu.dma_semaphore, #tpu.memory_space<semaphore_mem>>) {add = true}
      %add3A_524 = arith.constant 7 : i32
      %add3A_525 = arith.addi %mul3A_135, %add3A_524 : i32
      %dma_wait3A_526 = arith.constant 7 : i32
      %dma_wait3A_527 = arith.constant 7 : i32
      %dma_wait3A_528 = arith.constant 0 : i32
      %dma_wait3A_529 = arith.constant 0 : i32
      %dma_wait3A_530 = tpu.memref_slice %arg8[%dma_wait3A_526, %dma_wait3A_528, %dma_wait3A_529] : memref<8x125x16xf32, #tpu.memory_space<vmem>> -> memref<1x125x16xf32, #tpu.memory_space<vmem>>
      %dma_wait3A_531 = tpu.memref_squeeze %dma_wait3A_530 : memref<1x125x16xf32, #tpu.memory_space<vmem>> -> memref<125x16xf32, #tpu.memory_space<vmem>>
      %dma_wait3A_532 = arith.constant 0 : i32
      %dma_wait3A_533 = tpu.memref_slice %arg6[%add3A_525, %dma_wait3A_532] : memref<80x125xi32, #tpu.memory_space<vmem>> -> memref<1x125xi32, #tpu.memory_space<vmem>>
      %dma_wait3A_534 = tpu.memref_squeeze %dma_wait3A_533 : memref<1x125xi32, #tpu.memory_space<vmem>> -> memref<125xi32, #tpu.memory_space<vmem>>
      %dma_wait3A_535 = arith.constant 0 : i32
      %dma_wait3A_536 = arith.constant 0 : i32
      %dma_wait3A_537 = tpu.memref_slice %arg3[%dma_wait3A_535, %dma_wait3A_536] : memref<10000x16xf32, #tpu.memory_space<hbm>> -> memref<10000x16xf32, #tpu.memory_space<hbm>>
      %dma_wait3A_538 = tpu.memref_slice %arg10[%dma_wait3A_527] : memref<8x!tpu.dma_semaphore, #tpu.memory_space<semaphore_mem>> -> memref<1x!tpu.dma_semaphore, #tpu.memory_space<semaphore_mem>>
      %dma_wait3A_539 = tpu.memref_squeeze %dma_wait3A_538 : memref<1x!tpu.dma_semaphore, #tpu.memory_space<semaphore_mem>> -> memref<!tpu.dma_semaphore, #tpu.memory_space<semaphore_mem>>
      tpu.wait_indirect_dma semaphore(%dma_wait3A_539 : memref<!tpu.dma_semaphore, #tpu.memory_space<semaphore_mem>>) src(%dma_wait3A_537 : memref<10000x16xf32, #tpu.memory_space<hbm>>) dst(%dma_wait3A_531 : memref<125x16xf32, #tpu.memory_space<vmem>>)
      %add3A_540 = arith.constant 7 : i32
      %add3A_541 = arith.addi %mul3A_135, %add3A_540 : i32
      %dma_start3A_542 = arith.constant 7 : i32
      %dma_start3A_543 = arith.constant 7 : i32
      %dma_start3A_544 = arith.constant 0 : i32
      %dma_start3A_545 = arith.constant 0 : i32
      %dma_start3A_546 = tpu.memref_slice %arg8[%dma_start3A_542, %dma_start3A_544, %dma_start3A_545] : memref<8x125x16xf32, #tpu.memory_space<vmem>> -> memref<1x125x16xf32, #tpu.memory_space<vmem>>
      %dma_start3A_547 = tpu.memref_squeeze %dma_start3A_546 : memref<1x125x16xf32, #tpu.memory_space<vmem>> -> memref<125x16xf32, #tpu.memory_space<vmem>>
      %dma_start3A_548 = arith.constant 0 : i32
      %dma_start3A_549 = tpu.memref_slice %arg7[%add3A_541, %dma_start3A_548] : memref<80x125xi32, #tpu.memory_space<vmem>> -> memref<1x125xi32, #tpu.memory_space<vmem>>
      %dma_start3A_550 = tpu.memref_squeeze %dma_start3A_549 : memref<1x125xi32, #tpu.memory_space<vmem>> -> memref<125xi32, #tpu.memory_space<vmem>>
      %dma_start3A_551 = arith.constant 0 : i32
      %dma_start3A_552 = arith.constant 0 : i32
      %dma_start3A_553 = tpu.memref_slice %arg9[%dma_start3A_551, %dma_start3A_552] : memref<10240x16xf32, #tpu.memory_space<vmem_shared>> -> memref<10240x16xf32, #tpu.memory_space<vmem_shared>>
      %dma_start3A_554 = tpu.memref_slice %arg11[%dma_start3A_543] : memref<8x!tpu.dma_semaphore, #tpu.memory_space<semaphore_mem>> -> memref<1x!tpu.dma_semaphore, #tpu.memory_space<semaphore_mem>>
      %dma_start3A_555 = tpu.memref_squeeze %dma_start3A_554 : memref<1x!tpu.dma_semaphore, #tpu.memory_space<semaphore_mem>> -> memref<!tpu.dma_semaphore, #tpu.memory_space<semaphore_mem>>
      tpu.enqueue_indirect_dma source(%dma_start3A_547 : memref<125x16xf32, #tpu.memory_space<vmem>>) target(%dma_start3A_553 : memref<10240x16xf32, #tpu.memory_space<vmem_shared>>) offsets(%dma_start3A_550 : memref<125xi32, #tpu.memory_space<vmem>>) semaphore(%dma_start3A_555 : memref<!tpu.dma_semaphore, #tpu.memory_space<semaphore_mem>>) {add = true}
    }
    %scan3A_8 = arith.constant 10 : i32
    %dma_wait3A = arith.constant 0 : i32
    %dma_wait3A_9 = arith.constant 72 : i32
    %dma_wait3A_10 = arith.constant 0 : i32
    %dma_wait3A_11 = arith.constant 0 : i32
    %dma_wait3A_12 = arith.constant 0 : i32
    %dma_wait3A_13 = tpu.memref_slice %arg8[%dma_wait3A, %dma_wait3A_11, %dma_wait3A_12] : memref<8x125x16xf32, #tpu.memory_space<vmem>> -> memref<1x125x16xf32, #tpu.memory_space<vmem>>
    %dma_wait3A_14 = tpu.memref_squeeze %dma_wait3A_13 : memref<1x125x16xf32, #tpu.memory_space<vmem>> -> memref<125x16xf32, #tpu.memory_space<vmem>>
    %dma_wait3A_15 = arith.constant 0 : i32
    %dma_wait3A_16 = tpu.memref_slice %arg7[%dma_wait3A_9, %dma_wait3A_15] : memref<80x125xi32, #tpu.memory_space<vmem>> -> memref<1x125xi32, #tpu.memory_space<vmem>>
    %dma_wait3A_17 = tpu.memref_squeeze %dma_wait3A_16 : memref<1x125xi32, #tpu.memory_space<vmem>> -> memref<125xi32, #tpu.memory_space<vmem>>
    %dma_wait3A_18 = arith.constant 0 : i32
    %dma_wait3A_19 = arith.constant 0 : i32
    %dma_wait3A_20 = tpu.memref_slice %arg9[%dma_wait3A_18, %dma_wait3A_19] : memref<10240x16xf32, #tpu.memory_space<vmem_shared>> -> memref<10240x16xf32, #tpu.memory_space<vmem_shared>>
    %dma_wait3A_21 = tpu.memref_slice %arg11[%dma_wait3A_10] : memref<8x!tpu.dma_semaphore, #tpu.memory_space<semaphore_mem>> -> memref<1x!tpu.dma_semaphore, #tpu.memory_space<semaphore_mem>>
    %dma_wait3A_22 = tpu.memref_squeeze %dma_wait3A_21 : memref<1x!tpu.dma_semaphore, #tpu.memory_space<semaphore_mem>> -> memref<!tpu.dma_semaphore, #tpu.memory_space<semaphore_mem>>
    tpu.wait_indirect_dma semaphore(%dma_wait3A_22 : memref<!tpu.dma_semaphore, #tpu.memory_space<semaphore_mem>>) src(%dma_wait3A_14 : memref<125x16xf32, #tpu.memory_space<vmem>>) dst(%dma_wait3A_20 : memref<10240x16xf32, #tpu.memory_space<vmem_shared>>)
    %dma_wait3A_23 = arith.constant 1 : i32
    %dma_wait3A_24 = arith.constant 73 : i32
    %dma_wait3A_25 = arith.constant 1 : i32
    %dma_wait3A_26 = arith.constant 0 : i32
    %dma_wait3A_27 = arith.constant 0 : i32
    %dma_wait3A_28 = tpu.memref_slice %arg8[%dma_wait3A_23, %dma_wait3A_26, %dma_wait3A_27] : memref<8x125x16xf32, #tpu.memory_space<vmem>> -> memref<1x125x16xf32, #tpu.memory_space<vmem>>
    %dma_wait3A_29 = tpu.memref_squeeze %dma_wait3A_28 : memref<1x125x16xf32, #tpu.memory_space<vmem>> -> memref<125x16xf32, #tpu.memory_space<vmem>>
    %dma_wait3A_30 = arith.constant 0 : i32
    %dma_wait3A_31 = tpu.memref_slice %arg7[%dma_wait3A_24, %dma_wait3A_30] : memref<80x125xi32, #tpu.memory_space<vmem>> -> memref<1x125xi32, #tpu.memory_space<vmem>>
    %dma_wait3A_32 = tpu.memref_squeeze %dma_wait3A_31 : memref<1x125xi32, #tpu.memory_space<vmem>> -> memref<125xi32, #tpu.memory_space<vmem>>
    %dma_wait3A_33 = arith.constant 0 : i32
    %dma_wait3A_34 = arith.constant 0 : i32
    %dma_wait3A_35 = tpu.memref_slice %arg9[%dma_wait3A_33, %dma_wait3A_34] : memref<10240x16xf32, #tpu.memory_space<vmem_shared>> -> memref<10240x16xf32, #tpu.memory_space<vmem_shared>>
    %dma_wait3A_36 = tpu.memref_slice %arg11[%dma_wait3A_25] : memref<8x!tpu.dma_semaphore, #tpu.memory_space<semaphore_mem>> -> memref<1x!tpu.dma_semaphore, #tpu.memory_space<semaphore_mem>>
    %dma_wait3A_37 = tpu.memref_squeeze %dma_wait3A_36 : memref<1x!tpu.dma_semaphore, #tpu.memory_space<semaphore_mem>> -> memref<!tpu.dma_semaphore, #tpu.memory_space<semaphore_mem>>
    tpu.wait_indirect_dma semaphore(%dma_wait3A_37 : memref<!tpu.dma_semaphore, #tpu.memory_space<semaphore_mem>>) src(%dma_wait3A_29 : memref<125x16xf32, #tpu.memory_space<vmem>>) dst(%dma_wait3A_35 : memref<10240x16xf32, #tpu.memory_space<vmem_shared>>)
    %dma_wait3A_38 = arith.constant 2 : i32
    %dma_wait3A_39 = arith.constant 74 : i32
    %dma_wait3A_40 = arith.constant 2 : i32
    %dma_wait3A_41 = arith.constant 0 : i32
    %dma_wait3A_42 = arith.constant 0 : i32
    %dma_wait3A_43 = tpu.memref_slice %arg8[%dma_wait3A_38, %dma_wait3A_41, %dma_wait3A_42] : memref<8x125x16xf32, #tpu.memory_space<vmem>> -> memref<1x125x16xf32, #tpu.memory_space<vmem>>
    %dma_wait3A_44 = tpu.memref_squeeze %dma_wait3A_43 : memref<1x125x16xf32, #tpu.memory_space<vmem>> -> memref<125x16xf32, #tpu.memory_space<vmem>>
    %dma_wait3A_45 = arith.constant 0 : i32
    %dma_wait3A_46 = tpu.memref_slice %arg7[%dma_wait3A_39, %dma_wait3A_45] : memref<80x125xi32, #tpu.memory_space<vmem>> -> memref<1x125xi32, #tpu.memory_space<vmem>>
    %dma_wait3A_47 = tpu.memref_squeeze %dma_wait3A_46 : memref<1x125xi32, #tpu.memory_space<vmem>> -> memref<125xi32, #tpu.memory_space<vmem>>
    %dma_wait3A_48 = arith.constant 0 : i32
    %dma_wait3A_49 = arith.constant 0 : i32
    %dma_wait3A_50 = tpu.memref_slice %arg9[%dma_wait3A_48, %dma_wait3A_49] : memref<10240x16xf32, #tpu.memory_space<vmem_shared>> -> memref<10240x16xf32, #tpu.memory_space<vmem_shared>>
    %dma_wait3A_51 = tpu.memref_slice %arg11[%dma_wait3A_40] : memref<8x!tpu.dma_semaphore, #tpu.memory_space<semaphore_mem>> -> memref<1x!tpu.dma_semaphore, #tpu.memory_space<semaphore_mem>>
    %dma_wait3A_52 = tpu.memref_squeeze %dma_wait3A_51 : memref<1x!tpu.dma_semaphore, #tpu.memory_space<semaphore_mem>> -> memref<!tpu.dma_semaphore, #tpu.memory_space<semaphore_mem>>
    tpu.wait_indirect_dma semaphore(%dma_wait3A_52 : memref<!tpu.dma_semaphore, #tpu.memory_space<semaphore_mem>>) src(%dma_wait3A_44 : memref<125x16xf32, #tpu.memory_space<vmem>>) dst(%dma_wait3A_50 : memref<10240x16xf32, #tpu.memory_space<vmem_shared>>)
    %dma_wait3A_53 = arith.constant 3 : i32
    %dma_wait3A_54 = arith.constant 75 : i32
    %dma_wait3A_55 = arith.constant 3 : i32
    %dma_wait3A_56 = arith.constant 0 : i32
    %dma_wait3A_57 = arith.constant 0 : i32
    %dma_wait3A_58 = tpu.memref_slice %arg8[%dma_wait3A_53, %dma_wait3A_56, %dma_wait3A_57] : memref<8x125x16xf32, #tpu.memory_space<vmem>> -> memref<1x125x16xf32, #tpu.memory_space<vmem>>
    %dma_wait3A_59 = tpu.memref_squeeze %dma_wait3A_58 : memref<1x125x16xf32, #tpu.memory_space<vmem>> -> memref<125x16xf32, #tpu.memory_space<vmem>>
    %dma_wait3A_60 = arith.constant 0 : i32
    %dma_wait3A_61 = tpu.memref_slice %arg7[%dma_wait3A_54, %dma_wait3A_60] : memref<80x125xi32, #tpu.memory_space<vmem>> -> memref<1x125xi32, #tpu.memory_space<vmem>>
    %dma_wait3A_62 = tpu.memref_squeeze %dma_wait3A_61 : memref<1x125xi32, #tpu.memory_space<vmem>> -> memref<125xi32, #tpu.memory_space<vmem>>
    %dma_wait3A_63 = arith.constant 0 : i32
    %dma_wait3A_64 = arith.constant 0 : i32
    %dma_wait3A_65 = tpu.memref_slice %arg9[%dma_wait3A_63, %dma_wait3A_64] : memref<10240x16xf32, #tpu.memory_space<vmem_shared>> -> memref<10240x16xf32, #tpu.memory_space<vmem_shared>>
    %dma_wait3A_66 = tpu.memref_slice %arg11[%dma_wait3A_55] : memref<8x!tpu.dma_semaphore, #tpu.memory_space<semaphore_mem>> -> memref<1x!tpu.dma_semaphore, #tpu.memory_space<semaphore_mem>>
    %dma_wait3A_67 = tpu.memref_squeeze %dma_wait3A_66 : memref<1x!tpu.dma_semaphore, #tpu.memory_space<semaphore_mem>> -> memref<!tpu.dma_semaphore, #tpu.memory_space<semaphore_mem>>
    tpu.wait_indirect_dma semaphore(%dma_wait3A_67 : memref<!tpu.dma_semaphore, #tpu.memory_space<semaphore_mem>>) src(%dma_wait3A_59 : memref<125x16xf32, #tpu.memory_space<vmem>>) dst(%dma_wait3A_65 : memref<10240x16xf32, #tpu.memory_space<vmem_shared>>)
    %dma_wait3A_68 = arith.constant 4 : i32
    %dma_wait3A_69 = arith.constant 76 : i32
    %dma_wait3A_70 = arith.constant 4 : i32
    %dma_wait3A_71 = arith.constant 0 : i32
    %dma_wait3A_72 = arith.constant 0 : i32
    %dma_wait3A_73 = tpu.memref_slice %arg8[%dma_wait3A_68, %dma_wait3A_71, %dma_wait3A_72] : memref<8x125x16xf32, #tpu.memory_space<vmem>> -> memref<1x125x16xf32, #tpu.memory_space<vmem>>
    %dma_wait3A_74 = tpu.memref_squeeze %dma_wait3A_73 : memref<1x125x16xf32, #tpu.memory_space<vmem>> -> memref<125x16xf32, #tpu.memory_space<vmem>>
    %dma_wait3A_75 = arith.constant 0 : i32
    %dma_wait3A_76 = tpu.memref_slice %arg7[%dma_wait3A_69, %dma_wait3A_75] : memref<80x125xi32, #tpu.memory_space<vmem>> -> memref<1x125xi32, #tpu.memory_space<vmem>>
    %dma_wait3A_77 = tpu.memref_squeeze %dma_wait3A_76 : memref<1x125xi32, #tpu.memory_space<vmem>> -> memref<125xi32, #tpu.memory_space<vmem>>
    %dma_wait3A_78 = arith.constant 0 : i32
    %dma_wait3A_79 = arith.constant 0 : i32
    %dma_wait3A_80 = tpu.memref_slice %arg9[%dma_wait3A_78, %dma_wait3A_79] : memref<10240x16xf32, #tpu.memory_space<vmem_shared>> -> memref<10240x16xf32, #tpu.memory_space<vmem_shared>>
    %dma_wait3A_81 = tpu.memref_slice %arg11[%dma_wait3A_70] : memref<8x!tpu.dma_semaphore, #tpu.memory_space<semaphore_mem>> -> memref<1x!tpu.dma_semaphore, #tpu.memory_space<semaphore_mem>>
    %dma_wait3A_82 = tpu.memref_squeeze %dma_wait3A_81 : memref<1x!tpu.dma_semaphore, #tpu.memory_space<semaphore_mem>> -> memref<!tpu.dma_semaphore, #tpu.memory_space<semaphore_mem>>
    tpu.wait_indirect_dma semaphore(%dma_wait3A_82 : memref<!tpu.dma_semaphore, #tpu.memory_space<semaphore_mem>>) src(%dma_wait3A_74 : memref<125x16xf32, #tpu.memory_space<vmem>>) dst(%dma_wait3A_80 : memref<10240x16xf32, #tpu.memory_space<vmem_shared>>)
    %dma_wait3A_83 = arith.constant 5 : i32
    %dma_wait3A_84 = arith.constant 77 : i32
    %dma_wait3A_85 = arith.constant 5 : i32
    %dma_wait3A_86 = arith.constant 0 : i32
    %dma_wait3A_87 = arith.constant 0 : i32
    %dma_wait3A_88 = tpu.memref_slice %arg8[%dma_wait3A_83, %dma_wait3A_86, %dma_wait3A_87] : memref<8x125x16xf32, #tpu.memory_space<vmem>> -> memref<1x125x16xf32, #tpu.memory_space<vmem>>
    %dma_wait3A_89 = tpu.memref_squeeze %dma_wait3A_88 : memref<1x125x16xf32, #tpu.memory_space<vmem>> -> memref<125x16xf32, #tpu.memory_space<vmem>>
    %dma_wait3A_90 = arith.constant 0 : i32
    %dma_wait3A_91 = tpu.memref_slice %arg7[%dma_wait3A_84, %dma_wait3A_90] : memref<80x125xi32, #tpu.memory_space<vmem>> -> memref<1x125xi32, #tpu.memory_space<vmem>>
    %dma_wait3A_92 = tpu.memref_squeeze %dma_wait3A_91 : memref<1x125xi32, #tpu.memory_space<vmem>> -> memref<125xi32, #tpu.memory_space<vmem>>
    %dma_wait3A_93 = arith.constant 0 : i32
    %dma_wait3A_94 = arith.constant 0 : i32
    %dma_wait3A_95 = tpu.memref_slice %arg9[%dma_wait3A_93, %dma_wait3A_94] : memref<10240x16xf32, #tpu.memory_space<vmem_shared>> -> memref<10240x16xf32, #tpu.memory_space<vmem_shared>>
    %dma_wait3A_96 = tpu.memref_slice %arg11[%dma_wait3A_85] : memref<8x!tpu.dma_semaphore, #tpu.memory_space<semaphore_mem>> -> memref<1x!tpu.dma_semaphore, #tpu.memory_space<semaphore_mem>>
    %dma_wait3A_97 = tpu.memref_squeeze %dma_wait3A_96 : memref<1x!tpu.dma_semaphore, #tpu.memory_space<semaphore_mem>> -> memref<!tpu.dma_semaphore, #tpu.memory_space<semaphore_mem>>
    tpu.wait_indirect_dma semaphore(%dma_wait3A_97 : memref<!tpu.dma_semaphore, #tpu.memory_space<semaphore_mem>>) src(%dma_wait3A_89 : memref<125x16xf32, #tpu.memory_space<vmem>>) dst(%dma_wait3A_95 : memref<10240x16xf32, #tpu.memory_space<vmem_shared>>)
    %dma_wait3A_98 = arith.constant 6 : i32
    %dma_wait3A_99 = arith.constant 78 : i32
    %dma_wait3A_100 = arith.constant 6 : i32
    %dma_wait3A_101 = arith.constant 0 : i32
    %dma_wait3A_102 = arith.constant 0 : i32
    %dma_wait3A_103 = tpu.memref_slice %arg8[%dma_wait3A_98, %dma_wait3A_101, %dma_wait3A_102] : memref<8x125x16xf32, #tpu.memory_space<vmem>> -> memref<1x125x16xf32, #tpu.memory_space<vmem>>
    %dma_wait3A_104 = tpu.memref_squeeze %dma_wait3A_103 : memref<1x125x16xf32, #tpu.memory_space<vmem>> -> memref<125x16xf32, #tpu.memory_space<vmem>>
    %dma_wait3A_105 = arith.constant 0 : i32
    %dma_wait3A_106 = tpu.memref_slice %arg7[%dma_wait3A_99, %dma_wait3A_105] : memref<80x125xi32, #tpu.memory_space<vmem>> -> memref<1x125xi32, #tpu.memory_space<vmem>>
    %dma_wait3A_107 = tpu.memref_squeeze %dma_wait3A_106 : memref<1x125xi32, #tpu.memory_space<vmem>> -> memref<125xi32, #tpu.memory_space<vmem>>
    %dma_wait3A_108 = arith.constant 0 : i32
    %dma_wait3A_109 = arith.constant 0 : i32
    %dma_wait3A_110 = tpu.memref_slice %arg9[%dma_wait3A_108, %dma_wait3A_109] : memref<10240x16xf32, #tpu.memory_space<vmem_shared>> -> memref<10240x16xf32, #tpu.memory_space<vmem_shared>>
    %dma_wait3A_111 = tpu.memref_slice %arg11[%dma_wait3A_100] : memref<8x!tpu.dma_semaphore, #tpu.memory_space<semaphore_mem>> -> memref<1x!tpu.dma_semaphore, #tpu.memory_space<semaphore_mem>>
    %dma_wait3A_112 = tpu.memref_squeeze %dma_wait3A_111 : memref<1x!tpu.dma_semaphore, #tpu.memory_space<semaphore_mem>> -> memref<!tpu.dma_semaphore, #tpu.memory_space<semaphore_mem>>
    tpu.wait_indirect_dma semaphore(%dma_wait3A_112 : memref<!tpu.dma_semaphore, #tpu.memory_space<semaphore_mem>>) src(%dma_wait3A_104 : memref<125x16xf32, #tpu.memory_space<vmem>>) dst(%dma_wait3A_110 : memref<10240x16xf32, #tpu.memory_space<vmem_shared>>)
    %dma_wait3A_113 = arith.constant 7 : i32
    %dma_wait3A_114 = arith.constant 79 : i32
    %dma_wait3A_115 = arith.constant 7 : i32
    %dma_wait3A_116 = arith.constant 0 : i32
    %dma_wait3A_117 = arith.constant 0 : i32
    %dma_wait3A_118 = tpu.memref_slice %arg8[%dma_wait3A_113, %dma_wait3A_116, %dma_wait3A_117] : memref<8x125x16xf32, #tpu.memory_space<vmem>> -> memref<1x125x16xf32, #tpu.memory_space<vmem>>
    %dma_wait3A_119 = tpu.memref_squeeze %dma_wait3A_118 : memref<1x125x16xf32, #tpu.memory_space<vmem>> -> memref<125x16xf32, #tpu.memory_space<vmem>>
    %dma_wait3A_120 = arith.constant 0 : i32
    %dma_wait3A_121 = tpu.memref_slice %arg7[%dma_wait3A_114, %dma_wait3A_120] : memref<80x125xi32, #tpu.memory_space<vmem>> -> memref<1x125xi32, #tpu.memory_space<vmem>>
    %dma_wait3A_122 = tpu.memref_squeeze %dma_wait3A_121 : memref<1x125xi32, #tpu.memory_space<vmem>> -> memref<125xi32, #tpu.memory_space<vmem>>
    %dma_wait3A_123 = arith.constant 0 : i32
    %dma_wait3A_124 = arith.constant 0 : i32
    %dma_wait3A_125 = tpu.memref_slice %arg9[%dma_wait3A_123, %dma_wait3A_124] : memref<10240x16xf32, #tpu.memory_space<vmem_shared>> -> memref<10240x16xf32, #tpu.memory_space<vmem_shared>>
    %dma_wait3A_126 = tpu.memref_slice %arg11[%dma_wait3A_115] : memref<8x!tpu.dma_semaphore, #tpu.memory_space<semaphore_mem>> -> memref<1x!tpu.dma_semaphore, #tpu.memory_space<semaphore_mem>>
    %dma_wait3A_127 = tpu.memref_squeeze %dma_wait3A_126 : memref<1x!tpu.dma_semaphore, #tpu.memory_space<semaphore_mem>> -> memref<!tpu.dma_semaphore, #tpu.memory_space<semaphore_mem>>
    tpu.wait_indirect_dma semaphore(%dma_wait3A_127 : memref<!tpu.dma_semaphore, #tpu.memory_space<semaphore_mem>>) src(%dma_wait3A_119 : memref<125x16xf32, #tpu.memory_space<vmem>>) dst(%dma_wait3A_125 : memref<10240x16xf32, #tpu.memory_space<vmem_shared>>)
    %barrier3A_128 = arith.constant 0 : index
    tpu.barrier barrier_id(%barrier3A_128)
    %mul3A_129 = arith.constant 640 : i32
    %mul3A_130 = arith.muli %arg1, %mul3A_129 : i32
    %mul3A_131 = arith.constant 640 : i32
    %mul3A_132 = arith.muli %arg1, %mul3A_131 : i32
    "tpu.region"() ({
      %run_scoped3A_133 = tpu.sem_alloc : memref<!tpu.dma_semaphore, #tpu.memory_space<semaphore_mem>>
      %dma_start3A = arith.constant 0 : i32
      %dma_start3A_134 = tpu.memref_slice %arg5[%arg0, %mul3A_132, %dma_start3A] : memref<2x10240x16xf32, #tpu.memory_space<hbm>> -> memref<1x640x16xf32, #tpu.memory_space<hbm>>
      %dma_start3A_135 = tpu.memref_squeeze %dma_start3A_134 : memref<1x640x16xf32, #tpu.memory_space<hbm>> -> memref<640x16xf32, #tpu.memory_space<hbm>>
      %dma_start3A_136 = arith.constant 0 : i32
      %dma_start3A_137 = tpu.memref_slice %arg9[%mul3A_130, %dma_start3A_136] : memref<10240x16xf32, #tpu.memory_space<vmem_shared>> -> memref<640x16xf32, #tpu.memory_space<vmem_shared>>
      tpu.enqueue_dma source(%dma_start3A_137 : memref<640x16xf32, #tpu.memory_space<vmem_shared>>) target(%dma_start3A_135 : memref<640x16xf32, #tpu.memory_space<hbm>>) target_semaphore(%run_scoped3A_133 : memref<!tpu.dma_semaphore, #tpu.memory_space<semaphore_mem>>)
      %dma_wait3A_138 = arith.constant 0 : i32
      %dma_wait3A_139 = tpu.memref_slice %arg5[%arg0, %mul3A_132, %dma_wait3A_138] : memref<2x10240x16xf32, #tpu.memory_space<hbm>> -> memref<1x640x16xf32, #tpu.memory_space<hbm>>
      %dma_wait3A_140 = tpu.memref_squeeze %dma_wait3A_139 : memref<1x640x16xf32, #tpu.memory_space<hbm>> -> memref<640x16xf32, #tpu.memory_space<hbm>>
      %dma_wait3A_141 = arith.constant 0 : i32
      %dma_wait3A_142 = tpu.memref_slice %arg9[%mul3A_130, %dma_wait3A_141] : memref<10240x16xf32, #tpu.memory_space<vmem_shared>> -> memref<640x16xf32, #tpu.memory_space<vmem_shared>>
      tpu.wait_dma2 semaphore(%run_scoped3A_133 : memref<!tpu.dma_semaphore, #tpu.memory_space<semaphore_mem>>) src(%dma_wait3A_142 : memref<640x16xf32, #tpu.memory_space<vmem_shared>>) dst(%dma_wait3A_140 : memref<640x16xf32, #tpu.memory_space<hbm>>)
      tpu.yield
    }) : () -> ()
    return
  }
}

#map = affine_map<(d0, d1) -> (0, 0, 0, 0)>
#map1 = affine_map<(d0, d1) -> (0, 0)>
#map2 = affine_map<(d0, d1) -> (0, 0, 0)>
module attributes {stable_mosaic.version = 14 : i64} {
  func.func @k(%arg0: i32, %arg1: i32, %arg2: memref<2x32x80x125xi32, #tpu.memory_space<hbm>>, %arg3: memref<10000x64xf32, #tpu.memory_space<hbm>>, %arg4: memref<640x64xf32, #tpu.memory_space<hbm>>, %arg5: memref<2x10240x64xf32, #tpu.memory_space<hbm>>, %arg6: memref<80x125xi32, #tpu.memory_space<vmem>>, %arg7: memref<80x125xi32, #tpu.memory_space<vmem>>, %arg8: memref<8x125x64xf32, #tpu.memory_space<vmem>>, %arg9: memref<10240x64xf32, #tpu.memory_space<vmem_shared>>, %arg10: memref<8x!tpu.dma_semaphore, #tpu.memory_space<semaphore_mem>>, %arg11: memref<8x!tpu.dma_semaphore, #tpu.memory_space<semaphore_mem>>) attributes {dimension_semantics = [#tpu.dimension_semantics<core_parallel>, #tpu.dimension_semantics<subcore_parallel>], iteration_bounds = array<i64: 2, 16>, scalar_prefetch = 0 : i64, scratch_operands = 6 : i64, tpu.core_type = #tpu.core_type<sc_vector_subcore>, window_params = [{transform_indices = #map}, {transform_indices = #map1}, {transform_indices = #map1}, {transform_indices = #map2}]} {
    %mul3A = arith.constant 16 : i32
    %mul3A_0 = arith.muli %arg0, %mul3A : i32
    %add3A = arith.addi %mul3A_0, %arg1 : i32
    %mul3A_1 = arith.constant 640 : i32
    %mul3A_2 = arith.muli %arg1, %mul3A_1 : i32
    "tpu.region"() ({
      %run_scoped3A_133 = tpu.sem_alloc : memref<!tpu.dma_semaphore, #tpu.memory_space<semaphore_mem>>
      %dma_start3A = arith.constant 0 : i32
      %dma_start3A_134 = tpu.memref_slice %arg9[%mul3A_2, %dma_start3A] : memref<10240x64xf32, #tpu.memory_space<vmem_shared>> -> memref<640x64xf32, #tpu.memory_space<vmem_shared>>
      tpu.enqueue_dma source(%arg4 : memref<640x64xf32, #tpu.memory_space<hbm>>) target(%dma_start3A_134 : memref<640x64xf32, #tpu.memory_space<vmem_shared>>) target_semaphore(%run_scoped3A_133 : memref<!tpu.dma_semaphore, #tpu.memory_space<semaphore_mem>>)
      %dma_wait3A_135 = arith.constant 0 : i32
      %dma_wait3A_136 = tpu.memref_slice %arg9[%mul3A_2, %dma_wait3A_135] : memref<10240x64xf32, #tpu.memory_space<vmem_shared>> -> memref<640x64xf32, #tpu.memory_space<vmem_shared>>
      tpu.wait_dma2 semaphore(%run_scoped3A_133 : memref<!tpu.dma_semaphore, #tpu.memory_space<semaphore_mem>>) src(%arg4 : memref<640x64xf32, #tpu.memory_space<hbm>>) dst(%dma_wait3A_136 : memref<640x64xf32, #tpu.memory_space<vmem_shared>>)
      tpu.yield
    }) : () -> ()
    %barrier3A = arith.constant 0 : index
    tpu.barrier barrier_id(%barrier3A)
    %run_scoped3A = arith.constant 0 : i32
    "tpu.region"() ({
      %run_scoped3A_133 = tpu.sem_alloc : memref<!tpu.dma_semaphore, #tpu.memory_space<semaphore_mem>>
      %dma_start3A = arith.constant 0 : i32
      %dma_start3A_134 = arith.constant 0 : i32
      %dma_start3A_135 = tpu.memref_slice %arg2[%run_scoped3A, %add3A, %dma_start3A, %dma_start3A_134] : memref<2x32x80x125xi32, #tpu.memory_space<hbm>> -> memref<1x1x80x125xi32, #tpu.memory_space<hbm>>
      %dma_start3A_136 = tpu.memref_squeeze %dma_start3A_135 : memref<1x1x80x125xi32, #tpu.memory_space<hbm>> -> memref<80x125xi32, #tpu.memory_space<hbm>>
      %dma_start3A_137 = arith.constant 0 : i32
      %dma_start3A_138 = arith.constant 0 : i32
      %dma_start3A_139 = tpu.memref_slice %arg2[%run_scoped3A, %add3A, %dma_start3A_137, %dma_start3A_138] : memref<2x32x80x125xi32, #tpu.memory_space<hbm>> -> memref<1x1x80x125xi32, #tpu.memory_space<hbm>>
      %dma_start3A_140 = tpu.memref_squeeze %dma_start3A_139 : memref<1x1x80x125xi32, #tpu.memory_space<hbm>> -> memref<80x125xi32, #tpu.memory_space<hbm>>
      tpu.enqueue_dma source(%dma_start3A_140 : memref<80x125xi32, #tpu.memory_space<hbm>>) target(%arg6 : memref<80x125xi32, #tpu.memory_space<vmem>>) target_semaphore(%run_scoped3A_133 : memref<!tpu.dma_semaphore, #tpu.memory_space<semaphore_mem>>)
      %dma_wait3A_141 = arith.constant 0 : i32
      %dma_wait3A_142 = arith.constant 0 : i32
      %dma_wait3A_143 = tpu.memref_slice %arg2[%run_scoped3A, %add3A, %dma_wait3A_141, %dma_wait3A_142] : memref<2x32x80x125xi32, #tpu.memory_space<hbm>> -> memref<1x1x80x125xi32, #tpu.memory_space<hbm>>
      %dma_wait3A_144 = tpu.memref_squeeze %dma_wait3A_143 : memref<1x1x80x125xi32, #tpu.memory_space<hbm>> -> memref<80x125xi32, #tpu.memory_space<hbm>>
      %dma_wait3A_145 = arith.constant 0 : i32
      %dma_wait3A_146 = arith.constant 0 : i32
      %dma_wait3A_147 = tpu.memref_slice %arg2[%run_scoped3A, %add3A, %dma_wait3A_145, %dma_wait3A_146] : memref<2x32x80x125xi32, #tpu.memory_space<hbm>> -> memref<1x1x80x125xi32, #tpu.memory_space<hbm>>
      %dma_wait3A_148 = tpu.memref_squeeze %dma_wait3A_147 : memref<1x1x80x125xi32, #tpu.memory_space<hbm>> -> memref<80x125xi32, #tpu.memory_space<hbm>>
      tpu.wait_dma2 semaphore(%run_scoped3A_133 : memref<!tpu.dma_semaphore, #tpu.memory_space<semaphore_mem>>) src(%dma_wait3A_148 : memref<80x125xi32, #tpu.memory_space<hbm>>) dst(%arg6 : memref<80x125xi32, #tpu.memory_space<vmem>>)
      tpu.yield
    }) : () -> ()
    %run_scoped3A_3 = arith.constant 1 : i32
    "tpu.region"() ({
      %run_scoped3A_133 = tpu.sem_alloc : memref<!tpu.dma_semaphore, #tpu.memory_space<semaphore_mem>>
      %dma_start3A = arith.constant 0 : i32
      %dma_start3A_134 = arith.constant 0 : i32
      %dma_start3A_135 = tpu.memref_slice %arg2[%run_scoped3A_3, %add3A, %dma_start3A, %dma_start3A_134] : memref<2x32x80x125xi32, #tpu.memory_space<hbm>> -> memref<1x1x80x125xi32, #tpu.memory_space<hbm>>
      %dma_start3A_136 = tpu.memref_squeeze %dma_start3A_135 : memref<1x1x80x125xi32, #tpu.memory_space<hbm>> -> memref<80x125xi32, #tpu.memory_space<hbm>>
      %dma_start3A_137 = arith.constant 0 : i32
      %dma_start3A_138 = arith.constant 0 : i32
      %dma_start3A_139 = tpu.memref_slice %arg2[%run_scoped3A_3, %add3A, %dma_start3A_137, %dma_start3A_138] : memref<2x32x80x125xi32, #tpu.memory_space<hbm>> -> memref<1x1x80x125xi32, #tpu.memory_space<hbm>>
      %dma_start3A_140 = tpu.memref_squeeze %dma_start3A_139 : memref<1x1x80x125xi32, #tpu.memory_space<hbm>> -> memref<80x125xi32, #tpu.memory_space<hbm>>
      tpu.enqueue_dma source(%dma_start3A_140 : memref<80x125xi32, #tpu.memory_space<hbm>>) target(%arg7 : memref<80x125xi32, #tpu.memory_space<vmem>>) target_semaphore(%run_scoped3A_133 : memref<!tpu.dma_semaphore, #tpu.memory_space<semaphore_mem>>)
      %dma_wait3A_141 = arith.constant 0 : i32
      %dma_wait3A_142 = arith.constant 0 : i32
      %dma_wait3A_143 = tpu.memref_slice %arg2[%run_scoped3A_3, %add3A, %dma_wait3A_141, %dma_wait3A_142] : memref<2x32x80x125xi32, #tpu.memory_space<hbm>> -> memref<1x1x80x125xi32, #tpu.memory_space<hbm>>
      %dma_wait3A_144 = tpu.memref_squeeze %dma_wait3A_143 : memref<1x1x80x125xi32, #tpu.memory_space<hbm>> -> memref<80x125xi32, #tpu.memory_space<hbm>>
      %dma_wait3A_145 = arith.constant 0 : i32
      %dma_wait3A_146 = arith.constant 0 : i32
      %dma_wait3A_147 = tpu.memref_slice %arg2[%run_scoped3A_3, %add3A, %dma_wait3A_145, %dma_wait3A_146] : memref<2x32x80x125xi32, #tpu.memory_space<hbm>> -> memref<1x1x80x125xi32, #tpu.memory_space<hbm>>
      %dma_wait3A_148 = tpu.memref_squeeze %dma_wait3A_147 : memref<1x1x80x125xi32, #tpu.memory_space<hbm>> -> memref<80x125xi32, #tpu.memory_space<hbm>>
      tpu.wait_dma2 semaphore(%run_scoped3A_133 : memref<!tpu.dma_semaphore, #tpu.memory_space<semaphore_mem>>) src(%dma_wait3A_148 : memref<80x125xi32, #tpu.memory_space<hbm>>) dst(%arg7 : memref<80x125xi32, #tpu.memory_space<vmem>>)
      tpu.yield
    }) : () -> ()
    %scan3A = arith.constant 0 : i32
    %scan3A_4 = arith.constant 0 : i32
    %scan3A_5 = arith.constant 10 : i32
    %scan3A_6 = arith.addi %scan3A_4, %scan3A_5 : i32
    %scan3A_7 = arith.constant 1 : i32
    scf.for %scan3A_133 = %scan3A_4 to %scan3A_6 step %scan3A_7  : i32 {
      %mul3A_134 = arith.constant 8 : i32
      %mul3A_135 = arith.muli %scan3A_133, %mul3A_134 : i32
      %gt3A = arith.constant 0 : i32
      %gt3A_136 = arith.cmpi sgt, %scan3A_133, %gt3A : i32
      %convert_element_type3A = arith.extui %gt3A_136 : i1 to i32
      %cond3A = arith.constant 0 : i32
      %cond3A_137 = arith.cmpi ne, %convert_element_type3A, %cond3A : i32
      scf.if %cond3A_137 {
        %sub3A = arith.constant 8 : i32
        %sub3A_556 = arith.subi %mul3A_135, %sub3A : i32
        %add3A_557 = arith.constant 0 : i32
        %add3A_558 = arith.addi %sub3A_556, %add3A_557 : i32
        %dma_wait3A_559 = arith.constant 0 : i32
        %dma_wait3A_560 = arith.constant 0 : i32
        %dma_wait3A_561 = arith.constant 0 : i32
        %dma_wait3A_562 = arith.constant 0 : i32
        %dma_wait3A_563 = tpu.memref_slice %arg8[%dma_wait3A_559, %dma_wait3A_561, %dma_wait3A_562] : memref<8x125x64xf32, #tpu.memory_space<vmem>> -> memref<1x125x64xf32, #tpu.memory_space<vmem>>
        %dma_wait3A_564 = tpu.memref_squeeze %dma_wait3A_563 : memref<1x125x64xf32, #tpu.memory_space<vmem>> -> memref<125x64xf32, #tpu.memory_space<vmem>>
        %dma_wait3A_565 = arith.constant 0 : i32
        %dma_wait3A_566 = tpu.memref_slice %arg7[%add3A_558, %dma_wait3A_565] : memref<80x125xi32, #tpu.memory_space<vmem>> -> memref<1x125xi32, #tpu.memory_space<vmem>>
        %dma_wait3A_567 = tpu.memref_squeeze %dma_wait3A_566 : memref<1x125xi32, #tpu.memory_space<vmem>> -> memref<125xi32, #tpu.memory_space<vmem>>
        %dma_wait3A_568 = arith.constant 0 : i32
        %dma_wait3A_569 = arith.constant 0 : i32
        %dma_wait3A_570 = tpu.memref_slice %arg9[%dma_wait3A_568, %dma_wait3A_569] : memref<10240x64xf32, #tpu.memory_space<vmem_shared>> -> memref<10240x64xf32, #tpu.memory_space<vmem_shared>>
        %dma_wait3A_571 = tpu.memref_slice %arg11[%dma_wait3A_560] : memref<8x!tpu.dma_semaphore, #tpu.memory_space<semaphore_mem>> -> memref<1x!tpu.dma_semaphore, #tpu.memory_space<semaphore_mem>>
        %dma_wait3A_572 = tpu.memref_squeeze %dma_wait3A_571 : memref<1x!tpu.dma_semaphore, #tpu.memory_space<semaphore_mem>> -> memref<!tpu.dma_semaphore, #tpu.memory_space<semaphore_mem>>
        tpu.wait_indirect_dma semaphore(%dma_wait3A_572 : memref<!tpu.dma_semaphore, #tpu.memory_space<semaphore_mem>>) src(%dma_wait3A_564 : memref<125x64xf32, #tpu.memory_space<vmem>>) dst(%dma_wait3A_570 : memref<10240x64xf32, #tpu.memory_space<vmem_shared>>)
      } else {
      }
      %add3A_138 = arith.constant 0 : i32
      %add3A_139 = arith.addi %mul3A_135, %add3A_138 : i32
      %dma_start3A = arith.constant 0 : i32
      %dma_start3A_140 = arith.constant 0 : i32
      %dma_start3A_141 = arith.constant 0 : i32
      %dma_start3A_142 = arith.constant 0 : i32
      %dma_start3A_143 = tpu.memref_slice %arg8[%dma_start3A, %dma_start3A_141, %dma_start3A_142] : memref<8x125x64xf32, #tpu.memory_space<vmem>> -> memref<1x125x64xf32, #tpu.memory_space<vmem>>
      %dma_start3A_144 = tpu.memref_squeeze %dma_start3A_143 : memref<1x125x64xf32, #tpu.memory_space<vmem>> -> memref<125x64xf32, #tpu.memory_space<vmem>>
      %dma_start3A_145 = arith.constant 0 : i32
      %dma_start3A_146 = tpu.memref_slice %arg6[%add3A_139, %dma_start3A_145] : memref<80x125xi32, #tpu.memory_space<vmem>> -> memref<1x125xi32, #tpu.memory_space<vmem>>
      %dma_start3A_147 = tpu.memref_squeeze %dma_start3A_146 : memref<1x125xi32, #tpu.memory_space<vmem>> -> memref<125xi32, #tpu.memory_space<vmem>>
      %dma_start3A_148 = arith.constant 0 : i32
      %dma_start3A_149 = arith.constant 0 : i32
      %dma_start3A_150 = tpu.memref_slice %arg3[%dma_start3A_148, %dma_start3A_149] : memref<10000x64xf32, #tpu.memory_space<hbm>> -> memref<10000x64xf32, #tpu.memory_space<hbm>>
      %dma_start3A_151 = tpu.memref_slice %arg10[%dma_start3A_140] : memref<8x!tpu.dma_semaphore, #tpu.memory_space<semaphore_mem>> -> memref<1x!tpu.dma_semaphore, #tpu.memory_space<semaphore_mem>>
      %dma_start3A_152 = tpu.memref_squeeze %dma_start3A_151 : memref<1x!tpu.dma_semaphore, #tpu.memory_space<semaphore_mem>> -> memref<!tpu.dma_semaphore, #tpu.memory_space<semaphore_mem>>
      tpu.enqueue_indirect_dma source(%dma_start3A_150 : memref<10000x64xf32, #tpu.memory_space<hbm>>) target(%dma_start3A_144 : memref<125x64xf32, #tpu.memory_space<vmem>>) offsets(%dma_start3A_147 : memref<125xi32, #tpu.memory_space<vmem>>) semaphore(%dma_start3A_152 : memref<!tpu.dma_semaphore, #tpu.memory_space<semaphore_mem>>)
      %gt3A_153 = arith.constant 0 : i32
      %gt3A_154 = arith.cmpi sgt, %scan3A_133, %gt3A_153 : i32
      %convert_element_type3A_155 = arith.extui %gt3A_154 : i1 to i32
      %cond3A_156 = arith.constant 0 : i32
      %cond3A_157 = arith.cmpi ne, %convert_element_type3A_155, %cond3A_156 : i32
      scf.if %cond3A_157 {
        %sub3A = arith.constant 8 : i32
        %sub3A_556 = arith.subi %mul3A_135, %sub3A : i32
        %add3A_557 = arith.constant 1 : i32
        %add3A_558 = arith.addi %sub3A_556, %add3A_557 : i32
        %dma_wait3A_559 = arith.constant 1 : i32
        %dma_wait3A_560 = arith.constant 1 : i32
        %dma_wait3A_561 = arith.constant 0 : i32
        %dma_wait3A_562 = arith.constant 0 : i32
        %dma_wait3A_563 = tpu.memref_slice %arg8[%dma_wait3A_559, %dma_wait3A_561, %dma_wait3A_562] : memref<8x125x64xf32, #tpu.memory_space<vmem>> -> memref<1x125x64xf32, #tpu.memory_space<vmem>>
        %dma_wait3A_564 = tpu.memref_squeeze %dma_wait3A_563 : memref<1x125x64xf32, #tpu.memory_space<vmem>> -> memref<125x64xf32, #tpu.memory_space<vmem>>
        %dma_wait3A_565 = arith.constant 0 : i32
        %dma_wait3A_566 = tpu.memref_slice %arg7[%add3A_558, %dma_wait3A_565] : memref<80x125xi32, #tpu.memory_space<vmem>> -> memref<1x125xi32, #tpu.memory_space<vmem>>
        %dma_wait3A_567 = tpu.memref_squeeze %dma_wait3A_566 : memref<1x125xi32, #tpu.memory_space<vmem>> -> memref<125xi32, #tpu.memory_space<vmem>>
        %dma_wait3A_568 = arith.constant 0 : i32
        %dma_wait3A_569 = arith.constant 0 : i32
        %dma_wait3A_570 = tpu.memref_slice %arg9[%dma_wait3A_568, %dma_wait3A_569] : memref<10240x64xf32, #tpu.memory_space<vmem_shared>> -> memref<10240x64xf32, #tpu.memory_space<vmem_shared>>
        %dma_wait3A_571 = tpu.memref_slice %arg11[%dma_wait3A_560] : memref<8x!tpu.dma_semaphore, #tpu.memory_space<semaphore_mem>> -> memref<1x!tpu.dma_semaphore, #tpu.memory_space<semaphore_mem>>
        %dma_wait3A_572 = tpu.memref_squeeze %dma_wait3A_571 : memref<1x!tpu.dma_semaphore, #tpu.memory_space<semaphore_mem>> -> memref<!tpu.dma_semaphore, #tpu.memory_space<semaphore_mem>>
        tpu.wait_indirect_dma semaphore(%dma_wait3A_572 : memref<!tpu.dma_semaphore, #tpu.memory_space<semaphore_mem>>) src(%dma_wait3A_564 : memref<125x64xf32, #tpu.memory_space<vmem>>) dst(%dma_wait3A_570 : memref<10240x64xf32, #tpu.memory_space<vmem_shared>>)
      } else {
      }
      %add3A_158 = arith.constant 1 : i32
      %add3A_159 = arith.addi %mul3A_135, %add3A_158 : i32
      %dma_start3A_160 = arith.constant 1 : i32
      %dma_start3A_161 = arith.constant 1 : i32
      %dma_start3A_162 = arith.constant 0 : i32
      %dma_start3A_163 = arith.constant 0 : i32
      %dma_start3A_164 = tpu.memref_slice %arg8[%dma_start3A_160, %dma_start3A_162, %dma_start3A_163] : memref<8x125x64xf32, #tpu.memory_space<vmem>> -> memref<1x125x64xf32, #tpu.memory_space<vmem>>
      %dma_start3A_165 = tpu.memref_squeeze %dma_start3A_164 : memref<1x125x64xf32, #tpu.memory_space<vmem>> -> memref<125x64xf32, #tpu.memory_space<vmem>>
      %dma_start3A_166 = arith.constant 0 : i32
      %dma_start3A_167 = tpu.memref_slice %arg6[%add3A_159, %dma_start3A_166] : memref<80x125xi32, #tpu.memory_space<vmem>> -> memref<1x125xi32, #tpu.memory_space<vmem>>
      %dma_start3A_168 = tpu.memref_squeeze %dma_start3A_167 : memref<1x125xi32, #tpu.memory_space<vmem>> -> memref<125xi32, #tpu.memory_space<vmem>>
      %dma_start3A_169 = arith.constant 0 : i32
      %dma_start3A_170 = arith.constant 0 : i32
      %dma_start3A_171 = tpu.memref_slice %arg3[%dma_start3A_169, %dma_start3A_170] : memref<10000x64xf32, #tpu.memory_space<hbm>> -> memref<10000x64xf32, #tpu.memory_space<hbm>>
      %dma_start3A_172 = tpu.memref_slice %arg10[%dma_start3A_161] : memref<8x!tpu.dma_semaphore, #tpu.memory_space<semaphore_mem>> -> memref<1x!tpu.dma_semaphore, #tpu.memory_space<semaphore_mem>>
      %dma_start3A_173 = tpu.memref_squeeze %dma_start3A_172 : memref<1x!tpu.dma_semaphore, #tpu.memory_space<semaphore_mem>> -> memref<!tpu.dma_semaphore, #tpu.memory_space<semaphore_mem>>
      tpu.enqueue_indirect_dma source(%dma_start3A_171 : memref<10000x64xf32, #tpu.memory_space<hbm>>) target(%dma_start3A_165 : memref<125x64xf32, #tpu.memory_space<vmem>>) offsets(%dma_start3A_168 : memref<125xi32, #tpu.memory_space<vmem>>) semaphore(%dma_start3A_173 : memref<!tpu.dma_semaphore, #tpu.memory_space<semaphore_mem>>)
      %gt3A_174 = arith.constant 0 : i32
      %gt3A_175 = arith.cmpi sgt, %scan3A_133, %gt3A_174 : i32
      %convert_element_type3A_176 = arith.extui %gt3A_175 : i1 to i32
      %cond3A_177 = arith.constant 0 : i32
      %cond3A_178 = arith.cmpi ne, %convert_element_type3A_176, %cond3A_177 : i32
      scf.if %cond3A_178 {
        %sub3A = arith.constant 8 : i32
        %sub3A_556 = arith.subi %mul3A_135, %sub3A : i32
        %add3A_557 = arith.constant 2 : i32
        %add3A_558 = arith.addi %sub3A_556, %add3A_557 : i32
        %dma_wait3A_559 = arith.constant 2 : i32
        %dma_wait3A_560 = arith.constant 2 : i32
        %dma_wait3A_561 = arith.constant 0 : i32
        %dma_wait3A_562 = arith.constant 0 : i32
        %dma_wait3A_563 = tpu.memref_slice %arg8[%dma_wait3A_559, %dma_wait3A_561, %dma_wait3A_562] : memref<8x125x64xf32, #tpu.memory_space<vmem>> -> memref<1x125x64xf32, #tpu.memory_space<vmem>>
        %dma_wait3A_564 = tpu.memref_squeeze %dma_wait3A_563 : memref<1x125x64xf32, #tpu.memory_space<vmem>> -> memref<125x64xf32, #tpu.memory_space<vmem>>
        %dma_wait3A_565 = arith.constant 0 : i32
        %dma_wait3A_566 = tpu.memref_slice %arg7[%add3A_558, %dma_wait3A_565] : memref<80x125xi32, #tpu.memory_space<vmem>> -> memref<1x125xi32, #tpu.memory_space<vmem>>
        %dma_wait3A_567 = tpu.memref_squeeze %dma_wait3A_566 : memref<1x125xi32, #tpu.memory_space<vmem>> -> memref<125xi32, #tpu.memory_space<vmem>>
        %dma_wait3A_568 = arith.constant 0 : i32
        %dma_wait3A_569 = arith.constant 0 : i32
        %dma_wait3A_570 = tpu.memref_slice %arg9[%dma_wait3A_568, %dma_wait3A_569] : memref<10240x64xf32, #tpu.memory_space<vmem_shared>> -> memref<10240x64xf32, #tpu.memory_space<vmem_shared>>
        %dma_wait3A_571 = tpu.memref_slice %arg11[%dma_wait3A_560] : memref<8x!tpu.dma_semaphore, #tpu.memory_space<semaphore_mem>> -> memref<1x!tpu.dma_semaphore, #tpu.memory_space<semaphore_mem>>
        %dma_wait3A_572 = tpu.memref_squeeze %dma_wait3A_571 : memref<1x!tpu.dma_semaphore, #tpu.memory_space<semaphore_mem>> -> memref<!tpu.dma_semaphore, #tpu.memory_space<semaphore_mem>>
        tpu.wait_indirect_dma semaphore(%dma_wait3A_572 : memref<!tpu.dma_semaphore, #tpu.memory_space<semaphore_mem>>) src(%dma_wait3A_564 : memref<125x64xf32, #tpu.memory_space<vmem>>) dst(%dma_wait3A_570 : memref<10240x64xf32, #tpu.memory_space<vmem_shared>>)
      } else {
      }
      %add3A_179 = arith.constant 2 : i32
      %add3A_180 = arith.addi %mul3A_135, %add3A_179 : i32
      %dma_start3A_181 = arith.constant 2 : i32
      %dma_start3A_182 = arith.constant 2 : i32
      %dma_start3A_183 = arith.constant 0 : i32
      %dma_start3A_184 = arith.constant 0 : i32
      %dma_start3A_185 = tpu.memref_slice %arg8[%dma_start3A_181, %dma_start3A_183, %dma_start3A_184] : memref<8x125x64xf32, #tpu.memory_space<vmem>> -> memref<1x125x64xf32, #tpu.memory_space<vmem>>
      %dma_start3A_186 = tpu.memref_squeeze %dma_start3A_185 : memref<1x125x64xf32, #tpu.memory_space<vmem>> -> memref<125x64xf32, #tpu.memory_space<vmem>>
      %dma_start3A_187 = arith.constant 0 : i32
      %dma_start3A_188 = tpu.memref_slice %arg6[%add3A_180, %dma_start3A_187] : memref<80x125xi32, #tpu.memory_space<vmem>> -> memref<1x125xi32, #tpu.memory_space<vmem>>
      %dma_start3A_189 = tpu.memref_squeeze %dma_start3A_188 : memref<1x125xi32, #tpu.memory_space<vmem>> -> memref<125xi32, #tpu.memory_space<vmem>>
      %dma_start3A_190 = arith.constant 0 : i32
      %dma_start3A_191 = arith.constant 0 : i32
      %dma_start3A_192 = tpu.memref_slice %arg3[%dma_start3A_190, %dma_start3A_191] : memref<10000x64xf32, #tpu.memory_space<hbm>> -> memref<10000x64xf32, #tpu.memory_space<hbm>>
      %dma_start3A_193 = tpu.memref_slice %arg10[%dma_start3A_182] : memref<8x!tpu.dma_semaphore, #tpu.memory_space<semaphore_mem>> -> memref<1x!tpu.dma_semaphore, #tpu.memory_space<semaphore_mem>>
      %dma_start3A_194 = tpu.memref_squeeze %dma_start3A_193 : memref<1x!tpu.dma_semaphore, #tpu.memory_space<semaphore_mem>> -> memref<!tpu.dma_semaphore, #tpu.memory_space<semaphore_mem>>
      tpu.enqueue_indirect_dma source(%dma_start3A_192 : memref<10000x64xf32, #tpu.memory_space<hbm>>) target(%dma_start3A_186 : memref<125x64xf32, #tpu.memory_space<vmem>>) offsets(%dma_start3A_189 : memref<125xi32, #tpu.memory_space<vmem>>) semaphore(%dma_start3A_194 : memref<!tpu.dma_semaphore, #tpu.memory_space<semaphore_mem>>)
      %gt3A_195 = arith.constant 0 : i32
      %gt3A_196 = arith.cmpi sgt, %scan3A_133, %gt3A_195 : i32
      %convert_element_type3A_197 = arith.extui %gt3A_196 : i1 to i32
      %cond3A_198 = arith.constant 0 : i32
      %cond3A_199 = arith.cmpi ne, %convert_element_type3A_197, %cond3A_198 : i32
      scf.if %cond3A_199 {
        %sub3A = arith.constant 8 : i32
        %sub3A_556 = arith.subi %mul3A_135, %sub3A : i32
        %add3A_557 = arith.constant 3 : i32
        %add3A_558 = arith.addi %sub3A_556, %add3A_557 : i32
        %dma_wait3A_559 = arith.constant 3 : i32
        %dma_wait3A_560 = arith.constant 3 : i32
        %dma_wait3A_561 = arith.constant 0 : i32
        %dma_wait3A_562 = arith.constant 0 : i32
        %dma_wait3A_563 = tpu.memref_slice %arg8[%dma_wait3A_559, %dma_wait3A_561, %dma_wait3A_562] : memref<8x125x64xf32, #tpu.memory_space<vmem>> -> memref<1x125x64xf32, #tpu.memory_space<vmem>>
        %dma_wait3A_564 = tpu.memref_squeeze %dma_wait3A_563 : memref<1x125x64xf32, #tpu.memory_space<vmem>> -> memref<125x64xf32, #tpu.memory_space<vmem>>
        %dma_wait3A_565 = arith.constant 0 : i32
        %dma_wait3A_566 = tpu.memref_slice %arg7[%add3A_558, %dma_wait3A_565] : memref<80x125xi32, #tpu.memory_space<vmem>> -> memref<1x125xi32, #tpu.memory_space<vmem>>
        %dma_wait3A_567 = tpu.memref_squeeze %dma_wait3A_566 : memref<1x125xi32, #tpu.memory_space<vmem>> -> memref<125xi32, #tpu.memory_space<vmem>>
        %dma_wait3A_568 = arith.constant 0 : i32
        %dma_wait3A_569 = arith.constant 0 : i32
        %dma_wait3A_570 = tpu.memref_slice %arg9[%dma_wait3A_568, %dma_wait3A_569] : memref<10240x64xf32, #tpu.memory_space<vmem_shared>> -> memref<10240x64xf32, #tpu.memory_space<vmem_shared>>
        %dma_wait3A_571 = tpu.memref_slice %arg11[%dma_wait3A_560] : memref<8x!tpu.dma_semaphore, #tpu.memory_space<semaphore_mem>> -> memref<1x!tpu.dma_semaphore, #tpu.memory_space<semaphore_mem>>
        %dma_wait3A_572 = tpu.memref_squeeze %dma_wait3A_571 : memref<1x!tpu.dma_semaphore, #tpu.memory_space<semaphore_mem>> -> memref<!tpu.dma_semaphore, #tpu.memory_space<semaphore_mem>>
        tpu.wait_indirect_dma semaphore(%dma_wait3A_572 : memref<!tpu.dma_semaphore, #tpu.memory_space<semaphore_mem>>) src(%dma_wait3A_564 : memref<125x64xf32, #tpu.memory_space<vmem>>) dst(%dma_wait3A_570 : memref<10240x64xf32, #tpu.memory_space<vmem_shared>>)
      } else {
      }
      %add3A_200 = arith.constant 3 : i32
      %add3A_201 = arith.addi %mul3A_135, %add3A_200 : i32
      %dma_start3A_202 = arith.constant 3 : i32
      %dma_start3A_203 = arith.constant 3 : i32
      %dma_start3A_204 = arith.constant 0 : i32
      %dma_start3A_205 = arith.constant 0 : i32
      %dma_start3A_206 = tpu.memref_slice %arg8[%dma_start3A_202, %dma_start3A_204, %dma_start3A_205] : memref<8x125x64xf32, #tpu.memory_space<vmem>> -> memref<1x125x64xf32, #tpu.memory_space<vmem>>
      %dma_start3A_207 = tpu.memref_squeeze %dma_start3A_206 : memref<1x125x64xf32, #tpu.memory_space<vmem>> -> memref<125x64xf32, #tpu.memory_space<vmem>>
      %dma_start3A_208 = arith.constant 0 : i32
      %dma_start3A_209 = tpu.memref_slice %arg6[%add3A_201, %dma_start3A_208] : memref<80x125xi32, #tpu.memory_space<vmem>> -> memref<1x125xi32, #tpu.memory_space<vmem>>
      %dma_start3A_210 = tpu.memref_squeeze %dma_start3A_209 : memref<1x125xi32, #tpu.memory_space<vmem>> -> memref<125xi32, #tpu.memory_space<vmem>>
      %dma_start3A_211 = arith.constant 0 : i32
      %dma_start3A_212 = arith.constant 0 : i32
      %dma_start3A_213 = tpu.memref_slice %arg3[%dma_start3A_211, %dma_start3A_212] : memref<10000x64xf32, #tpu.memory_space<hbm>> -> memref<10000x64xf32, #tpu.memory_space<hbm>>
      %dma_start3A_214 = tpu.memref_slice %arg10[%dma_start3A_203] : memref<8x!tpu.dma_semaphore, #tpu.memory_space<semaphore_mem>> -> memref<1x!tpu.dma_semaphore, #tpu.memory_space<semaphore_mem>>
      %dma_start3A_215 = tpu.memref_squeeze %dma_start3A_214 : memref<1x!tpu.dma_semaphore, #tpu.memory_space<semaphore_mem>> -> memref<!tpu.dma_semaphore, #tpu.memory_space<semaphore_mem>>
      tpu.enqueue_indirect_dma source(%dma_start3A_213 : memref<10000x64xf32, #tpu.memory_space<hbm>>) target(%dma_start3A_207 : memref<125x64xf32, #tpu.memory_space<vmem>>) offsets(%dma_start3A_210 : memref<125xi32, #tpu.memory_space<vmem>>) semaphore(%dma_start3A_215 : memref<!tpu.dma_semaphore, #tpu.memory_space<semaphore_mem>>)
      %gt3A_216 = arith.constant 0 : i32
      %gt3A_217 = arith.cmpi sgt, %scan3A_133, %gt3A_216 : i32
      %convert_element_type3A_218 = arith.extui %gt3A_217 : i1 to i32
      %cond3A_219 = arith.constant 0 : i32
      %cond3A_220 = arith.cmpi ne, %convert_element_type3A_218, %cond3A_219 : i32
      scf.if %cond3A_220 {
        %sub3A = arith.constant 8 : i32
        %sub3A_556 = arith.subi %mul3A_135, %sub3A : i32
        %add3A_557 = arith.constant 4 : i32
        %add3A_558 = arith.addi %sub3A_556, %add3A_557 : i32
        %dma_wait3A_559 = arith.constant 4 : i32
        %dma_wait3A_560 = arith.constant 4 : i32
        %dma_wait3A_561 = arith.constant 0 : i32
        %dma_wait3A_562 = arith.constant 0 : i32
        %dma_wait3A_563 = tpu.memref_slice %arg8[%dma_wait3A_559, %dma_wait3A_561, %dma_wait3A_562] : memref<8x125x64xf32, #tpu.memory_space<vmem>> -> memref<1x125x64xf32, #tpu.memory_space<vmem>>
        %dma_wait3A_564 = tpu.memref_squeeze %dma_wait3A_563 : memref<1x125x64xf32, #tpu.memory_space<vmem>> -> memref<125x64xf32, #tpu.memory_space<vmem>>
        %dma_wait3A_565 = arith.constant 0 : i32
        %dma_wait3A_566 = tpu.memref_slice %arg7[%add3A_558, %dma_wait3A_565] : memref<80x125xi32, #tpu.memory_space<vmem>> -> memref<1x125xi32, #tpu.memory_space<vmem>>
        %dma_wait3A_567 = tpu.memref_squeeze %dma_wait3A_566 : memref<1x125xi32, #tpu.memory_space<vmem>> -> memref<125xi32, #tpu.memory_space<vmem>>
        %dma_wait3A_568 = arith.constant 0 : i32
        %dma_wait3A_569 = arith.constant 0 : i32
        %dma_wait3A_570 = tpu.memref_slice %arg9[%dma_wait3A_568, %dma_wait3A_569] : memref<10240x64xf32, #tpu.memory_space<vmem_shared>> -> memref<10240x64xf32, #tpu.memory_space<vmem_shared>>
        %dma_wait3A_571 = tpu.memref_slice %arg11[%dma_wait3A_560] : memref<8x!tpu.dma_semaphore, #tpu.memory_space<semaphore_mem>> -> memref<1x!tpu.dma_semaphore, #tpu.memory_space<semaphore_mem>>
        %dma_wait3A_572 = tpu.memref_squeeze %dma_wait3A_571 : memref<1x!tpu.dma_semaphore, #tpu.memory_space<semaphore_mem>> -> memref<!tpu.dma_semaphore, #tpu.memory_space<semaphore_mem>>
        tpu.wait_indirect_dma semaphore(%dma_wait3A_572 : memref<!tpu.dma_semaphore, #tpu.memory_space<semaphore_mem>>) src(%dma_wait3A_564 : memref<125x64xf32, #tpu.memory_space<vmem>>) dst(%dma_wait3A_570 : memref<10240x64xf32, #tpu.memory_space<vmem_shared>>)
      } else {
      }
      %add3A_221 = arith.constant 4 : i32
      %add3A_222 = arith.addi %mul3A_135, %add3A_221 : i32
      %dma_start3A_223 = arith.constant 4 : i32
      %dma_start3A_224 = arith.constant 4 : i32
      %dma_start3A_225 = arith.constant 0 : i32
      %dma_start3A_226 = arith.constant 0 : i32
      %dma_start3A_227 = tpu.memref_slice %arg8[%dma_start3A_223, %dma_start3A_225, %dma_start3A_226] : memref<8x125x64xf32, #tpu.memory_space<vmem>> -> memref<1x125x64xf32, #tpu.memory_space<vmem>>
      %dma_start3A_228 = tpu.memref_squeeze %dma_start3A_227 : memref<1x125x64xf32, #tpu.memory_space<vmem>> -> memref<125x64xf32, #tpu.memory_space<vmem>>
      %dma_start3A_229 = arith.constant 0 : i32
      %dma_start3A_230 = tpu.memref_slice %arg6[%add3A_222, %dma_start3A_229] : memref<80x125xi32, #tpu.memory_space<vmem>> -> memref<1x125xi32, #tpu.memory_space<vmem>>
      %dma_start3A_231 = tpu.memref_squeeze %dma_start3A_230 : memref<1x125xi32, #tpu.memory_space<vmem>> -> memref<125xi32, #tpu.memory_space<vmem>>
      %dma_start3A_232 = arith.constant 0 : i32
      %dma_start3A_233 = arith.constant 0 : i32
      %dma_start3A_234 = tpu.memref_slice %arg3[%dma_start3A_232, %dma_start3A_233] : memref<10000x64xf32, #tpu.memory_space<hbm>> -> memref<10000x64xf32, #tpu.memory_space<hbm>>
      %dma_start3A_235 = tpu.memref_slice %arg10[%dma_start3A_224] : memref<8x!tpu.dma_semaphore, #tpu.memory_space<semaphore_mem>> -> memref<1x!tpu.dma_semaphore, #tpu.memory_space<semaphore_mem>>
      %dma_start3A_236 = tpu.memref_squeeze %dma_start3A_235 : memref<1x!tpu.dma_semaphore, #tpu.memory_space<semaphore_mem>> -> memref<!tpu.dma_semaphore, #tpu.memory_space<semaphore_mem>>
      tpu.enqueue_indirect_dma source(%dma_start3A_234 : memref<10000x64xf32, #tpu.memory_space<hbm>>) target(%dma_start3A_228 : memref<125x64xf32, #tpu.memory_space<vmem>>) offsets(%dma_start3A_231 : memref<125xi32, #tpu.memory_space<vmem>>) semaphore(%dma_start3A_236 : memref<!tpu.dma_semaphore, #tpu.memory_space<semaphore_mem>>)
      %gt3A_237 = arith.constant 0 : i32
      %gt3A_238 = arith.cmpi sgt, %scan3A_133, %gt3A_237 : i32
      %convert_element_type3A_239 = arith.extui %gt3A_238 : i1 to i32
      %cond3A_240 = arith.constant 0 : i32
      %cond3A_241 = arith.cmpi ne, %convert_element_type3A_239, %cond3A_240 : i32
      scf.if %cond3A_241 {
        %sub3A = arith.constant 8 : i32
        %sub3A_556 = arith.subi %mul3A_135, %sub3A : i32
        %add3A_557 = arith.constant 5 : i32
        %add3A_558 = arith.addi %sub3A_556, %add3A_557 : i32
        %dma_wait3A_559 = arith.constant 5 : i32
        %dma_wait3A_560 = arith.constant 5 : i32
        %dma_wait3A_561 = arith.constant 0 : i32
        %dma_wait3A_562 = arith.constant 0 : i32
        %dma_wait3A_563 = tpu.memref_slice %arg8[%dma_wait3A_559, %dma_wait3A_561, %dma_wait3A_562] : memref<8x125x64xf32, #tpu.memory_space<vmem>> -> memref<1x125x64xf32, #tpu.memory_space<vmem>>
        %dma_wait3A_564 = tpu.memref_squeeze %dma_wait3A_563 : memref<1x125x64xf32, #tpu.memory_space<vmem>> -> memref<125x64xf32, #tpu.memory_space<vmem>>
        %dma_wait3A_565 = arith.constant 0 : i32
        %dma_wait3A_566 = tpu.memref_slice %arg7[%add3A_558, %dma_wait3A_565] : memref<80x125xi32, #tpu.memory_space<vmem>> -> memref<1x125xi32, #tpu.memory_space<vmem>>
        %dma_wait3A_567 = tpu.memref_squeeze %dma_wait3A_566 : memref<1x125xi32, #tpu.memory_space<vmem>> -> memref<125xi32, #tpu.memory_space<vmem>>
        %dma_wait3A_568 = arith.constant 0 : i32
        %dma_wait3A_569 = arith.constant 0 : i32
        %dma_wait3A_570 = tpu.memref_slice %arg9[%dma_wait3A_568, %dma_wait3A_569] : memref<10240x64xf32, #tpu.memory_space<vmem_shared>> -> memref<10240x64xf32, #tpu.memory_space<vmem_shared>>
        %dma_wait3A_571 = tpu.memref_slice %arg11[%dma_wait3A_560] : memref<8x!tpu.dma_semaphore, #tpu.memory_space<semaphore_mem>> -> memref<1x!tpu.dma_semaphore, #tpu.memory_space<semaphore_mem>>
        %dma_wait3A_572 = tpu.memref_squeeze %dma_wait3A_571 : memref<1x!tpu.dma_semaphore, #tpu.memory_space<semaphore_mem>> -> memref<!tpu.dma_semaphore, #tpu.memory_space<semaphore_mem>>
        tpu.wait_indirect_dma semaphore(%dma_wait3A_572 : memref<!tpu.dma_semaphore, #tpu.memory_space<semaphore_mem>>) src(%dma_wait3A_564 : memref<125x64xf32, #tpu.memory_space<vmem>>) dst(%dma_wait3A_570 : memref<10240x64xf32, #tpu.memory_space<vmem_shared>>)
      } else {
      }
      %add3A_242 = arith.constant 5 : i32
      %add3A_243 = arith.addi %mul3A_135, %add3A_242 : i32
      %dma_start3A_244 = arith.constant 5 : i32
      %dma_start3A_245 = arith.constant 5 : i32
      %dma_start3A_246 = arith.constant 0 : i32
      %dma_start3A_247 = arith.constant 0 : i32
      %dma_start3A_248 = tpu.memref_slice %arg8[%dma_start3A_244, %dma_start3A_246, %dma_start3A_247] : memref<8x125x64xf32, #tpu.memory_space<vmem>> -> memref<1x125x64xf32, #tpu.memory_space<vmem>>
      %dma_start3A_249 = tpu.memref_squeeze %dma_start3A_248 : memref<1x125x64xf32, #tpu.memory_space<vmem>> -> memref<125x64xf32, #tpu.memory_space<vmem>>
      %dma_start3A_250 = arith.constant 0 : i32
      %dma_start3A_251 = tpu.memref_slice %arg6[%add3A_243, %dma_start3A_250] : memref<80x125xi32, #tpu.memory_space<vmem>> -> memref<1x125xi32, #tpu.memory_space<vmem>>
      %dma_start3A_252 = tpu.memref_squeeze %dma_start3A_251 : memref<1x125xi32, #tpu.memory_space<vmem>> -> memref<125xi32, #tpu.memory_space<vmem>>
      %dma_start3A_253 = arith.constant 0 : i32
      %dma_start3A_254 = arith.constant 0 : i32
      %dma_start3A_255 = tpu.memref_slice %arg3[%dma_start3A_253, %dma_start3A_254] : memref<10000x64xf32, #tpu.memory_space<hbm>> -> memref<10000x64xf32, #tpu.memory_space<hbm>>
      %dma_start3A_256 = tpu.memref_slice %arg10[%dma_start3A_245] : memref<8x!tpu.dma_semaphore, #tpu.memory_space<semaphore_mem>> -> memref<1x!tpu.dma_semaphore, #tpu.memory_space<semaphore_mem>>
      %dma_start3A_257 = tpu.memref_squeeze %dma_start3A_256 : memref<1x!tpu.dma_semaphore, #tpu.memory_space<semaphore_mem>> -> memref<!tpu.dma_semaphore, #tpu.memory_space<semaphore_mem>>
      tpu.enqueue_indirect_dma source(%dma_start3A_255 : memref<10000x64xf32, #tpu.memory_space<hbm>>) target(%dma_start3A_249 : memref<125x64xf32, #tpu.memory_space<vmem>>) offsets(%dma_start3A_252 : memref<125xi32, #tpu.memory_space<vmem>>) semaphore(%dma_start3A_257 : memref<!tpu.dma_semaphore, #tpu.memory_space<semaphore_mem>>)
      %gt3A_258 = arith.constant 0 : i32
      %gt3A_259 = arith.cmpi sgt, %scan3A_133, %gt3A_258 : i32
      %convert_element_type3A_260 = arith.extui %gt3A_259 : i1 to i32
      %cond3A_261 = arith.constant 0 : i32
      %cond3A_262 = arith.cmpi ne, %convert_element_type3A_260, %cond3A_261 : i32
      scf.if %cond3A_262 {
        %sub3A = arith.constant 8 : i32
        %sub3A_556 = arith.subi %mul3A_135, %sub3A : i32
        %add3A_557 = arith.constant 6 : i32
        %add3A_558 = arith.addi %sub3A_556, %add3A_557 : i32
        %dma_wait3A_559 = arith.constant 6 : i32
        %dma_wait3A_560 = arith.constant 6 : i32
        %dma_wait3A_561 = arith.constant 0 : i32
        %dma_wait3A_562 = arith.constant 0 : i32
        %dma_wait3A_563 = tpu.memref_slice %arg8[%dma_wait3A_559, %dma_wait3A_561, %dma_wait3A_562] : memref<8x125x64xf32, #tpu.memory_space<vmem>> -> memref<1x125x64xf32, #tpu.memory_space<vmem>>
        %dma_wait3A_564 = tpu.memref_squeeze %dma_wait3A_563 : memref<1x125x64xf32, #tpu.memory_space<vmem>> -> memref<125x64xf32, #tpu.memory_space<vmem>>
        %dma_wait3A_565 = arith.constant 0 : i32
        %dma_wait3A_566 = tpu.memref_slice %arg7[%add3A_558, %dma_wait3A_565] : memref<80x125xi32, #tpu.memory_space<vmem>> -> memref<1x125xi32, #tpu.memory_space<vmem>>
        %dma_wait3A_567 = tpu.memref_squeeze %dma_wait3A_566 : memref<1x125xi32, #tpu.memory_space<vmem>> -> memref<125xi32, #tpu.memory_space<vmem>>
        %dma_wait3A_568 = arith.constant 0 : i32
        %dma_wait3A_569 = arith.constant 0 : i32
        %dma_wait3A_570 = tpu.memref_slice %arg9[%dma_wait3A_568, %dma_wait3A_569] : memref<10240x64xf32, #tpu.memory_space<vmem_shared>> -> memref<10240x64xf32, #tpu.memory_space<vmem_shared>>
        %dma_wait3A_571 = tpu.memref_slice %arg11[%dma_wait3A_560] : memref<8x!tpu.dma_semaphore, #tpu.memory_space<semaphore_mem>> -> memref<1x!tpu.dma_semaphore, #tpu.memory_space<semaphore_mem>>
        %dma_wait3A_572 = tpu.memref_squeeze %dma_wait3A_571 : memref<1x!tpu.dma_semaphore, #tpu.memory_space<semaphore_mem>> -> memref<!tpu.dma_semaphore, #tpu.memory_space<semaphore_mem>>
        tpu.wait_indirect_dma semaphore(%dma_wait3A_572 : memref<!tpu.dma_semaphore, #tpu.memory_space<semaphore_mem>>) src(%dma_wait3A_564 : memref<125x64xf32, #tpu.memory_space<vmem>>) dst(%dma_wait3A_570 : memref<10240x64xf32, #tpu.memory_space<vmem_shared>>)
      } else {
      }
      %add3A_263 = arith.constant 6 : i32
      %add3A_264 = arith.addi %mul3A_135, %add3A_263 : i32
      %dma_start3A_265 = arith.constant 6 : i32
      %dma_start3A_266 = arith.constant 6 : i32
      %dma_start3A_267 = arith.constant 0 : i32
      %dma_start3A_268 = arith.constant 0 : i32
      %dma_start3A_269 = tpu.memref_slice %arg8[%dma_start3A_265, %dma_start3A_267, %dma_start3A_268] : memref<8x125x64xf32, #tpu.memory_space<vmem>> -> memref<1x125x64xf32, #tpu.memory_space<vmem>>
      %dma_start3A_270 = tpu.memref_squeeze %dma_start3A_269 : memref<1x125x64xf32, #tpu.memory_space<vmem>> -> memref<125x64xf32, #tpu.memory_space<vmem>>
      %dma_start3A_271 = arith.constant 0 : i32
      %dma_start3A_272 = tpu.memref_slice %arg6[%add3A_264, %dma_start3A_271] : memref<80x125xi32, #tpu.memory_space<vmem>> -> memref<1x125xi32, #tpu.memory_space<vmem>>
      %dma_start3A_273 = tpu.memref_squeeze %dma_start3A_272 : memref<1x125xi32, #tpu.memory_space<vmem>> -> memref<125xi32, #tpu.memory_space<vmem>>
      %dma_start3A_274 = arith.constant 0 : i32
      %dma_start3A_275 = arith.constant 0 : i32
      %dma_start3A_276 = tpu.memref_slice %arg3[%dma_start3A_274, %dma_start3A_275] : memref<10000x64xf32, #tpu.memory_space<hbm>> -> memref<10000x64xf32, #tpu.memory_space<hbm>>
      %dma_start3A_277 = tpu.memref_slice %arg10[%dma_start3A_266] : memref<8x!tpu.dma_semaphore, #tpu.memory_space<semaphore_mem>> -> memref<1x!tpu.dma_semaphore, #tpu.memory_space<semaphore_mem>>
      %dma_start3A_278 = tpu.memref_squeeze %dma_start3A_277 : memref<1x!tpu.dma_semaphore, #tpu.memory_space<semaphore_mem>> -> memref<!tpu.dma_semaphore, #tpu.memory_space<semaphore_mem>>
      tpu.enqueue_indirect_dma source(%dma_start3A_276 : memref<10000x64xf32, #tpu.memory_space<hbm>>) target(%dma_start3A_270 : memref<125x64xf32, #tpu.memory_space<vmem>>) offsets(%dma_start3A_273 : memref<125xi32, #tpu.memory_space<vmem>>) semaphore(%dma_start3A_278 : memref<!tpu.dma_semaphore, #tpu.memory_space<semaphore_mem>>)
      %gt3A_279 = arith.constant 0 : i32
      %gt3A_280 = arith.cmpi sgt, %scan3A_133, %gt3A_279 : i32
      %convert_element_type3A_281 = arith.extui %gt3A_280 : i1 to i32
      %cond3A_282 = arith.constant 0 : i32
      %cond3A_283 = arith.cmpi ne, %convert_element_type3A_281, %cond3A_282 : i32
      scf.if %cond3A_283 {
        %sub3A = arith.constant 8 : i32
        %sub3A_556 = arith.subi %mul3A_135, %sub3A : i32
        %add3A_557 = arith.constant 7 : i32
        %add3A_558 = arith.addi %sub3A_556, %add3A_557 : i32
        %dma_wait3A_559 = arith.constant 7 : i32
        %dma_wait3A_560 = arith.constant 7 : i32
        %dma_wait3A_561 = arith.constant 0 : i32
        %dma_wait3A_562 = arith.constant 0 : i32
        %dma_wait3A_563 = tpu.memref_slice %arg8[%dma_wait3A_559, %dma_wait3A_561, %dma_wait3A_562] : memref<8x125x64xf32, #tpu.memory_space<vmem>> -> memref<1x125x64xf32, #tpu.memory_space<vmem>>
        %dma_wait3A_564 = tpu.memref_squeeze %dma_wait3A_563 : memref<1x125x64xf32, #tpu.memory_space<vmem>> -> memref<125x64xf32, #tpu.memory_space<vmem>>
        %dma_wait3A_565 = arith.constant 0 : i32
        %dma_wait3A_566 = tpu.memref_slice %arg7[%add3A_558, %dma_wait3A_565] : memref<80x125xi32, #tpu.memory_space<vmem>> -> memref<1x125xi32, #tpu.memory_space<vmem>>
        %dma_wait3A_567 = tpu.memref_squeeze %dma_wait3A_566 : memref<1x125xi32, #tpu.memory_space<vmem>> -> memref<125xi32, #tpu.memory_space<vmem>>
        %dma_wait3A_568 = arith.constant 0 : i32
        %dma_wait3A_569 = arith.constant 0 : i32
        %dma_wait3A_570 = tpu.memref_slice %arg9[%dma_wait3A_568, %dma_wait3A_569] : memref<10240x64xf32, #tpu.memory_space<vmem_shared>> -> memref<10240x64xf32, #tpu.memory_space<vmem_shared>>
        %dma_wait3A_571 = tpu.memref_slice %arg11[%dma_wait3A_560] : memref<8x!tpu.dma_semaphore, #tpu.memory_space<semaphore_mem>> -> memref<1x!tpu.dma_semaphore, #tpu.memory_space<semaphore_mem>>
        %dma_wait3A_572 = tpu.memref_squeeze %dma_wait3A_571 : memref<1x!tpu.dma_semaphore, #tpu.memory_space<semaphore_mem>> -> memref<!tpu.dma_semaphore, #tpu.memory_space<semaphore_mem>>
        tpu.wait_indirect_dma semaphore(%dma_wait3A_572 : memref<!tpu.dma_semaphore, #tpu.memory_space<semaphore_mem>>) src(%dma_wait3A_564 : memref<125x64xf32, #tpu.memory_space<vmem>>) dst(%dma_wait3A_570 : memref<10240x64xf32, #tpu.memory_space<vmem_shared>>)
      } else {
      }
      %add3A_284 = arith.constant 7 : i32
      %add3A_285 = arith.addi %mul3A_135, %add3A_284 : i32
      %dma_start3A_286 = arith.constant 7 : i32
      %dma_start3A_287 = arith.constant 7 : i32
      %dma_start3A_288 = arith.constant 0 : i32
      %dma_start3A_289 = arith.constant 0 : i32
      %dma_start3A_290 = tpu.memref_slice %arg8[%dma_start3A_286, %dma_start3A_288, %dma_start3A_289] : memref<8x125x64xf32, #tpu.memory_space<vmem>> -> memref<1x125x64xf32, #tpu.memory_space<vmem>>
      %dma_start3A_291 = tpu.memref_squeeze %dma_start3A_290 : memref<1x125x64xf32, #tpu.memory_space<vmem>> -> memref<125x64xf32, #tpu.memory_space<vmem>>
      %dma_start3A_292 = arith.constant 0 : i32
      %dma_start3A_293 = tpu.memref_slice %arg6[%add3A_285, %dma_start3A_292] : memref<80x125xi32, #tpu.memory_space<vmem>> -> memref<1x125xi32, #tpu.memory_space<vmem>>
      %dma_start3A_294 = tpu.memref_squeeze %dma_start3A_293 : memref<1x125xi32, #tpu.memory_space<vmem>> -> memref<125xi32, #tpu.memory_space<vmem>>
      %dma_start3A_295 = arith.constant 0 : i32
      %dma_start3A_296 = arith.constant 0 : i32
      %dma_start3A_297 = tpu.memref_slice %arg3[%dma_start3A_295, %dma_start3A_296] : memref<10000x64xf32, #tpu.memory_space<hbm>> -> memref<10000x64xf32, #tpu.memory_space<hbm>>
      %dma_start3A_298 = tpu.memref_slice %arg10[%dma_start3A_287] : memref<8x!tpu.dma_semaphore, #tpu.memory_space<semaphore_mem>> -> memref<1x!tpu.dma_semaphore, #tpu.memory_space<semaphore_mem>>
      %dma_start3A_299 = tpu.memref_squeeze %dma_start3A_298 : memref<1x!tpu.dma_semaphore, #tpu.memory_space<semaphore_mem>> -> memref<!tpu.dma_semaphore, #tpu.memory_space<semaphore_mem>>
      tpu.enqueue_indirect_dma source(%dma_start3A_297 : memref<10000x64xf32, #tpu.memory_space<hbm>>) target(%dma_start3A_291 : memref<125x64xf32, #tpu.memory_space<vmem>>) offsets(%dma_start3A_294 : memref<125xi32, #tpu.memory_space<vmem>>) semaphore(%dma_start3A_299 : memref<!tpu.dma_semaphore, #tpu.memory_space<semaphore_mem>>)
      %add3A_300 = arith.constant 0 : i32
      %add3A_301 = arith.addi %mul3A_135, %add3A_300 : i32
      %dma_wait3A_302 = arith.constant 0 : i32
      %dma_wait3A_303 = arith.constant 0 : i32
      %dma_wait3A_304 = arith.constant 0 : i32
      %dma_wait3A_305 = arith.constant 0 : i32
      %dma_wait3A_306 = tpu.memref_slice %arg8[%dma_wait3A_302, %dma_wait3A_304, %dma_wait3A_305] : memref<8x125x64xf32, #tpu.memory_space<vmem>> -> memref<1x125x64xf32, #tpu.memory_space<vmem>>
      %dma_wait3A_307 = tpu.memref_squeeze %dma_wait3A_306 : memref<1x125x64xf32, #tpu.memory_space<vmem>> -> memref<125x64xf32, #tpu.memory_space<vmem>>
      %dma_wait3A_308 = arith.constant 0 : i32
      %dma_wait3A_309 = tpu.memref_slice %arg6[%add3A_301, %dma_wait3A_308] : memref<80x125xi32, #tpu.memory_space<vmem>> -> memref<1x125xi32, #tpu.memory_space<vmem>>
      %dma_wait3A_310 = tpu.memref_squeeze %dma_wait3A_309 : memref<1x125xi32, #tpu.memory_space<vmem>> -> memref<125xi32, #tpu.memory_space<vmem>>
      %dma_wait3A_311 = arith.constant 0 : i32
      %dma_wait3A_312 = arith.constant 0 : i32
      %dma_wait3A_313 = tpu.memref_slice %arg3[%dma_wait3A_311, %dma_wait3A_312] : memref<10000x64xf32, #tpu.memory_space<hbm>> -> memref<10000x64xf32, #tpu.memory_space<hbm>>
      %dma_wait3A_314 = tpu.memref_slice %arg10[%dma_wait3A_303] : memref<8x!tpu.dma_semaphore, #tpu.memory_space<semaphore_mem>> -> memref<1x!tpu.dma_semaphore, #tpu.memory_space<semaphore_mem>>
      %dma_wait3A_315 = tpu.memref_squeeze %dma_wait3A_314 : memref<1x!tpu.dma_semaphore, #tpu.memory_space<semaphore_mem>> -> memref<!tpu.dma_semaphore, #tpu.memory_space<semaphore_mem>>
      tpu.wait_indirect_dma semaphore(%dma_wait3A_315 : memref<!tpu.dma_semaphore, #tpu.memory_space<semaphore_mem>>) src(%dma_wait3A_313 : memref<10000x64xf32, #tpu.memory_space<hbm>>) dst(%dma_wait3A_307 : memref<125x64xf32, #tpu.memory_space<vmem>>)
      %add3A_316 = arith.constant 0 : i32
      %add3A_317 = arith.addi %mul3A_135, %add3A_316 : i32
      %dma_start3A_318 = arith.constant 0 : i32
      %dma_start3A_319 = arith.constant 0 : i32
      %dma_start3A_320 = arith.constant 0 : i32
      %dma_start3A_321 = arith.constant 0 : i32
      %dma_start3A_322 = tpu.memref_slice %arg8[%dma_start3A_318, %dma_start3A_320, %dma_start3A_321] : memref<8x125x64xf32, #tpu.memory_space<vmem>> -> memref<1x125x64xf32, #tpu.memory_space<vmem>>
      %dma_start3A_323 = tpu.memref_squeeze %dma_start3A_322 : memref<1x125x64xf32, #tpu.memory_space<vmem>> -> memref<125x64xf32, #tpu.memory_space<vmem>>
      %dma_start3A_324 = arith.constant 0 : i32
      %dma_start3A_325 = tpu.memref_slice %arg7[%add3A_317, %dma_start3A_324] : memref<80x125xi32, #tpu.memory_space<vmem>> -> memref<1x125xi32, #tpu.memory_space<vmem>>
      %dma_start3A_326 = tpu.memref_squeeze %dma_start3A_325 : memref<1x125xi32, #tpu.memory_space<vmem>> -> memref<125xi32, #tpu.memory_space<vmem>>
      %dma_start3A_327 = arith.constant 0 : i32
      %dma_start3A_328 = arith.constant 0 : i32
      %dma_start3A_329 = tpu.memref_slice %arg9[%dma_start3A_327, %dma_start3A_328] : memref<10240x64xf32, #tpu.memory_space<vmem_shared>> -> memref<10240x64xf32, #tpu.memory_space<vmem_shared>>
      %dma_start3A_330 = tpu.memref_slice %arg11[%dma_start3A_319] : memref<8x!tpu.dma_semaphore, #tpu.memory_space<semaphore_mem>> -> memref<1x!tpu.dma_semaphore, #tpu.memory_space<semaphore_mem>>
      %dma_start3A_331 = tpu.memref_squeeze %dma_start3A_330 : memref<1x!tpu.dma_semaphore, #tpu.memory_space<semaphore_mem>> -> memref<!tpu.dma_semaphore, #tpu.memory_space<semaphore_mem>>
      tpu.enqueue_indirect_dma source(%dma_start3A_323 : memref<125x64xf32, #tpu.memory_space<vmem>>) target(%dma_start3A_329 : memref<10240x64xf32, #tpu.memory_space<vmem_shared>>) offsets(%dma_start3A_326 : memref<125xi32, #tpu.memory_space<vmem>>) semaphore(%dma_start3A_331 : memref<!tpu.dma_semaphore, #tpu.memory_space<semaphore_mem>>) {add = true}
      %add3A_332 = arith.constant 1 : i32
      %add3A_333 = arith.addi %mul3A_135, %add3A_332 : i32
      %dma_wait3A_334 = arith.constant 1 : i32
      %dma_wait3A_335 = arith.constant 1 : i32
      %dma_wait3A_336 = arith.constant 0 : i32
      %dma_wait3A_337 = arith.constant 0 : i32
      %dma_wait3A_338 = tpu.memref_slice %arg8[%dma_wait3A_334, %dma_wait3A_336, %dma_wait3A_337] : memref<8x125x64xf32, #tpu.memory_space<vmem>> -> memref<1x125x64xf32, #tpu.memory_space<vmem>>
      %dma_wait3A_339 = tpu.memref_squeeze %dma_wait3A_338 : memref<1x125x64xf32, #tpu.memory_space<vmem>> -> memref<125x64xf32, #tpu.memory_space<vmem>>
      %dma_wait3A_340 = arith.constant 0 : i32
      %dma_wait3A_341 = tpu.memref_slice %arg6[%add3A_333, %dma_wait3A_340] : memref<80x125xi32, #tpu.memory_space<vmem>> -> memref<1x125xi32, #tpu.memory_space<vmem>>
      %dma_wait3A_342 = tpu.memref_squeeze %dma_wait3A_341 : memref<1x125xi32, #tpu.memory_space<vmem>> -> memref<125xi32, #tpu.memory_space<vmem>>
      %dma_wait3A_343 = arith.constant 0 : i32
      %dma_wait3A_344 = arith.constant 0 : i32
      %dma_wait3A_345 = tpu.memref_slice %arg3[%dma_wait3A_343, %dma_wait3A_344] : memref<10000x64xf32, #tpu.memory_space<hbm>> -> memref<10000x64xf32, #tpu.memory_space<hbm>>
      %dma_wait3A_346 = tpu.memref_slice %arg10[%dma_wait3A_335] : memref<8x!tpu.dma_semaphore, #tpu.memory_space<semaphore_mem>> -> memref<1x!tpu.dma_semaphore, #tpu.memory_space<semaphore_mem>>
      %dma_wait3A_347 = tpu.memref_squeeze %dma_wait3A_346 : memref<1x!tpu.dma_semaphore, #tpu.memory_space<semaphore_mem>> -> memref<!tpu.dma_semaphore, #tpu.memory_space<semaphore_mem>>
      tpu.wait_indirect_dma semaphore(%dma_wait3A_347 : memref<!tpu.dma_semaphore, #tpu.memory_space<semaphore_mem>>) src(%dma_wait3A_345 : memref<10000x64xf32, #tpu.memory_space<hbm>>) dst(%dma_wait3A_339 : memref<125x64xf32, #tpu.memory_space<vmem>>)
      %add3A_348 = arith.constant 1 : i32
      %add3A_349 = arith.addi %mul3A_135, %add3A_348 : i32
      %dma_start3A_350 = arith.constant 1 : i32
      %dma_start3A_351 = arith.constant 1 : i32
      %dma_start3A_352 = arith.constant 0 : i32
      %dma_start3A_353 = arith.constant 0 : i32
      %dma_start3A_354 = tpu.memref_slice %arg8[%dma_start3A_350, %dma_start3A_352, %dma_start3A_353] : memref<8x125x64xf32, #tpu.memory_space<vmem>> -> memref<1x125x64xf32, #tpu.memory_space<vmem>>
      %dma_start3A_355 = tpu.memref_squeeze %dma_start3A_354 : memref<1x125x64xf32, #tpu.memory_space<vmem>> -> memref<125x64xf32, #tpu.memory_space<vmem>>
      %dma_start3A_356 = arith.constant 0 : i32
      %dma_start3A_357 = tpu.memref_slice %arg7[%add3A_349, %dma_start3A_356] : memref<80x125xi32, #tpu.memory_space<vmem>> -> memref<1x125xi32, #tpu.memory_space<vmem>>
      %dma_start3A_358 = tpu.memref_squeeze %dma_start3A_357 : memref<1x125xi32, #tpu.memory_space<vmem>> -> memref<125xi32, #tpu.memory_space<vmem>>
      %dma_start3A_359 = arith.constant 0 : i32
      %dma_start3A_360 = arith.constant 0 : i32
      %dma_start3A_361 = tpu.memref_slice %arg9[%dma_start3A_359, %dma_start3A_360] : memref<10240x64xf32, #tpu.memory_space<vmem_shared>> -> memref<10240x64xf32, #tpu.memory_space<vmem_shared>>
      %dma_start3A_362 = tpu.memref_slice %arg11[%dma_start3A_351] : memref<8x!tpu.dma_semaphore, #tpu.memory_space<semaphore_mem>> -> memref<1x!tpu.dma_semaphore, #tpu.memory_space<semaphore_mem>>
      %dma_start3A_363 = tpu.memref_squeeze %dma_start3A_362 : memref<1x!tpu.dma_semaphore, #tpu.memory_space<semaphore_mem>> -> memref<!tpu.dma_semaphore, #tpu.memory_space<semaphore_mem>>
      tpu.enqueue_indirect_dma source(%dma_start3A_355 : memref<125x64xf32, #tpu.memory_space<vmem>>) target(%dma_start3A_361 : memref<10240x64xf32, #tpu.memory_space<vmem_shared>>) offsets(%dma_start3A_358 : memref<125xi32, #tpu.memory_space<vmem>>) semaphore(%dma_start3A_363 : memref<!tpu.dma_semaphore, #tpu.memory_space<semaphore_mem>>) {add = true}
      %add3A_364 = arith.constant 2 : i32
      %add3A_365 = arith.addi %mul3A_135, %add3A_364 : i32
      %dma_wait3A_366 = arith.constant 2 : i32
      %dma_wait3A_367 = arith.constant 2 : i32
      %dma_wait3A_368 = arith.constant 0 : i32
      %dma_wait3A_369 = arith.constant 0 : i32
      %dma_wait3A_370 = tpu.memref_slice %arg8[%dma_wait3A_366, %dma_wait3A_368, %dma_wait3A_369] : memref<8x125x64xf32, #tpu.memory_space<vmem>> -> memref<1x125x64xf32, #tpu.memory_space<vmem>>
      %dma_wait3A_371 = tpu.memref_squeeze %dma_wait3A_370 : memref<1x125x64xf32, #tpu.memory_space<vmem>> -> memref<125x64xf32, #tpu.memory_space<vmem>>
      %dma_wait3A_372 = arith.constant 0 : i32
      %dma_wait3A_373 = tpu.memref_slice %arg6[%add3A_365, %dma_wait3A_372] : memref<80x125xi32, #tpu.memory_space<vmem>> -> memref<1x125xi32, #tpu.memory_space<vmem>>
      %dma_wait3A_374 = tpu.memref_squeeze %dma_wait3A_373 : memref<1x125xi32, #tpu.memory_space<vmem>> -> memref<125xi32, #tpu.memory_space<vmem>>
      %dma_wait3A_375 = arith.constant 0 : i32
      %dma_wait3A_376 = arith.constant 0 : i32
      %dma_wait3A_377 = tpu.memref_slice %arg3[%dma_wait3A_375, %dma_wait3A_376] : memref<10000x64xf32, #tpu.memory_space<hbm>> -> memref<10000x64xf32, #tpu.memory_space<hbm>>
      %dma_wait3A_378 = tpu.memref_slice %arg10[%dma_wait3A_367] : memref<8x!tpu.dma_semaphore, #tpu.memory_space<semaphore_mem>> -> memref<1x!tpu.dma_semaphore, #tpu.memory_space<semaphore_mem>>
      %dma_wait3A_379 = tpu.memref_squeeze %dma_wait3A_378 : memref<1x!tpu.dma_semaphore, #tpu.memory_space<semaphore_mem>> -> memref<!tpu.dma_semaphore, #tpu.memory_space<semaphore_mem>>
      tpu.wait_indirect_dma semaphore(%dma_wait3A_379 : memref<!tpu.dma_semaphore, #tpu.memory_space<semaphore_mem>>) src(%dma_wait3A_377 : memref<10000x64xf32, #tpu.memory_space<hbm>>) dst(%dma_wait3A_371 : memref<125x64xf32, #tpu.memory_space<vmem>>)
      %add3A_380 = arith.constant 2 : i32
      %add3A_381 = arith.addi %mul3A_135, %add3A_380 : i32
      %dma_start3A_382 = arith.constant 2 : i32
      %dma_start3A_383 = arith.constant 2 : i32
      %dma_start3A_384 = arith.constant 0 : i32
      %dma_start3A_385 = arith.constant 0 : i32
      %dma_start3A_386 = tpu.memref_slice %arg8[%dma_start3A_382, %dma_start3A_384, %dma_start3A_385] : memref<8x125x64xf32, #tpu.memory_space<vmem>> -> memref<1x125x64xf32, #tpu.memory_space<vmem>>
      %dma_start3A_387 = tpu.memref_squeeze %dma_start3A_386 : memref<1x125x64xf32, #tpu.memory_space<vmem>> -> memref<125x64xf32, #tpu.memory_space<vmem>>
      %dma_start3A_388 = arith.constant 0 : i32
      %dma_start3A_389 = tpu.memref_slice %arg7[%add3A_381, %dma_start3A_388] : memref<80x125xi32, #tpu.memory_space<vmem>> -> memref<1x125xi32, #tpu.memory_space<vmem>>
      %dma_start3A_390 = tpu.memref_squeeze %dma_start3A_389 : memref<1x125xi32, #tpu.memory_space<vmem>> -> memref<125xi32, #tpu.memory_space<vmem>>
      %dma_start3A_391 = arith.constant 0 : i32
      %dma_start3A_392 = arith.constant 0 : i32
      %dma_start3A_393 = tpu.memref_slice %arg9[%dma_start3A_391, %dma_start3A_392] : memref<10240x64xf32, #tpu.memory_space<vmem_shared>> -> memref<10240x64xf32, #tpu.memory_space<vmem_shared>>
      %dma_start3A_394 = tpu.memref_slice %arg11[%dma_start3A_383] : memref<8x!tpu.dma_semaphore, #tpu.memory_space<semaphore_mem>> -> memref<1x!tpu.dma_semaphore, #tpu.memory_space<semaphore_mem>>
      %dma_start3A_395 = tpu.memref_squeeze %dma_start3A_394 : memref<1x!tpu.dma_semaphore, #tpu.memory_space<semaphore_mem>> -> memref<!tpu.dma_semaphore, #tpu.memory_space<semaphore_mem>>
      tpu.enqueue_indirect_dma source(%dma_start3A_387 : memref<125x64xf32, #tpu.memory_space<vmem>>) target(%dma_start3A_393 : memref<10240x64xf32, #tpu.memory_space<vmem_shared>>) offsets(%dma_start3A_390 : memref<125xi32, #tpu.memory_space<vmem>>) semaphore(%dma_start3A_395 : memref<!tpu.dma_semaphore, #tpu.memory_space<semaphore_mem>>) {add = true}
      %add3A_396 = arith.constant 3 : i32
      %add3A_397 = arith.addi %mul3A_135, %add3A_396 : i32
      %dma_wait3A_398 = arith.constant 3 : i32
      %dma_wait3A_399 = arith.constant 3 : i32
      %dma_wait3A_400 = arith.constant 0 : i32
      %dma_wait3A_401 = arith.constant 0 : i32
      %dma_wait3A_402 = tpu.memref_slice %arg8[%dma_wait3A_398, %dma_wait3A_400, %dma_wait3A_401] : memref<8x125x64xf32, #tpu.memory_space<vmem>> -> memref<1x125x64xf32, #tpu.memory_space<vmem>>
      %dma_wait3A_403 = tpu.memref_squeeze %dma_wait3A_402 : memref<1x125x64xf32, #tpu.memory_space<vmem>> -> memref<125x64xf32, #tpu.memory_space<vmem>>
      %dma_wait3A_404 = arith.constant 0 : i32
      %dma_wait3A_405 = tpu.memref_slice %arg6[%add3A_397, %dma_wait3A_404] : memref<80x125xi32, #tpu.memory_space<vmem>> -> memref<1x125xi32, #tpu.memory_space<vmem>>
      %dma_wait3A_406 = tpu.memref_squeeze %dma_wait3A_405 : memref<1x125xi32, #tpu.memory_space<vmem>> -> memref<125xi32, #tpu.memory_space<vmem>>
      %dma_wait3A_407 = arith.constant 0 : i32
      %dma_wait3A_408 = arith.constant 0 : i32
      %dma_wait3A_409 = tpu.memref_slice %arg3[%dma_wait3A_407, %dma_wait3A_408] : memref<10000x64xf32, #tpu.memory_space<hbm>> -> memref<10000x64xf32, #tpu.memory_space<hbm>>
      %dma_wait3A_410 = tpu.memref_slice %arg10[%dma_wait3A_399] : memref<8x!tpu.dma_semaphore, #tpu.memory_space<semaphore_mem>> -> memref<1x!tpu.dma_semaphore, #tpu.memory_space<semaphore_mem>>
      %dma_wait3A_411 = tpu.memref_squeeze %dma_wait3A_410 : memref<1x!tpu.dma_semaphore, #tpu.memory_space<semaphore_mem>> -> memref<!tpu.dma_semaphore, #tpu.memory_space<semaphore_mem>>
      tpu.wait_indirect_dma semaphore(%dma_wait3A_411 : memref<!tpu.dma_semaphore, #tpu.memory_space<semaphore_mem>>) src(%dma_wait3A_409 : memref<10000x64xf32, #tpu.memory_space<hbm>>) dst(%dma_wait3A_403 : memref<125x64xf32, #tpu.memory_space<vmem>>)
      %add3A_412 = arith.constant 3 : i32
      %add3A_413 = arith.addi %mul3A_135, %add3A_412 : i32
      %dma_start3A_414 = arith.constant 3 : i32
      %dma_start3A_415 = arith.constant 3 : i32
      %dma_start3A_416 = arith.constant 0 : i32
      %dma_start3A_417 = arith.constant 0 : i32
      %dma_start3A_418 = tpu.memref_slice %arg8[%dma_start3A_414, %dma_start3A_416, %dma_start3A_417] : memref<8x125x64xf32, #tpu.memory_space<vmem>> -> memref<1x125x64xf32, #tpu.memory_space<vmem>>
      %dma_start3A_419 = tpu.memref_squeeze %dma_start3A_418 : memref<1x125x64xf32, #tpu.memory_space<vmem>> -> memref<125x64xf32, #tpu.memory_space<vmem>>
      %dma_start3A_420 = arith.constant 0 : i32
      %dma_start3A_421 = tpu.memref_slice %arg7[%add3A_413, %dma_start3A_420] : memref<80x125xi32, #tpu.memory_space<vmem>> -> memref<1x125xi32, #tpu.memory_space<vmem>>
      %dma_start3A_422 = tpu.memref_squeeze %dma_start3A_421 : memref<1x125xi32, #tpu.memory_space<vmem>> -> memref<125xi32, #tpu.memory_space<vmem>>
      %dma_start3A_423 = arith.constant 0 : i32
      %dma_start3A_424 = arith.constant 0 : i32
      %dma_start3A_425 = tpu.memref_slice %arg9[%dma_start3A_423, %dma_start3A_424] : memref<10240x64xf32, #tpu.memory_space<vmem_shared>> -> memref<10240x64xf32, #tpu.memory_space<vmem_shared>>
      %dma_start3A_426 = tpu.memref_slice %arg11[%dma_start3A_415] : memref<8x!tpu.dma_semaphore, #tpu.memory_space<semaphore_mem>> -> memref<1x!tpu.dma_semaphore, #tpu.memory_space<semaphore_mem>>
      %dma_start3A_427 = tpu.memref_squeeze %dma_start3A_426 : memref<1x!tpu.dma_semaphore, #tpu.memory_space<semaphore_mem>> -> memref<!tpu.dma_semaphore, #tpu.memory_space<semaphore_mem>>
      tpu.enqueue_indirect_dma source(%dma_start3A_419 : memref<125x64xf32, #tpu.memory_space<vmem>>) target(%dma_start3A_425 : memref<10240x64xf32, #tpu.memory_space<vmem_shared>>) offsets(%dma_start3A_422 : memref<125xi32, #tpu.memory_space<vmem>>) semaphore(%dma_start3A_427 : memref<!tpu.dma_semaphore, #tpu.memory_space<semaphore_mem>>) {add = true}
      %add3A_428 = arith.constant 4 : i32
      %add3A_429 = arith.addi %mul3A_135, %add3A_428 : i32
      %dma_wait3A_430 = arith.constant 4 : i32
      %dma_wait3A_431 = arith.constant 4 : i32
      %dma_wait3A_432 = arith.constant 0 : i32
      %dma_wait3A_433 = arith.constant 0 : i32
      %dma_wait3A_434 = tpu.memref_slice %arg8[%dma_wait3A_430, %dma_wait3A_432, %dma_wait3A_433] : memref<8x125x64xf32, #tpu.memory_space<vmem>> -> memref<1x125x64xf32, #tpu.memory_space<vmem>>
      %dma_wait3A_435 = tpu.memref_squeeze %dma_wait3A_434 : memref<1x125x64xf32, #tpu.memory_space<vmem>> -> memref<125x64xf32, #tpu.memory_space<vmem>>
      %dma_wait3A_436 = arith.constant 0 : i32
      %dma_wait3A_437 = tpu.memref_slice %arg6[%add3A_429, %dma_wait3A_436] : memref<80x125xi32, #tpu.memory_space<vmem>> -> memref<1x125xi32, #tpu.memory_space<vmem>>
      %dma_wait3A_438 = tpu.memref_squeeze %dma_wait3A_437 : memref<1x125xi32, #tpu.memory_space<vmem>> -> memref<125xi32, #tpu.memory_space<vmem>>
      %dma_wait3A_439 = arith.constant 0 : i32
      %dma_wait3A_440 = arith.constant 0 : i32
      %dma_wait3A_441 = tpu.memref_slice %arg3[%dma_wait3A_439, %dma_wait3A_440] : memref<10000x64xf32, #tpu.memory_space<hbm>> -> memref<10000x64xf32, #tpu.memory_space<hbm>>
      %dma_wait3A_442 = tpu.memref_slice %arg10[%dma_wait3A_431] : memref<8x!tpu.dma_semaphore, #tpu.memory_space<semaphore_mem>> -> memref<1x!tpu.dma_semaphore, #tpu.memory_space<semaphore_mem>>
      %dma_wait3A_443 = tpu.memref_squeeze %dma_wait3A_442 : memref<1x!tpu.dma_semaphore, #tpu.memory_space<semaphore_mem>> -> memref<!tpu.dma_semaphore, #tpu.memory_space<semaphore_mem>>
      tpu.wait_indirect_dma semaphore(%dma_wait3A_443 : memref<!tpu.dma_semaphore, #tpu.memory_space<semaphore_mem>>) src(%dma_wait3A_441 : memref<10000x64xf32, #tpu.memory_space<hbm>>) dst(%dma_wait3A_435 : memref<125x64xf32, #tpu.memory_space<vmem>>)
      %add3A_444 = arith.constant 4 : i32
      %add3A_445 = arith.addi %mul3A_135, %add3A_444 : i32
      %dma_start3A_446 = arith.constant 4 : i32
      %dma_start3A_447 = arith.constant 4 : i32
      %dma_start3A_448 = arith.constant 0 : i32
      %dma_start3A_449 = arith.constant 0 : i32
      %dma_start3A_450 = tpu.memref_slice %arg8[%dma_start3A_446, %dma_start3A_448, %dma_start3A_449] : memref<8x125x64xf32, #tpu.memory_space<vmem>> -> memref<1x125x64xf32, #tpu.memory_space<vmem>>
      %dma_start3A_451 = tpu.memref_squeeze %dma_start3A_450 : memref<1x125x64xf32, #tpu.memory_space<vmem>> -> memref<125x64xf32, #tpu.memory_space<vmem>>
      %dma_start3A_452 = arith.constant 0 : i32
      %dma_start3A_453 = tpu.memref_slice %arg7[%add3A_445, %dma_start3A_452] : memref<80x125xi32, #tpu.memory_space<vmem>> -> memref<1x125xi32, #tpu.memory_space<vmem>>
      %dma_start3A_454 = tpu.memref_squeeze %dma_start3A_453 : memref<1x125xi32, #tpu.memory_space<vmem>> -> memref<125xi32, #tpu.memory_space<vmem>>
      %dma_start3A_455 = arith.constant 0 : i32
      %dma_start3A_456 = arith.constant 0 : i32
      %dma_start3A_457 = tpu.memref_slice %arg9[%dma_start3A_455, %dma_start3A_456] : memref<10240x64xf32, #tpu.memory_space<vmem_shared>> -> memref<10240x64xf32, #tpu.memory_space<vmem_shared>>
      %dma_start3A_458 = tpu.memref_slice %arg11[%dma_start3A_447] : memref<8x!tpu.dma_semaphore, #tpu.memory_space<semaphore_mem>> -> memref<1x!tpu.dma_semaphore, #tpu.memory_space<semaphore_mem>>
      %dma_start3A_459 = tpu.memref_squeeze %dma_start3A_458 : memref<1x!tpu.dma_semaphore, #tpu.memory_space<semaphore_mem>> -> memref<!tpu.dma_semaphore, #tpu.memory_space<semaphore_mem>>
      tpu.enqueue_indirect_dma source(%dma_start3A_451 : memref<125x64xf32, #tpu.memory_space<vmem>>) target(%dma_start3A_457 : memref<10240x64xf32, #tpu.memory_space<vmem_shared>>) offsets(%dma_start3A_454 : memref<125xi32, #tpu.memory_space<vmem>>) semaphore(%dma_start3A_459 : memref<!tpu.dma_semaphore, #tpu.memory_space<semaphore_mem>>) {add = true}
      %add3A_460 = arith.constant 5 : i32
      %add3A_461 = arith.addi %mul3A_135, %add3A_460 : i32
      %dma_wait3A_462 = arith.constant 5 : i32
      %dma_wait3A_463 = arith.constant 5 : i32
      %dma_wait3A_464 = arith.constant 0 : i32
      %dma_wait3A_465 = arith.constant 0 : i32
      %dma_wait3A_466 = tpu.memref_slice %arg8[%dma_wait3A_462, %dma_wait3A_464, %dma_wait3A_465] : memref<8x125x64xf32, #tpu.memory_space<vmem>> -> memref<1x125x64xf32, #tpu.memory_space<vmem>>
      %dma_wait3A_467 = tpu.memref_squeeze %dma_wait3A_466 : memref<1x125x64xf32, #tpu.memory_space<vmem>> -> memref<125x64xf32, #tpu.memory_space<vmem>>
      %dma_wait3A_468 = arith.constant 0 : i32
      %dma_wait3A_469 = tpu.memref_slice %arg6[%add3A_461, %dma_wait3A_468] : memref<80x125xi32, #tpu.memory_space<vmem>> -> memref<1x125xi32, #tpu.memory_space<vmem>>
      %dma_wait3A_470 = tpu.memref_squeeze %dma_wait3A_469 : memref<1x125xi32, #tpu.memory_space<vmem>> -> memref<125xi32, #tpu.memory_space<vmem>>
      %dma_wait3A_471 = arith.constant 0 : i32
      %dma_wait3A_472 = arith.constant 0 : i32
      %dma_wait3A_473 = tpu.memref_slice %arg3[%dma_wait3A_471, %dma_wait3A_472] : memref<10000x64xf32, #tpu.memory_space<hbm>> -> memref<10000x64xf32, #tpu.memory_space<hbm>>
      %dma_wait3A_474 = tpu.memref_slice %arg10[%dma_wait3A_463] : memref<8x!tpu.dma_semaphore, #tpu.memory_space<semaphore_mem>> -> memref<1x!tpu.dma_semaphore, #tpu.memory_space<semaphore_mem>>
      %dma_wait3A_475 = tpu.memref_squeeze %dma_wait3A_474 : memref<1x!tpu.dma_semaphore, #tpu.memory_space<semaphore_mem>> -> memref<!tpu.dma_semaphore, #tpu.memory_space<semaphore_mem>>
      tpu.wait_indirect_dma semaphore(%dma_wait3A_475 : memref<!tpu.dma_semaphore, #tpu.memory_space<semaphore_mem>>) src(%dma_wait3A_473 : memref<10000x64xf32, #tpu.memory_space<hbm>>) dst(%dma_wait3A_467 : memref<125x64xf32, #tpu.memory_space<vmem>>)
      %add3A_476 = arith.constant 5 : i32
      %add3A_477 = arith.addi %mul3A_135, %add3A_476 : i32
      %dma_start3A_478 = arith.constant 5 : i32
      %dma_start3A_479 = arith.constant 5 : i32
      %dma_start3A_480 = arith.constant 0 : i32
      %dma_start3A_481 = arith.constant 0 : i32
      %dma_start3A_482 = tpu.memref_slice %arg8[%dma_start3A_478, %dma_start3A_480, %dma_start3A_481] : memref<8x125x64xf32, #tpu.memory_space<vmem>> -> memref<1x125x64xf32, #tpu.memory_space<vmem>>
      %dma_start3A_483 = tpu.memref_squeeze %dma_start3A_482 : memref<1x125x64xf32, #tpu.memory_space<vmem>> -> memref<125x64xf32, #tpu.memory_space<vmem>>
      %dma_start3A_484 = arith.constant 0 : i32
      %dma_start3A_485 = tpu.memref_slice %arg7[%add3A_477, %dma_start3A_484] : memref<80x125xi32, #tpu.memory_space<vmem>> -> memref<1x125xi32, #tpu.memory_space<vmem>>
      %dma_start3A_486 = tpu.memref_squeeze %dma_start3A_485 : memref<1x125xi32, #tpu.memory_space<vmem>> -> memref<125xi32, #tpu.memory_space<vmem>>
      %dma_start3A_487 = arith.constant 0 : i32
      %dma_start3A_488 = arith.constant 0 : i32
      %dma_start3A_489 = tpu.memref_slice %arg9[%dma_start3A_487, %dma_start3A_488] : memref<10240x64xf32, #tpu.memory_space<vmem_shared>> -> memref<10240x64xf32, #tpu.memory_space<vmem_shared>>
      %dma_start3A_490 = tpu.memref_slice %arg11[%dma_start3A_479] : memref<8x!tpu.dma_semaphore, #tpu.memory_space<semaphore_mem>> -> memref<1x!tpu.dma_semaphore, #tpu.memory_space<semaphore_mem>>
      %dma_start3A_491 = tpu.memref_squeeze %dma_start3A_490 : memref<1x!tpu.dma_semaphore, #tpu.memory_space<semaphore_mem>> -> memref<!tpu.dma_semaphore, #tpu.memory_space<semaphore_mem>>
      tpu.enqueue_indirect_dma source(%dma_start3A_483 : memref<125x64xf32, #tpu.memory_space<vmem>>) target(%dma_start3A_489 : memref<10240x64xf32, #tpu.memory_space<vmem_shared>>) offsets(%dma_start3A_486 : memref<125xi32, #tpu.memory_space<vmem>>) semaphore(%dma_start3A_491 : memref<!tpu.dma_semaphore, #tpu.memory_space<semaphore_mem>>) {add = true}
      %add3A_492 = arith.constant 6 : i32
      %add3A_493 = arith.addi %mul3A_135, %add3A_492 : i32
      %dma_wait3A_494 = arith.constant 6 : i32
      %dma_wait3A_495 = arith.constant 6 : i32
      %dma_wait3A_496 = arith.constant 0 : i32
      %dma_wait3A_497 = arith.constant 0 : i32
      %dma_wait3A_498 = tpu.memref_slice %arg8[%dma_wait3A_494, %dma_wait3A_496, %dma_wait3A_497] : memref<8x125x64xf32, #tpu.memory_space<vmem>> -> memref<1x125x64xf32, #tpu.memory_space<vmem>>
      %dma_wait3A_499 = tpu.memref_squeeze %dma_wait3A_498 : memref<1x125x64xf32, #tpu.memory_space<vmem>> -> memref<125x64xf32, #tpu.memory_space<vmem>>
      %dma_wait3A_500 = arith.constant 0 : i32
      %dma_wait3A_501 = tpu.memref_slice %arg6[%add3A_493, %dma_wait3A_500] : memref<80x125xi32, #tpu.memory_space<vmem>> -> memref<1x125xi32, #tpu.memory_space<vmem>>
      %dma_wait3A_502 = tpu.memref_squeeze %dma_wait3A_501 : memref<1x125xi32, #tpu.memory_space<vmem>> -> memref<125xi32, #tpu.memory_space<vmem>>
      %dma_wait3A_503 = arith.constant 0 : i32
      %dma_wait3A_504 = arith.constant 0 : i32
      %dma_wait3A_505 = tpu.memref_slice %arg3[%dma_wait3A_503, %dma_wait3A_504] : memref<10000x64xf32, #tpu.memory_space<hbm>> -> memref<10000x64xf32, #tpu.memory_space<hbm>>
      %dma_wait3A_506 = tpu.memref_slice %arg10[%dma_wait3A_495] : memref<8x!tpu.dma_semaphore, #tpu.memory_space<semaphore_mem>> -> memref<1x!tpu.dma_semaphore, #tpu.memory_space<semaphore_mem>>
      %dma_wait3A_507 = tpu.memref_squeeze %dma_wait3A_506 : memref<1x!tpu.dma_semaphore, #tpu.memory_space<semaphore_mem>> -> memref<!tpu.dma_semaphore, #tpu.memory_space<semaphore_mem>>
      tpu.wait_indirect_dma semaphore(%dma_wait3A_507 : memref<!tpu.dma_semaphore, #tpu.memory_space<semaphore_mem>>) src(%dma_wait3A_505 : memref<10000x64xf32, #tpu.memory_space<hbm>>) dst(%dma_wait3A_499 : memref<125x64xf32, #tpu.memory_space<vmem>>)
      %add3A_508 = arith.constant 6 : i32
      %add3A_509 = arith.addi %mul3A_135, %add3A_508 : i32
      %dma_start3A_510 = arith.constant 6 : i32
      %dma_start3A_511 = arith.constant 6 : i32
      %dma_start3A_512 = arith.constant 0 : i32
      %dma_start3A_513 = arith.constant 0 : i32
      %dma_start3A_514 = tpu.memref_slice %arg8[%dma_start3A_510, %dma_start3A_512, %dma_start3A_513] : memref<8x125x64xf32, #tpu.memory_space<vmem>> -> memref<1x125x64xf32, #tpu.memory_space<vmem>>
      %dma_start3A_515 = tpu.memref_squeeze %dma_start3A_514 : memref<1x125x64xf32, #tpu.memory_space<vmem>> -> memref<125x64xf32, #tpu.memory_space<vmem>>
      %dma_start3A_516 = arith.constant 0 : i32
      %dma_start3A_517 = tpu.memref_slice %arg7[%add3A_509, %dma_start3A_516] : memref<80x125xi32, #tpu.memory_space<vmem>> -> memref<1x125xi32, #tpu.memory_space<vmem>>
      %dma_start3A_518 = tpu.memref_squeeze %dma_start3A_517 : memref<1x125xi32, #tpu.memory_space<vmem>> -> memref<125xi32, #tpu.memory_space<vmem>>
      %dma_start3A_519 = arith.constant 0 : i32
      %dma_start3A_520 = arith.constant 0 : i32
      %dma_start3A_521 = tpu.memref_slice %arg9[%dma_start3A_519, %dma_start3A_520] : memref<10240x64xf32, #tpu.memory_space<vmem_shared>> -> memref<10240x64xf32, #tpu.memory_space<vmem_shared>>
      %dma_start3A_522 = tpu.memref_slice %arg11[%dma_start3A_511] : memref<8x!tpu.dma_semaphore, #tpu.memory_space<semaphore_mem>> -> memref<1x!tpu.dma_semaphore, #tpu.memory_space<semaphore_mem>>
      %dma_start3A_523 = tpu.memref_squeeze %dma_start3A_522 : memref<1x!tpu.dma_semaphore, #tpu.memory_space<semaphore_mem>> -> memref<!tpu.dma_semaphore, #tpu.memory_space<semaphore_mem>>
      tpu.enqueue_indirect_dma source(%dma_start3A_515 : memref<125x64xf32, #tpu.memory_space<vmem>>) target(%dma_start3A_521 : memref<10240x64xf32, #tpu.memory_space<vmem_shared>>) offsets(%dma_start3A_518 : memref<125xi32, #tpu.memory_space<vmem>>) semaphore(%dma_start3A_523 : memref<!tpu.dma_semaphore, #tpu.memory_space<semaphore_mem>>) {add = true}
      %add3A_524 = arith.constant 7 : i32
      %add3A_525 = arith.addi %mul3A_135, %add3A_524 : i32
      %dma_wait3A_526 = arith.constant 7 : i32
      %dma_wait3A_527 = arith.constant 7 : i32
      %dma_wait3A_528 = arith.constant 0 : i32
      %dma_wait3A_529 = arith.constant 0 : i32
      %dma_wait3A_530 = tpu.memref_slice %arg8[%dma_wait3A_526, %dma_wait3A_528, %dma_wait3A_529] : memref<8x125x64xf32, #tpu.memory_space<vmem>> -> memref<1x125x64xf32, #tpu.memory_space<vmem>>
      %dma_wait3A_531 = tpu.memref_squeeze %dma_wait3A_530 : memref<1x125x64xf32, #tpu.memory_space<vmem>> -> memref<125x64xf32, #tpu.memory_space<vmem>>
      %dma_wait3A_532 = arith.constant 0 : i32
      %dma_wait3A_533 = tpu.memref_slice %arg6[%add3A_525, %dma_wait3A_532] : memref<80x125xi32, #tpu.memory_space<vmem>> -> memref<1x125xi32, #tpu.memory_space<vmem>>
      %dma_wait3A_534 = tpu.memref_squeeze %dma_wait3A_533 : memref<1x125xi32, #tpu.memory_space<vmem>> -> memref<125xi32, #tpu.memory_space<vmem>>
      %dma_wait3A_535 = arith.constant 0 : i32
      %dma_wait3A_536 = arith.constant 0 : i32
      %dma_wait3A_537 = tpu.memref_slice %arg3[%dma_wait3A_535, %dma_wait3A_536] : memref<10000x64xf32, #tpu.memory_space<hbm>> -> memref<10000x64xf32, #tpu.memory_space<hbm>>
      %dma_wait3A_538 = tpu.memref_slice %arg10[%dma_wait3A_527] : memref<8x!tpu.dma_semaphore, #tpu.memory_space<semaphore_mem>> -> memref<1x!tpu.dma_semaphore, #tpu.memory_space<semaphore_mem>>
      %dma_wait3A_539 = tpu.memref_squeeze %dma_wait3A_538 : memref<1x!tpu.dma_semaphore, #tpu.memory_space<semaphore_mem>> -> memref<!tpu.dma_semaphore, #tpu.memory_space<semaphore_mem>>
      tpu.wait_indirect_dma semaphore(%dma_wait3A_539 : memref<!tpu.dma_semaphore, #tpu.memory_space<semaphore_mem>>) src(%dma_wait3A_537 : memref<10000x64xf32, #tpu.memory_space<hbm>>) dst(%dma_wait3A_531 : memref<125x64xf32, #tpu.memory_space<vmem>>)
      %add3A_540 = arith.constant 7 : i32
      %add3A_541 = arith.addi %mul3A_135, %add3A_540 : i32
      %dma_start3A_542 = arith.constant 7 : i32
      %dma_start3A_543 = arith.constant 7 : i32
      %dma_start3A_544 = arith.constant 0 : i32
      %dma_start3A_545 = arith.constant 0 : i32
      %dma_start3A_546 = tpu.memref_slice %arg8[%dma_start3A_542, %dma_start3A_544, %dma_start3A_545] : memref<8x125x64xf32, #tpu.memory_space<vmem>> -> memref<1x125x64xf32, #tpu.memory_space<vmem>>
      %dma_start3A_547 = tpu.memref_squeeze %dma_start3A_546 : memref<1x125x64xf32, #tpu.memory_space<vmem>> -> memref<125x64xf32, #tpu.memory_space<vmem>>
      %dma_start3A_548 = arith.constant 0 : i32
      %dma_start3A_549 = tpu.memref_slice %arg7[%add3A_541, %dma_start3A_548] : memref<80x125xi32, #tpu.memory_space<vmem>> -> memref<1x125xi32, #tpu.memory_space<vmem>>
      %dma_start3A_550 = tpu.memref_squeeze %dma_start3A_549 : memref<1x125xi32, #tpu.memory_space<vmem>> -> memref<125xi32, #tpu.memory_space<vmem>>
      %dma_start3A_551 = arith.constant 0 : i32
      %dma_start3A_552 = arith.constant 0 : i32
      %dma_start3A_553 = tpu.memref_slice %arg9[%dma_start3A_551, %dma_start3A_552] : memref<10240x64xf32, #tpu.memory_space<vmem_shared>> -> memref<10240x64xf32, #tpu.memory_space<vmem_shared>>
      %dma_start3A_554 = tpu.memref_slice %arg11[%dma_start3A_543] : memref<8x!tpu.dma_semaphore, #tpu.memory_space<semaphore_mem>> -> memref<1x!tpu.dma_semaphore, #tpu.memory_space<semaphore_mem>>
      %dma_start3A_555 = tpu.memref_squeeze %dma_start3A_554 : memref<1x!tpu.dma_semaphore, #tpu.memory_space<semaphore_mem>> -> memref<!tpu.dma_semaphore, #tpu.memory_space<semaphore_mem>>
      tpu.enqueue_indirect_dma source(%dma_start3A_547 : memref<125x64xf32, #tpu.memory_space<vmem>>) target(%dma_start3A_553 : memref<10240x64xf32, #tpu.memory_space<vmem_shared>>) offsets(%dma_start3A_550 : memref<125xi32, #tpu.memory_space<vmem>>) semaphore(%dma_start3A_555 : memref<!tpu.dma_semaphore, #tpu.memory_space<semaphore_mem>>) {add = true}
    }
    %scan3A_8 = arith.constant 10 : i32
    %dma_wait3A = arith.constant 0 : i32
    %dma_wait3A_9 = arith.constant 72 : i32
    %dma_wait3A_10 = arith.constant 0 : i32
    %dma_wait3A_11 = arith.constant 0 : i32
    %dma_wait3A_12 = arith.constant 0 : i32
    %dma_wait3A_13 = tpu.memref_slice %arg8[%dma_wait3A, %dma_wait3A_11, %dma_wait3A_12] : memref<8x125x64xf32, #tpu.memory_space<vmem>> -> memref<1x125x64xf32, #tpu.memory_space<vmem>>
    %dma_wait3A_14 = tpu.memref_squeeze %dma_wait3A_13 : memref<1x125x64xf32, #tpu.memory_space<vmem>> -> memref<125x64xf32, #tpu.memory_space<vmem>>
    %dma_wait3A_15 = arith.constant 0 : i32
    %dma_wait3A_16 = tpu.memref_slice %arg7[%dma_wait3A_9, %dma_wait3A_15] : memref<80x125xi32, #tpu.memory_space<vmem>> -> memref<1x125xi32, #tpu.memory_space<vmem>>
    %dma_wait3A_17 = tpu.memref_squeeze %dma_wait3A_16 : memref<1x125xi32, #tpu.memory_space<vmem>> -> memref<125xi32, #tpu.memory_space<vmem>>
    %dma_wait3A_18 = arith.constant 0 : i32
    %dma_wait3A_19 = arith.constant 0 : i32
    %dma_wait3A_20 = tpu.memref_slice %arg9[%dma_wait3A_18, %dma_wait3A_19] : memref<10240x64xf32, #tpu.memory_space<vmem_shared>> -> memref<10240x64xf32, #tpu.memory_space<vmem_shared>>
    %dma_wait3A_21 = tpu.memref_slice %arg11[%dma_wait3A_10] : memref<8x!tpu.dma_semaphore, #tpu.memory_space<semaphore_mem>> -> memref<1x!tpu.dma_semaphore, #tpu.memory_space<semaphore_mem>>
    %dma_wait3A_22 = tpu.memref_squeeze %dma_wait3A_21 : memref<1x!tpu.dma_semaphore, #tpu.memory_space<semaphore_mem>> -> memref<!tpu.dma_semaphore, #tpu.memory_space<semaphore_mem>>
    tpu.wait_indirect_dma semaphore(%dma_wait3A_22 : memref<!tpu.dma_semaphore, #tpu.memory_space<semaphore_mem>>) src(%dma_wait3A_14 : memref<125x64xf32, #tpu.memory_space<vmem>>) dst(%dma_wait3A_20 : memref<10240x64xf32, #tpu.memory_space<vmem_shared>>)
    %dma_wait3A_23 = arith.constant 1 : i32
    %dma_wait3A_24 = arith.constant 73 : i32
    %dma_wait3A_25 = arith.constant 1 : i32
    %dma_wait3A_26 = arith.constant 0 : i32
    %dma_wait3A_27 = arith.constant 0 : i32
    %dma_wait3A_28 = tpu.memref_slice %arg8[%dma_wait3A_23, %dma_wait3A_26, %dma_wait3A_27] : memref<8x125x64xf32, #tpu.memory_space<vmem>> -> memref<1x125x64xf32, #tpu.memory_space<vmem>>
    %dma_wait3A_29 = tpu.memref_squeeze %dma_wait3A_28 : memref<1x125x64xf32, #tpu.memory_space<vmem>> -> memref<125x64xf32, #tpu.memory_space<vmem>>
    %dma_wait3A_30 = arith.constant 0 : i32
    %dma_wait3A_31 = tpu.memref_slice %arg7[%dma_wait3A_24, %dma_wait3A_30] : memref<80x125xi32, #tpu.memory_space<vmem>> -> memref<1x125xi32, #tpu.memory_space<vmem>>
    %dma_wait3A_32 = tpu.memref_squeeze %dma_wait3A_31 : memref<1x125xi32, #tpu.memory_space<vmem>> -> memref<125xi32, #tpu.memory_space<vmem>>
    %dma_wait3A_33 = arith.constant 0 : i32
    %dma_wait3A_34 = arith.constant 0 : i32
    %dma_wait3A_35 = tpu.memref_slice %arg9[%dma_wait3A_33, %dma_wait3A_34] : memref<10240x64xf32, #tpu.memory_space<vmem_shared>> -> memref<10240x64xf32, #tpu.memory_space<vmem_shared>>
    %dma_wait3A_36 = tpu.memref_slice %arg11[%dma_wait3A_25] : memref<8x!tpu.dma_semaphore, #tpu.memory_space<semaphore_mem>> -> memref<1x!tpu.dma_semaphore, #tpu.memory_space<semaphore_mem>>
    %dma_wait3A_37 = tpu.memref_squeeze %dma_wait3A_36 : memref<1x!tpu.dma_semaphore, #tpu.memory_space<semaphore_mem>> -> memref<!tpu.dma_semaphore, #tpu.memory_space<semaphore_mem>>
    tpu.wait_indirect_dma semaphore(%dma_wait3A_37 : memref<!tpu.dma_semaphore, #tpu.memory_space<semaphore_mem>>) src(%dma_wait3A_29 : memref<125x64xf32, #tpu.memory_space<vmem>>) dst(%dma_wait3A_35 : memref<10240x64xf32, #tpu.memory_space<vmem_shared>>)
    %dma_wait3A_38 = arith.constant 2 : i32
    %dma_wait3A_39 = arith.constant 74 : i32
    %dma_wait3A_40 = arith.constant 2 : i32
    %dma_wait3A_41 = arith.constant 0 : i32
    %dma_wait3A_42 = arith.constant 0 : i32
    %dma_wait3A_43 = tpu.memref_slice %arg8[%dma_wait3A_38, %dma_wait3A_41, %dma_wait3A_42] : memref<8x125x64xf32, #tpu.memory_space<vmem>> -> memref<1x125x64xf32, #tpu.memory_space<vmem>>
    %dma_wait3A_44 = tpu.memref_squeeze %dma_wait3A_43 : memref<1x125x64xf32, #tpu.memory_space<vmem>> -> memref<125x64xf32, #tpu.memory_space<vmem>>
    %dma_wait3A_45 = arith.constant 0 : i32
    %dma_wait3A_46 = tpu.memref_slice %arg7[%dma_wait3A_39, %dma_wait3A_45] : memref<80x125xi32, #tpu.memory_space<vmem>> -> memref<1x125xi32, #tpu.memory_space<vmem>>
    %dma_wait3A_47 = tpu.memref_squeeze %dma_wait3A_46 : memref<1x125xi32, #tpu.memory_space<vmem>> -> memref<125xi32, #tpu.memory_space<vmem>>
    %dma_wait3A_48 = arith.constant 0 : i32
    %dma_wait3A_49 = arith.constant 0 : i32
    %dma_wait3A_50 = tpu.memref_slice %arg9[%dma_wait3A_48, %dma_wait3A_49] : memref<10240x64xf32, #tpu.memory_space<vmem_shared>> -> memref<10240x64xf32, #tpu.memory_space<vmem_shared>>
    %dma_wait3A_51 = tpu.memref_slice %arg11[%dma_wait3A_40] : memref<8x!tpu.dma_semaphore, #tpu.memory_space<semaphore_mem>> -> memref<1x!tpu.dma_semaphore, #tpu.memory_space<semaphore_mem>>
    %dma_wait3A_52 = tpu.memref_squeeze %dma_wait3A_51 : memref<1x!tpu.dma_semaphore, #tpu.memory_space<semaphore_mem>> -> memref<!tpu.dma_semaphore, #tpu.memory_space<semaphore_mem>>
    tpu.wait_indirect_dma semaphore(%dma_wait3A_52 : memref<!tpu.dma_semaphore, #tpu.memory_space<semaphore_mem>>) src(%dma_wait3A_44 : memref<125x64xf32, #tpu.memory_space<vmem>>) dst(%dma_wait3A_50 : memref<10240x64xf32, #tpu.memory_space<vmem_shared>>)
    %dma_wait3A_53 = arith.constant 3 : i32
    %dma_wait3A_54 = arith.constant 75 : i32
    %dma_wait3A_55 = arith.constant 3 : i32
    %dma_wait3A_56 = arith.constant 0 : i32
    %dma_wait3A_57 = arith.constant 0 : i32
    %dma_wait3A_58 = tpu.memref_slice %arg8[%dma_wait3A_53, %dma_wait3A_56, %dma_wait3A_57] : memref<8x125x64xf32, #tpu.memory_space<vmem>> -> memref<1x125x64xf32, #tpu.memory_space<vmem>>
    %dma_wait3A_59 = tpu.memref_squeeze %dma_wait3A_58 : memref<1x125x64xf32, #tpu.memory_space<vmem>> -> memref<125x64xf32, #tpu.memory_space<vmem>>
    %dma_wait3A_60 = arith.constant 0 : i32
    %dma_wait3A_61 = tpu.memref_slice %arg7[%dma_wait3A_54, %dma_wait3A_60] : memref<80x125xi32, #tpu.memory_space<vmem>> -> memref<1x125xi32, #tpu.memory_space<vmem>>
    %dma_wait3A_62 = tpu.memref_squeeze %dma_wait3A_61 : memref<1x125xi32, #tpu.memory_space<vmem>> -> memref<125xi32, #tpu.memory_space<vmem>>
    %dma_wait3A_63 = arith.constant 0 : i32
    %dma_wait3A_64 = arith.constant 0 : i32
    %dma_wait3A_65 = tpu.memref_slice %arg9[%dma_wait3A_63, %dma_wait3A_64] : memref<10240x64xf32, #tpu.memory_space<vmem_shared>> -> memref<10240x64xf32, #tpu.memory_space<vmem_shared>>
    %dma_wait3A_66 = tpu.memref_slice %arg11[%dma_wait3A_55] : memref<8x!tpu.dma_semaphore, #tpu.memory_space<semaphore_mem>> -> memref<1x!tpu.dma_semaphore, #tpu.memory_space<semaphore_mem>>
    %dma_wait3A_67 = tpu.memref_squeeze %dma_wait3A_66 : memref<1x!tpu.dma_semaphore, #tpu.memory_space<semaphore_mem>> -> memref<!tpu.dma_semaphore, #tpu.memory_space<semaphore_mem>>
    tpu.wait_indirect_dma semaphore(%dma_wait3A_67 : memref<!tpu.dma_semaphore, #tpu.memory_space<semaphore_mem>>) src(%dma_wait3A_59 : memref<125x64xf32, #tpu.memory_space<vmem>>) dst(%dma_wait3A_65 : memref<10240x64xf32, #tpu.memory_space<vmem_shared>>)
    %dma_wait3A_68 = arith.constant 4 : i32
    %dma_wait3A_69 = arith.constant 76 : i32
    %dma_wait3A_70 = arith.constant 4 : i32
    %dma_wait3A_71 = arith.constant 0 : i32
    %dma_wait3A_72 = arith.constant 0 : i32
    %dma_wait3A_73 = tpu.memref_slice %arg8[%dma_wait3A_68, %dma_wait3A_71, %dma_wait3A_72] : memref<8x125x64xf32, #tpu.memory_space<vmem>> -> memref<1x125x64xf32, #tpu.memory_space<vmem>>
    %dma_wait3A_74 = tpu.memref_squeeze %dma_wait3A_73 : memref<1x125x64xf32, #tpu.memory_space<vmem>> -> memref<125x64xf32, #tpu.memory_space<vmem>>
    %dma_wait3A_75 = arith.constant 0 : i32
    %dma_wait3A_76 = tpu.memref_slice %arg7[%dma_wait3A_69, %dma_wait3A_75] : memref<80x125xi32, #tpu.memory_space<vmem>> -> memref<1x125xi32, #tpu.memory_space<vmem>>
    %dma_wait3A_77 = tpu.memref_squeeze %dma_wait3A_76 : memref<1x125xi32, #tpu.memory_space<vmem>> -> memref<125xi32, #tpu.memory_space<vmem>>
    %dma_wait3A_78 = arith.constant 0 : i32
    %dma_wait3A_79 = arith.constant 0 : i32
    %dma_wait3A_80 = tpu.memref_slice %arg9[%dma_wait3A_78, %dma_wait3A_79] : memref<10240x64xf32, #tpu.memory_space<vmem_shared>> -> memref<10240x64xf32, #tpu.memory_space<vmem_shared>>
    %dma_wait3A_81 = tpu.memref_slice %arg11[%dma_wait3A_70] : memref<8x!tpu.dma_semaphore, #tpu.memory_space<semaphore_mem>> -> memref<1x!tpu.dma_semaphore, #tpu.memory_space<semaphore_mem>>
    %dma_wait3A_82 = tpu.memref_squeeze %dma_wait3A_81 : memref<1x!tpu.dma_semaphore, #tpu.memory_space<semaphore_mem>> -> memref<!tpu.dma_semaphore, #tpu.memory_space<semaphore_mem>>
    tpu.wait_indirect_dma semaphore(%dma_wait3A_82 : memref<!tpu.dma_semaphore, #tpu.memory_space<semaphore_mem>>) src(%dma_wait3A_74 : memref<125x64xf32, #tpu.memory_space<vmem>>) dst(%dma_wait3A_80 : memref<10240x64xf32, #tpu.memory_space<vmem_shared>>)
    %dma_wait3A_83 = arith.constant 5 : i32
    %dma_wait3A_84 = arith.constant 77 : i32
    %dma_wait3A_85 = arith.constant 5 : i32
    %dma_wait3A_86 = arith.constant 0 : i32
    %dma_wait3A_87 = arith.constant 0 : i32
    %dma_wait3A_88 = tpu.memref_slice %arg8[%dma_wait3A_83, %dma_wait3A_86, %dma_wait3A_87] : memref<8x125x64xf32, #tpu.memory_space<vmem>> -> memref<1x125x64xf32, #tpu.memory_space<vmem>>
    %dma_wait3A_89 = tpu.memref_squeeze %dma_wait3A_88 : memref<1x125x64xf32, #tpu.memory_space<vmem>> -> memref<125x64xf32, #tpu.memory_space<vmem>>
    %dma_wait3A_90 = arith.constant 0 : i32
    %dma_wait3A_91 = tpu.memref_slice %arg7[%dma_wait3A_84, %dma_wait3A_90] : memref<80x125xi32, #tpu.memory_space<vmem>> -> memref<1x125xi32, #tpu.memory_space<vmem>>
    %dma_wait3A_92 = tpu.memref_squeeze %dma_wait3A_91 : memref<1x125xi32, #tpu.memory_space<vmem>> -> memref<125xi32, #tpu.memory_space<vmem>>
    %dma_wait3A_93 = arith.constant 0 : i32
    %dma_wait3A_94 = arith.constant 0 : i32
    %dma_wait3A_95 = tpu.memref_slice %arg9[%dma_wait3A_93, %dma_wait3A_94] : memref<10240x64xf32, #tpu.memory_space<vmem_shared>> -> memref<10240x64xf32, #tpu.memory_space<vmem_shared>>
    %dma_wait3A_96 = tpu.memref_slice %arg11[%dma_wait3A_85] : memref<8x!tpu.dma_semaphore, #tpu.memory_space<semaphore_mem>> -> memref<1x!tpu.dma_semaphore, #tpu.memory_space<semaphore_mem>>
    %dma_wait3A_97 = tpu.memref_squeeze %dma_wait3A_96 : memref<1x!tpu.dma_semaphore, #tpu.memory_space<semaphore_mem>> -> memref<!tpu.dma_semaphore, #tpu.memory_space<semaphore_mem>>
    tpu.wait_indirect_dma semaphore(%dma_wait3A_97 : memref<!tpu.dma_semaphore, #tpu.memory_space<semaphore_mem>>) src(%dma_wait3A_89 : memref<125x64xf32, #tpu.memory_space<vmem>>) dst(%dma_wait3A_95 : memref<10240x64xf32, #tpu.memory_space<vmem_shared>>)
    %dma_wait3A_98 = arith.constant 6 : i32
    %dma_wait3A_99 = arith.constant 78 : i32
    %dma_wait3A_100 = arith.constant 6 : i32
    %dma_wait3A_101 = arith.constant 0 : i32
    %dma_wait3A_102 = arith.constant 0 : i32
    %dma_wait3A_103 = tpu.memref_slice %arg8[%dma_wait3A_98, %dma_wait3A_101, %dma_wait3A_102] : memref<8x125x64xf32, #tpu.memory_space<vmem>> -> memref<1x125x64xf32, #tpu.memory_space<vmem>>
    %dma_wait3A_104 = tpu.memref_squeeze %dma_wait3A_103 : memref<1x125x64xf32, #tpu.memory_space<vmem>> -> memref<125x64xf32, #tpu.memory_space<vmem>>
    %dma_wait3A_105 = arith.constant 0 : i32
    %dma_wait3A_106 = tpu.memref_slice %arg7[%dma_wait3A_99, %dma_wait3A_105] : memref<80x125xi32, #tpu.memory_space<vmem>> -> memref<1x125xi32, #tpu.memory_space<vmem>>
    %dma_wait3A_107 = tpu.memref_squeeze %dma_wait3A_106 : memref<1x125xi32, #tpu.memory_space<vmem>> -> memref<125xi32, #tpu.memory_space<vmem>>
    %dma_wait3A_108 = arith.constant 0 : i32
    %dma_wait3A_109 = arith.constant 0 : i32
    %dma_wait3A_110 = tpu.memref_slice %arg9[%dma_wait3A_108, %dma_wait3A_109] : memref<10240x64xf32, #tpu.memory_space<vmem_shared>> -> memref<10240x64xf32, #tpu.memory_space<vmem_shared>>
    %dma_wait3A_111 = tpu.memref_slice %arg11[%dma_wait3A_100] : memref<8x!tpu.dma_semaphore, #tpu.memory_space<semaphore_mem>> -> memref<1x!tpu.dma_semaphore, #tpu.memory_space<semaphore_mem>>
    %dma_wait3A_112 = tpu.memref_squeeze %dma_wait3A_111 : memref<1x!tpu.dma_semaphore, #tpu.memory_space<semaphore_mem>> -> memref<!tpu.dma_semaphore, #tpu.memory_space<semaphore_mem>>
    tpu.wait_indirect_dma semaphore(%dma_wait3A_112 : memref<!tpu.dma_semaphore, #tpu.memory_space<semaphore_mem>>) src(%dma_wait3A_104 : memref<125x64xf32, #tpu.memory_space<vmem>>) dst(%dma_wait3A_110 : memref<10240x64xf32, #tpu.memory_space<vmem_shared>>)
    %dma_wait3A_113 = arith.constant 7 : i32
    %dma_wait3A_114 = arith.constant 79 : i32
    %dma_wait3A_115 = arith.constant 7 : i32
    %dma_wait3A_116 = arith.constant 0 : i32
    %dma_wait3A_117 = arith.constant 0 : i32
    %dma_wait3A_118 = tpu.memref_slice %arg8[%dma_wait3A_113, %dma_wait3A_116, %dma_wait3A_117] : memref<8x125x64xf32, #tpu.memory_space<vmem>> -> memref<1x125x64xf32, #tpu.memory_space<vmem>>
    %dma_wait3A_119 = tpu.memref_squeeze %dma_wait3A_118 : memref<1x125x64xf32, #tpu.memory_space<vmem>> -> memref<125x64xf32, #tpu.memory_space<vmem>>
    %dma_wait3A_120 = arith.constant 0 : i32
    %dma_wait3A_121 = tpu.memref_slice %arg7[%dma_wait3A_114, %dma_wait3A_120] : memref<80x125xi32, #tpu.memory_space<vmem>> -> memref<1x125xi32, #tpu.memory_space<vmem>>
    %dma_wait3A_122 = tpu.memref_squeeze %dma_wait3A_121 : memref<1x125xi32, #tpu.memory_space<vmem>> -> memref<125xi32, #tpu.memory_space<vmem>>
    %dma_wait3A_123 = arith.constant 0 : i32
    %dma_wait3A_124 = arith.constant 0 : i32
    %dma_wait3A_125 = tpu.memref_slice %arg9[%dma_wait3A_123, %dma_wait3A_124] : memref<10240x64xf32, #tpu.memory_space<vmem_shared>> -> memref<10240x64xf32, #tpu.memory_space<vmem_shared>>
    %dma_wait3A_126 = tpu.memref_slice %arg11[%dma_wait3A_115] : memref<8x!tpu.dma_semaphore, #tpu.memory_space<semaphore_mem>> -> memref<1x!tpu.dma_semaphore, #tpu.memory_space<semaphore_mem>>
    %dma_wait3A_127 = tpu.memref_squeeze %dma_wait3A_126 : memref<1x!tpu.dma_semaphore, #tpu.memory_space<semaphore_mem>> -> memref<!tpu.dma_semaphore, #tpu.memory_space<semaphore_mem>>
    tpu.wait_indirect_dma semaphore(%dma_wait3A_127 : memref<!tpu.dma_semaphore, #tpu.memory_space<semaphore_mem>>) src(%dma_wait3A_119 : memref<125x64xf32, #tpu.memory_space<vmem>>) dst(%dma_wait3A_125 : memref<10240x64xf32, #tpu.memory_space<vmem_shared>>)
    %barrier3A_128 = arith.constant 0 : index
    tpu.barrier barrier_id(%barrier3A_128)
    %mul3A_129 = arith.constant 640 : i32
    %mul3A_130 = arith.muli %arg1, %mul3A_129 : i32
    %mul3A_131 = arith.constant 640 : i32
    %mul3A_132 = arith.muli %arg1, %mul3A_131 : i32
    "tpu.region"() ({
      %run_scoped3A_133 = tpu.sem_alloc : memref<!tpu.dma_semaphore, #tpu.memory_space<semaphore_mem>>
      %dma_start3A = arith.constant 0 : i32
      %dma_start3A_134 = tpu.memref_slice %arg5[%arg0, %mul3A_132, %dma_start3A] : memref<2x10240x64xf32, #tpu.memory_space<hbm>> -> memref<1x640x64xf32, #tpu.memory_space<hbm>>
      %dma_start3A_135 = tpu.memref_squeeze %dma_start3A_134 : memref<1x640x64xf32, #tpu.memory_space<hbm>> -> memref<640x64xf32, #tpu.memory_space<hbm>>
      %dma_start3A_136 = arith.constant 0 : i32
      %dma_start3A_137 = tpu.memref_slice %arg9[%mul3A_130, %dma_start3A_136] : memref<10240x64xf32, #tpu.memory_space<vmem_shared>> -> memref<640x64xf32, #tpu.memory_space<vmem_shared>>
      tpu.enqueue_dma source(%dma_start3A_137 : memref<640x64xf32, #tpu.memory_space<vmem_shared>>) target(%dma_start3A_135 : memref<640x64xf32, #tpu.memory_space<hbm>>) target_semaphore(%run_scoped3A_133 : memref<!tpu.dma_semaphore, #tpu.memory_space<semaphore_mem>>)
      %dma_wait3A_138 = arith.constant 0 : i32
      %dma_wait3A_139 = tpu.memref_slice %arg5[%arg0, %mul3A_132, %dma_wait3A_138] : memref<2x10240x64xf32, #tpu.memory_space<hbm>> -> memref<1x640x64xf32, #tpu.memory_space<hbm>>
      %dma_wait3A_140 = tpu.memref_squeeze %dma_wait3A_139 : memref<1x640x64xf32, #tpu.memory_space<hbm>> -> memref<640x64xf32, #tpu.memory_space<hbm>>
      %dma_wait3A_141 = arith.constant 0 : i32
      %dma_wait3A_142 = tpu.memref_slice %arg9[%mul3A_130, %dma_wait3A_141] : memref<10240x64xf32, #tpu.memory_space<vmem_shared>> -> memref<640x64xf32, #tpu.memory_space<vmem_shared>>
      tpu.wait_dma2 semaphore(%run_scoped3A_133 : memref<!tpu.dma_semaphore, #tpu.memory_space<semaphore_mem>>) src(%dma_wait3A_142 : memref<640x64xf32, #tpu.memory_space<vmem_shared>>) dst(%dma_wait3A_140 : memref<640x64xf32, #tpu.memory_space<hbm>>)
      tpu.yield
    }) : () -> ()
    return
  }
}

module attributes {stable_mosaic.version = 14 : i64} {
  func.func @body(%arg0: i32, %arg1: memref<2048x128xf32, #tpu.memory_space<vmem>>, %arg2: memref<2x10240xf32, #tpu.memory_space<vmem>>, %arg3: memref<128x64xf32, #tpu.memory_space<vmem>>, %arg4: memref<2048x64xf32, #tpu.memory_space<vmem>>, %arg5: memref<2048x1xf32, #tpu.memory_space<vmem>>) attributes {dimension_semantics = [#tpu.dimension_semantics<arbitrary>], iteration_bounds = array<i64: 5>, scalar_prefetch = 0 : i64, scratch_operands = 0 : i64, tpu.core_type = #tpu.core_type<tc>, window_params = [{transform_indices = @transform_0, window_bounds = array<i64: 2048, 128>}, {pipeline_mode = #tpu.pipeline_mode<synchronous>, transform_indices = @transform_1, window_bounds = array<i64: 2, 10240>}, {pipeline_mode = #tpu.pipeline_mode<synchronous>, transform_indices = @transform_2, window_bounds = array<i64: 128, 64>}, {transform_indices = @transform_3, window_bounds = array<i64: 2048, 64>}, {transform_indices = @transform_4, window_bounds = array<i64: 2048, 1>}]} {
    %mul3A = arith.constant 2048 : i32
    %mul3A_0 = arith.muli %arg0, %mul3A : i32
    %get3A = arith.constant 0 : index
    %get3A_1 = arith.index_cast %mul3A_0 : i32 to index
    %get3A_2 = vector.load %arg2[%get3A, %get3A_1] : memref<2x10240xf32, #tpu.memory_space<vmem>>, vector<2x2048xf32>
    %slice3A = vector.extract_strided_slice %get3A_2 {offsets = [0, 0], sizes = [1, 2048], strides = [1, 1]} : vector<2x2048xf32> to vector<1x2048xf32>
    %slice3A_3 = vector.extract_strided_slice %get3A_2 {offsets = [1, 0], sizes = [1, 2048], strides = [1, 1]} : vector<2x2048xf32> to vector<1x2048xf32>
    %add3A = arith.addf %slice3A, %slice3A_3 : vector<1x2048xf32>
    %add3A_4 = arith.constant 1.000000e+00 : f32
    %add3A_5 = vector.broadcast %add3A_4 : f32 to vector<1x2048xf32>
    %add3A_6 = arith.addf %add3A, %add3A_5 : vector<1x2048xf32>
    %transpose3A = tpu.transpose %add3A_6, [1, 0] : vector<1x2048xf32> -> vector<2048x1xf32>
    %sqrt3A = math.sqrt %transpose3A : vector<2048x1xf32>
    %div3A = arith.constant 1.000000e+00 : f32
    %div3A_7 = vector.broadcast %div3A : f32 to vector<2048x1xf32>
    %div3A_8 = arith.divf %div3A_7, %sqrt3A : vector<2048x1xf32>
    %get3A_9 = arith.constant 0 : index
    %get3A_10 = arith.constant 0 : index
    %get3A_11 = vector.load %arg1[%get3A_9, %get3A_10] : memref<2048x128xf32, #tpu.memory_space<vmem>>, vector<2048x128xf32>
    %get3A_12 = arith.constant 0 : index
    %get3A_13 = arith.constant 0 : index
    %get3A_14 = vector.load %arg3[%get3A_12, %get3A_13] : memref<128x64xf32, #tpu.memory_space<vmem>>, vector<128x64xf32>
    %dot_general3A = arith.constant dense<0.000000e+00> : vector<2048x64xf32>
    %dot_general3A_15 = tpu.matmul %get3A_11, %get3A_14, %dot_general3A {dimension_numbers = #tpu.dot_dimension_numbers<[1], [0], [0], [1], [0, 0, 1, 1], [], []>, transpose_lhs_hint = false} : vector<2048x128xf32>, vector<128x64xf32>, vector<2048x64xf32> -> vector<2048x64xf32>
    %mul3A_16 = vector.broadcast %div3A_8 : vector<2048x1xf32> to vector<2048x64xf32>
    %mul3A_17 = arith.mulf %dot_general3A_15, %mul3A_16 : vector<2048x64xf32>
    %swap3A = arith.constant 0 : index
    %swap3A_18 = arith.constant 0 : index
    %swap3A_19 = vector.load %arg4[%swap3A, %swap3A_18] : memref<2048x64xf32, #tpu.memory_space<vmem>>, vector<2048x64xf32>
    tpu.vector_store %arg4[%swap3A, %swap3A_18], %mul3A_17 {strides = array<i32>} : memref<2048x64xf32, #tpu.memory_space<vmem>>, vector<2048x64xf32>,
    %swap3A_20 = arith.constant 0 : index
    %swap3A_21 = arith.constant 0 : index
    %swap3A_22 = vector.load %arg5[%swap3A_20, %swap3A_21] : memref<2048x1xf32, #tpu.memory_space<vmem>>, vector<2048x1xf32>
    tpu.vector_store %arg5[%swap3A_20, %swap3A_21], %div3A_8 {strides = array<i32>} : memref<2048x1xf32, #tpu.memory_space<vmem>>, vector<2048x1xf32>,
    return
  }
  func.func @transform_0(%arg0: i32) -> (i32, i32) {
    %c0_i32 = arith.constant 0 : i32
    %c0_i32_0 = arith.constant 0 : i32
    return %arg0, %c0_i32 : i32, i32
  }
  func.func @transform_1(%arg0: i32) -> (i32, i32) {
    %c0_i32 = arith.constant 0 : i32
    %c0_i32_0 = arith.constant 0 : i32
    %c0_i32_1 = arith.constant 0 : i32
    return %c0_i32, %c0_i32_0 : i32, i32
  }
  func.func @transform_2(%arg0: i32) -> (i32, i32) {
    %c0_i32 = arith.constant 0 : i32
    %c0_i32_0 = arith.constant 0 : i32
    %c0_i32_1 = arith.constant 0 : i32
    return %c0_i32, %c0_i32_0 : i32, i32
  }
  func.func @transform_3(%arg0: i32) -> (i32, i32) {
    %c0_i32 = arith.constant 0 : i32
    %c0_i32_0 = arith.constant 0 : i32
    return %arg0, %c0_i32 : i32, i32
  }
  func.func @transform_4(%arg0: i32) -> (i32, i32) {
    %c0_i32 = arith.constant 0 : i32
    %c0_i32_0 = arith.constant 0 : i32
    return %arg0, %c0_i32 : i32, i32
  }
}

module attributes {stable_mosaic.version = 14 : i64} {
  func.func @body(%arg0: i32, %arg1: memref<2x2048x64xf32, #tpu.memory_space<vmem>>, %arg2: memref<2048x64xf32, #tpu.memory_space<vmem>>, %arg3: memref<2048x1xf32, #tpu.memory_space<vmem>>, %arg4: memref<1x64xf32, #tpu.memory_space<vmem>>, %arg5: memref<64x32xf32, #tpu.memory_space<vmem>>, %arg6: memref<2048x32xf32, #tpu.memory_space<vmem>>) attributes {dimension_semantics = [#tpu.dimension_semantics<arbitrary>], iteration_bounds = array<i64: 5>, scalar_prefetch = 0 : i64, scratch_operands = 0 : i64, tpu.core_type = #tpu.core_type<tc>, window_params = [{transform_indices = @transform_0, window_bounds = array<i64: 2, 2048, 64>}, {transform_indices = @transform_1, window_bounds = array<i64: 2048, 64>}, {transform_indices = @transform_2, window_bounds = array<i64: 2048, 1>}, {pipeline_mode = #tpu.pipeline_mode<synchronous>, transform_indices = @transform_3, window_bounds = array<i64: 1, 64>}, {pipeline_mode = #tpu.pipeline_mode<synchronous>, transform_indices = @transform_4, window_bounds = array<i64: 64, 32>}, {transform_indices = @transform_5, window_bounds = array<i64: 2048, 32>}]} {
    %get3A = arith.constant 0 : index
    %get3A_0 = arith.constant 0 : index
    %get3A_1 = arith.constant 0 : index
    %get3A_2 = vector.load %arg1[%get3A, %get3A_0, %get3A_1] : memref<2x2048x64xf32, #tpu.memory_space<vmem>>, vector<1x2048x64xf32>
    %get3A_3 = vector.shape_cast %get3A_2 : vector<1x2048x64xf32> to vector<2048x64xf32>
    %get3A_4 = arith.constant 1 : index
    %get3A_5 = arith.constant 0 : index
    %get3A_6 = arith.constant 0 : index
    %get3A_7 = vector.load %arg1[%get3A_4, %get3A_5, %get3A_6] : memref<2x2048x64xf32, #tpu.memory_space<vmem>>, vector<1x2048x64xf32>
    %get3A_8 = vector.shape_cast %get3A_7 : vector<1x2048x64xf32> to vector<2048x64xf32>
    %add3A = arith.addf %get3A_3, %get3A_8 : vector<2048x64xf32>
    %get3A_9 = arith.constant 0 : index
    %get3A_10 = arith.constant 0 : index
    %get3A_11 = vector.load %arg2[%get3A_9, %get3A_10] : memref<2048x64xf32, #tpu.memory_space<vmem>>, vector<2048x64xf32>
    %add3A_12 = arith.addf %add3A, %get3A_11 : vector<2048x64xf32>
    %get3A_13 = arith.constant 0 : index
    %get3A_14 = arith.constant 0 : index
    %get3A_15 = vector.load %arg3[%get3A_13, %get3A_14] : memref<2048x1xf32, #tpu.memory_space<vmem>>, vector<2048x1xf32>
    %mul3A = vector.broadcast %get3A_15 : vector<2048x1xf32> to vector<2048x64xf32>
    %mul3A_16 = arith.mulf %mul3A, %add3A_12 : vector<2048x64xf32>
    %get3A_17 = arith.constant 0 : index
    %get3A_18 = arith.constant 0 : index
    %get3A_19 = vector.load %arg4[%get3A_17, %get3A_18] : memref<1x64xf32, #tpu.memory_space<vmem>>, vector<1x64xf32>
    %add3A_20 = vector.broadcast %get3A_19 : vector<1x64xf32> to vector<2048x64xf32>
    %add3A_21 = arith.addf %mul3A_16, %add3A_20 : vector<2048x64xf32>
    %max3A = arith.constant 0.000000e+00 : f32
    %max3A_22 = vector.broadcast %max3A : f32 to vector<2048x64xf32>
    %max3A_23 = arith.maximumf %add3A_21, %max3A_22 : vector<2048x64xf32>
    %get3A_24 = arith.constant 0 : index
    %get3A_25 = arith.constant 0 : index
    %get3A_26 = vector.load %arg5[%get3A_24, %get3A_25] : memref<64x32xf32, #tpu.memory_space<vmem>>, vector<64x32xf32>
    %dot_general3A = arith.constant dense<0.000000e+00> : vector<2048x32xf32>
    %dot_general3A_27 = tpu.matmul %max3A_23, %get3A_26, %dot_general3A {dimension_numbers = #tpu.dot_dimension_numbers<[1], [0], [0], [1], [0, 0, 1, 1], [], []>, transpose_lhs_hint = false} : vector<2048x64xf32>, vector<64x32xf32>, vector<2048x32xf32> -> vector<2048x32xf32>
    %get3A_28 = arith.constant 0 : index
    %get3A_29 = arith.constant 0 : index
    %get3A_30 = vector.load %arg3[%get3A_28, %get3A_29] : memref<2048x1xf32, #tpu.memory_space<vmem>>, vector<2048x1xf32>
    %mul3A_31 = vector.broadcast %get3A_30 : vector<2048x1xf32> to vector<2048x32xf32>
    %mul3A_32 = arith.mulf %dot_general3A_27, %mul3A_31 : vector<2048x32xf32>
    %swap3A = arith.constant 0 : index
    %swap3A_33 = arith.constant 0 : index
    %swap3A_34 = vector.load %arg6[%swap3A, %swap3A_33] : memref<2048x32xf32, #tpu.memory_space<vmem>>, vector<2048x32xf32>
    tpu.vector_store %arg6[%swap3A, %swap3A_33], %mul3A_32 {strides = array<i32>} : memref<2048x32xf32, #tpu.memory_space<vmem>>, vector<2048x32xf32>,
    return
  }
  func.func @transform_0(%arg0: i32) -> (i32, i32, i32) {
    %c0_i32 = arith.constant 0 : i32
    %c0_i32_0 = arith.constant 0 : i32
    %c0_i32_1 = arith.constant 0 : i32
    return %c0_i32, %arg0, %c0_i32_0 : i32, i32, i32
  }
  func.func @transform_1(%arg0: i32) -> (i32, i32) {
    %c0_i32 = arith.constant 0 : i32
    %c0_i32_0 = arith.constant 0 : i32
    return %arg0, %c0_i32 : i32, i32
  }
  func.func @transform_2(%arg0: i32) -> (i32, i32) {
    %c0_i32 = arith.constant 0 : i32
    %c0_i32_0 = arith.constant 0 : i32
    return %arg0, %c0_i32 : i32, i32
  }
  func.func @transform_3(%arg0: i32) -> (i32, i32) {
    %c0_i32 = arith.constant 0 : i32
    %c0_i32_0 = arith.constant 0 : i32
    %c0_i32_1 = arith.constant 0 : i32
    return %c0_i32, %c0_i32_0 : i32, i32
  }
  func.func @transform_4(%arg0: i32) -> (i32, i32) {
    %c0_i32 = arith.constant 0 : i32
    %c0_i32_0 = arith.constant 0 : i32
    %c0_i32_1 = arith.constant 0 : i32
    return %c0_i32, %c0_i32_0 : i32, i32
  }
  func.func @transform_5(%arg0: i32) -> (i32, i32) {
    %c0_i32 = arith.constant 0 : i32
    %c0_i32_0 = arith.constant 0 : i32
    return %arg0, %c0_i32 : i32, i32
  }
}

module attributes {stable_mosaic.version = 14 : i64} {
  func.func @body(%arg0: i32, %arg1: memref<2x2048x32xf32, #tpu.memory_space<vmem>>, %arg2: memref<2048x32xf32, #tpu.memory_space<vmem>>, %arg3: memref<2048x1xf32, #tpu.memory_space<vmem>>, %arg4: memref<1x32xf32, #tpu.memory_space<vmem>>, %arg5: memref<32x16xf32, #tpu.memory_space<vmem>>, %arg6: memref<2048x16xf32, #tpu.memory_space<vmem>>) attributes {dimension_semantics = [#tpu.dimension_semantics<arbitrary>], iteration_bounds = array<i64: 5>, scalar_prefetch = 0 : i64, scratch_operands = 0 : i64, tpu.core_type = #tpu.core_type<tc>, window_params = [{transform_indices = @transform_0, window_bounds = array<i64: 2, 2048, 32>}, {transform_indices = @transform_1, window_bounds = array<i64: 2048, 32>}, {transform_indices = @transform_2, window_bounds = array<i64: 2048, 1>}, {pipeline_mode = #tpu.pipeline_mode<synchronous>, transform_indices = @transform_3, window_bounds = array<i64: 1, 32>}, {pipeline_mode = #tpu.pipeline_mode<synchronous>, transform_indices = @transform_4, window_bounds = array<i64: 32, 16>}, {transform_indices = @transform_5, window_bounds = array<i64: 2048, 16>}]} {
    %get3A = arith.constant 0 : index
    %get3A_0 = arith.constant 0 : index
    %get3A_1 = arith.constant 0 : index
    %get3A_2 = vector.load %arg1[%get3A, %get3A_0, %get3A_1] : memref<2x2048x32xf32, #tpu.memory_space<vmem>>, vector<1x2048x32xf32>
    %get3A_3 = vector.shape_cast %get3A_2 : vector<1x2048x32xf32> to vector<2048x32xf32>
    %get3A_4 = arith.constant 1 : index
    %get3A_5 = arith.constant 0 : index
    %get3A_6 = arith.constant 0 : index
    %get3A_7 = vector.load %arg1[%get3A_4, %get3A_5, %get3A_6] : memref<2x2048x32xf32, #tpu.memory_space<vmem>>, vector<1x2048x32xf32>
    %get3A_8 = vector.shape_cast %get3A_7 : vector<1x2048x32xf32> to vector<2048x32xf32>
    %add3A = arith.addf %get3A_3, %get3A_8 : vector<2048x32xf32>
    %get3A_9 = arith.constant 0 : index
    %get3A_10 = arith.constant 0 : index
    %get3A_11 = vector.load %arg2[%get3A_9, %get3A_10] : memref<2048x32xf32, #tpu.memory_space<vmem>>, vector<2048x32xf32>
    %add3A_12 = arith.addf %add3A, %get3A_11 : vector<2048x32xf32>
    %get3A_13 = arith.constant 0 : index
    %get3A_14 = arith.constant 0 : index
    %get3A_15 = vector.load %arg3[%get3A_13, %get3A_14] : memref<2048x1xf32, #tpu.memory_space<vmem>>, vector<2048x1xf32>
    %mul3A = vector.broadcast %get3A_15 : vector<2048x1xf32> to vector<2048x32xf32>
    %mul3A_16 = arith.mulf %mul3A, %add3A_12 : vector<2048x32xf32>
    %get3A_17 = arith.constant 0 : index
    %get3A_18 = arith.constant 0 : index
    %get3A_19 = vector.load %arg4[%get3A_17, %get3A_18] : memref<1x32xf32, #tpu.memory_space<vmem>>, vector<1x32xf32>
    %add3A_20 = vector.broadcast %get3A_19 : vector<1x32xf32> to vector<2048x32xf32>
    %add3A_21 = arith.addf %mul3A_16, %add3A_20 : vector<2048x32xf32>
    %max3A = arith.constant 0.000000e+00 : f32
    %max3A_22 = vector.broadcast %max3A : f32 to vector<2048x32xf32>
    %max3A_23 = arith.maximumf %add3A_21, %max3A_22 : vector<2048x32xf32>
    %get3A_24 = arith.constant 0 : index
    %get3A_25 = arith.constant 0 : index
    %get3A_26 = vector.load %arg5[%get3A_24, %get3A_25] : memref<32x16xf32, #tpu.memory_space<vmem>>, vector<32x16xf32>
    %dot_general3A = arith.constant dense<0.000000e+00> : vector<2048x16xf32>
    %dot_general3A_27 = tpu.matmul %max3A_23, %get3A_26, %dot_general3A {dimension_numbers = #tpu.dot_dimension_numbers<[1], [0], [0], [1], [0, 0, 1, 1], [], []>, transpose_lhs_hint = false} : vector<2048x32xf32>, vector<32x16xf32>, vector<2048x16xf32> -> vector<2048x16xf32>
    %get3A_28 = arith.constant 0 : index
    %get3A_29 = arith.constant 0 : index
    %get3A_30 = vector.load %arg3[%get3A_28, %get3A_29] : memref<2048x1xf32, #tpu.memory_space<vmem>>, vector<2048x1xf32>
    %mul3A_31 = vector.broadcast %get3A_30 : vector<2048x1xf32> to vector<2048x16xf32>
    %mul3A_32 = arith.mulf %dot_general3A_27, %mul3A_31 : vector<2048x16xf32>
    %swap3A = arith.constant 0 : index
    %swap3A_33 = arith.constant 0 : index
    %swap3A_34 = vector.load %arg6[%swap3A, %swap3A_33] : memref<2048x16xf32, #tpu.memory_space<vmem>>, vector<2048x16xf32>
    tpu.vector_store %arg6[%swap3A, %swap3A_33], %mul3A_32 {strides = array<i32>} : memref<2048x16xf32, #tpu.memory_space<vmem>>, vector<2048x16xf32>,
    return
  }
  func.func @transform_0(%arg0: i32) -> (i32, i32, i32) {
    %c0_i32 = arith.constant 0 : i32
    %c0_i32_0 = arith.constant 0 : i32
    %c0_i32_1 = arith.constant 0 : i32
    return %c0_i32, %arg0, %c0_i32_0 : i32, i32, i32
  }
  func.func @transform_1(%arg0: i32) -> (i32, i32) {
    %c0_i32 = arith.constant 0 : i32
    %c0_i32_0 = arith.constant 0 : i32
    return %arg0, %c0_i32 : i32, i32
  }
  func.func @transform_2(%arg0: i32) -> (i32, i32) {
    %c0_i32 = arith.constant 0 : i32
    %c0_i32_0 = arith.constant 0 : i32
    return %arg0, %c0_i32 : i32, i32
  }
  func.func @transform_3(%arg0: i32) -> (i32, i32) {
    %c0_i32 = arith.constant 0 : i32
    %c0_i32_0 = arith.constant 0 : i32
    %c0_i32_1 = arith.constant 0 : i32
    return %c0_i32, %c0_i32_0 : i32, i32
  }
  func.func @transform_4(%arg0: i32) -> (i32, i32) {
    %c0_i32 = arith.constant 0 : i32
    %c0_i32_0 = arith.constant 0 : i32
    %c0_i32_1 = arith.constant 0 : i32
    return %c0_i32, %c0_i32_0 : i32, i32
  }
  func.func @transform_5(%arg0: i32) -> (i32, i32) {
    %c0_i32 = arith.constant 0 : i32
    %c0_i32_0 = arith.constant 0 : i32
    return %arg0, %c0_i32 : i32, i32
  }
}

module attributes {stable_mosaic.version = 14 : i64} {
  func.func @body(%arg0: i32, %arg1: memref<2x2048x16xf32, #tpu.memory_space<vmem>>, %arg2: memref<2048x16xf32, #tpu.memory_space<vmem>>, %arg3: memref<2048x1xf32, #tpu.memory_space<vmem>>, %arg4: memref<1x2xf32, #tpu.memory_space<vmem>>, %arg5: memref<2048x2xf32, #tpu.memory_space<vmem>>) attributes {dimension_semantics = [#tpu.dimension_semantics<arbitrary>], iteration_bounds = array<i64: 5>, scalar_prefetch = 0 : i64, scratch_operands = 0 : i64, tpu.core_type = #tpu.core_type<tc>, window_params = [{transform_indices = @transform_0, window_bounds = array<i64: 2, 2048, 16>}, {transform_indices = @transform_1, window_bounds = array<i64: 2048, 16>}, {transform_indices = @transform_2, window_bounds = array<i64: 2048, 1>}, {pipeline_mode = #tpu.pipeline_mode<synchronous>, transform_indices = @transform_3, window_bounds = array<i64: 1, 2>}, {transform_indices = @transform_4, window_bounds = array<i64: 2048, 2>}]} {
    %get3A = arith.constant 0 : index
    %get3A_0 = arith.constant 0 : index
    %get3A_1 = arith.constant 0 : index
    %get3A_2 = vector.load %arg1[%get3A, %get3A_0, %get3A_1] : memref<2x2048x16xf32, #tpu.memory_space<vmem>>, vector<1x2048x16xf32>
    %get3A_3 = vector.shape_cast %get3A_2 : vector<1x2048x16xf32> to vector<2048x16xf32>
    %get3A_4 = arith.constant 1 : index
    %get3A_5 = arith.constant 0 : index
    %get3A_6 = arith.constant 0 : index
    %get3A_7 = vector.load %arg1[%get3A_4, %get3A_5, %get3A_6] : memref<2x2048x16xf32, #tpu.memory_space<vmem>>, vector<1x2048x16xf32>
    %get3A_8 = vector.shape_cast %get3A_7 : vector<1x2048x16xf32> to vector<2048x16xf32>
    %add3A = arith.addf %get3A_3, %get3A_8 : vector<2048x16xf32>
    %get3A_9 = arith.constant 0 : index
    %get3A_10 = arith.constant 0 : index
    %get3A_11 = vector.load %arg2[%get3A_9, %get3A_10] : memref<2048x16xf32, #tpu.memory_space<vmem>>, vector<2048x16xf32>
    %add3A_12 = arith.addf %add3A, %get3A_11 : vector<2048x16xf32>
    %slice3A = vector.extract_strided_slice %add3A_12 {offsets = [0, 0], sizes = [2048, 2], strides = [1, 1]} : vector<2048x16xf32> to vector<2048x2xf32>
    %get3A_13 = arith.constant 0 : index
    %get3A_14 = arith.constant 0 : index
    %get3A_15 = vector.load %arg3[%get3A_13, %get3A_14] : memref<2048x1xf32, #tpu.memory_space<vmem>>, vector<2048x1xf32>
    %mul3A = vector.broadcast %get3A_15 : vector<2048x1xf32> to vector<2048x2xf32>
    %mul3A_16 = arith.mulf %mul3A, %slice3A : vector<2048x2xf32>
    %get3A_17 = arith.constant 0 : index
    %get3A_18 = arith.constant 0 : index
    %get3A_19 = vector.load %arg4[%get3A_17, %get3A_18] : memref<1x2xf32, #tpu.memory_space<vmem>>, vector<1x2xf32>
    %add3A_20 = vector.broadcast %get3A_19 : vector<1x2xf32> to vector<2048x2xf32>
    %add3A_21 = arith.addf %mul3A_16, %add3A_20 : vector<2048x2xf32>
    %max3A = arith.constant 0.000000e+00 : f32
    %max3A_22 = vector.broadcast %max3A : f32 to vector<2048x2xf32>
    %max3A_23 = arith.maximumf %add3A_21, %max3A_22 : vector<2048x2xf32>
    %swap3A = arith.constant 0 : index
    %swap3A_24 = arith.constant 0 : index
    %swap3A_25 = vector.load %arg5[%swap3A, %swap3A_24] : memref<2048x2xf32, #tpu.memory_space<vmem>>, vector<2048x2xf32>
    tpu.vector_store %arg5[%swap3A, %swap3A_24], %max3A_23 {strides = array<i32>} : memref<2048x2xf32, #tpu.memory_space<vmem>>, vector<2048x2xf32>,
    return
  }
  func.func @transform_0(%arg0: i32) -> (i32, i32, i32) {
    %c0_i32 = arith.constant 0 : i32
    %c0_i32_0 = arith.constant 0 : i32
    %c0_i32_1 = arith.constant 0 : i32
    return %c0_i32, %arg0, %c0_i32_0 : i32, i32, i32
  }
  func.func @transform_1(%arg0: i32) -> (i32, i32) {
    %c0_i32 = arith.constant 0 : i32
    %c0_i32_0 = arith.constant 0 : i32
    return %arg0, %c0_i32 : i32, i32
  }
  func.func @transform_2(%arg0: i32) -> (i32, i32) {
    %c0_i32 = arith.constant 0 : i32
    %c0_i32_0 = arith.constant 0 : i32
    return %arg0, %c0_i32 : i32, i32
  }
  func.func @transform_3(%arg0: i32) -> (i32, i32) {
    %c0_i32 = arith.constant 0 : i32
    %c0_i32_0 = arith.constant 0 : i32
    %c0_i32_1 = arith.constant 0 : i32
    return %c0_i32, %c0_i32_0 : i32, i32
  }
  func.func @transform_4(%arg0: i32) -> (i32, i32) {
    %c0_i32 = arith.constant 0 : i32
    %c0_i32_0 = arith.constant 0 : i32
    return %arg0, %c0_i32 : i32, i32
  }
}

</mosaic_0001>

<sc_bundles>
// kernel: kernel.10.cloned.1.call-start
scs
__scs_entry_jumppad:
0x0: {  	(pc) =	sbr.rel $0x88, $3  }
0x1: {  	(tag) =	ssettag $0x0;
	lr =	simm.s32 $0x1  }
0x2: {  	[smem:$0x3F99] =	sst lr;
	_ =	strace $0xD0000000  }
0x3: {  	_ = 	snop  }
0x4: {  	_ = 	snop  }
0x5: {  	_ = 	snop  }
0x6: {  	_ = 	snop  }
0x7: {  	_ = 	snop  }
__scs_overlays_trampoline_lowered:
0x8: {  	[smem:$0x3FA8] =	sst s0  }
0x9: {  	[smem:$0x3FA9] =	sst s1  }
0xa: {  	[smem:$0x3FAA] =	sst s2  }
0xb: {  	[smem:$0x3FAB] =	sst s3  }
0xc: {  	[smem:$0x3FAC] =	sst s4  }
0xd: {  	[smem:$0x3FAD] =	sst s5  }
0xe: {  	[smem:$0x3FAE] =	sst s6  }
0xf: {  	[smem:$0x3FAF] =	sst s7  }
0x10: {  	[smem:$0x3FB0] =	sst s8  }
0x11: {  	[smem:$0x3FB1] =	sst s9;
	s0 =	simm.s32 @!p0 $0x0  }
0x12: {  	s1 =	sld [smem:$0x3F97];
	s0 =	simm.s32 @p0 $0x1  }
0x13: {  	[smem:$0x3FB2] =	sst s0;
	s0 =	simm.s32 @!p1 $0x0  }
0x14: {  	s2 =	sld [smem:$0x3F96];
	s0 =	simm.s32 @p1 $0x1  }
0x15: {  	[smem:$0x3FB3] =	sst s0;
	s0 =	simm.s32 @!p2 $0x0  }
0x16: {  	s3 =	sld [smem:$0x3FDB];
	s0 =	simm.s32 @p2 $0x1  }
0x17: {  	s4 =	simm.s32 $0x1BF5;
	[smem:$0x3FB5] =	sst s0  }
0x18: {  	s0 =	sld [smem:$0x3F98];
	_ =	swait.ge [sflag:s4], $0x0  }
0x19: {  	s7 =	sld [smem:$0x3F99]  }
0x1a: {  	s8 =	sadd.s32 $0xFFFFE003, lr  }
0x1b: {  	s9 =	sadd.s32 $0xFFFFFEF7, lr;
	s5 =	simm.s32 $0xFFFFFFFF;
	p2 =	slt.u32 s8, $0xFFFFF086  }
0x1c: {  	p1 =	slt.u32 s9, $0xF7A;
	s5 =	simm.s32 @!p2 $0x0  }
0x1d: {  	s5 =	simm.s32 @p1 $0x1;
	p0 =	seq.s32 s7, s2  }
0x1e: {  	s7 =	smul.u32 @!p0 $0xF7A, s2;
	p2 =	seq.s32 @!p0 s5, $0x0  }
0x1f: {  	s9 =	smul.u32 $0xF7A, s1;
	s8 =	simm.s32 @!p0 $0x1BF5;
	p2 =	por !p2, p0  }
0x20: {  	[sflag:s8] =	ssyncset.s32 @!p0 $0xFFFFF086;
	s6 =	sadd.s32 @!p0 s3, s7;
	s7 =	simm.s32 @!p0 $0x108  }
0x21: {  	s3 =	sadd.s32 s3, s9;
	s6 =	sadd.s32 @!p0 $0x88, s6;
	s7 =	simm.s32 @p2 $0x1082  }
0x22: {  	[simem:s7], [sflag:s8] =	dma.local @!p0 [hbm:s6], $0xF7A  }
0x23: {  	s9 =	sor.u32 $0xD0000000, s2;
	s6 =	simm.s32 $0x108;
	_ =	swait.ge @!p0 [sflag:s8], $0x0  }
0x24: {  	s3 =	sadd.s32 $0x88, s3;
	s6 =	simm.s32 @!p1 $0x1082;
	[sflag:s4] =	ssyncset.s32 $0xFFFFF086  }
0x25: {  	[simem:s6], [sflag:s4] =	dma.local [hbm:s3], $0xF7A  }
0x26: {  	[smem:$0x3F99] =	sst s1;
	(tag) =	ssettag s2;
	_ =	strace s9  }
0x27: {  	s1 =	sld [smem:$0x3FA9]  }
0x28: {  	s2 =	sld [smem:$0x3FAA]  }
0x29: {  	s4 =	sld [smem:$0x3FAC]  }
0x2a: {  	p0 =	seq.s32 s5, $0x0;
	s5 =	sld [smem:$0x3FAD]  }
0x2b: {  	s6 =	sld [smem:$0x3FAE]  }
0x2c: {  	s7 =	sld [smem:$0x3FAF]  }
0x2d: {  	s3 =	simm.s32 $0x108;
	s8 =	sld [smem:$0x3FB0]  }
0x2e: {  	s3 =	simm.s32 @!p0 $0x1082;
	s9 =	sld [smem:$0x3FB1]  }
0x2f: {  	lr =	sadd.s32 s0, s3;
	s0 =	sld [smem:$0x3FA8]  }
0x30: {  	s3 =	sld [smem:$0x3FAB]  }
0x31: {  	[smem:$0x3FB4] =	sst s10  }
0x32: {  	s10 =	sld [smem:$0x3FB2];
	_ =	sdelay $0x3  }
0x33: {  	p0 =	seq.s32 s10, $0x1;
	s10 =	sld [smem:$0x3FB4];
	_ =	sdelay $0x3  }
0x34: {  	[smem:$0x3FB4] =	sst s10  }
0x35: {  	s10 =	sld [smem:$0x3FB3];
	_ =	sdelay $0x3  }
0x36: {  	p1 =	seq.s32 s10, $0x1;
	s10 =	sld [smem:$0x3FB4];
	_ =	sdelay $0x3  }
0x37: {  	[smem:$0x3FB4] =	sst s10  }
0x38: {  	s10 =	sld [smem:$0x3FB5]  }
0x39: {  	_ = 	snop;
	(pc) =	sbr.ind lr, $3  }
0x3a: {  	_ = 	snop  }
0x3b: {  	_ = 	snop  }
0x3c: {  	p2 =	seq.s32 s10, $0x1;
	s10 =	sld [smem:$0x3FB4]  }
0x3d: {  	_ =	shalt  }
0x3e: {  	_ =	shalt  }
0x3f: {  	_ =	shalt  }
0x40: {  	_ =	shalt  }
0x41: {  	_ =	shalt  }
0x42: {  	_ =	shalt  }
0x43: {  	_ =	shalt  }
0x44: {  	_ =	shalt  }
0x45: {  	_ =	shalt  }
0x46: {  	_ =	shalt  }
0x47: {  	_ =	shalt  }
0x48: {  	_ =	shalt  }
0x49: {  	_ =	shalt  }
0x4a: {  	_ =	shalt  }
0x4b: {  	_ =	shalt  }
0x4c: {  	_ =	shalt  }
0x4d: {  	_ =	shalt  }
0x4e: {  	_ =	shalt  }
0x4f: {  	_ =	shalt  }
0x50: {  	_ =	shalt  }
0x51: {  	_ =	shalt  }
0x52: {  	_ =	shalt  }
0x53: {  	_ =	shalt  }
0x54: {  	_ =	shalt  }
0x55: {  	_ =	shalt  }
0x56: {  	_ =	shalt  }
0x57: {  	_ =	shalt  }
0x58: {  	_ =	shalt  }
0x59: {  	_ =	shalt  }
0x5a: {  	_ =	shalt  }
0x5b: {  	_ =	shalt  }
0x5c: {  	_ =	shalt  }
0x5d: {  	_ =	shalt  }
0x5e: {  	_ =	shalt  }
0x5f: {  	_ =	shalt  }
0x60: {  	_ =	shalt  }
0x61: {  	_ =	shalt  }
0x62: {  	_ =	shalt  }
0x63: {  	_ =	shalt  }
0x64: {  	_ =	shalt  }
0x65: {  	_ =	shalt  }
0x66: {  	_ =	shalt  }
0x67: {  	_ =	shalt  }
0x68: {  	_ =	shalt  }
0x69: {  	_ =	shalt  }
0x6a: {  	_ =	shalt  }
0x6b: {  	_ =	shalt  }
0x6c: {  	_ =	shalt  }
0x6d: {  	_ =	shalt  }
0x6e: {  	_ =	shalt  }
0x6f: {  	_ =	shalt  }
0x70: {  	_ =	shalt  }
0x71: {  	_ =	shalt  }
0x72: {  	_ =	shalt  }
0x73: {  	_ =	shalt  }
0x74: {  	_ =	shalt  }
0x75: {  	_ =	shalt  }
0x76: {  	_ =	shalt  }
0x77: {  	_ =	shalt  }
0x78: {  	_ =	shalt  }
0x79: {  	_ =	shalt  }
0x7a: {  	_ =	shalt  }
0x7b: {  	_ =	shalt  }
0x7c: {  	_ =	shalt  }
0x7d: {  	_ =	shalt  }
0x7e: {  	_ =	shalt  }
0x7f: {  	_ =	shalt  }
0x80: {  	_ =	shalt  }
0x81: {  	_ =	shalt  }
0x82: {  	_ =	shalt  }
0x83: {  	_ =	shalt  }
0x84: {  	_ =	shalt  }
0x85: {  	_ =	shalt  }
0x86: {  	_ =	shalt  }
0x87: {  	_ =	shalt  }
.Lfunc_end0:
.L_simem_size_0:
called_computation_lowered:
.L_overlay_start_0:
0x88: {  	s2 =	sld [smem:$0x3FD9]  }
0x89: {  	s3 =	sld [smem:$0x3FFE];
	_ =	sdelay $0x1  }
0x8a: {  	s1 =	srdreg.scid  }
0x8b: {  	s0 =	sand.u32 $0x1, s1  }
0x8c: {  	s16 =	sshll.u32 s0, $0xA;
	s2 =	sadd.s32 s3, s2  }
0x8d: {  	s2 =	sadd.s32 s2, s16  }
0x8e: {  	[smem:$0x3FC0] =	sst s2  }
0x8f: {  	_ = 	snop  }
0x90: {  	(tm) =	ssettm $0x1  }
0x91: {  	s17 =	sld [smem:$0x3FFB];
	_ =	sdelay $0x3  }
0x92: {  	_ =	strace s17  }
0x93: {  	s2 =	sld [smem:$0x3FFC];
	_ =	sdelay $0x3  }
0x94: {  	_ =	strace s2  }
0x95: {  	s2 =	sld [smem:$0x3FFD];
	_ =	sdelay $0x3  }
0x96: {  	_ =	strace s2  }
0x97: {  	_ =	strace $0x8FFFFFFF  }
0x98: {  	s18 =	sld [smem:$0x3FDB];
	_ =	sdelay $0x1  }
0x99: {  	s19 =	simm.s32 $_scs_section_size  }
0x9a: {  	s4 =	simm.s32 $_size__tile_overlayer_lowered;
	s5 =	simm.s32 $_tile_overlayer_lowered  }
0x9b: {  	s22 =	simm.s32 $0x1BFF;
	s21 =	sshll.u32 s5, $0x1;
	s2 =	sadd.s32 s19, s18  }
0x9c: {  	s6 =	simm.s32 $0x0;
	s20 =	sshll.u32 s4, $0x1;
	s4 =	sadd.s32 s21, s2  }
0x9d: {  	[timem:s6], [sflag:s22] =	dma.local [hbm:s4], s20  }
0x9e: {  	_ =	swait.ge [sflag:s22], s20  }
0x9f: {  	s3 =	ssub.s32 $0x0, s20;
	[sflag:s22] =	ssyncset.done $0x0  }
0xa0: {  	[sflag:s22] =	ssyncadd.s32 s3;
	_ =	sdelay $0x1  }
0xa1: {  	s23 =	simm.s32 $0x1B8B  }
0xa2: {  	_ =	swait.ge [sflag:s23], $0x1  }
0xa3: {  	[sflag:s23] =	ssyncset.done $0x0  }
0xa4: {  	s25 =	simm.s32 $0x1B8E;
	s24 =	sld [smem:$0x3FFE];
	[sflag:s23] =	ssyncadd.s32 $0xFFFFFFFF  }
0xa5: {  	s26 =	simm.s32 $execute0_lowered;
	[smem:$0x3FD2] =	sst s25  }
0xa6: {  	s4 =	sshll.u32 s26, $0x1;
	_ =	strace $0x80000046;
	[dreg:$0x1] =	wrdreg $0xFFFFFFFF  }
0xa7: {  	s28 =	simm.s32 $_size_execute0_lowered;
	s2 =	sadd.s32 s2, s4;
	[dreg:$0x0] =	wrdreg $0x0  }
0xa8: {  	s4 =	sshll.u32 s28, $0x1;
	[dreg:$0x2] =	wrdreg s2  }
0xa9: {  	[dreg:$0x3] =	wrdreg s4  }
0xaa: {  	[dreg:$0x4] =	wrdreg $0xC0  }
0xab: {  	_ =	task [dreg:s6], $0x5FFFF  }
0xac: {  	[dreg:$0x1] =	wrdreg $0xFFFFFFFF  }
0xad: {  	[dreg:$0x0] =	wrdreg $0x60  }
0xae: {  	[dreg:$0x2] =	wrdreg s24  }
0xaf: {  	[dreg:$0x3] =	wrdreg $0x2B000  }
0xb0: {  	[dreg:$0x4] =	wrdreg $0x9  }
0xb1: {  	_ =	task.clear_ibuf [dreg:s6], $0x5FFFF;
	_ =	strace $0x90000046  }
0xb2: {  	s29 =	simm.s32 $0x9;
	_ =	strace $0x80000048  }
0xb3: {  	_ =	swait.ge [sflag:s29], $0x1  }
0xb4: {  	[sflag:s29] =	ssyncadd.s32 $0xFFFFFFFF  }
0xb5: {  	_ =	strace $0x90000048  }
0xb6: {  	_ =	sfence  }
0xb7: {  	s30 =	sld [smem:$0x0];
	_ =	sdelay $0x2  }
0xb8: {  	s31 =	sshll.u32 s1, $0xD;
	s1 =	sshrl.u32 s1, $0x2  }
0xb9: {  	s3 =	sand.u32 $0x4000, s31;
	s1 =	sadd.s32 s1, s30  }
0xba: {  	s0 =	sor.u32 s3, s0;
	s1 =	sshll.u32 s1, $0x11  }
0xbb: {  	s0 =	sor.u32 s1, s0  }
0xbc: {  	s0 =	sadd.s32 $0x8F2B, s0  }
0xbd: {  	[sflag:s0] =	ssyncadd.remote.s32 $0x1  }
0xbe: {  	_ =	sfence.sel $0xFFFF  }
0xbf: {  	[dreg:$0x0] =	wrdreg $0xFFFFFFFF;
	(pc) =	sbr.abs _section_cstart, $3  }
0xc0: {  	[dreg:$0x1] =	wrdreg $0xFFFFFFFF  }
0xc1: {  	_ =	task.clear_ibuf [dreg:s6], $0x2FFFF;
	_ =	strace $0x9FFFFFFF  }
0xc2: {  	(tm) =	ssettm $0x7FFFFFFF  }
0xc3: {  	_ =	shalt  }
tec
execute0_lowered:
.L_overlay_start_1:
0x0: {  	(tag) =	ssettag $0x1  }
0x1: {  	s4 =	rddreg [dreg:$0x0];
	s0 =	srdreg.scid  }
0x2: {  	s2 =	rddreg [dreg:$0x1];
	s1 =	stileid.u32  }
0x3: {  	s3 =	simm.s32 $0x0;
	s10 =	simm.s32 $0x7D;
	s11 =	simm.s32 $0x2800  }
0x4: {  	s14 =	simm.s32 $0x0;
	s5 =	sand.u32 $0x1, s0;
	s0 =	rddreg [dreg:$0x2]  }
0x5: {  	s6 =	smul.u32 $0x280, s1;
	[smem:$0x7FF] =	sst s3;
	s7 =	sshll.u32 s5, $0x4  }
0x6: {  	s12 =	sshll.u32 s1, $0x6;
	s8 =	smul.u32 $0x2800, s5;
	s7 =	sor.u32 s1, s7  }
0x7: {  	_ =	strace $0x80000047;
	s5 =	ssub.s32 $0x2, s5;
	s7 =	smul.u32 $0x2800, s7  }
0x8: {  	s12 =	sor.u32 $0x1C01, s12;
	s9 =	sshrl.u32 s5, $0x1;
	s8 =	sadd.s32 s6, s8  }
0x9: {  	s9 =	ssub.s32 s5, s9;
	s8 =	sshrl.u32 s8, $0x3;
	s7 =	sshrl.u32 s7, $0x3  }
0xa: {  	s8 =	sadd.s32 s8, s4;
	s31 =	sadd.s32 s4, s7;
	s4 =	sadd.s32 s6, s2  }
0xb: {  	s6 =	sadd.s32 $0x16600, s8;
	s7 =	smax.u32 s9, $0x1;
	s8 =	simm.s32 $0x2880  }
0xc: {  	v0 =	vimm.f32 $1.000000000e+00;
	v1 =	vimm.f32 $0.0e+00;
	s9 =	simm.s32 $0x1;
	s5 =	sadd.s32 $0xC600, s31;
	s13 =	sshrl.u32 s4, $0x3  }
.LBB2_1:
0xd: {  	[tilespmem:$0x2800] =	vst v0  }
0xe: {  	[tilespmem:$0x2810] =	vst v0  }
0xf: {  	[tilespmem:$0x2820] =	vst v0  }
0x10: {  	[tilespmem:$0x2830] =	vst v0  }
0x11: {  	[tilespmem:$0x2840] =	vst v0  }
0x12: {  	[tilespmem:$0x2850] =	vst v0  }
0x13: {  	[tilespmem:$0x2860] =	vst v0  }
0x14: {  	[tilespmem:$0x2870] =	vst v0  }
0x15: {  	[tilespmem:$0x2880] =	vst v1  }
0x16: {  	[tilespmem:$0x2890] =	vst v1  }
0x17: {  	[tilespmem:$0x28A0] =	vst v1  }
0x18: {  	[tilespmem:$0x28B0] =	vst v1  }
0x19: {  	[tilespmem:$0x28C0] =	vst v1  }
0x1a: {  	[tilespmem:$0x28D0] =	vst v1  }
0x1b: {  	[tilespmem:$0x28E0] =	vst v1  }
0x1c: {  	[tilespmem:$0x28F0] =	vst v1  }
0x1d: {  	[tilespmem:$0x2900] =	vst v1  }
0x1e: {  	[tilespmem:$0x2910] =	vst v1  }
0x1f: {  	[tilespmem:$0x2920] =	vst v1  }
0x20: {  	[tilespmem:$0x2930] =	vst v1  }
0x21: {  	[tilespmem:$0x2940] =	vst v1  }
0x22: {  	[tilespmem:$0x2950] =	vst v1  }
0x23: {  	[tilespmem:$0x2960] =	vst v1  }
0x24: {  	[tilespmem:$0x2970] =	vst v1  }
0x25: {  	[tilespmem:$0x2980] =	vst v1  }
0x26: {  	[tilespmem:$0x2990] =	vst v1  }
0x27: {  	[tilespmem:$0x29A0] =	vst v1  }
0x28: {  	[tilespmem:$0x29B0] =	vst v1  }
0x29: {  	[tilespmem:$0x29C0] =	vst v1  }
0x2a: {  	[tilespmem:$0x29D0] =	vst v1  }
0x2b: {  	[tilespmem:$0x29E0] =	vst v1  }
0x2c: {  	[tilespmem:$0x29F0] =	vst v1  }
0x2d: {  	[tilespmem:$0x2A00] =	vst v1  }
0x2e: {  	[tilespmem:$0x2A10] =	vst v1  }
0x2f: {  	[tilespmem:$0x2A20] =	vst v1  }
0x30: {  	[tilespmem:$0x2A30] =	vst v1  }
0x31: {  	[tilespmem:$0x2A40] =	vst v1  }
0x32: {  	[tilespmem:$0x2A50] =	vst v1  }
0x33: {  	[tilespmem:$0x2A60] =	vst v1  }
0x34: {  	[tilespmem:$0x2A70] =	vst v1  }
0x35: {  	[tilespmem:$0x2A80] =	vst v1  }
0x36: {  	[tilespmem:$0x2A90] =	vst v1  }
0x37: {  	[tilespmem:$0x2AA0] =	vst v1  }
0x38: {  	[tilespmem:$0x2AB0] =	vst v1  }
0x39: {  	[tilespmem:$0x2AC0] =	vst v1  }
0x3a: {  	[tilespmem:$0x2AD0] =	vst v1  }
0x3b: {  	[tilespmem:$0x2AE0] =	vst v1  }
0x3c: {  	[tilespmem:$0x2AF0] =	vst v1  }
0x3d: {  	[spmem:s4] =	stream.linear.scatter [tilespmem:s8], [sflag:$0x1], $0x280, $0x38;
	[tilespmem:$0x2D80] =	vst v63  }
0x3e: {  	_ =	swait.ge [sflag:s9], $0x280  }
0x3f: {  	[sflag:s9] =	ssyncset.done $0x0  }
0x40: {  	[sflag:s9] =	ssyncadd.s32 $0xFFFFFD80  }
0x41: {  	[bflag:$0x0] =	sbarrier.arrive $0xFFFF  }
0x42: {  	[tilespmem:s3], [sflag:$0x1] =	stream.linear.gather [hbm4b:s5+s3], $0x2800, $0x38;
	[tilespmem:$0x2D80] =	vst v63  }
0x43: {  	_ =	swait.ge [sflag:s9], $0x2800  }
0x44: {  	[sflag:s9] =	ssyncset.done $0x0  }
0x45: {  	s15 =	simm.s32 $0x0;
	[sflag:s9] =	ssyncadd.s32 $0xFFFFD800  }
0x46: {  	[spmem:s2] =	stream.indirect.scatter.add.f32 [tilespmem:s11], [sflag:$0x1], $0x1, s15, s10, $0xb8;
	[tilespmem:$0x2D80] =	vst v63  }
0x47: {  	_ =	swait.ge [sflag:s9], $0x7D  }
0x48: {  	s15 =	simm.s32 $0x200;
	[sflag:s9] =	ssyncset.done $0x0  }
.LBB2_2:
0x49: {  	s16 =	sshra.s32 s15, $0x2;
	[sflag:s9] =	ssyncadd.s32 $0xFFFFFF83;
	p0 =	sne.s32 s15, $0x9E00  }
0x4a: {  	[spmem:s2] =	stream.indirect.scatter.add.f32 [tilespmem:s11], [sflag:$0x1], $0x1, s16, s10, $0xb8;
	[tilespmem:$0x2D80] =	vst v63  }
.Ltmp0:
0x4b: {  	_ = 	snop;
	(pc) =	sbr.rel @p0 .LBB2_2-.Ltmp0, $4  }
0x4c: {  	_ = 	snop  }
0x4d: {  	s15 =	sadd.s32 $0x200, s15  }
0x4e: {  	_ =	swait.ge [sflag:s9], $0x7D  }
0x4f: {  	[sflag:s9] =	ssyncset.done $0x0  }
0x50: {  	s14 =	sadd.s32 $0x1, s14  }
0x51: {  	[sflag:s9] =	ssyncadd.s32 $0xFFFFFF83;
	p0 =	sne.s32 s14, s7  }
.Ltmp1:
0x52: {  	[bflag:$0x0] =	sbarrier.arrive $0xFFFF;
	(pc) =	sbr.rel @p0 .LBB2_1-.Ltmp1, $4  }
0x53: {  	[hbm:s6], [sflag:s12] =	dma.local [spmem:s13], $0x50  }
0x54: {  	_ =	swait.ge [sflag:s9], $0x50  }
0x55: {  	[sflag:s9] =	ssyncset.done $0x0  }
0x56: {  	[sflag:s9] =	ssyncadd.s32 $0xFFFFFFB0  }
0x57: {  	_ =	sfence.sel $0x180000  }
0x58: {  	[bflag:$0x0] =	sbarrier.arrive $0xFFFF  }
0x59: {  	p0 =	sne.s32 s1, $0x0;
	_ =	strace $0x90000047  }
0x5a: {  	s0 =	sadd.s32 @!p0 $0x100000, s0;
	[bflag:$0x2] =	sbarrier.arrive $0xFFFF  }
0x5b: {  	[sflag:s0] =	ssyncadd.tile.s32 @!p0 $0x1;
	_ =	shalt  }
.Lfunc_end2:
_tile_overlayer_lowered:
.L_overlay_start_2:
0x5c: {  	(tag) =	ssettag $0x2  }
0x5d: {  	s0 =	rddreg [dreg:$0x0];
	s2 =	stileid.u32  }
0x5e: {  	s1 =	rddreg [dreg:$0x1];
	p0 =	sne.s32 s2, $0x0  }
0x5f: {  	s3 =	rddreg [dreg:$0x2];
	[bflag:$0x3] =	sbarrier.arrive $0xFFFF;
	s2 =	simm.s32 @!p0 $0x1C01  }
0x60: {  	[timem:s3], [sflag:s2] =	dma.local @!p0 [hbm:s0], s1  }
0x61: {  	s0 =	simm.s32 @!p0 $0x1  }
0x62: {  	_ =	swait.ge @!p0 [sflag:s0], s1  }
0x63: {  	s1 =	ssub.s32 @!p0 $0x0, s1;
	[sflag:s0] =	ssyncset.done @!p0 $0x0  }
0x64: {  	[sflag:s0] =	ssyncadd.s32 @!p0 s1  }
0x65: {  	[bflag:$0x3] =	sbarrier.arrive $0xFFFF  }
0x66: {  	_ =	shalt  }

// kernel: kernel.13.cloned.1.call-start
scs
__scs_entry_jumppad:
0x0: {  	(pc) =	sbr.rel $0x88, $3  }
0x1: {  	(tag) =	ssettag $0x0;
	lr =	simm.s32 $0x1  }
0x2: {  	[smem:$0x3F99] =	sst lr;
	_ =	strace $0xD0000000  }
0x3: {  	_ = 	snop  }
0x4: {  	_ = 	snop  }
0x5: {  	_ = 	snop  }
0x6: {  	_ = 	snop  }
0x7: {  	_ = 	snop  }
__scs_overlays_trampoline_lowered:
0x8: {  	[smem:$0x3FA8] =	sst s0  }
0x9: {  	[smem:$0x3FA9] =	sst s1  }
0xa: {  	[smem:$0x3FAA] =	sst s2  }
0xb: {  	[smem:$0x3FAB] =	sst s3  }
0xc: {  	[smem:$0x3FAC] =	sst s4  }
0xd: {  	[smem:$0x3FAD] =	sst s5  }
0xe: {  	[smem:$0x3FAE] =	sst s6  }
0xf: {  	[smem:$0x3FAF] =	sst s7  }
0x10: {  	[smem:$0x3FB0] =	sst s8  }
0x11: {  	[smem:$0x3FB1] =	sst s9;
	s0 =	simm.s32 @!p0 $0x0  }
0x12: {  	s1 =	sld [smem:$0x3F97];
	s0 =	simm.s32 @p0 $0x1  }
0x13: {  	[smem:$0x3FB2] =	sst s0;
	s0 =	simm.s32 @!p1 $0x0  }
0x14: {  	s2 =	sld [smem:$0x3F96];
	s0 =	simm.s32 @p1 $0x1  }
0x15: {  	[smem:$0x3FB3] =	sst s0;
	s0 =	simm.s32 @!p2 $0x0  }
0x16: {  	s3 =	sld [smem:$0x3FDB];
	s0 =	simm.s32 @p2 $0x1  }
0x17: {  	s4 =	simm.s32 $0x1BF5;
	[smem:$0x3FB5] =	sst s0  }
0x18: {  	s0 =	sld [smem:$0x3F98];
	_ =	swait.ge [sflag:s4], $0x0  }
0x19: {  	s7 =	sld [smem:$0x3F99]  }
0x1a: {  	s8 =	sadd.s32 $0xFFFFE003, lr  }
0x1b: {  	s9 =	sadd.s32 $0xFFFFFEF7, lr;
	s5 =	simm.s32 $0xFFFFFFFF;
	p2 =	slt.u32 s8, $0xFFFFF086  }
0x1c: {  	p1 =	slt.u32 s9, $0xF7A;
	s5 =	simm.s32 @!p2 $0x0  }
0x1d: {  	s5 =	simm.s32 @p1 $0x1;
	p0 =	seq.s32 s7, s2  }
0x1e: {  	s7 =	smul.u32 @!p0 $0xF7A, s2;
	p2 =	seq.s32 @!p0 s5, $0x0  }
0x1f: {  	s9 =	smul.u32 $0xF7A, s1;
	s8 =	simm.s32 @!p0 $0x1BF5;
	p2 =	por !p2, p0  }
0x20: {  	[sflag:s8] =	ssyncset.s32 @!p0 $0xFFFFF086;
	s6 =	sadd.s32 @!p0 s3, s7;
	s7 =	simm.s32 @!p0 $0x108  }
0x21: {  	s3 =	sadd.s32 s3, s9;
	s6 =	sadd.s32 @!p0 $0x88, s6;
	s7 =	simm.s32 @p2 $0x1082  }
0x22: {  	[simem:s7], [sflag:s8] =	dma.local @!p0 [hbm:s6], $0xF7A  }
0x23: {  	s9 =	sor.u32 $0xD0000000, s2;
	s6 =	simm.s32 $0x108;
	_ =	swait.ge @!p0 [sflag:s8], $0x0  }
0x24: {  	s3 =	sadd.s32 $0x88, s3;
	s6 =	simm.s32 @!p1 $0x1082;
	[sflag:s4] =	ssyncset.s32 $0xFFFFF086  }
0x25: {  	[simem:s6], [sflag:s4] =	dma.local [hbm:s3], $0xF7A  }
0x26: {  	[smem:$0x3F99] =	sst s1;
	(tag) =	ssettag s2;
	_ =	strace s9  }
0x27: {  	s1 =	sld [smem:$0x3FA9]  }
0x28: {  	s2 =	sld [smem:$0x3FAA]  }
0x29: {  	s4 =	sld [smem:$0x3FAC]  }
0x2a: {  	p0 =	seq.s32 s5, $0x0;
	s5 =	sld [smem:$0x3FAD]  }
0x2b: {  	s6 =	sld [smem:$0x3FAE]  }
0x2c: {  	s7 =	sld [smem:$0x3FAF]  }
0x2d: {  	s3 =	simm.s32 $0x108;
	s8 =	sld [smem:$0x3FB0]  }
0x2e: {  	s3 =	simm.s32 @!p0 $0x1082;
	s9 =	sld [smem:$0x3FB1]  }
0x2f: {  	lr =	sadd.s32 s0, s3;
	s0 =	sld [smem:$0x3FA8]  }
0x30: {  	s3 =	sld [smem:$0x3FAB]  }
0x31: {  	[smem:$0x3FB4] =	sst s10  }
0x32: {  	s10 =	sld [smem:$0x3FB2];
	_ =	sdelay $0x3  }
0x33: {  	p0 =	seq.s32 s10, $0x1;
	s10 =	sld [smem:$0x3FB4];
	_ =	sdelay $0x3  }
0x34: {  	[smem:$0x3FB4] =	sst s10  }
0x35: {  	s10 =	sld [smem:$0x3FB3];
	_ =	sdelay $0x3  }
0x36: {  	p1 =	seq.s32 s10, $0x1;
	s10 =	sld [smem:$0x3FB4];
	_ =	sdelay $0x3  }
0x37: {  	[smem:$0x3FB4] =	sst s10  }
0x38: {  	s10 =	sld [smem:$0x3FB5]  }
0x39: {  	_ = 	snop;
	(pc) =	sbr.ind lr, $3  }
0x3a: {  	_ = 	snop  }
0x3b: {  	_ = 	snop  }
0x3c: {  	p2 =	seq.s32 s10, $0x1;
	s10 =	sld [smem:$0x3FB4]  }
0x3d: {  	_ =	shalt  }
0x3e: {  	_ =	shalt  }
0x3f: {  	_ =	shalt  }
0x40: {  	_ =	shalt  }
0x41: {  	_ =	shalt  }
0x42: {  	_ =	shalt  }
0x43: {  	_ =	shalt  }
0x44: {  	_ =	shalt  }
0x45: {  	_ =	shalt  }
0x46: {  	_ =	shalt  }
0x47: {  	_ =	shalt  }
0x48: {  	_ =	shalt  }
0x49: {  	_ =	shalt  }
0x4a: {  	_ =	shalt  }
0x4b: {  	_ =	shalt  }
0x4c: {  	_ =	shalt  }
0x4d: {  	_ =	shalt  }
0x4e: {  	_ =	shalt  }
0x4f: {  	_ =	shalt  }
0x50: {  	_ =	shalt  }
0x51: {  	_ =	shalt  }
0x52: {  	_ =	shalt  }
0x53: {  	_ =	shalt  }
0x54: {  	_ =	shalt  }
0x55: {  	_ =	shalt  }
0x56: {  	_ =	shalt  }
0x57: {  	_ =	shalt  }
0x58: {  	_ =	shalt  }
0x59: {  	_ =	shalt  }
0x5a: {  	_ =	shalt  }
0x5b: {  	_ =	shalt  }
0x5c: {  	_ =	shalt  }
0x5d: {  	_ =	shalt  }
0x5e: {  	_ =	shalt  }
0x5f: {  	_ =	shalt  }
0x60: {  	_ =	shalt  }
0x61: {  	_ =	shalt  }
0x62: {  	_ =	shalt  }
0x63: {  	_ =	shalt  }
0x64: {  	_ =	shalt  }
0x65: {  	_ =	shalt  }
0x66: {  	_ =	shalt  }
0x67: {  	_ =	shalt  }
0x68: {  	_ =	shalt  }
0x69: {  	_ =	shalt  }
0x6a: {  	_ =	shalt  }
0x6b: {  	_ =	shalt  }
0x6c: {  	_ =	shalt  }
0x6d: {  	_ =	shalt  }
0x6e: {  	_ =	shalt  }
0x6f: {  	_ =	shalt  }
0x70: {  	_ =	shalt  }
0x71: {  	_ =	shalt  }
0x72: {  	_ =	shalt  }
0x73: {  	_ =	shalt  }
0x74: {  	_ =	shalt  }
0x75: {  	_ =	shalt  }
0x76: {  	_ =	shalt  }
0x77: {  	_ =	shalt  }
0x78: {  	_ =	shalt  }
0x79: {  	_ =	shalt  }
0x7a: {  	_ =	shalt  }
0x7b: {  	_ =	shalt  }
0x7c: {  	_ =	shalt  }
0x7d: {  	_ =	shalt  }
0x7e: {  	_ =	shalt  }
0x7f: {  	_ =	shalt  }
0x80: {  	_ =	shalt  }
0x81: {  	_ =	shalt  }
0x82: {  	_ =	shalt  }
0x83: {  	_ =	shalt  }
0x84: {  	_ =	shalt  }
0x85: {  	_ =	shalt  }
0x86: {  	_ =	shalt  }
0x87: {  	_ =	shalt  }
.Lfunc_end0:
.L_simem_size_0:
called_computation.1_lowered:
.L_overlay_start_0:
0x88: {  	s2 =	sld [smem:$0x3FD9]  }
0x89: {  	s3 =	sld [smem:$0x3FFE];
	_ =	sdelay $0x1  }
0x8a: {  	s1 =	srdreg.scid  }
0x8b: {  	s0 =	sand.u32 $0x1, s1  }
0x8c: {  	s16 =	sshll.u32 s0, $0xA;
	s2 =	sadd.s32 s3, s2  }
0x8d: {  	s2 =	sadd.s32 s2, s16  }
0x8e: {  	[smem:$0x3FC0] =	sst s2  }
0x8f: {  	_ = 	snop  }
0x90: {  	(tm) =	ssettm $0x1  }
0x91: {  	s17 =	sld [smem:$0x3FFB];
	_ =	sdelay $0x3  }
0x92: {  	_ =	strace s17  }
0x93: {  	s2 =	sld [smem:$0x3FFC];
	_ =	sdelay $0x3  }
0x94: {  	_ =	strace s2  }
0x95: {  	s2 =	sld [smem:$0x3FFD];
	_ =	sdelay $0x3  }
0x96: {  	_ =	strace s2  }
0x97: {  	_ =	strace $0x8FFFFFFF  }
0x98: {  	s18 =	sld [smem:$0x3FDB];
	_ =	sdelay $0x1  }
0x99: {  	s19 =	simm.s32 $_scs_section_size  }
0x9a: {  	s4 =	simm.s32 $_size__tile_overlayer_lowered;
	s5 =	simm.s32 $_tile_overlayer_lowered  }
0x9b: {  	s22 =	simm.s32 $0x1BFF;
	s21 =	sshll.u32 s5, $0x1;
	s2 =	sadd.s32 s19, s18  }
0x9c: {  	s6 =	simm.s32 $0x0;
	s20 =	sshll.u32 s4, $0x1;
	s4 =	sadd.s32 s21, s2  }
0x9d: {  	[timem:s6], [sflag:s22] =	dma.local [hbm:s4], s20  }
0x9e: {  	_ =	swait.ge [sflag:s22], s20  }
0x9f: {  	s3 =	ssub.s32 $0x0, s20;
	[sflag:s22] =	ssyncset.done $0x0  }
0xa0: {  	[sflag:s22] =	ssyncadd.s32 s3;
	_ =	sdelay $0x1  }
0xa1: {  	s23 =	simm.s32 $0x1B8B  }
0xa2: {  	_ =	swait.ge [sflag:s23], $0x1  }
0xa3: {  	[sflag:s23] =	ssyncset.done $0x0  }
0xa4: {  	s25 =	simm.s32 $0x1B8E;
	s24 =	sld [smem:$0x3FFE];
	[sflag:s23] =	ssyncadd.s32 $0xFFFFFFFF  }
0xa5: {  	s26 =	simm.s32 $execute0_lowered;
	[smem:$0x3FD2] =	sst s25  }
0xa6: {  	s4 =	sshll.u32 s26, $0x1;
	_ =	strace $0x80000049;
	[dreg:$0x1] =	wrdreg $0xFFFFFFFF  }
0xa7: {  	s28 =	simm.s32 $_size_execute0_lowered;
	s2 =	sadd.s32 s2, s4;
	[dreg:$0x0] =	wrdreg $0x0  }
0xa8: {  	s4 =	sshll.u32 s28, $0x1;
	[dreg:$0x2] =	wrdreg s2  }
0xa9: {  	[dreg:$0x3] =	wrdreg s4  }
0xaa: {  	[dreg:$0x4] =	wrdreg $0xC0  }
0xab: {  	_ =	task [dreg:s6], $0x5FFFF  }
0xac: {  	[dreg:$0x1] =	wrdreg $0xFFFFFFFF  }
0xad: {  	[dreg:$0x0] =	wrdreg $0x60  }
0xae: {  	[dreg:$0x2] =	wrdreg s24  }
0xaf: {  	[dreg:$0x3] =	wrdreg $0x14A000  }
0xb0: {  	[dreg:$0x4] =	wrdreg $0x9  }
0xb1: {  	_ =	task.clear_ibuf [dreg:s6], $0x5FFFF;
	_ =	strace $0x90000049  }
0xb2: {  	s29 =	simm.s32 $0x9;
	_ =	strace $0x8000004B  }
0xb3: {  	_ =	swait.ge [sflag:s29], $0x1  }
0xb4: {  	[sflag:s29] =	ssyncadd.s32 $0xFFFFFFFF  }
0xb5: {  	_ =	strace $0x9000004B  }
0xb6: {  	_ =	sfence  }
0xb7: {  	s30 =	sld [smem:$0x0];
	_ =	sdelay $0x2  }
0xb8: {  	s31 =	sshll.u32 s1, $0xD;
	s1 =	sshrl.u32 s1, $0x2  }
0xb9: {  	s3 =	sand.u32 $0x4000, s31;
	s1 =	sadd.s32 s1, s30  }
0xba: {  	s0 =	sor.u32 s3, s0;
	s1 =	sshll.u32 s1, $0x11  }
0xbb: {  	s0 =	sor.u32 s1, s0  }
0xbc: {  	s0 =	sadd.s32 $0x8F2B, s0  }
0xbd: {  	[sflag:s0] =	ssyncadd.remote.s32 $0x1  }
0xbe: {  	_ =	sfence.sel $0xFFFF  }
0xbf: {  	[dreg:$0x0] =	wrdreg $0xFFFFFFFF;
	(pc) =	sbr.abs _section_cstart, $3  }
0xc0: {  	[dreg:$0x1] =	wrdreg $0xFFFFFFFF  }
0xc1: {  	_ =	task.clear_ibuf [dreg:s6], $0x2FFFF;
	_ =	strace $0x9FFFFFFF  }
0xc2: {  	(tm) =	ssettm $0x7FFFFFFF  }
0xc3: {  	_ =	shalt  }
tec
execute0_lowered:
.L_overlay_start_1:
0x0: {  	(tag) =	ssettag $0x1  }
0x1: {  	s0 =	srdreg.scid;
	s3 =	rddreg [dreg:$0x0]  }
0x2: {  	s8 =	stileid.u32;
	s2 =	rddreg [dreg:$0x1];
	s4 =	simm.s32 $0x0  }
0x3: {  	s12 =	simm.s32 $0x11;
	s14 =	simm.s32 $0x7D;
	s15 =	simm.s32 $0x12AC0  }
0x4: {  	s22 =	simm.s32 $0x5000;
	s16 =	simm.s32 $0x1;
	s23 =	simm.s32 $0x6F40  }
0x5: {  	s17 =	simm.s32 $0x2;
	s24 =	simm.s32 $0x8E80;
	s25 =	simm.s32 $0xADC0  }
0x6: {  	s26 =	simm.s32 $0xCD00;
	[smem:$0x7FF] =	sst s4;
	s7 =	sadd.s32 $0x2A000, s3  }
0x7: {  	s28 =	simm.s32 $0xEC40;
	_ =	strace $0x8000004A;
	[dreg:$0xa] =	wrdreg s7  }
0x8: {  	s29 =	simm.s32 $0x10B80;
	s30 =	simm.s32 $0xE;
	[dreg:$0x3] =	wrdreg s22  }
0x9: {  	s31 =	simm.s32 $0xF;
	s0 =	sand.u32 $0x1, s0;
	[dreg:$0x4] =	wrdreg s23  }
0xa: {  	s5 =	smul.u32 $0xA000, s8;
	s4 =	sadd.s32 $0x16600, s3;
	[dreg:$0x5] =	wrdreg s24  }
0xb: {  	s19 =	sshll.u32 s8, $0x6;
	s1 =	sshll.u32 s0, $0x4;
	[dreg:$0x6] =	wrdreg s25  }
0xc: {  	s6 =	smul.u32 $0xA0000, s0;
	s0 =	ssub.s32 $0x2, s0;
	[dreg:$0x7] =	wrdreg s26  }
0xd: {  	[dreg:$0x8] =	wrdreg s28;
	s22 =	simm.s32 $0x7;
	s1 =	sor.u32 s8, s1  }
0xe: {  	[dreg:$0x9] =	wrdreg s29;
	s18 =	sshrl.u32 s0, $0x1;
	s1 =	smul.u32 $0x2800, s1  }
0xf: {  	s23 =	simm.s32 $0x8;
	s6 =	sadd.s32 s5, s6;
	s0 =	ssub.s32 s0, s18  }
0x10: {  	s5 =	sadd.s32 s5, s2;
	s18 =	simm.s32 $0x3;
	s1 =	sshrl.u32 s1, $0x3  }
0x11: {  	s6 =	sshrl.u32 s6, $0x3;
	s0 =	smax.u32 s0, $0x1;
	s1 =	sadd.s32 s1, s3  }
0x12: {  	s11 =	sshrl.u32 s5, $0x3;
	[dreg:$0xe] =	wrdreg s0;
	s20 =	sadd.s32 $0x2600, s1  }
0x13: {  	s3 =	sadd.s32 s6, s3;
	s1 =	sadd.s32 $0xC600, s1;
	[dreg:$0xb] =	wrdreg s20  }
0x14: {  	s0 =	simm.s32 $0x0;
	s21 =	sadd.s32 $0x2B400, s3;
	[dreg:$0xc] =	wrdreg s1  }
0x15: {  	s6 =	sor.u32 $0x1C11, s19;
	s19 =	simm.s32 $0x4;
	[dreg:$0xd] =	wrdreg s21  }
0x16: {  	s20 =	simm.s32 $0x5;
	s21 =	simm.s32 $0x6;
	s1 =	simm.s32 $0x10  }
.LBB2_1:
0x17: {  	s3 =	rddreg [dreg:$0xa]  }
0x18: {  	[spmem:s11], [sflag:s6] =	dma.local [hbm:s3], $0x1400  }
0x19: {  	_ =	swait.ge [sflag:s12], $0x1400  }
0x1a: {  	[sflag:s12] =	ssyncset.done $0x0  }
0x1b: {  	[sflag:s12] =	ssyncadd.s32 $0xFFFFEC00  }
0x1c: {  	[bflag:$0x0] =	sbarrier.arrive $0xFFFF  }
0x1d: {  	s28 =	simm.s32 $0x0;
	s5 =	rddreg [dreg:$0xb]  }
0x1e: {  	[tilespmem:s28], [sflag:$0x11] =	stream.linear.gather [hbm4b:s5+s28], $0x2800, $0x38;
	[tilespmem:$0x1EA00] =	vst v63  }
0x1f: {  	_ =	swait.ge [sflag:s12], $0x2800  }
0x20: {  	[sflag:s12] =	ssyncset.done $0x0  }
0x21: {  	s7 =	simm.s32 $0x2800;
	s29 =	rddreg [dreg:$0xc];
	[sflag:s12] =	ssyncadd.s32 $0xFFFFD800  }
0x22: {  	[tilespmem:s7], [sflag:$0x11] =	stream.linear.gather [hbm4b:s29+s28], $0x2800, $0x38;
	[tilespmem:$0x1EA00] =	vst v63  }
0x23: {  	_ =	swait.ge [sflag:s12], $0x2800  }
0x24: {  	p0 =	por $0x0, $0x0;
	[sflag:s12] =	ssyncset.done $0x0  }
0x25: {  	s3 =	simm.s32 @p0 $0x9;
	[sflag:s12] =	ssyncadd.s32 $0xFFFFD800  }
0x26: {  	_ =	swait.ge @p0 [sflag:s3], $0x1F40  }
0x27: {  	s8 =	simm.s32 @p0 $0x7D;
	s5 =	simm.s32 @p0 $0x5000;
	[sflag:s3] =	ssyncset.done @p0 $0x0  }
0x28: {  	s7 =	simm.s32 @p0 $0xA;
	[sflag:s3] =	ssyncadd.s32 @p0 $0xFFFFE0C0;
	s3 =	simm.s32 @p0 $0x0  }
0x29: {  	[tilespmem:s5], [sflag:$0x1] =	stream.indirect.gather @p0 [hbm4b:s4+s8], $0x40, s3, s8, $0xb8;
	[tilespmem:$0x1EA00] =	vst v63  }
0x2a: {  	_ =	swait.ge @p0 [sflag:s7], $0x1F40  }
0x2b: {  	s3 =	simm.s32 @p0 $0x80;
	[sflag:s7] =	ssyncset.done @p0 $0x0  }
0x2c: {  	s5 =	simm.s32 @p0 $0x6F40;
	[sflag:s7] =	ssyncadd.s32 @p0 $0xFFFFE0C0;
	s7 =	simm.s32 @p0 $0xB  }
0x2d: {  	[tilespmem:s5], [sflag:$0x2] =	stream.indirect.gather @p0 [hbm4b:s4+s8], $0x40, s3, s8, $0xb8;
	[tilespmem:$0x1EA00] =	vst v63  }
0x2e: {  	_ =	swait.ge @p0 [sflag:s7], $0x1F40  }
0x2f: {  	s3 =	simm.s32 @p0 $0x100;
	[sflag:s7] =	ssyncset.done @p0 $0x0  }
0x30: {  	s5 =	simm.s32 @p0 $0x8E80;
	[sflag:s7] =	ssyncadd.s32 @p0 $0xFFFFE0C0;
	s7 =	simm.s32 @p0 $0xC  }
0x31: {  	[tilespmem:s5], [sflag:$0x3] =	stream.indirect.gather @p0 [hbm4b:s4+s8], $0x40, s3, s8, $0xb8;
	[tilespmem:$0x1EA00] =	vst v63  }
0x32: {  	_ =	swait.ge @p0 [sflag:s7], $0x1F40  }
0x33: {  	s3 =	simm.s32 @p0 $0x180;
	[sflag:s7] =	ssyncset.done @p0 $0x0  }
0x34: {  	s5 =	simm.s32 @p0 $0xADC0;
	[sflag:s7] =	ssyncadd.s32 @p0 $0xFFFFE0C0;
	s7 =	simm.s32 @p0 $0xD  }
0x35: {  	[tilespmem:s5], [sflag:$0x4] =	stream.indirect.gather @p0 [hbm4b:s4+s8], $0x40, s3, s8, $0xb8;
	[tilespmem:$0x1EA00] =	vst v63  }
0x36: {  	_ =	swait.ge @p0 [sflag:s7], $0x1F40  }
0x37: {  	s3 =	simm.s32 @p0 $0x200;
	[sflag:s7] =	ssyncset.done @p0 $0x0  }
0x38: {  	s5 =	simm.s32 @p0 $0xCD00;
	[sflag:s7] =	ssyncadd.s32 @p0 $0xFFFFE0C0;
	s7 =	simm.s32 @p0 $0xE  }
0x39: {  	[tilespmem:s5], [sflag:$0x5] =	stream.indirect.gather @p0 [hbm4b:s4+s8], $0x40, s3, s8, $0xb8;
	[tilespmem:$0x1EA00] =	vst v63  }
0x3a: {  	_ =	swait.ge @p0 [sflag:s7], $0x1F40  }
0x3b: {  	s3 =	simm.s32 @p0 $0x280;
	[sflag:s7] =	ssyncset.done @p0 $0x0  }
0x3c: {  	s5 =	simm.s32 @p0 $0xEC40;
	[sflag:s7] =	ssyncadd.s32 @p0 $0xFFFFE0C0;
	s7 =	simm.s32 @p0 $0xF  }
0x3d: {  	[tilespmem:s5], [sflag:$0x6] =	stream.indirect.gather @p0 [hbm4b:s4+s8], $0x40, s3, s8, $0xb8;
	[tilespmem:$0x1EA00] =	vst v63  }
0x3e: {  	_ =	swait.ge @p0 [sflag:s7], $0x1F40  }
0x3f: {  	s3 =	simm.s32 @p0 $0x300;
	[sflag:s7] =	ssyncset.done @p0 $0x0  }
0x40: {  	s5 =	simm.s32 @p0 $0x10B80;
	[sflag:s7] =	ssyncadd.s32 @p0 $0xFFFFE0C0;
	s7 =	simm.s32 @p0 $0x10  }
0x41: {  	[tilespmem:s5], [sflag:$0x7] =	stream.indirect.gather @p0 [hbm4b:s4+s8], $0x40, s3, s8, $0xb8;
	[tilespmem:$0x1EA00] =	vst v63  }
0x42: {  	_ =	swait.ge @p0 [sflag:s7], $0x1F40  }
0x43: {  	s3 =	simm.s32 @!p0 $0x5000;
	[sflag:s7] =	ssyncset.done @p0 $0x0  }
0x44: {  	s5 =	simm.s32 @!p0 $0x0;
	[sflag:s7] =	ssyncadd.s32 @p0 $0xFFFFE0C0;
	s7 =	simm.s32 @!p0 $0x7D  }
0x45: {  	[tilespmem:s3], [sflag:$0x1] =	stream.indirect.gather @!p0 [hbm4b:s4+s7], $0x40, s5, s7, $0xb8;
	[tilespmem:$0x1EA00] =	vst v63  }
0x46: {  	s3 =	simm.s32 @!p0 $0x80;
	s5 =	simm.s32 @!p0 $0x6F40  }
0x47: {  	[tilespmem:s5], [sflag:$0x2] =	stream.indirect.gather @!p0 [hbm4b:s4+s7], $0x40, s3, s7, $0xb8;
	[tilespmem:$0x1EA00] =	vst v63  }
0x48: {  	s3 =	simm.s32 @!p0 $0x100;
	s5 =	simm.s32 @!p0 $0x8E80  }
0x49: {  	[tilespmem:s5], [sflag:$0x3] =	stream.indirect.gather @!p0 [hbm4b:s4+s7], $0x40, s3, s7, $0xb8;
	[tilespmem:$0x1EA00] =	vst v63  }
0x4a: {  	s3 =	simm.s32 @!p0 $0x180;
	s5 =	simm.s32 @!p0 $0xADC0  }
0x4b: {  	[tilespmem:s5], [sflag:$0x4] =	stream.indirect.gather @!p0 [hbm4b:s4+s7], $0x40, s3, s7, $0xb8;
	[tilespmem:$0x1EA00] =	vst v63  }
0x4c: {  	s3 =	simm.s32 @!p0 $0x200;
	s5 =	simm.s32 @!p0 $0xCD00  }
0x4d: {  	[tilespmem:s5], [sflag:$0x5] =	stream.indirect.gather @!p0 [hbm4b:s4+s7], $0x40, s3, s7, $0xb8;
	[tilespmem:$0x1EA00] =	vst v63  }
0x4e: {  	s3 =	simm.s32 @!p0 $0x280;
	s5 =	simm.s32 @!p0 $0xEC40  }
0x4f: {  	[tilespmem:s5], [sflag:$0x6] =	stream.indirect.gather @!p0 [hbm4b:s4+s7], $0x40, s3, s7, $0xb8;
	[tilespmem:$0x1EA00] =	vst v63  }
0x50: {  	s3 =	simm.s32 @!p0 $0x300;
	s5 =	simm.s32 @!p0 $0x10B80  }
0x51: {  	[tilespmem:s5], [sflag:$0x7] =	stream.indirect.gather @!p0 [hbm4b:s4+s7], $0x40, s3, s7, $0xb8;
	[tilespmem:$0x1EA00] =	vst v63  }
0x52: {  	s8 =	simm.s32 $0x380  }
0x53: {  	[tilespmem:s15], [sflag:$0x8] =	stream.indirect.gather [hbm4b:s4+s14], $0x40, s8, s14, $0xb8;
	[tilespmem:$0x1EA00] =	vst v63  }
0x54: {  	_ =	swait.ge [sflag:s16], $0x1F40  }
0x55: {  	[sflag:s16] =	ssyncset.done $0x0  }
0x56: {  	s10 =	simm.s32 $0x2800;
	s9 =	rddreg [dreg:$0x3];
	[sflag:s16] =	ssyncadd.s32 $0xFFFFE0C0  }
0x57: {  	[spmem:s2] =	stream.indirect.scatter.add.f32 [tilespmem:s9], [sflag:$0x9], $0x40, s10, s14, $0xb8;
	[tilespmem:$0x1EA00] =	vst v63  }
0x58: {  	s3 =	simm.s32 @p0 $0x80;
	_ =	swait.ge [sflag:s17], $0x1F40  }
0x59: {  	s3 =	simm.s32 @!p0 $0x80;
	[sflag:s17] =	ssyncset.done $0x0  }
0x5a: {  	s3 =	sadd.s32 $0x2800, s3;
	s13 =	rddreg [dreg:$0x4];
	[sflag:s17] =	ssyncadd.s32 $0xFFFFE0C0  }
0x5b: {  	[spmem:s2] =	stream.indirect.scatter.add.f32 [tilespmem:s13], [sflag:$0xA], $0x40, s3, s14, $0xb8;
	[tilespmem:$0x1EA00] =	vst v63  }
0x5c: {  	s3 =	simm.s32 @p0 $0x100;
	_ =	swait.ge [sflag:s18], $0x1F40  }
0x5d: {  	s3 =	simm.s32 @!p0 $0x100;
	[sflag:s18] =	ssyncset.done $0x0  }
0x5e: {  	s24 =	rddreg [dreg:$0x5];
	s3 =	sadd.s32 $0x2800, s3;
	[sflag:s18] =	ssyncadd.s32 $0xFFFFE0C0  }
0x5f: {  	[spmem:s2] =	stream.indirect.scatter.add.f32 [tilespmem:s24], [sflag:$0xB], $0x40, s3, s14, $0xb8;
	[tilespmem:$0x1EA00] =	vst v63  }
0x60: {  	s3 =	simm.s32 @p0 $0x180;
	_ =	swait.ge [sflag:s19], $0x1F40  }
0x61: {  	s3 =	simm.s32 @!p0 $0x180;
	[sflag:s19] =	ssyncset.done $0x0  }
0x62: {  	s25 =	rddreg [dreg:$0x6];
	s3 =	sadd.s32 $0x2800, s3;
	[sflag:s19] =	ssyncadd.s32 $0xFFFFE0C0  }
0x63: {  	[spmem:s2] =	stream.indirect.scatter.add.f32 [tilespmem:s25], [sflag:$0xC], $0x40, s3, s14, $0xb8;
	[tilespmem:$0x1EA00] =	vst v63  }
0x64: {  	s3 =	simm.s32 @p0 $0x200;
	_ =	swait.ge [sflag:s20], $0x1F40  }
0x65: {  	s3 =	simm.s32 @!p0 $0x200;
	[sflag:s20] =	ssyncset.done $0x0  }
0x66: {  	s26 =	rddreg [dreg:$0x7];
	s3 =	sadd.s32 $0x2800, s3;
	[sflag:s20] =	ssyncadd.s32 $0xFFFFE0C0  }
0x67: {  	[spmem:s2] =	stream.indirect.scatter.add.f32 [tilespmem:s26], [sflag:$0xD], $0x40, s3, s14, $0xb8;
	[tilespmem:$0x1EA00] =	vst v63  }
0x68: {  	s3 =	simm.s32 @p0 $0x280;
	_ =	swait.ge [sflag:s21], $0x1F40  }
0x69: {  	s5 =	simm.s32 $0x300;
	s3 =	simm.s32 @!p0 $0x280;
	[sflag:s21] =	ssyncset.done $0x0  }
0x6a: {  	s28 =	rddreg [dreg:$0x8];
	s3 =	sadd.s32 $0x2800, s3;
	[sflag:s21] =	ssyncadd.s32 $0xFFFFE0C0  }
0x6b: {  	[spmem:s2] =	stream.indirect.scatter.add.f32 [tilespmem:s28], [sflag:$0xE], $0x40, s3, s14, $0xb8;
	[tilespmem:$0x1EA00] =	vst v63  }
0x6c: {  	s5 =	simm.s32 @!p0 $0x300;
	_ =	swait.ge [sflag:s22], $0x1F40  }
0x6d: {  	s5 =	sadd.s32 $0x2800, s5;
	[sflag:s22] =	ssyncset.done $0x0  }
0x6e: {  	s8 =	simm.s32 $0x2B80;
	s29 =	rddreg [dreg:$0x9];
	[sflag:s22] =	ssyncadd.s32 $0xFFFFE0C0  }
0x6f: {  	[spmem:s2] =	stream.indirect.scatter.add.f32 [tilespmem:s29], [sflag:$0xF], $0x40, s5, s14, $0xb8;
	[tilespmem:$0x1EA00] =	vst v63  }
0x70: {  	s13 =	simm.s32 $0x700;
	p0 =	por $0x1, $0x1;
	_ =	swait.ge [sflag:s23], $0x1F40  }
0x71: {  	s3 =	simm.s32 $0x1000;
	s5 =	simm.s32 $0x2000;
	[sflag:s23] =	ssyncset.done $0x0  }
.LBB2_2:
0x72: {  	s9 =	simm.s32 @p0 $0x9;
	[sflag:s23] =	ssyncadd.s32 $0xFFFFE0C0  }
0x73: {  	[spmem:s2] =	stream.indirect.scatter.add.f32 [tilespmem:s15], [sflag:$0x10], $0x40, s8, s14, $0xb8;
	[tilespmem:$0x1EA00] =	vst v63  }
0x74: {  	_ =	swait.ge @p0 [sflag:s9], $0x1F40  }
0x75: {  	s10 =	simm.s32 @p0 $0x5000;
	s24 =	simm.s32 @p0 $0xA;
	[sflag:s9] =	ssyncset.done @p0 $0x0  }
0x76: {  	s8 =	simm.s32 @p0 $0x7D;
	[sflag:s9] =	ssyncadd.s32 @p0 $0xFFFFE0C0;
	s9 =	sshra.s32 @p0 s3, $0x2  }
0x77: {  	[tilespmem:s10], [sflag:$0x1] =	stream.indirect.gather @p0 [hbm4b:s4+s8], $0x40, s9, s8, $0xb8;
	[tilespmem:$0x1EA00] =	vst v63  }
0x78: {  	_ =	swait.ge @p0 [sflag:s24], $0x1F40  }
0x79: {  	s29 =	simm.s32 @p0 $0xB;
	[sflag:s24] =	ssyncset.done @p0 $0x0  }
0x7a: {  	s10 =	sadd.s32 @p0 $0x80, s9;
	[sflag:s24] =	ssyncadd.s32 @p0 $0xFFFFE0C0;
	s24 =	simm.s32 @p0 $0x6F40  }
0x7b: {  	[tilespmem:s24], [sflag:$0x2] =	stream.indirect.gather @p0 [hbm4b:s4+s8], $0x40, s10, s8, $0xb8;
	[tilespmem:$0x1EA00] =	vst v63  }
0x7c: {  	_ =	swait.ge @p0 [sflag:s29], $0x1F40  }
0x7d: {  	s25 =	sadd.s32 @p0 $0x100, s9;
	[sflag:s29] =	ssyncset.done @p0 $0x0  }
0x7e: {  	s24 =	simm.s32 @p0 $0x8E80;
	[sflag:s29] =	ssyncadd.s32 @p0 $0xFFFFE0C0;
	s29 =	simm.s32 @p0 $0xC  }
0x7f: {  	[tilespmem:s24], [sflag:$0x3] =	stream.indirect.gather @p0 [hbm4b:s4+s8], $0x40, s25, s8, $0xb8;
	[tilespmem:$0x1EA00] =	vst v63  }
0x80: {  	_ =	swait.ge @p0 [sflag:s29], $0x1F40  }
0x81: {  	s26 =	sadd.s32 @p0 $0x180, s9;
	[sflag:s29] =	ssyncset.done @p0 $0x0  }
0x82: {  	s24 =	simm.s32 @p0 $0xADC0;
	s25 =	simm.s32 @p0 $0xD;
	[sflag:s29] =	ssyncadd.s32 @p0 $0xFFFFE0C0  }
0x83: {  	[tilespmem:s24], [sflag:$0x4] =	stream.indirect.gather @p0 [hbm4b:s4+s8], $0x40, s26, s8, $0xb8;
	[tilespmem:$0x1EA00] =	vst v63  }
0x84: {  	_ =	swait.ge @p0 [sflag:s25], $0x1F40  }
0x85: {  	s28 =	sadd.s32 @p0 $0x200, s9;
	[sflag:s25] =	ssyncset.done @p0 $0x0  }
0x86: {  	s24 =	simm.s32 @p0 $0xCD00;
	[sflag:s25] =	ssyncadd.s32 @p0 $0xFFFFE0C0;
	s25 =	simm.s32 @p0 $0xE  }
0x87: {  	[tilespmem:s24], [sflag:$0x5] =	stream.indirect.gather @p0 [hbm4b:s4+s8], $0x40, s28, s8, $0xb8;
	[tilespmem:$0x1EA00] =	vst v63  }
0x88: {  	_ =	swait.ge @p0 [sflag:s25], $0x1F40  }
0x89: {  	s10 =	sadd.s32 @p0 $0x280, s9;
	[sflag:s25] =	ssyncset.done @p0 $0x0  }
0x8a: {  	s24 =	simm.s32 @p0 $0xEC40;
	[sflag:s25] =	ssyncadd.s32 @p0 $0xFFFFE0C0;
	s25 =	simm.s32 @p0 $0xF  }
0x8b: {  	[tilespmem:s24], [sflag:$0x6] =	stream.indirect.gather @p0 [hbm4b:s4+s8], $0x40, s10, s8, $0xb8;
	[tilespmem:$0x1EA00] =	vst v63  }
0x8c: {  	_ =	swait.ge @p0 [sflag:s25], $0x1F40  }
0x8d: {  	s9 =	sadd.s32 @p0 $0x300, s9;
	[sflag:s25] =	ssyncset.done @p0 $0x0  }
0x8e: {  	s10 =	simm.s32 @p0 $0x10B80;
	s24 =	simm.s32 @p0 $0x10;
	[sflag:s25] =	ssyncadd.s32 @p0 $0xFFFFE0C0  }
0x8f: {  	[tilespmem:s10], [sflag:$0x7] =	stream.indirect.gather @p0 [hbm4b:s4+s8], $0x40, s9, s8, $0xb8;
	[tilespmem:$0x1EA00] =	vst v63  }
0x90: {  	_ =	swait.ge @p0 [sflag:s24], $0x1F40  }
0x91: {  	s8 =	simm.s32 @!p0 $0x5000;
	[sflag:s24] =	ssyncset.done @p0 $0x0  }
0x92: {  	s9 =	sshra.s32 @!p0 s3, $0x2;
	s10 =	simm.s32 @!p0 $0x7D;
	[sflag:s24] =	ssyncadd.s32 @p0 $0xFFFFE0C0  }
0x93: {  	[tilespmem:s8], [sflag:$0x1] =	stream.indirect.gather @!p0 [hbm4b:s4+s10], $0x40, s9, s10, $0xb8;
	[tilespmem:$0x1EA00] =	vst v63  }
0x94: {  	s8 =	simm.s32 @!p0 $0x80;
	s9 =	simm.s32 @!p0 $0x6F40  }
0x95: {  	[tilespmem:s9], [sflag:$0x2] =	stream.indirect.gather @!p0 [hbm4b:s4+s10], $0x40, s8, s10, $0xb8;
	[tilespmem:$0x1EA00] =	vst v63  }
0x96: {  	s8 =	simm.s32 @!p0 $0x100;
	s9 =	simm.s32 @!p0 $0x8E80  }
0x97: {  	[tilespmem:s9], [sflag:$0x3] =	stream.indirect.gather @!p0 [hbm4b:s4+s10], $0x40, s8, s10, $0xb8;
	[tilespmem:$0x1EA00] =	vst v63  }
0x98: {  	s8 =	simm.s32 @!p0 $0x180;
	s9 =	simm.s32 @!p0 $0xADC0  }
0x99: {  	[tilespmem:s9], [sflag:$0x4] =	stream.indirect.gather @!p0 [hbm4b:s4+s10], $0x40, s8, s10, $0xb8;
	[tilespmem:$0x1EA00] =	vst v63  }
0x9a: {  	s8 =	simm.s32 @!p0 $0x200;
	s9 =	simm.s32 @!p0 $0xCD00  }
0x9b: {  	[tilespmem:s9], [sflag:$0x5] =	stream.indirect.gather @!p0 [hbm4b:s4+s10], $0x40, s8, s10, $0xb8;
	[tilespmem:$0x1EA00] =	vst v63  }
0x9c: {  	s8 =	simm.s32 @!p0 $0x280;
	s9 =	simm.s32 @!p0 $0xEC40  }
0x9d: {  	[tilespmem:s9], [sflag:$0x6] =	stream.indirect.gather @!p0 [hbm4b:s4+s10], $0x40, s8, s10, $0xb8;
	[tilespmem:$0x1EA00] =	vst v63  }
0x9e: {  	s24 =	simm.s32 @!p0 $0x10B80;
	s9 =	simm.s32 @!p0 $0x300;
	s8 =	sshra.s32 s3, $0x2  }
0x9f: {  	[tilespmem:s24], [sflag:$0x7] =	stream.indirect.gather @!p0 [hbm4b:s4+s10], $0x40, s9, s10, $0xb8;
	[tilespmem:$0x1EA00] =	vst v63  }
0xa0: {  	s26 =	sadd.s32 $0x380, s8  }
0xa1: {  	[tilespmem:s15], [sflag:$0x8] =	stream.indirect.gather [hbm4b:s4+s14], $0x40, s26, s14, $0xb8;
	[tilespmem:$0x1EA00] =	vst v63  }
0xa2: {  	_ =	swait.ge [sflag:s16], $0x1F40  }
0xa3: {  	s7 =	smov.u32 s5;
	[sflag:s16] =	ssyncset.done $0x0  }
0xa4: {  	s29 =	sadd.s32 $0x2800, s8;
	s28 =	rddreg [dreg:$0x3];
	[sflag:s16] =	ssyncadd.s32 $0xFFFFE0C0  }
0xa5: {  	[spmem:s2] =	stream.indirect.scatter.add.f32 [tilespmem:s28], [sflag:$0x9], $0x40, s29, s14, $0xb8;
	[tilespmem:$0x1EA00] =	vst v63  }
0xa6: {  	s3 =	smov.u32 s7;
	s7 =	sadd.s32 @p0 $0xFFFFFD80, s13;
	_ =	swait.ge [sflag:s17], $0x1F40  }
0xa7: {  	s7 =	simm.s32 @!p0 $0x80;
	[sflag:s17] =	ssyncset.done $0x0  }
0xa8: {  	s7 =	sadd.s32 $0x2800, s7;
	s10 =	rddreg [dreg:$0x4];
	[sflag:s17] =	ssyncadd.s32 $0xFFFFE0C0  }
0xa9: {  	[spmem:s2] =	stream.indirect.scatter.add.f32 [tilespmem:s10], [sflag:$0xA], $0x40, s7, s14, $0xb8;
	[tilespmem:$0x1EA00] =	vst v63  }
0xaa: {  	s7 =	sadd.s32 @p0 $0xFFFFFE00, s13;
	_ =	swait.ge [sflag:s18], $0x1F40  }
0xab: {  	s7 =	simm.s32 @!p0 $0x100;
	[sflag:s18] =	ssyncset.done $0x0  }
0xac: {  	s24 =	rddreg [dreg:$0x5];
	s7 =	sadd.s32 $0x2800, s7;
	[sflag:s18] =	ssyncadd.s32 $0xFFFFE0C0  }
0xad: {  	[spmem:s2] =	stream.indirect.scatter.add.f32 [tilespmem:s24], [sflag:$0xB], $0x40, s7, s14, $0xb8;
	[tilespmem:$0x1EA00] =	vst v63  }
0xae: {  	s7 =	sadd.s32 @p0 $0xFFFFFE80, s13;
	_ =	swait.ge [sflag:s19], $0x1F40  }
0xaf: {  	s7 =	simm.s32 @!p0 $0x180;
	[sflag:s19] =	ssyncset.done $0x0  }
0xb0: {  	s25 =	rddreg [dreg:$0x6];
	s7 =	sadd.s32 $0x2800, s7;
	[sflag:s19] =	ssyncadd.s32 $0xFFFFE0C0  }
0xb1: {  	[spmem:s2] =	stream.indirect.scatter.add.f32 [tilespmem:s25], [sflag:$0xC], $0x40, s7, s14, $0xb8;
	[tilespmem:$0x1EA00] =	vst v63  }
0xb2: {  	s7 =	sadd.s32 @p0 $0xFFFFFF00, s13;
	_ =	swait.ge [sflag:s20], $0x1F40  }
0xb3: {  	s7 =	simm.s32 @!p0 $0x200;
	[sflag:s20] =	ssyncset.done $0x0  }
0xb4: {  	s26 =	rddreg [dreg:$0x7];
	s7 =	sadd.s32 $0x2800, s7;
	[sflag:s20] =	ssyncadd.s32 $0xFFFFE0C0  }
0xb5: {  	[spmem:s2] =	stream.indirect.scatter.add.f32 [tilespmem:s26], [sflag:$0xD], $0x40, s7, s14, $0xb8;
	[tilespmem:$0x1EA00] =	vst v63  }
0xb6: {  	s7 =	sadd.s32 @p0 $0xFFFFFF80, s13;
	_ =	swait.ge [sflag:s21], $0x1F40  }
0xb7: {  	s5 =	sadd.s32 $0x1000, s5;
	s7 =	simm.s32 @!p0 $0x280;
	[sflag:s21] =	ssyncset.done $0x0  }
0xb8: {  	s28 =	rddreg [dreg:$0x8];
	s7 =	sadd.s32 $0x2800, s7;
	[sflag:s21] =	ssyncadd.s32 $0xFFFFE0C0  }
0xb9: {  	[spmem:s2] =	stream.indirect.scatter.add.f32 [tilespmem:s28], [sflag:$0xE], $0x40, s7, s14, $0xb8;
	[tilespmem:$0x1EA00] =	vst v63  }
0xba: {  	p1 =	sne.s32 s5, $0xA000;
	s9 =	smov.u32 s13;
	_ =	swait.ge [sflag:s22], $0x1F40  }
.Ltmp0:
0xbb: {  	s9 =	simm.s32 @!p0 $0x300;
	[sflag:s22] =	ssyncset.done $0x0;
	(pc) =	sbr.rel @p1 .LBB2_2-.Ltmp0, $4  }
0xbc: {  	s9 =	sadd.s32 $0x2800, s9;
	s29 =	rddreg [dreg:$0x9];
	[sflag:s22] =	ssyncadd.s32 $0xFFFFE0C0  }
0xbd: {  	[spmem:s2] =	stream.indirect.scatter.add.f32 [tilespmem:s29], [sflag:$0xF], $0x40, s9, s14, $0xb8;
	[tilespmem:$0x1EA00] =	vst v63  }
0xbe: {  	s8 =	sadd.s32 $0x2B80, s8;
	_ =	swait.ge [sflag:s23], $0x1F40  }
0xbf: {  	s13 =	sadd.s32 $0x400, s13;
	p0 =	sne.s32 s3, $0x0;
	[sflag:s23] =	ssyncset.done $0x0  }
0xc0: {  	s5 =	simm.s32 @p0 $0x9;
	[sflag:s23] =	ssyncadd.s32 $0xFFFFE0C0  }
0xc1: {  	[spmem:s2] =	stream.indirect.scatter.add.f32 [tilespmem:s15], [sflag:$0x10], $0x40, s8, s14, $0xb8;
	[tilespmem:$0x1EA00] =	vst v63  }
0xc2: {  	_ =	swait.ge @p0 [sflag:s5], $0x1F40  }
0xc3: {  	s7 =	simm.s32 @p0 $0x5000;
	s9 =	simm.s32 @p0 $0x7D;
	[sflag:s5] =	ssyncset.done @p0 $0x0  }
0xc4: {  	s8 =	simm.s32 @p0 $0xA;
	[sflag:s5] =	ssyncadd.s32 @p0 $0xFFFFE0C0;
	s5 =	sshra.s32 @p0 s3, $0x2  }
0xc5: {  	[tilespmem:s7], [sflag:$0x1] =	stream.indirect.gather @p0 [hbm4b:s4+s9], $0x40, s5, s9, $0xb8;
	[tilespmem:$0x1EA00] =	vst v63  }
0xc6: {  	_ =	swait.ge @p0 [sflag:s8], $0x1F40  }
0xc7: {  	[sflag:s8] =	ssyncset.done @p0 $0x0  }
0xc8: {  	s7 =	sadd.s32 @p0 $0x80, s5;
	[sflag:s8] =	ssyncadd.s32 @p0 $0xFFFFE0C0;
	s8 =	simm.s32 @p0 $0x6F40  }
0xc9: {  	[tilespmem:s8], [sflag:$0x2] =	stream.indirect.gather @p0 [hbm4b:s4+s9], $0x40, s7, s9, $0xb8;
	[tilespmem:$0x1EA00] =	vst v63  }
0xca: {  	s7 =	simm.s32 @p0 $0xB  }
0xcb: {  	_ =	swait.ge @p0 [sflag:s7], $0x1F40  }
0xcc: {  	[sflag:s7] =	ssyncset.done @p0 $0x0  }
0xcd: {  	s8 =	sadd.s32 @p0 $0x100, s5;
	[sflag:s7] =	ssyncadd.s32 @p0 $0xFFFFE0C0;
	s7 =	simm.s32 @p0 $0x8E80  }
0xce: {  	[tilespmem:s7], [sflag:$0x3] =	stream.indirect.gather @p0 [hbm4b:s4+s9], $0x40, s8, s9, $0xb8;
	[tilespmem:$0x1EA00] =	vst v63  }
0xcf: {  	s7 =	simm.s32 @p0 $0xC  }
0xd0: {  	_ =	swait.ge @p0 [sflag:s7], $0x1F40  }
0xd1: {  	[sflag:s7] =	ssyncset.done @p0 $0x0  }
0xd2: {  	s8 =	sadd.s32 @p0 $0x180, s5;
	[sflag:s7] =	ssyncadd.s32 @p0 $0xFFFFE0C0;
	s7 =	simm.s32 @p0 $0xADC0  }
0xd3: {  	[tilespmem:s7], [sflag:$0x4] =	stream.indirect.gather @p0 [hbm4b:s4+s9], $0x40, s8, s9, $0xb8;
	[tilespmem:$0x1EA00] =	vst v63  }
0xd4: {  	s7 =	simm.s32 @p0 $0xD  }
0xd5: {  	_ =	swait.ge @p0 [sflag:s7], $0x1F40  }
0xd6: {  	[sflag:s7] =	ssyncset.done @p0 $0x0  }
0xd7: {  	s8 =	sadd.s32 @p0 $0x200, s5;
	[sflag:s7] =	ssyncadd.s32 @p0 $0xFFFFE0C0;
	s7 =	simm.s32 @p0 $0xCD00  }
0xd8: {  	[tilespmem:s7], [sflag:$0x5] =	stream.indirect.gather @p0 [hbm4b:s4+s9], $0x40, s8, s9, $0xb8;
	[tilespmem:$0x1EA00] =	vst v63  }
0xd9: {  	s7 =	simm.s32 @p0 $0xE  }
0xda: {  	_ =	swait.ge @p0 [sflag:s7], $0x1F40  }
0xdb: {  	[sflag:s7] =	ssyncset.done @p0 $0x0  }
0xdc: {  	s8 =	sadd.s32 @p0 $0x280, s5;
	[sflag:s7] =	ssyncadd.s32 @p0 $0xFFFFE0C0;
	s7 =	simm.s32 @p0 $0xEC40  }
0xdd: {  	[tilespmem:s7], [sflag:$0x6] =	stream.indirect.gather @p0 [hbm4b:s4+s9], $0x40, s8, s9, $0xb8;
	[tilespmem:$0x1EA00] =	vst v63  }
0xde: {  	s7 =	simm.s32 @p0 $0xF  }
0xdf: {  	_ =	swait.ge @p0 [sflag:s7], $0x1F40  }
0xe0: {  	[sflag:s7] =	ssyncset.done @p0 $0x0  }
0xe1: {  	s5 =	sadd.s32 @p0 $0x300, s5;
	[sflag:s7] =	ssyncadd.s32 @p0 $0xFFFFE0C0;
	s7 =	simm.s32 @p0 $0x10B80  }
0xe2: {  	[tilespmem:s7], [sflag:$0x7] =	stream.indirect.gather @p0 [hbm4b:s4+s9], $0x40, s5, s9, $0xb8;
	[tilespmem:$0x1EA00] =	vst v63  }
0xe3: {  	s5 =	simm.s32 @p0 $0x10  }
0xe4: {  	_ =	swait.ge @p0 [sflag:s5], $0x1F40  }
0xe5: {  	s8 =	simm.s32 @!p0 $0x7D;
	[sflag:s5] =	ssyncset.done @p0 $0x0  }
0xe6: {  	s7 =	simm.s32 @!p0 $0x5000;
	[sflag:s5] =	ssyncadd.s32 @p0 $0xFFFFE0C0;
	s5 =	sshra.s32 @!p0 s3, $0x2  }
0xe7: {  	[tilespmem:s7], [sflag:$0x1] =	stream.indirect.gather @!p0 [hbm4b:s4+s8], $0x40, s5, s8, $0xb8;
	[tilespmem:$0x1EA00] =	vst v63  }
0xe8: {  	s5 =	simm.s32 @!p0 $0x80;
	s7 =	simm.s32 @!p0 $0x6F40  }
0xe9: {  	[tilespmem:s7], [sflag:$0x2] =	stream.indirect.gather @!p0 [hbm4b:s4+s8], $0x40, s5, s8, $0xb8;
	[tilespmem:$0x1EA00] =	vst v63  }
0xea: {  	s5 =	simm.s32 @!p0 $0x100;
	s7 =	simm.s32 @!p0 $0x8E80  }
0xeb: {  	[tilespmem:s7], [sflag:$0x3] =	stream.indirect.gather @!p0 [hbm4b:s4+s8], $0x40, s5, s8, $0xb8;
	[tilespmem:$0x1EA00] =	vst v63  }
0xec: {  	s5 =	simm.s32 @!p0 $0x180;
	s7 =	simm.s32 @!p0 $0xADC0  }
0xed: {  	[tilespmem:s7], [sflag:$0x4] =	stream.indirect.gather @!p0 [hbm4b:s4+s8], $0x40, s5, s8, $0xb8;
	[tilespmem:$0x1EA00] =	vst v63  }
0xee: {  	s5 =	simm.s32 @!p0 $0x200;
	s7 =	simm.s32 @!p0 $0xCD00  }
0xef: {  	[tilespmem:s7], [sflag:$0x5] =	stream.indirect.gather @!p0 [hbm4b:s4+s8], $0x40, s5, s8, $0xb8;
	[tilespmem:$0x1EA00] =	vst v63  }
0xf0: {  	s5 =	simm.s32 @!p0 $0x280;
	s7 =	simm.s32 @!p0 $0xEC40  }
0xf1: {  	[tilespmem:s7], [sflag:$0x6] =	stream.indirect.gather @!p0 [hbm4b:s4+s8], $0x40, s5, s8, $0xb8;
	[tilespmem:$0x1EA00] =	vst v63  }
0xf2: {  	s3 =	sshra.s32 s3, $0x2;
	s5 =	simm.s32 @!p0 $0x300;
	s7 =	simm.s32 @!p0 $0x10B80  }
0xf3: {  	[tilespmem:s7], [sflag:$0x7] =	stream.indirect.gather @!p0 [hbm4b:s4+s8], $0x40, s5, s8, $0xb8;
	[tilespmem:$0x1EA00] =	vst v63  }
0xf4: {  	s8 =	sadd.s32 $0x380, s3  }
0xf5: {  	[tilespmem:s15], [sflag:$0x8] =	stream.indirect.gather [hbm4b:s4+s14], $0x40, s8, s14, $0xb8;
	[tilespmem:$0x1EA00] =	vst v63  }
0xf6: {  	_ =	swait.ge [sflag:s16], $0x1F40  }
0xf7: {  	[sflag:s16] =	ssyncset.done $0x0  }
0xf8: {  	s10 =	sadd.s32 $0x2800, s3;
	s9 =	rddreg [dreg:$0x3];
	[sflag:s16] =	ssyncadd.s32 $0xFFFFE0C0  }
0xf9: {  	[spmem:s2] =	stream.indirect.scatter.add.f32 [tilespmem:s9], [sflag:$0x9], $0x40, s10, s14, $0xb8;
	[tilespmem:$0x1EA00] =	vst v63  }
0xfa: {  	s5 =	sadd.s32 @p0 $0xFFFFFD80, s13;
	_ =	swait.ge [sflag:s17], $0x1F40  }
0xfb: {  	s5 =	simm.s32 @!p0 $0x80;
	[sflag:s17] =	ssyncset.done $0x0  }
0xfc: {  	s5 =	sadd.s32 $0x2800, s5;
	s24 =	rddreg [dreg:$0x4];
	[sflag:s17] =	ssyncadd.s32 $0xFFFFE0C0  }
0xfd: {  	[spmem:s2] =	stream.indirect.scatter.add.f32 [tilespmem:s24], [sflag:$0xA], $0x40, s5, s14, $0xb8;
	[tilespmem:$0x1EA00] =	vst v63  }
0xfe: {  	s5 =	sadd.s32 @p0 $0xFFFFFE00, s13;
	_ =	swait.ge [sflag:s18], $0x1F40  }
0xff: {  	s5 =	simm.s32 @!p0 $0x100;
	[sflag:s18] =	ssyncset.done $0x0  }
0x100: {  	s25 =	rddreg [dreg:$0x5];
	s5 =	sadd.s32 $0x2800, s5;
	[sflag:s18] =	ssyncadd.s32 $0xFFFFE0C0  }
0x101: {  	[spmem:s2] =	stream.indirect.scatter.add.f32 [tilespmem:s25], [sflag:$0xB], $0x40, s5, s14, $0xb8;
	[tilespmem:$0x1EA00] =	vst v63  }
0x102: {  	s5 =	sadd.s32 @p0 $0xFFFFFE80, s13;
	_ =	swait.ge [sflag:s19], $0x1F40  }
0x103: {  	s5 =	simm.s32 @!p0 $0x180;
	[sflag:s19] =	ssyncset.done $0x0  }
0x104: {  	s26 =	rddreg [dreg:$0x6];
	s5 =	sadd.s32 $0x2800, s5;
	[sflag:s19] =	ssyncadd.s32 $0xFFFFE0C0  }
0x105: {  	[spmem:s2] =	stream.indirect.scatter.add.f32 [tilespmem:s26], [sflag:$0xC], $0x40, s5, s14, $0xb8;
	[tilespmem:$0x1EA00] =	vst v63  }
0x106: {  	s5 =	sadd.s32 @p0 $0xFFFFFF00, s13;
	_ =	swait.ge [sflag:s20], $0x1F40  }
0x107: {  	s5 =	simm.s32 @!p0 $0x200;
	[sflag:s20] =	ssyncset.done $0x0  }
0x108: {  	s28 =	rddreg [dreg:$0x7];
	s5 =	sadd.s32 $0x2800, s5;
	[sflag:s20] =	ssyncadd.s32 $0xFFFFE0C0  }
0x109: {  	[spmem:s2] =	stream.indirect.scatter.add.f32 [tilespmem:s28], [sflag:$0xD], $0x40, s5, s14, $0xb8;
	[tilespmem:$0x1EA00] =	vst v63  }
0x10a: {  	s5 =	sadd.s32 @p0 $0xFFFFFF80, s13;
	_ =	swait.ge [sflag:s21], $0x1F40  }
0x10b: {  	s5 =	simm.s32 @!p0 $0x280;
	[sflag:s21] =	ssyncset.done $0x0  }
0x10c: {  	s29 =	rddreg [dreg:$0x8];
	s5 =	sadd.s32 $0x2800, s5;
	[sflag:s21] =	ssyncadd.s32 $0xFFFFE0C0  }
0x10d: {  	[spmem:s2] =	stream.indirect.scatter.add.f32 [tilespmem:s29], [sflag:$0xE], $0x40, s5, s14, $0xb8;
	[tilespmem:$0x1EA00] =	vst v63  }
0x10e: {  	_ =	swait.ge [sflag:s22], $0x1F40  }
0x10f: {  	s13 =	simm.s32 @!p0 $0x300;
	[sflag:s22] =	ssyncset.done $0x0  }
0x110: {  	s9 =	sadd.s32 $0x2800, s13;
	s8 =	rddreg [dreg:$0x9];
	[sflag:s22] =	ssyncadd.s32 $0xFFFFE0C0  }
0x111: {  	[spmem:s2] =	stream.indirect.scatter.add.f32 [tilespmem:s8], [sflag:$0xF], $0x40, s9, s14, $0xb8;
	[tilespmem:$0x1EA00] =	vst v63  }
0x112: {  	_ =	swait.ge [sflag:s23], $0x1F40  }
0x113: {  	[sflag:s23] =	ssyncset.done $0x0  }
0x114: {  	s3 =	sadd.s32 $0x2B80, s3;
	s10 =	simm.s32 $0x9;
	[sflag:s23] =	ssyncadd.s32 $0xFFFFE0C0  }
0x115: {  	[spmem:s2] =	stream.indirect.scatter.add.f32 [tilespmem:s15], [sflag:$0x10], $0x40, s3, s14, $0xb8;
	[tilespmem:$0x1EA00] =	vst v63  }
0x116: {  	_ =	swait.ge [sflag:s10], $0x1F40  }
0x117: {  	[sflag:s10] =	ssyncset.done $0x0  }
0x118: {  	s13 =	simm.s32 $0xA;
	[sflag:s10] =	ssyncadd.s32 $0xFFFFE0C0  }
0x119: {  	_ =	swait.ge [sflag:s13], $0x1F40  }
0x11a: {  	[sflag:s13] =	ssyncset.done $0x0  }
0x11b: {  	s24 =	simm.s32 $0xB;
	[sflag:s13] =	ssyncadd.s32 $0xFFFFE0C0  }
0x11c: {  	_ =	swait.ge [sflag:s24], $0x1F40  }
0x11d: {  	[sflag:s24] =	ssyncset.done $0x0  }
0x11e: {  	s25 =	simm.s32 $0xC;
	[sflag:s24] =	ssyncadd.s32 $0xFFFFE0C0  }
0x11f: {  	_ =	swait.ge [sflag:s25], $0x1F40  }
0x120: {  	[sflag:s25] =	ssyncset.done $0x0  }
0x121: {  	s26 =	simm.s32 $0xD;
	[sflag:s25] =	ssyncadd.s32 $0xFFFFE0C0  }
0x122: {  	_ =	swait.ge [sflag:s26], $0x1F40  }
0x123: {  	[sflag:s26] =	ssyncset.done $0x0  }
0x124: {  	[sflag:s26] =	ssyncadd.s32 $0xFFFFE0C0  }
0x125: {  	_ =	swait.ge [sflag:s30], $0x1F40  }
0x126: {  	[sflag:s30] =	ssyncset.done $0x0  }
0x127: {  	[sflag:s30] =	ssyncadd.s32 $0xFFFFE0C0  }
0x128: {  	_ =	swait.ge [sflag:s31], $0x1F40  }
0x129: {  	[sflag:s31] =	ssyncset.done $0x0  }
0x12a: {  	[sflag:s31] =	ssyncadd.s32 $0xFFFFE0C0  }
0x12b: {  	_ =	swait.ge [sflag:s1], $0x1F40  }
0x12c: {  	[sflag:s1] =	ssyncset.done $0x0  }
0x12d: {  	[sflag:s1] =	ssyncadd.s32 $0xFFFFE0C0  }
0x12e: {  	[bflag:$0x0] =	sbarrier.arrive $0xFFFF  }
0x12f: {  	s28 =	rddreg [dreg:$0xd]  }
0x130: {  	[hbm:s28], [sflag:s6] =	dma.local [spmem:s11], $0x1400  }
0x131: {  	_ =	swait.ge [sflag:s12], $0x1400  }
0x132: {  	s0 =	sadd.s32 $0x1, s0;
	s29 =	rddreg [dreg:$0xe]  }
0x133: {  	p0 =	sne.s32 s0, s29  }
.Ltmp1:
0x134: {  	_ = 	snop;
	(pc) =	sbr.rel @p0 .LBB2_1-.Ltmp1, $3  }
0x135: {  	_ =	sdelay $0x1  }
0x136: {  	[sflag:s12] =	ssyncset.done $0x0  }
0x137: {  	[sflag:s12] =	ssyncadd.s32 $0xFFFFEC00  }
0x138: {  	_ =	sfence.sel $0x180000  }
0x139: {  	[bflag:$0x0] =	sbarrier.arrive $0xFFFF  }
0x13a: {  	_ =	strace $0x9000004A  }
0x13b: {  	s0 =	stileid.u32;
	[bflag:$0x2] =	sbarrier.arrive $0xFFFF  }
0x13c: {  	p0 =	sne.s32 s0, $0x0;
	s0 =	rddreg [dreg:$0x2]  }
0x13d: {  	s0 =	sadd.s32 @!p0 $0x100000, s0  }
0x13e: {  	[sflag:s0] =	ssyncadd.tile.s32 @!p0 $0x1;
	_ =	shalt  }
.Lfunc_end2:
_tile_overlayer_lowered:
.L_overlay_start_2:
0x13f: {  	(tag) =	ssettag $0x2  }
0x140: {  	s0 =	rddreg [dreg:$0x0];
	s2 =	stileid.u32  }
0x141: {  	s1 =	rddreg [dreg:$0x1];
	p0 =	sne.s32 s2, $0x0  }
0x142: {  	s3 =	rddreg [dreg:$0x2];
	[bflag:$0x3] =	sbarrier.arrive $0xFFFF;
	s2 =	simm.s32 @!p0 $0x1C11  }
0x143: {  	[timem:s3], [sflag:s2] =	dma.local @!p0 [hbm:s0], s1  }
0x144: {  	s0 =	simm.s32 @!p0 $0x11  }
0x145: {  	_ =	swait.ge @!p0 [sflag:s0], s1  }
0x146: {  	s1 =	ssub.s32 @!p0 $0x0, s1;
	[sflag:s0] =	ssyncset.done @!p0 $0x0  }
0x147: {  	[sflag:s0] =	ssyncadd.s32 @!p0 s1  }
0x148: {  	[bflag:$0x3] =	sbarrier.arrive $0xFFFF  }
0x149: {  	_ =	shalt  }

// kernel: kernel.16.cloned.1.call-start
scs
__scs_entry_jumppad:
0x0: {  	(pc) =	sbr.rel $0x88, $3  }
0x1: {  	(tag) =	ssettag $0x0;
	lr =	simm.s32 $0x1  }
0x2: {  	[smem:$0x3F99] =	sst lr;
	_ =	strace $0xD0000000  }
0x3: {  	_ = 	snop  }
0x4: {  	_ = 	snop  }
0x5: {  	_ = 	snop  }
0x6: {  	_ = 	snop  }
0x7: {  	_ = 	snop  }
__scs_overlays_trampoline_lowered:
0x8: {  	[smem:$0x3FA8] =	sst s0  }
0x9: {  	[smem:$0x3FA9] =	sst s1  }
0xa: {  	[smem:$0x3FAA] =	sst s2  }
0xb: {  	[smem:$0x3FAB] =	sst s3  }
0xc: {  	[smem:$0x3FAC] =	sst s4  }
0xd: {  	[smem:$0x3FAD] =	sst s5  }
0xe: {  	[smem:$0x3FAE] =	sst s6  }
0xf: {  	[smem:$0x3FAF] =	sst s7  }
0x10: {  	[smem:$0x3FB0] =	sst s8  }
0x11: {  	[smem:$0x3FB1] =	sst s9;
	s0 =	simm.s32 @!p0 $0x0  }
0x12: {  	s1 =	sld [smem:$0x3F97];
	s0 =	simm.s32 @p0 $0x1  }
0x13: {  	[smem:$0x3FB2] =	sst s0;
	s0 =	simm.s32 @!p1 $0x0  }
0x14: {  	s2 =	sld [smem:$0x3F96];
	s0 =	simm.s32 @p1 $0x1  }
0x15: {  	[smem:$0x3FB3] =	sst s0;
	s0 =	simm.s32 @!p2 $0x0  }
0x16: {  	s3 =	sld [smem:$0x3FDB];
	s0 =	simm.s32 @p2 $0x1  }
0x17: {  	s4 =	simm.s32 $0x1BF5;
	[smem:$0x3FB5] =	sst s0  }
0x18: {  	s0 =	sld [smem:$0x3F98];
	_ =	swait.ge [sflag:s4], $0x0  }
0x19: {  	s7 =	sld [smem:$0x3F99]  }
0x1a: {  	s8 =	sadd.s32 $0xFFFFE003, lr  }
0x1b: {  	s9 =	sadd.s32 $0xFFFFFEF7, lr;
	s5 =	simm.s32 $0xFFFFFFFF;
	p2 =	slt.u32 s8, $0xFFFFF086  }
0x1c: {  	p1 =	slt.u32 s9, $0xF7A;
	s5 =	simm.s32 @!p2 $0x0  }
0x1d: {  	s5 =	simm.s32 @p1 $0x1;
	p0 =	seq.s32 s7, s2  }
0x1e: {  	s7 =	smul.u32 @!p0 $0xF7A, s2;
	p2 =	seq.s32 @!p0 s5, $0x0  }
0x1f: {  	s9 =	smul.u32 $0xF7A, s1;
	s8 =	simm.s32 @!p0 $0x1BF5;
	p2 =	por !p2, p0  }
0x20: {  	[sflag:s8] =	ssyncset.s32 @!p0 $0xFFFFF086;
	s6 =	sadd.s32 @!p0 s3, s7;
	s7 =	simm.s32 @!p0 $0x108  }
0x21: {  	s3 =	sadd.s32 s3, s9;
	s6 =	sadd.s32 @!p0 $0x88, s6;
	s7 =	simm.s32 @p2 $0x1082  }
0x22: {  	[simem:s7], [sflag:s8] =	dma.local @!p0 [hbm:s6], $0xF7A  }
0x23: {  	s9 =	sor.u32 $0xD0000000, s2;
	s6 =	simm.s32 $0x108;
	_ =	swait.ge @!p0 [sflag:s8], $0x0  }
0x24: {  	s3 =	sadd.s32 $0x88, s3;
	s6 =	simm.s32 @!p1 $0x1082;
	[sflag:s4] =	ssyncset.s32 $0xFFFFF086  }
0x25: {  	[simem:s6], [sflag:s4] =	dma.local [hbm:s3], $0xF7A  }
0x26: {  	[smem:$0x3F99] =	sst s1;
	(tag) =	ssettag s2;
	_ =	strace s9  }
0x27: {  	s1 =	sld [smem:$0x3FA9]  }
0x28: {  	s2 =	sld [smem:$0x3FAA]  }
0x29: {  	s4 =	sld [smem:$0x3FAC]  }
0x2a: {  	p0 =	seq.s32 s5, $0x0;
	s5 =	sld [smem:$0x3FAD]  }
0x2b: {  	s6 =	sld [smem:$0x3FAE]  }
0x2c: {  	s7 =	sld [smem:$0x3FAF]  }
0x2d: {  	s3 =	simm.s32 $0x108;
	s8 =	sld [smem:$0x3FB0]  }
0x2e: {  	s3 =	simm.s32 @!p0 $0x1082;
	s9 =	sld [smem:$0x3FB1]  }
0x2f: {  	lr =	sadd.s32 s0, s3;
	s0 =	sld [smem:$0x3FA8]  }
0x30: {  	s3 =	sld [smem:$0x3FAB]  }
0x31: {  	[smem:$0x3FB4] =	sst s10  }
0x32: {  	s10 =	sld [smem:$0x3FB2];
	_ =	sdelay $0x3  }
0x33: {  	p0 =	seq.s32 s10, $0x1;
	s10 =	sld [smem:$0x3FB4];
	_ =	sdelay $0x3  }
0x34: {  	[smem:$0x3FB4] =	sst s10  }
0x35: {  	s10 =	sld [smem:$0x3FB3];
	_ =	sdelay $0x3  }
0x36: {  	p1 =	seq.s32 s10, $0x1;
	s10 =	sld [smem:$0x3FB4];
	_ =	sdelay $0x3  }
0x37: {  	[smem:$0x3FB4] =	sst s10  }
0x38: {  	s10 =	sld [smem:$0x3FB5]  }
0x39: {  	_ = 	snop;
	(pc) =	sbr.ind lr, $3  }
0x3a: {  	_ = 	snop  }
0x3b: {  	_ = 	snop  }
0x3c: {  	p2 =	seq.s32 s10, $0x1;
	s10 =	sld [smem:$0x3FB4]  }
0x3d: {  	_ =	shalt  }
0x3e: {  	_ =	shalt  }
0x3f: {  	_ =	shalt  }
0x40: {  	_ =	shalt  }
0x41: {  	_ =	shalt  }
0x42: {  	_ =	shalt  }
0x43: {  	_ =	shalt  }
0x44: {  	_ =	shalt  }
0x45: {  	_ =	shalt  }
0x46: {  	_ =	shalt  }
0x47: {  	_ =	shalt  }
0x48: {  	_ =	shalt  }
0x49: {  	_ =	shalt  }
0x4a: {  	_ =	shalt  }
0x4b: {  	_ =	shalt  }
0x4c: {  	_ =	shalt  }
0x4d: {  	_ =	shalt  }
0x4e: {  	_ =	shalt  }
0x4f: {  	_ =	shalt  }
0x50: {  	_ =	shalt  }
0x51: {  	_ =	shalt  }
0x52: {  	_ =	shalt  }
0x53: {  	_ =	shalt  }
0x54: {  	_ =	shalt  }
0x55: {  	_ =	shalt  }
0x56: {  	_ =	shalt  }
0x57: {  	_ =	shalt  }
0x58: {  	_ =	shalt  }
0x59: {  	_ =	shalt  }
0x5a: {  	_ =	shalt  }
0x5b: {  	_ =	shalt  }
0x5c: {  	_ =	shalt  }
0x5d: {  	_ =	shalt  }
0x5e: {  	_ =	shalt  }
0x5f: {  	_ =	shalt  }
0x60: {  	_ =	shalt  }
0x61: {  	_ =	shalt  }
0x62: {  	_ =	shalt  }
0x63: {  	_ =	shalt  }
0x64: {  	_ =	shalt  }
0x65: {  	_ =	shalt  }
0x66: {  	_ =	shalt  }
0x67: {  	_ =	shalt  }
0x68: {  	_ =	shalt  }
0x69: {  	_ =	shalt  }
0x6a: {  	_ =	shalt  }
0x6b: {  	_ =	shalt  }
0x6c: {  	_ =	shalt  }
0x6d: {  	_ =	shalt  }
0x6e: {  	_ =	shalt  }
0x6f: {  	_ =	shalt  }
0x70: {  	_ =	shalt  }
0x71: {  	_ =	shalt  }
0x72: {  	_ =	shalt  }
0x73: {  	_ =	shalt  }
0x74: {  	_ =	shalt  }
0x75: {  	_ =	shalt  }
0x76: {  	_ =	shalt  }
0x77: {  	_ =	shalt  }
0x78: {  	_ =	shalt  }
0x79: {  	_ =	shalt  }
0x7a: {  	_ =	shalt  }
0x7b: {  	_ =	shalt  }
0x7c: {  	_ =	shalt  }
0x7d: {  	_ =	shalt  }
0x7e: {  	_ =	shalt  }
0x7f: {  	_ =	shalt  }
0x80: {  	_ =	shalt  }
0x81: {  	_ =	shalt  }
0x82: {  	_ =	shalt  }
0x83: {  	_ =	shalt  }
0x84: {  	_ =	shalt  }
0x85: {  	_ =	shalt  }
0x86: {  	_ =	shalt  }
0x87: {  	_ =	shalt  }
.Lfunc_end0:
.L_simem_size_0:
called_computation.2_lowered:
.L_overlay_start_0:
0x88: {  	s2 =	sld [smem:$0x3FD9]  }
0x89: {  	s3 =	sld [smem:$0x3FFE];
	_ =	sdelay $0x1  }
0x8a: {  	s1 =	srdreg.scid  }
0x8b: {  	s0 =	sand.u32 $0x1, s1  }
0x8c: {  	s16 =	sshll.u32 s0, $0xA;
	s2 =	sadd.s32 s3, s2  }
0x8d: {  	s2 =	sadd.s32 s2, s16  }
0x8e: {  	[smem:$0x3FC0] =	sst s2  }
0x8f: {  	_ = 	snop  }
0x90: {  	(tm) =	ssettm $0x1  }
0x91: {  	s17 =	sld [smem:$0x3FFB];
	_ =	sdelay $0x3  }
0x92: {  	_ =	strace s17  }
0x93: {  	s2 =	sld [smem:$0x3FFC];
	_ =	sdelay $0x3  }
0x94: {  	_ =	strace s2  }
0x95: {  	s2 =	sld [smem:$0x3FFD];
	_ =	sdelay $0x3  }
0x96: {  	_ =	strace s2  }
0x97: {  	_ =	strace $0x8FFFFFFF  }
0x98: {  	s18 =	sld [smem:$0x3FDB];
	_ =	sdelay $0x1  }
0x99: {  	s19 =	simm.s32 $_scs_section_size  }
0x9a: {  	s4 =	simm.s32 $_size__tile_overlayer_lowered;
	s5 =	simm.s32 $_tile_overlayer_lowered  }
0x9b: {  	s22 =	simm.s32 $0x1BFF;
	s21 =	sshll.u32 s5, $0x1;
	s2 =	sadd.s32 s19, s18  }
0x9c: {  	s6 =	simm.s32 $0x0;
	s20 =	sshll.u32 s4, $0x1;
	s4 =	sadd.s32 s21, s2  }
0x9d: {  	[timem:s6], [sflag:s22] =	dma.local [hbm:s4], s20  }
0x9e: {  	_ =	swait.ge [sflag:s22], s20  }
0x9f: {  	s3 =	ssub.s32 $0x0, s20;
	[sflag:s22] =	ssyncset.done $0x0  }
0xa0: {  	[sflag:s22] =	ssyncadd.s32 s3;
	_ =	sdelay $0x1  }
0xa1: {  	s23 =	simm.s32 $0x1B8B  }
0xa2: {  	_ =	swait.ge [sflag:s23], $0x1  }
0xa3: {  	[sflag:s23] =	ssyncset.done $0x0  }
0xa4: {  	s25 =	simm.s32 $0x1B8E;
	s24 =	sld [smem:$0x3FFE];
	[sflag:s23] =	ssyncadd.s32 $0xFFFFFFFF  }
0xa5: {  	s26 =	simm.s32 $execute0_lowered;
	[smem:$0x3FD2] =	sst s25  }
0xa6: {  	s4 =	sshll.u32 s26, $0x1;
	_ =	strace $0x8000004C;
	[dreg:$0x1] =	wrdreg $0xFFFFFFFF  }
0xa7: {  	s28 =	simm.s32 $_size_execute0_lowered;
	s2 =	sadd.s32 s2, s4;
	[dreg:$0x0] =	wrdreg $0x0  }
0xa8: {  	s4 =	sshll.u32 s28, $0x1;
	[dreg:$0x2] =	wrdreg s2  }
0xa9: {  	[dreg:$0x3] =	wrdreg s4  }
0xaa: {  	[dreg:$0x4] =	wrdreg $0xC0  }
0xab: {  	_ =	task [dreg:s6], $0x5FFFF  }
0xac: {  	[dreg:$0x1] =	wrdreg $0xFFFFFFFF  }
0xad: {  	[dreg:$0x0] =	wrdreg $0x60  }
0xae: {  	[dreg:$0x2] =	wrdreg s24  }
0xaf: {  	[dreg:$0x3] =	wrdreg $0xCD000  }
0xb0: {  	[dreg:$0x4] =	wrdreg $0x9  }
0xb1: {  	_ =	task.clear_ibuf [dreg:s6], $0x5FFFF;
	_ =	strace $0x9000004C  }
0xb2: {  	s29 =	simm.s32 $0x9;
	_ =	strace $0x8000004E  }
0xb3: {  	_ =	swait.ge [sflag:s29], $0x1  }
0xb4: {  	[sflag:s29] =	ssyncadd.s32 $0xFFFFFFFF  }
0xb5: {  	_ =	strace $0x9000004E  }
0xb6: {  	_ =	sfence  }
0xb7: {  	s30 =	sld [smem:$0x0];
	_ =	sdelay $0x2  }
0xb8: {  	s31 =	sshll.u32 s1, $0xD;
	s1 =	sshrl.u32 s1, $0x2  }
0xb9: {  	s3 =	sand.u32 $0x4000, s31;
	s1 =	sadd.s32 s1, s30  }
0xba: {  	s0 =	sor.u32 s3, s0;
	s1 =	sshll.u32 s1, $0x11  }
0xbb: {  	s0 =	sor.u32 s1, s0  }
0xbc: {  	s0 =	sadd.s32 $0x8F2B, s0  }
0xbd: {  	[sflag:s0] =	ssyncadd.remote.s32 $0x1  }
0xbe: {  	_ =	sfence.sel $0xFFFF  }
0xbf: {  	[dreg:$0x0] =	wrdreg $0xFFFFFFFF;
	(pc) =	sbr.abs _section_cstart, $3  }
0xc0: {  	[dreg:$0x1] =	wrdreg $0xFFFFFFFF  }
0xc1: {  	_ =	task.clear_ibuf [dreg:s6], $0x2FFFF;
	_ =	strace $0x9FFFFFFF  }
0xc2: {  	(tm) =	ssettm $0x7FFFFFFF  }
0xc3: {  	_ =	shalt  }
tec
execute0_lowered:
.L_overlay_start_1:
0x0: {  	(tag) =	ssettag $0x1  }
0x1: {  	s0 =	srdreg.scid;
	s3 =	rddreg [dreg:$0x0]  }
0x2: {  	s8 =	stileid.u32;
	s2 =	rddreg [dreg:$0x1];
	s4 =	simm.s32 $0x0  }
0x3: {  	s12 =	simm.s32 $0x11;
	s14 =	simm.s32 $0x7D;
	s15 =	simm.s32 $0xBD60  }
0x4: {  	s22 =	simm.s32 $0x5000;
	s16 =	simm.s32 $0x1;
	s23 =	simm.s32 $0x5FA0  }
0x5: {  	s17 =	simm.s32 $0x2;
	s24 =	simm.s32 $0x6F40;
	s25 =	simm.s32 $0x7EE0  }
0x6: {  	s26 =	simm.s32 $0x8E80;
	[smem:$0x7FF] =	sst s4;
	s7 =	sadd.s32 $0x20400, s3  }
0x7: {  	s28 =	simm.s32 $0x9E20;
	_ =	strace $0x8000004D;
	[dreg:$0xa] =	wrdreg s7  }
0x8: {  	s29 =	simm.s32 $0xADC0;
	s30 =	simm.s32 $0xE;
	[dreg:$0x3] =	wrdreg s22  }
0x9: {  	s31 =	simm.s32 $0xF;
	s0 =	sand.u32 $0x1, s0;
	[dreg:$0x4] =	wrdreg s23  }
0xa: {  	s5 =	smul.u32 $0x5000, s8;
	s4 =	sadd.s32 $0x16600, s3;
	[dreg:$0x5] =	wrdreg s24  }
0xb: {  	s19 =	sshll.u32 s8, $0x6;
	s1 =	sshll.u32 s0, $0x4;
	[dreg:$0x6] =	wrdreg s25  }
0xc: {  	s6 =	smul.u32 $0x50000, s0;
	s0 =	ssub.s32 $0x2, s0;
	[dreg:$0x7] =	wrdreg s26  }
0xd: {  	[dreg:$0x8] =	wrdreg s28;
	s22 =	simm.s32 $0x7;
	s1 =	sor.u32 s8, s1  }
0xe: {  	[dreg:$0x9] =	wrdreg s29;
	s18 =	sshrl.u32 s0, $0x1;
	s1 =	smul.u32 $0x2800, s1  }
0xf: {  	s23 =	simm.s32 $0x8;
	s6 =	sadd.s32 s5, s6;
	s0 =	ssub.s32 s0, s18  }
0x10: {  	s5 =	sadd.s32 s5, s2;
	s18 =	simm.s32 $0x3;
	s1 =	sshrl.u32 s1, $0x3  }
0x11: {  	s6 =	sshrl.u32 s6, $0x3;
	s0 =	smax.u32 s0, $0x1;
	s1 =	sadd.s32 s1, s3  }
0x12: {  	s11 =	sshrl.u32 s5, $0x3;
	[dreg:$0xe] =	wrdreg s0;
	s20 =	sadd.s32 $0x2600, s1  }
0x13: {  	s3 =	sadd.s32 s6, s3;
	s1 =	sadd.s32 $0xC600, s1;
	[dreg:$0xb] =	wrdreg s20  }
0x14: {  	s0 =	simm.s32 $0x0;
	s21 =	sadd.s32 $0x20E00, s3;
	[dreg:$0xc] =	wrdreg s1  }
0x15: {  	s6 =	sor.u32 $0x1C11, s19;
	s19 =	simm.s32 $0x4;
	[dreg:$0xd] =	wrdreg s21  }
0x16: {  	s20 =	simm.s32 $0x5;
	s21 =	simm.s32 $0x6;
	s1 =	simm.s32 $0x10  }
.LBB2_1:
0x17: {  	s3 =	rddreg [dreg:$0xa]  }
0x18: {  	[spmem:s11], [sflag:s6] =	dma.local [hbm:s3], $0xA00  }
0x19: {  	_ =	swait.ge [sflag:s12], $0xA00  }
0x1a: {  	[sflag:s12] =	ssyncset.done $0x0  }
0x1b: {  	[sflag:s12] =	ssyncadd.s32 $0xFFFFF600  }
0x1c: {  	[bflag:$0x0] =	sbarrier.arrive $0xFFFF  }
0x1d: {  	s28 =	simm.s32 $0x0;
	s5 =	rddreg [dreg:$0xb]  }
0x1e: {  	[tilespmem:s28], [sflag:$0x11] =	stream.linear.gather [hbm4b:s5+s28], $0x2800, $0x38;
	[tilespmem:$0x11D00] =	vst v63  }
0x1f: {  	_ =	swait.ge [sflag:s12], $0x2800  }
0x20: {  	[sflag:s12] =	ssyncset.done $0x0  }
0x21: {  	s7 =	simm.s32 $0x2800;
	s29 =	rddreg [dreg:$0xc];
	[sflag:s12] =	ssyncadd.s32 $0xFFFFD800  }
0x22: {  	[tilespmem:s7], [sflag:$0x11] =	stream.linear.gather [hbm4b:s29+s28], $0x2800, $0x38;
	[tilespmem:$0x11D00] =	vst v63  }
0x23: {  	_ =	swait.ge [sflag:s12], $0x2800  }
0x24: {  	p0 =	por $0x0, $0x0;
	[sflag:s12] =	ssyncset.done $0x0  }
0x25: {  	s3 =	simm.s32 @p0 $0x9;
	[sflag:s12] =	ssyncadd.s32 $0xFFFFD800  }
0x26: {  	_ =	swait.ge @p0 [sflag:s3], $0xFA0  }
0x27: {  	s8 =	simm.s32 @p0 $0x7D;
	s5 =	simm.s32 @p0 $0x5000;
	[sflag:s3] =	ssyncset.done @p0 $0x0  }
0x28: {  	s7 =	simm.s32 @p0 $0xA;
	[sflag:s3] =	ssyncadd.s32 @p0 $0xFFFFF060;
	s3 =	simm.s32 @p0 $0x0  }
0x29: {  	[tilespmem:s5], [sflag:$0x1] =	stream.indirect.gather @p0 [hbm4b:s4+s8], $0x20, s3, s8, $0xb8;
	[tilespmem:$0x11D00] =	vst v63  }
0x2a: {  	_ =	swait.ge @p0 [sflag:s7], $0xFA0  }
0x2b: {  	s3 =	simm.s32 @p0 $0x80;
	[sflag:s7] =	ssyncset.done @p0 $0x0  }
0x2c: {  	s5 =	simm.s32 @p0 $0x5FA0;
	[sflag:s7] =	ssyncadd.s32 @p0 $0xFFFFF060;
	s7 =	simm.s32 @p0 $0xB  }
0x2d: {  	[tilespmem:s5], [sflag:$0x2] =	stream.indirect.gather @p0 [hbm4b:s4+s8], $0x20, s3, s8, $0xb8;
	[tilespmem:$0x11D00] =	vst v63  }
0x2e: {  	_ =	swait.ge @p0 [sflag:s7], $0xFA0  }
0x2f: {  	s3 =	simm.s32 @p0 $0x100;
	[sflag:s7] =	ssyncset.done @p0 $0x0  }
0x30: {  	s5 =	simm.s32 @p0 $0x6F40;
	[sflag:s7] =	ssyncadd.s32 @p0 $0xFFFFF060;
	s7 =	simm.s32 @p0 $0xC  }
0x31: {  	[tilespmem:s5], [sflag:$0x3] =	stream.indirect.gather @p0 [hbm4b:s4+s8], $0x20, s3, s8, $0xb8;
	[tilespmem:$0x11D00] =	vst v63  }
0x32: {  	_ =	swait.ge @p0 [sflag:s7], $0xFA0  }
0x33: {  	s3 =	simm.s32 @p0 $0x180;
	[sflag:s7] =	ssyncset.done @p0 $0x0  }
0x34: {  	s5 =	simm.s32 @p0 $0x7EE0;
	[sflag:s7] =	ssyncadd.s32 @p0 $0xFFFFF060;
	s7 =	simm.s32 @p0 $0xD  }
0x35: {  	[tilespmem:s5], [sflag:$0x4] =	stream.indirect.gather @p0 [hbm4b:s4+s8], $0x20, s3, s8, $0xb8;
	[tilespmem:$0x11D00] =	vst v63  }
0x36: {  	_ =	swait.ge @p0 [sflag:s7], $0xFA0  }
0x37: {  	s3 =	simm.s32 @p0 $0x200;
	[sflag:s7] =	ssyncset.done @p0 $0x0  }
0x38: {  	s5 =	simm.s32 @p0 $0x8E80;
	[sflag:s7] =	ssyncadd.s32 @p0 $0xFFFFF060;
	s7 =	simm.s32 @p0 $0xE  }
0x39: {  	[tilespmem:s5], [sflag:$0x5] =	stream.indirect.gather @p0 [hbm4b:s4+s8], $0x20, s3, s8, $0xb8;
	[tilespmem:$0x11D00] =	vst v63  }
0x3a: {  	_ =	swait.ge @p0 [sflag:s7], $0xFA0  }
0x3b: {  	s3 =	simm.s32 @p0 $0x280;
	[sflag:s7] =	ssyncset.done @p0 $0x0  }
0x3c: {  	s5 =	simm.s32 @p0 $0x9E20;
	[sflag:s7] =	ssyncadd.s32 @p0 $0xFFFFF060;
	s7 =	simm.s32 @p0 $0xF  }
0x3d: {  	[tilespmem:s5], [sflag:$0x6] =	stream.indirect.gather @p0 [hbm4b:s4+s8], $0x20, s3, s8, $0xb8;
	[tilespmem:$0x11D00] =	vst v63  }
0x3e: {  	_ =	swait.ge @p0 [sflag:s7], $0xFA0  }
0x3f: {  	s3 =	simm.s32 @p0 $0x300;
	[sflag:s7] =	ssyncset.done @p0 $0x0  }
0x40: {  	s5 =	simm.s32 @p0 $0xADC0;
	[sflag:s7] =	ssyncadd.s32 @p0 $0xFFFFF060;
	s7 =	simm.s32 @p0 $0x10  }
0x41: {  	[tilespmem:s5], [sflag:$0x7] =	stream.indirect.gather @p0 [hbm4b:s4+s8], $0x20, s3, s8, $0xb8;
	[tilespmem:$0x11D00] =	vst v63  }
0x42: {  	_ =	swait.ge @p0 [sflag:s7], $0xFA0  }
0x43: {  	s3 =	simm.s32 @!p0 $0x5000;
	[sflag:s7] =	ssyncset.done @p0 $0x0  }
0x44: {  	s5 =	simm.s32 @!p0 $0x0;
	[sflag:s7] =	ssyncadd.s32 @p0 $0xFFFFF060;
	s7 =	simm.s32 @!p0 $0x7D  }
0x45: {  	[tilespmem:s3], [sflag:$0x1] =	stream.indirect.gather @!p0 [hbm4b:s4+s7], $0x20, s5, s7, $0xb8;
	[tilespmem:$0x11D00] =	vst v63  }
0x46: {  	s3 =	simm.s32 @!p0 $0x80;
	s5 =	simm.s32 @!p0 $0x5FA0  }
0x47: {  	[tilespmem:s5], [sflag:$0x2] =	stream.indirect.gather @!p0 [hbm4b:s4+s7], $0x20, s3, s7, $0xb8;
	[tilespmem:$0x11D00] =	vst v63  }
0x48: {  	s3 =	simm.s32 @!p0 $0x100;
	s5 =	simm.s32 @!p0 $0x6F40  }
0x49: {  	[tilespmem:s5], [sflag:$0x3] =	stream.indirect.gather @!p0 [hbm4b:s4+s7], $0x20, s3, s7, $0xb8;
	[tilespmem:$0x11D00] =	vst v63  }
0x4a: {  	s3 =	simm.s32 @!p0 $0x180;
	s5 =	simm.s32 @!p0 $0x7EE0  }
0x4b: {  	[tilespmem:s5], [sflag:$0x4] =	stream.indirect.gather @!p0 [hbm4b:s4+s7], $0x20, s3, s7, $0xb8;
	[tilespmem:$0x11D00] =	vst v63  }
0x4c: {  	s3 =	simm.s32 @!p0 $0x200;
	s5 =	simm.s32 @!p0 $0x8E80  }
0x4d: {  	[tilespmem:s5], [sflag:$0x5] =	stream.indirect.gather @!p0 [hbm4b:s4+s7], $0x20, s3, s7, $0xb8;
	[tilespmem:$0x11D00] =	vst v63  }
0x4e: {  	s3 =	simm.s32 @!p0 $0x280;
	s5 =	simm.s32 @!p0 $0x9E20  }
0x4f: {  	[tilespmem:s5], [sflag:$0x6] =	stream.indirect.gather @!p0 [hbm4b:s4+s7], $0x20, s3, s7, $0xb8;
	[tilespmem:$0x11D00] =	vst v63  }
0x50: {  	s3 =	simm.s32 @!p0 $0x300;
	s5 =	simm.s32 @!p0 $0xADC0  }
0x51: {  	[tilespmem:s5], [sflag:$0x7] =	stream.indirect.gather @!p0 [hbm4b:s4+s7], $0x20, s3, s7, $0xb8;
	[tilespmem:$0x11D00] =	vst v63  }
0x52: {  	s8 =	simm.s32 $0x380  }
0x53: {  	[tilespmem:s15], [sflag:$0x8] =	stream.indirect.gather [hbm4b:s4+s14], $0x20, s8, s14, $0xb8;
	[tilespmem:$0x11D00] =	vst v63  }
0x54: {  	_ =	swait.ge [sflag:s16], $0xFA0  }
0x55: {  	[sflag:s16] =	ssyncset.done $0x0  }
0x56: {  	s10 =	simm.s32 $0x2800;
	s9 =	rddreg [dreg:$0x3];
	[sflag:s16] =	ssyncadd.s32 $0xFFFFF060  }
0x57: {  	[spmem:s2] =	stream.indirect.scatter.add.f32 [tilespmem:s9], [sflag:$0x9], $0x20, s10, s14, $0xb8;
	[tilespmem:$0x11D00] =	vst v63  }
0x58: {  	s3 =	simm.s32 @p0 $0x80;
	_ =	swait.ge [sflag:s17], $0xFA0  }
0x59: {  	s3 =	simm.s32 @!p0 $0x80;
	[sflag:s17] =	ssyncset.done $0x0  }
0x5a: {  	s3 =	sadd.s32 $0x2800, s3;
	s13 =	rddreg [dreg:$0x4];
	[sflag:s17] =	ssyncadd.s32 $0xFFFFF060  }
0x5b: {  	[spmem:s2] =	stream.indirect.scatter.add.f32 [tilespmem:s13], [sflag:$0xA], $0x20, s3, s14, $0xb8;
	[tilespmem:$0x11D00] =	vst v63  }
0x5c: {  	s3 =	simm.s32 @p0 $0x100;
	_ =	swait.ge [sflag:s18], $0xFA0  }
0x5d: {  	s3 =	simm.s32 @!p0 $0x100;
	[sflag:s18] =	ssyncset.done $0x0  }
0x5e: {  	s24 =	rddreg [dreg:$0x5];
	s3 =	sadd.s32 $0x2800, s3;
	[sflag:s18] =	ssyncadd.s32 $0xFFFFF060  }
0x5f: {  	[spmem:s2] =	stream.indirect.scatter.add.f32 [tilespmem:s24], [sflag:$0xB], $0x20, s3, s14, $0xb8;
	[tilespmem:$0x11D00] =	vst v63  }
0x60: {  	s3 =	simm.s32 @p0 $0x180;
	_ =	swait.ge [sflag:s19], $0xFA0  }
0x61: {  	s3 =	simm.s32 @!p0 $0x180;
	[sflag:s19] =	ssyncset.done $0x0  }
0x62: {  	s25 =	rddreg [dreg:$0x6];
	s3 =	sadd.s32 $0x2800, s3;
	[sflag:s19] =	ssyncadd.s32 $0xFFFFF060  }
0x63: {  	[spmem:s2] =	stream.indirect.scatter.add.f32 [tilespmem:s25], [sflag:$0xC], $0x20, s3, s14, $0xb8;
	[tilespmem:$0x11D00] =	vst v63  }
0x64: {  	s3 =	simm.s32 @p0 $0x200;
	_ =	swait.ge [sflag:s20], $0xFA0  }
0x65: {  	s3 =	simm.s32 @!p0 $0x200;
	[sflag:s20] =	ssyncset.done $0x0  }
0x66: {  	s26 =	rddreg [dreg:$0x7];
	s3 =	sadd.s32 $0x2800, s3;
	[sflag:s20] =	ssyncadd.s32 $0xFFFFF060  }
0x67: {  	[spmem:s2] =	stream.indirect.scatter.add.f32 [tilespmem:s26], [sflag:$0xD], $0x20, s3, s14, $0xb8;
	[tilespmem:$0x11D00] =	vst v63  }
0x68: {  	s3 =	simm.s32 @p0 $0x280;
	_ =	swait.ge [sflag:s21], $0xFA0  }
0x69: {  	s5 =	simm.s32 $0x300;
	s3 =	simm.s32 @!p0 $0x280;
	[sflag:s21] =	ssyncset.done $0x0  }
0x6a: {  	s28 =	rddreg [dreg:$0x8];
	s3 =	sadd.s32 $0x2800, s3;
	[sflag:s21] =	ssyncadd.s32 $0xFFFFF060  }
0x6b: {  	[spmem:s2] =	stream.indirect.scatter.add.f32 [tilespmem:s28], [sflag:$0xE], $0x20, s3, s14, $0xb8;
	[tilespmem:$0x11D00] =	vst v63  }
0x6c: {  	s5 =	simm.s32 @!p0 $0x300;
	_ =	swait.ge [sflag:s22], $0xFA0  }
0x6d: {  	s5 =	sadd.s32 $0x2800, s5;
	[sflag:s22] =	ssyncset.done $0x0  }
0x6e: {  	s8 =	simm.s32 $0x2B80;
	s29 =	rddreg [dreg:$0x9];
	[sflag:s22] =	ssyncadd.s32 $0xFFFFF060  }
0x6f: {  	[spmem:s2] =	stream.indirect.scatter.add.f32 [tilespmem:s29], [sflag:$0xF], $0x20, s5, s14, $0xb8;
	[tilespmem:$0x11D00] =	vst v63  }
0x70: {  	s13 =	simm.s32 $0x700;
	p0 =	por $0x1, $0x1;
	_ =	swait.ge [sflag:s23], $0xFA0  }
0x71: {  	s3 =	simm.s32 $0x1000;
	s5 =	simm.s32 $0x2000;
	[sflag:s23] =	ssyncset.done $0x0  }
.LBB2_2:
0x72: {  	s9 =	simm.s32 @p0 $0x9;
	[sflag:s23] =	ssyncadd.s32 $0xFFFFF060  }
0x73: {  	[spmem:s2] =	stream.indirect.scatter.add.f32 [tilespmem:s15], [sflag:$0x10], $0x20, s8, s14, $0xb8;
	[tilespmem:$0x11D00] =	vst v63  }
0x74: {  	_ =	swait.ge @p0 [sflag:s9], $0xFA0  }
0x75: {  	s10 =	simm.s32 @p0 $0x5000;
	s24 =	simm.s32 @p0 $0xA;
	[sflag:s9] =	ssyncset.done @p0 $0x0  }
0x76: {  	s8 =	simm.s32 @p0 $0x7D;
	[sflag:s9] =	ssyncadd.s32 @p0 $0xFFFFF060;
	s9 =	sshra.s32 @p0 s3, $0x2  }
0x77: {  	[tilespmem:s10], [sflag:$0x1] =	stream.indirect.gather @p0 [hbm4b:s4+s8], $0x20, s9, s8, $0xb8;
	[tilespmem:$0x11D00] =	vst v63  }
0x78: {  	_ =	swait.ge @p0 [sflag:s24], $0xFA0  }
0x79: {  	s29 =	simm.s32 @p0 $0xB;
	[sflag:s24] =	ssyncset.done @p0 $0x0  }
0x7a: {  	s10 =	sadd.s32 @p0 $0x80, s9;
	[sflag:s24] =	ssyncadd.s32 @p0 $0xFFFFF060;
	s24 =	simm.s32 @p0 $0x5FA0  }
0x7b: {  	[tilespmem:s24], [sflag:$0x2] =	stream.indirect.gather @p0 [hbm4b:s4+s8], $0x20, s10, s8, $0xb8;
	[tilespmem:$0x11D00] =	vst v63  }
0x7c: {  	_ =	swait.ge @p0 [sflag:s29], $0xFA0  }
0x7d: {  	s25 =	sadd.s32 @p0 $0x100, s9;
	[sflag:s29] =	ssyncset.done @p0 $0x0  }
0x7e: {  	s24 =	simm.s32 @p0 $0x6F40;
	[sflag:s29] =	ssyncadd.s32 @p0 $0xFFFFF060;
	s29 =	simm.s32 @p0 $0xC  }
0x7f: {  	[tilespmem:s24], [sflag:$0x3] =	stream.indirect.gather @p0 [hbm4b:s4+s8], $0x20, s25, s8, $0xb8;
	[tilespmem:$0x11D00] =	vst v63  }
0x80: {  	_ =	swait.ge @p0 [sflag:s29], $0xFA0  }
0x81: {  	s26 =	sadd.s32 @p0 $0x180, s9;
	[sflag:s29] =	ssyncset.done @p0 $0x0  }
0x82: {  	s24 =	simm.s32 @p0 $0x7EE0;
	s25 =	simm.s32 @p0 $0xD;
	[sflag:s29] =	ssyncadd.s32 @p0 $0xFFFFF060  }
0x83: {  	[tilespmem:s24], [sflag:$0x4] =	stream.indirect.gather @p0 [hbm4b:s4+s8], $0x20, s26, s8, $0xb8;
	[tilespmem:$0x11D00] =	vst v63  }
0x84: {  	_ =	swait.ge @p0 [sflag:s25], $0xFA0  }
0x85: {  	s28 =	sadd.s32 @p0 $0x200, s9;
	[sflag:s25] =	ssyncset.done @p0 $0x0  }
0x86: {  	s24 =	simm.s32 @p0 $0x8E80;
	[sflag:s25] =	ssyncadd.s32 @p0 $0xFFFFF060;
	s25 =	simm.s32 @p0 $0xE  }
0x87: {  	[tilespmem:s24], [sflag:$0x5] =	stream.indirect.gather @p0 [hbm4b:s4+s8], $0x20, s28, s8, $0xb8;
	[tilespmem:$0x11D00] =	vst v63  }
0x88: {  	_ =	swait.ge @p0 [sflag:s25], $0xFA0  }
0x89: {  	s10 =	sadd.s32 @p0 $0x280, s9;
	[sflag:s25] =	ssyncset.done @p0 $0x0  }
0x8a: {  	s24 =	simm.s32 @p0 $0x9E20;
	[sflag:s25] =	ssyncadd.s32 @p0 $0xFFFFF060;
	s25 =	simm.s32 @p0 $0xF  }
0x8b: {  	[tilespmem:s24], [sflag:$0x6] =	stream.indirect.gather @p0 [hbm4b:s4+s8], $0x20, s10, s8, $0xb8;
	[tilespmem:$0x11D00] =	vst v63  }
0x8c: {  	_ =	swait.ge @p0 [sflag:s25], $0xFA0  }
0x8d: {  	s9 =	sadd.s32 @p0 $0x300, s9;
	[sflag:s25] =	ssyncset.done @p0 $0x0  }
0x8e: {  	s10 =	simm.s32 @p0 $0xADC0;
	s24 =	simm.s32 @p0 $0x10;
	[sflag:s25] =	ssyncadd.s32 @p0 $0xFFFFF060  }
0x8f: {  	[tilespmem:s10], [sflag:$0x7] =	stream.indirect.gather @p0 [hbm4b:s4+s8], $0x20, s9, s8, $0xb8;
	[tilespmem:$0x11D00] =	vst v63  }
0x90: {  	_ =	swait.ge @p0 [sflag:s24], $0xFA0  }
0x91: {  	s8 =	simm.s32 @!p0 $0x5000;
	[sflag:s24] =	ssyncset.done @p0 $0x0  }
0x92: {  	s9 =	sshra.s32 @!p0 s3, $0x2;
	s10 =	simm.s32 @!p0 $0x7D;
	[sflag:s24] =	ssyncadd.s32 @p0 $0xFFFFF060  }
0x93: {  	[tilespmem:s8], [sflag:$0x1] =	stream.indirect.gather @!p0 [hbm4b:s4+s10], $0x20, s9, s10, $0xb8;
	[tilespmem:$0x11D00] =	vst v63  }
0x94: {  	s8 =	simm.s32 @!p0 $0x80;
	s9 =	simm.s32 @!p0 $0x5FA0  }
0x95: {  	[tilespmem:s9], [sflag:$0x2] =	stream.indirect.gather @!p0 [hbm4b:s4+s10], $0x20, s8, s10, $0xb8;
	[tilespmem:$0x11D00] =	vst v63  }
0x96: {  	s8 =	simm.s32 @!p0 $0x100;
	s9 =	simm.s32 @!p0 $0x6F40  }
0x97: {  	[tilespmem:s9], [sflag:$0x3] =	stream.indirect.gather @!p0 [hbm4b:s4+s10], $0x20, s8, s10, $0xb8;
	[tilespmem:$0x11D00] =	vst v63  }
0x98: {  	s8 =	simm.s32 @!p0 $0x180;
	s9 =	simm.s32 @!p0 $0x7EE0  }
0x99: {  	[tilespmem:s9], [sflag:$0x4] =	stream.indirect.gather @!p0 [hbm4b:s4+s10], $0x20, s8, s10, $0xb8;
	[tilespmem:$0x11D00] =	vst v63  }
0x9a: {  	s8 =	simm.s32 @!p0 $0x200;
	s9 =	simm.s32 @!p0 $0x8E80  }
0x9b: {  	[tilespmem:s9], [sflag:$0x5] =	stream.indirect.gather @!p0 [hbm4b:s4+s10], $0x20, s8, s10, $0xb8;
	[tilespmem:$0x11D00] =	vst v63  }
0x9c: {  	s8 =	simm.s32 @!p0 $0x280;
	s9 =	simm.s32 @!p0 $0x9E20  }
0x9d: {  	[tilespmem:s9], [sflag:$0x6] =	stream.indirect.gather @!p0 [hbm4b:s4+s10], $0x20, s8, s10, $0xb8;
	[tilespmem:$0x11D00] =	vst v63  }
0x9e: {  	s24 =	simm.s32 @!p0 $0xADC0;
	s9 =	simm.s32 @!p0 $0x300;
	s8 =	sshra.s32 s3, $0x2  }
0x9f: {  	[tilespmem:s24], [sflag:$0x7] =	stream.indirect.gather @!p0 [hbm4b:s4+s10], $0x20, s9, s10, $0xb8;
	[tilespmem:$0x11D00] =	vst v63  }
0xa0: {  	s26 =	sadd.s32 $0x380, s8  }
0xa1: {  	[tilespmem:s15], [sflag:$0x8] =	stream.indirect.gather [hbm4b:s4+s14], $0x20, s26, s14, $0xb8;
	[tilespmem:$0x11D00] =	vst v63  }
0xa2: {  	_ =	swait.ge [sflag:s16], $0xFA0  }
0xa3: {  	s7 =	smov.u32 s5;
	[sflag:s16] =	ssyncset.done $0x0  }
0xa4: {  	s29 =	sadd.s32 $0x2800, s8;
	s28 =	rddreg [dreg:$0x3];
	[sflag:s16] =	ssyncadd.s32 $0xFFFFF060  }
0xa5: {  	[spmem:s2] =	stream.indirect.scatter.add.f32 [tilespmem:s28], [sflag:$0x9], $0x20, s29, s14, $0xb8;
	[tilespmem:$0x11D00] =	vst v63  }
0xa6: {  	s3 =	smov.u32 s7;
	s7 =	sadd.s32 @p0 $0xFFFFFD80, s13;
	_ =	swait.ge [sflag:s17], $0xFA0  }
0xa7: {  	s7 =	simm.s32 @!p0 $0x80;
	[sflag:s17] =	ssyncset.done $0x0  }
0xa8: {  	s7 =	sadd.s32 $0x2800, s7;
	s10 =	rddreg [dreg:$0x4];
	[sflag:s17] =	ssyncadd.s32 $0xFFFFF060  }
0xa9: {  	[spmem:s2] =	stream.indirect.scatter.add.f32 [tilespmem:s10], [sflag:$0xA], $0x20, s7, s14, $0xb8;
	[tilespmem:$0x11D00] =	vst v63  }
0xaa: {  	s7 =	sadd.s32 @p0 $0xFFFFFE00, s13;
	_ =	swait.ge [sflag:s18], $0xFA0  }
0xab: {  	s7 =	simm.s32 @!p0 $0x100;
	[sflag:s18] =	ssyncset.done $0x0  }
0xac: {  	s24 =	rddreg [dreg:$0x5];
	s7 =	sadd.s32 $0x2800, s7;
	[sflag:s18] =	ssyncadd.s32 $0xFFFFF060  }
0xad: {  	[spmem:s2] =	stream.indirect.scatter.add.f32 [tilespmem:s24], [sflag:$0xB], $0x20, s7, s14, $0xb8;
	[tilespmem:$0x11D00] =	vst v63  }
0xae: {  	s7 =	sadd.s32 @p0 $0xFFFFFE80, s13;
	_ =	swait.ge [sflag:s19], $0xFA0  }
0xaf: {  	s7 =	simm.s32 @!p0 $0x180;
	[sflag:s19] =	ssyncset.done $0x0  }
0xb0: {  	s25 =	rddreg [dreg:$0x6];
	s7 =	sadd.s32 $0x2800, s7;
	[sflag:s19] =	ssyncadd.s32 $0xFFFFF060  }
0xb1: {  	[spmem:s2] =	stream.indirect.scatter.add.f32 [tilespmem:s25], [sflag:$0xC], $0x20, s7, s14, $0xb8;
	[tilespmem:$0x11D00] =	vst v63  }
0xb2: {  	s7 =	sadd.s32 @p0 $0xFFFFFF00, s13;
	_ =	swait.ge [sflag:s20], $0xFA0  }
0xb3: {  	s7 =	simm.s32 @!p0 $0x200;
	[sflag:s20] =	ssyncset.done $0x0  }
0xb4: {  	s26 =	rddreg [dreg:$0x7];
	s7 =	sadd.s32 $0x2800, s7;
	[sflag:s20] =	ssyncadd.s32 $0xFFFFF060  }
0xb5: {  	[spmem:s2] =	stream.indirect.scatter.add.f32 [tilespmem:s26], [sflag:$0xD], $0x20, s7, s14, $0xb8;
	[tilespmem:$0x11D00] =	vst v63  }
0xb6: {  	s7 =	sadd.s32 @p0 $0xFFFFFF80, s13;
	_ =	swait.ge [sflag:s21], $0xFA0  }
0xb7: {  	s5 =	sadd.s32 $0x1000, s5;
	s7 =	simm.s32 @!p0 $0x280;
	[sflag:s21] =	ssyncset.done $0x0  }
0xb8: {  	s28 =	rddreg [dreg:$0x8];
	s7 =	sadd.s32 $0x2800, s7;
	[sflag:s21] =	ssyncadd.s32 $0xFFFFF060  }
0xb9: {  	[spmem:s2] =	stream.indirect.scatter.add.f32 [tilespmem:s28], [sflag:$0xE], $0x20, s7, s14, $0xb8;
	[tilespmem:$0x11D00] =	vst v63  }
0xba: {  	p1 =	sne.s32 s5, $0xA000;
	s9 =	smov.u32 s13;
	_ =	swait.ge [sflag:s22], $0xFA0  }
.Ltmp0:
0xbb: {  	s9 =	simm.s32 @!p0 $0x300;
	[sflag:s22] =	ssyncset.done $0x0;
	(pc) =	sbr.rel @p1 .LBB2_2-.Ltmp0, $4  }
0xbc: {  	s9 =	sadd.s32 $0x2800, s9;
	s29 =	rddreg [dreg:$0x9];
	[sflag:s22] =	ssyncadd.s32 $0xFFFFF060  }
0xbd: {  	[spmem:s2] =	stream.indirect.scatter.add.f32 [tilespmem:s29], [sflag:$0xF], $0x20, s9, s14, $0xb8;
	[tilespmem:$0x11D00] =	vst v63  }
0xbe: {  	s8 =	sadd.s32 $0x2B80, s8;
	_ =	swait.ge [sflag:s23], $0xFA0  }
0xbf: {  	s13 =	sadd.s32 $0x400, s13;
	p0 =	sne.s32 s3, $0x0;
	[sflag:s23] =	ssyncset.done $0x0  }
0xc0: {  	s5 =	simm.s32 @p0 $0x9;
	[sflag:s23] =	ssyncadd.s32 $0xFFFFF060  }
0xc1: {  	[spmem:s2] =	stream.indirect.scatter.add.f32 [tilespmem:s15], [sflag:$0x10], $0x20, s8, s14, $0xb8;
	[tilespmem:$0x11D00] =	vst v63  }
0xc2: {  	_ =	swait.ge @p0 [sflag:s5], $0xFA0  }
0xc3: {  	s7 =	simm.s32 @p0 $0x5000;
	s9 =	simm.s32 @p0 $0x7D;
	[sflag:s5] =	ssyncset.done @p0 $0x0  }
0xc4: {  	s8 =	simm.s32 @p0 $0xA;
	[sflag:s5] =	ssyncadd.s32 @p0 $0xFFFFF060;
	s5 =	sshra.s32 @p0 s3, $0x2  }
0xc5: {  	[tilespmem:s7], [sflag:$0x1] =	stream.indirect.gather @p0 [hbm4b:s4+s9], $0x20, s5, s9, $0xb8;
	[tilespmem:$0x11D00] =	vst v63  }
0xc6: {  	_ =	swait.ge @p0 [sflag:s8], $0xFA0  }
0xc7: {  	[sflag:s8] =	ssyncset.done @p0 $0x0  }
0xc8: {  	s7 =	sadd.s32 @p0 $0x80, s5;
	[sflag:s8] =	ssyncadd.s32 @p0 $0xFFFFF060;
	s8 =	simm.s32 @p0 $0x5FA0  }
0xc9: {  	[tilespmem:s8], [sflag:$0x2] =	stream.indirect.gather @p0 [hbm4b:s4+s9], $0x20, s7, s9, $0xb8;
	[tilespmem:$0x11D00] =	vst v63  }
0xca: {  	s7 =	simm.s32 @p0 $0xB  }
0xcb: {  	_ =	swait.ge @p0 [sflag:s7], $0xFA0  }
0xcc: {  	[sflag:s7] =	ssyncset.done @p0 $0x0  }
0xcd: {  	s8 =	sadd.s32 @p0 $0x100, s5;
	[sflag:s7] =	ssyncadd.s32 @p0 $0xFFFFF060;
	s7 =	simm.s32 @p0 $0x6F40  }
0xce: {  	[tilespmem:s7], [sflag:$0x3] =	stream.indirect.gather @p0 [hbm4b:s4+s9], $0x20, s8, s9, $0xb8;
	[tilespmem:$0x11D00] =	vst v63  }
0xcf: {  	s7 =	simm.s32 @p0 $0xC  }
0xd0: {  	_ =	swait.ge @p0 [sflag:s7], $0xFA0  }
0xd1: {  	[sflag:s7] =	ssyncset.done @p0 $0x0  }
0xd2: {  	s8 =	sadd.s32 @p0 $0x180, s5;
	[sflag:s7] =	ssyncadd.s32 @p0 $0xFFFFF060;
	s7 =	simm.s32 @p0 $0x7EE0  }
0xd3: {  	[tilespmem:s7], [sflag:$0x4] =	stream.indirect.gather @p0 [hbm4b:s4+s9], $0x20, s8, s9, $0xb8;
	[tilespmem:$0x11D00] =	vst v63  }
0xd4: {  	s7 =	simm.s32 @p0 $0xD  }
0xd5: {  	_ =	swait.ge @p0 [sflag:s7], $0xFA0  }
0xd6: {  	[sflag:s7] =	ssyncset.done @p0 $0x0  }
0xd7: {  	s8 =	sadd.s32 @p0 $0x200, s5;
	[sflag:s7] =	ssyncadd.s32 @p0 $0xFFFFF060;
	s7 =	simm.s32 @p0 $0x8E80  }
0xd8: {  	[tilespmem:s7], [sflag:$0x5] =	stream.indirect.gather @p0 [hbm4b:s4+s9], $0x20, s8, s9, $0xb8;
	[tilespmem:$0x11D00] =	vst v63  }
0xd9: {  	s7 =	simm.s32 @p0 $0xE  }
0xda: {  	_ =	swait.ge @p0 [sflag:s7], $0xFA0  }
0xdb: {  	[sflag:s7] =	ssyncset.done @p0 $0x0  }
0xdc: {  	s8 =	sadd.s32 @p0 $0x280, s5;
	[sflag:s7] =	ssyncadd.s32 @p0 $0xFFFFF060;
	s7 =	simm.s32 @p0 $0x9E20  }
0xdd: {  	[tilespmem:s7], [sflag:$0x6] =	stream.indirect.gather @p0 [hbm4b:s4+s9], $0x20, s8, s9, $0xb8;
	[tilespmem:$0x11D00] =	vst v63  }
0xde: {  	s7 =	simm.s32 @p0 $0xF  }
0xdf: {  	_ =	swait.ge @p0 [sflag:s7], $0xFA0  }
0xe0: {  	[sflag:s7] =	ssyncset.done @p0 $0x0  }
0xe1: {  	s5 =	sadd.s32 @p0 $0x300, s5;
	[sflag:s7] =	ssyncadd.s32 @p0 $0xFFFFF060;
	s7 =	simm.s32 @p0 $0xADC0  }
0xe2: {  	[tilespmem:s7], [sflag:$0x7] =	stream.indirect.gather @p0 [hbm4b:s4+s9], $0x20, s5, s9, $0xb8;
	[tilespmem:$0x11D00] =	vst v63  }
0xe3: {  	s5 =	simm.s32 @p0 $0x10  }
0xe4: {  	_ =	swait.ge @p0 [sflag:s5], $0xFA0  }
0xe5: {  	s8 =	simm.s32 @!p0 $0x7D;
	[sflag:s5] =	ssyncset.done @p0 $0x0  }
0xe6: {  	s7 =	simm.s32 @!p0 $0x5000;
	[sflag:s5] =	ssyncadd.s32 @p0 $0xFFFFF060;
	s5 =	sshra.s32 @!p0 s3, $0x2  }
0xe7: {  	[tilespmem:s7], [sflag:$0x1] =	stream.indirect.gather @!p0 [hbm4b:s4+s8], $0x20, s5, s8, $0xb8;
	[tilespmem:$0x11D00] =	vst v63  }
0xe8: {  	s5 =	simm.s32 @!p0 $0x80;
	s7 =	simm.s32 @!p0 $0x5FA0  }
0xe9: {  	[tilespmem:s7], [sflag:$0x2] =	stream.indirect.gather @!p0 [hbm4b:s4+s8], $0x20, s5, s8, $0xb8;
	[tilespmem:$0x11D00] =	vst v63  }
0xea: {  	s5 =	simm.s32 @!p0 $0x100;
	s7 =	simm.s32 @!p0 $0x6F40  }
0xeb: {  	[tilespmem:s7], [sflag:$0x3] =	stream.indirect.gather @!p0 [hbm4b:s4+s8], $0x20, s5, s8, $0xb8;
	[tilespmem:$0x11D00] =	vst v63  }
0xec: {  	s5 =	simm.s32 @!p0 $0x180;
	s7 =	simm.s32 @!p0 $0x7EE0  }
0xed: {  	[tilespmem:s7], [sflag:$0x4] =	stream.indirect.gather @!p0 [hbm4b:s4+s8], $0x20, s5, s8, $0xb8;
	[tilespmem:$0x11D00] =	vst v63  }
0xee: {  	s5 =	simm.s32 @!p0 $0x200;
	s7 =	simm.s32 @!p0 $0x8E80  }
0xef: {  	[tilespmem:s7], [sflag:$0x5] =	stream.indirect.gather @!p0 [hbm4b:s4+s8], $0x20, s5, s8, $0xb8;
	[tilespmem:$0x11D00] =	vst v63  }
0xf0: {  	s5 =	simm.s32 @!p0 $0x280;
	s7 =	simm.s32 @!p0 $0x9E20  }
0xf1: {  	[tilespmem:s7], [sflag:$0x6] =	stream.indirect.gather @!p0 [hbm4b:s4+s8], $0x20, s5, s8, $0xb8;
	[tilespmem:$0x11D00] =	vst v63  }
0xf2: {  	s3 =	sshra.s32 s3, $0x2;
	s5 =	simm.s32 @!p0 $0x300;
	s7 =	simm.s32 @!p0 $0xADC0  }
0xf3: {  	[tilespmem:s7], [sflag:$0x7] =	stream.indirect.gather @!p0 [hbm4b:s4+s8], $0x20, s5, s8, $0xb8;
	[tilespmem:$0x11D00] =	vst v63  }
0xf4: {  	s8 =	sadd.s32 $0x380, s3  }
0xf5: {  	[tilespmem:s15], [sflag:$0x8] =	stream.indirect.gather [hbm4b:s4+s14], $0x20, s8, s14, $0xb8;
	[tilespmem:$0x11D00] =	vst v63  }
0xf6: {  	_ =	swait.ge [sflag:s16], $0xFA0  }
0xf7: {  	[sflag:s16] =	ssyncset.done $0x0  }
0xf8: {  	s10 =	sadd.s32 $0x2800, s3;
	s9 =	rddreg [dreg:$0x3];
	[sflag:s16] =	ssyncadd.s32 $0xFFFFF060  }
0xf9: {  	[spmem:s2] =	stream.indirect.scatter.add.f32 [tilespmem:s9], [sflag:$0x9], $0x20, s10, s14, $0xb8;
	[tilespmem:$0x11D00] =	vst v63  }
0xfa: {  	s5 =	sadd.s32 @p0 $0xFFFFFD80, s13;
	_ =	swait.ge [sflag:s17], $0xFA0  }
0xfb: {  	s5 =	simm.s32 @!p0 $0x80;
	[sflag:s17] =	ssyncset.done $0x0  }
0xfc: {  	s5 =	sadd.s32 $0x2800, s5;
	s24 =	rddreg [dreg:$0x4];
	[sflag:s17] =	ssyncadd.s32 $0xFFFFF060  }
0xfd: {  	[spmem:s2] =	stream.indirect.scatter.add.f32 [tilespmem:s24], [sflag:$0xA], $0x20, s5, s14, $0xb8;
	[tilespmem:$0x11D00] =	vst v63  }
0xfe: {  	s5 =	sadd.s32 @p0 $0xFFFFFE00, s13;
	_ =	swait.ge [sflag:s18], $0xFA0  }
0xff: {  	s5 =	simm.s32 @!p0 $0x100;
	[sflag:s18] =	ssyncset.done $0x0  }
0x100: {  	s25 =	rddreg [dreg:$0x5];
	s5 =	sadd.s32 $0x2800, s5;
	[sflag:s18] =	ssyncadd.s32 $0xFFFFF060  }
0x101: {  	[spmem:s2] =	stream.indirect.scatter.add.f32 [tilespmem:s25], [sflag:$0xB], $0x20, s5, s14, $0xb8;
	[tilespmem:$0x11D00] =	vst v63  }
0x102: {  	s5 =	sadd.s32 @p0 $0xFFFFFE80, s13;
	_ =	swait.ge [sflag:s19], $0xFA0  }
0x103: {  	s5 =	simm.s32 @!p0 $0x180;
	[sflag:s19] =	ssyncset.done $0x0  }
0x104: {  	s26 =	rddreg [dreg:$0x6];
	s5 =	sadd.s32 $0x2800, s5;
	[sflag:s19] =	ssyncadd.s32 $0xFFFFF060  }
0x105: {  	[spmem:s2] =	stream.indirect.scatter.add.f32 [tilespmem:s26], [sflag:$0xC], $0x20, s5, s14, $0xb8;
	[tilespmem:$0x11D00] =	vst v63  }
0x106: {  	s5 =	sadd.s32 @p0 $0xFFFFFF00, s13;
	_ =	swait.ge [sflag:s20], $0xFA0  }
0x107: {  	s5 =	simm.s32 @!p0 $0x200;
	[sflag:s20] =	ssyncset.done $0x0  }
0x108: {  	s28 =	rddreg [dreg:$0x7];
	s5 =	sadd.s32 $0x2800, s5;
	[sflag:s20] =	ssyncadd.s32 $0xFFFFF060  }
0x109: {  	[spmem:s2] =	stream.indirect.scatter.add.f32 [tilespmem:s28], [sflag:$0xD], $0x20, s5, s14, $0xb8;
	[tilespmem:$0x11D00] =	vst v63  }
0x10a: {  	s5 =	sadd.s32 @p0 $0xFFFFFF80, s13;
	_ =	swait.ge [sflag:s21], $0xFA0  }
0x10b: {  	s5 =	simm.s32 @!p0 $0x280;
	[sflag:s21] =	ssyncset.done $0x0  }
0x10c: {  	s29 =	rddreg [dreg:$0x8];
	s5 =	sadd.s32 $0x2800, s5;
	[sflag:s21] =	ssyncadd.s32 $0xFFFFF060  }
0x10d: {  	[spmem:s2] =	stream.indirect.scatter.add.f32 [tilespmem:s29], [sflag:$0xE], $0x20, s5, s14, $0xb8;
	[tilespmem:$0x11D00] =	vst v63  }
0x10e: {  	_ =	swait.ge [sflag:s22], $0xFA0  }
0x10f: {  	s13 =	simm.s32 @!p0 $0x300;
	[sflag:s22] =	ssyncset.done $0x0  }
0x110: {  	s9 =	sadd.s32 $0x2800, s13;
	s8 =	rddreg [dreg:$0x9];
	[sflag:s22] =	ssyncadd.s32 $0xFFFFF060  }
0x111: {  	[spmem:s2] =	stream.indirect.scatter.add.f32 [tilespmem:s8], [sflag:$0xF], $0x20, s9, s14, $0xb8;
	[tilespmem:$0x11D00] =	vst v63  }
0x112: {  	_ =	swait.ge [sflag:s23], $0xFA0  }
0x113: {  	[sflag:s23] =	ssyncset.done $0x0  }
0x114: {  	s3 =	sadd.s32 $0x2B80, s3;
	s10 =	simm.s32 $0x9;
	[sflag:s23] =	ssyncadd.s32 $0xFFFFF060  }
0x115: {  	[spmem:s2] =	stream.indirect.scatter.add.f32 [tilespmem:s15], [sflag:$0x10], $0x20, s3, s14, $0xb8;
	[tilespmem:$0x11D00] =	vst v63  }
0x116: {  	_ =	swait.ge [sflag:s10], $0xFA0  }
0x117: {  	[sflag:s10] =	ssyncset.done $0x0  }
0x118: {  	s13 =	simm.s32 $0xA;
	[sflag:s10] =	ssyncadd.s32 $0xFFFFF060  }
0x119: {  	_ =	swait.ge [sflag:s13], $0xFA0  }
0x11a: {  	[sflag:s13] =	ssyncset.done $0x0  }
0x11b: {  	s24 =	simm.s32 $0xB;
	[sflag:s13] =	ssyncadd.s32 $0xFFFFF060  }
0x11c: {  	_ =	swait.ge [sflag:s24], $0xFA0  }
0x11d: {  	[sflag:s24] =	ssyncset.done $0x0  }
0x11e: {  	s25 =	simm.s32 $0xC;
	[sflag:s24] =	ssyncadd.s32 $0xFFFFF060  }
0x11f: {  	_ =	swait.ge [sflag:s25], $0xFA0  }
0x120: {  	[sflag:s25] =	ssyncset.done $0x0  }
0x121: {  	s26 =	simm.s32 $0xD;
	[sflag:s25] =	ssyncadd.s32 $0xFFFFF060  }
0x122: {  	_ =	swait.ge [sflag:s26], $0xFA0  }
0x123: {  	[sflag:s26] =	ssyncset.done $0x0  }
0x124: {  	[sflag:s26] =	ssyncadd.s32 $0xFFFFF060  }
0x125: {  	_ =	swait.ge [sflag:s30], $0xFA0  }
0x126: {  	[sflag:s30] =	ssyncset.done $0x0  }
0x127: {  	[sflag:s30] =	ssyncadd.s32 $0xFFFFF060  }
0x128: {  	_ =	swait.ge [sflag:s31], $0xFA0  }
0x129: {  	[sflag:s31] =	ssyncset.done $0x0  }
0x12a: {  	[sflag:s31] =	ssyncadd.s32 $0xFFFFF060  }
0x12b: {  	_ =	swait.ge [sflag:s1], $0xFA0  }
0x12c: {  	[sflag:s1] =	ssyncset.done $0x0  }
0x12d: {  	[sflag:s1] =	ssyncadd.s32 $0xFFFFF060  }
0x12e: {  	[bflag:$0x0] =	sbarrier.arrive $0xFFFF  }
0x12f: {  	s28 =	rddreg [dreg:$0xd]  }
0x130: {  	[hbm:s28], [sflag:s6] =	dma.local [spmem:s11], $0xA00  }
0x131: {  	_ =	swait.ge [sflag:s12], $0xA00  }
0x132: {  	s0 =	sadd.s32 $0x1, s0;
	s29 =	rddreg [dreg:$0xe]  }
0x133: {  	p0 =	sne.s32 s0, s29  }
.Ltmp1:
0x134: {  	_ = 	snop;
	(pc) =	sbr.rel @p0 .LBB2_1-.Ltmp1, $3  }
0x135: {  	_ =	sdelay $0x1  }
0x136: {  	[sflag:s12] =	ssyncset.done $0x0  }
0x137: {  	[sflag:s12] =	ssyncadd.s32 $0xFFFFF600  }
0x138: {  	_ =	sfence.sel $0x180000  }
0x139: {  	[bflag:$0x0] =	sbarrier.arrive $0xFFFF  }
0x13a: {  	_ =	strace $0x9000004D  }
0x13b: {  	s0 =	stileid.u32;
	[bflag:$0x2] =	sbarrier.arrive $0xFFFF  }
0x13c: {  	p0 =	sne.s32 s0, $0x0;
	s0 =	rddreg [dreg:$0x2]  }
0x13d: {  	s0 =	sadd.s32 @!p0 $0x100000, s0  }
0x13e: {  	[sflag:s0] =	ssyncadd.tile.s32 @!p0 $0x1;
	_ =	shalt  }
.Lfunc_end2:
_tile_overlayer_lowered:
.L_overlay_start_2:
0x13f: {  	(tag) =	ssettag $0x2  }
0x140: {  	s0 =	rddreg [dreg:$0x0];
	s2 =	stileid.u32  }
0x141: {  	s1 =	rddreg [dreg:$0x1];
	p0 =	sne.s32 s2, $0x0  }
0x142: {  	s3 =	rddreg [dreg:$0x2];
	[bflag:$0x3] =	sbarrier.arrive $0xFFFF;
	s2 =	simm.s32 @!p0 $0x1C11  }
0x143: {  	[timem:s3], [sflag:s2] =	dma.local @!p0 [hbm:s0], s1  }
0x144: {  	s0 =	simm.s32 @!p0 $0x11  }
0x145: {  	_ =	swait.ge @!p0 [sflag:s0], s1  }
0x146: {  	s1 =	ssub.s32 @!p0 $0x0, s1;
	[sflag:s0] =	ssyncset.done @!p0 $0x0  }
0x147: {  	[sflag:s0] =	ssyncadd.s32 @!p0 s1  }
0x148: {  	[bflag:$0x3] =	sbarrier.arrive $0xFFFF  }
0x149: {  	_ =	shalt  }

// kernel: kernel.19.cloned.1.call-start
scs
__scs_entry_jumppad:
0x0: {  	(pc) =	sbr.rel $0x88, $3  }
0x1: {  	(tag) =	ssettag $0x0;
	lr =	simm.s32 $0x1  }
0x2: {  	[smem:$0x3F99] =	sst lr;
	_ =	strace $0xD0000000  }
0x3: {  	_ = 	snop  }
0x4: {  	_ = 	snop  }
0x5: {  	_ = 	snop  }
0x6: {  	_ = 	snop  }
0x7: {  	_ = 	snop  }
__scs_overlays_trampoline_lowered:
0x8: {  	[smem:$0x3FA8] =	sst s0  }
0x9: {  	[smem:$0x3FA9] =	sst s1  }
0xa: {  	[smem:$0x3FAA] =	sst s2  }
0xb: {  	[smem:$0x3FAB] =	sst s3  }
0xc: {  	[smem:$0x3FAC] =	sst s4  }
0xd: {  	[smem:$0x3FAD] =	sst s5  }
0xe: {  	[smem:$0x3FAE] =	sst s6  }
0xf: {  	[smem:$0x3FAF] =	sst s7  }
0x10: {  	[smem:$0x3FB0] =	sst s8  }
0x11: {  	[smem:$0x3FB1] =	sst s9;
	s0 =	simm.s32 @!p0 $0x0  }
0x12: {  	s1 =	sld [smem:$0x3F97];
	s0 =	simm.s32 @p0 $0x1  }
0x13: {  	[smem:$0x3FB2] =	sst s0;
	s0 =	simm.s32 @!p1 $0x0  }
0x14: {  	s2 =	sld [smem:$0x3F96];
	s0 =	simm.s32 @p1 $0x1  }
0x15: {  	[smem:$0x3FB3] =	sst s0;
	s0 =	simm.s32 @!p2 $0x0  }
0x16: {  	s3 =	sld [smem:$0x3FDB];
	s0 =	simm.s32 @p2 $0x1  }
0x17: {  	s4 =	simm.s32 $0x1BF5;
	[smem:$0x3FB5] =	sst s0  }
0x18: {  	s0 =	sld [smem:$0x3F98];
	_ =	swait.ge [sflag:s4], $0x0  }
0x19: {  	s7 =	sld [smem:$0x3F99]  }
0x1a: {  	s8 =	sadd.s32 $0xFFFFE003, lr  }
0x1b: {  	s9 =	sadd.s32 $0xFFFFFEF7, lr;
	s5 =	simm.s32 $0xFFFFFFFF;
	p2 =	slt.u32 s8, $0xFFFFF086  }
0x1c: {  	p1 =	slt.u32 s9, $0xF7A;
	s5 =	simm.s32 @!p2 $0x0  }
0x1d: {  	s5 =	simm.s32 @p1 $0x1;
	p0 =	seq.s32 s7, s2  }
0x1e: {  	s7 =	smul.u32 @!p0 $0xF7A, s2;
	p2 =	seq.s32 @!p0 s5, $0x0  }
0x1f: {  	s9 =	smul.u32 $0xF7A, s1;
	s8 =	simm.s32 @!p0 $0x1BF5;
	p2 =	por !p2, p0  }
0x20: {  	[sflag:s8] =	ssyncset.s32 @!p0 $0xFFFFF086;
	s6 =	sadd.s32 @!p0 s3, s7;
	s7 =	simm.s32 @!p0 $0x108  }
0x21: {  	s3 =	sadd.s32 s3, s9;
	s6 =	sadd.s32 @!p0 $0x88, s6;
	s7 =	simm.s32 @p2 $0x1082  }
0x22: {  	[simem:s7], [sflag:s8] =	dma.local @!p0 [hbm:s6], $0xF7A  }
0x23: {  	s9 =	sor.u32 $0xD0000000, s2;
	s6 =	simm.s32 $0x108;
	_ =	swait.ge @!p0 [sflag:s8], $0x0  }
0x24: {  	s3 =	sadd.s32 $0x88, s3;
	s6 =	simm.s32 @!p1 $0x1082;
	[sflag:s4] =	ssyncset.s32 $0xFFFFF086  }
0x25: {  	[simem:s6], [sflag:s4] =	dma.local [hbm:s3], $0xF7A  }
0x26: {  	[smem:$0x3F99] =	sst s1;
	(tag) =	ssettag s2;
	_ =	strace s9  }
0x27: {  	s1 =	sld [smem:$0x3FA9]  }
0x28: {  	s2 =	sld [smem:$0x3FAA]  }
0x29: {  	s4 =	sld [smem:$0x3FAC]  }
0x2a: {  	p0 =	seq.s32 s5, $0x0;
	s5 =	sld [smem:$0x3FAD]  }
0x2b: {  	s6 =	sld [smem:$0x3FAE]  }
0x2c: {  	s7 =	sld [smem:$0x3FAF]  }
0x2d: {  	s3 =	simm.s32 $0x108;
	s8 =	sld [smem:$0x3FB0]  }
0x2e: {  	s3 =	simm.s32 @!p0 $0x1082;
	s9 =	sld [smem:$0x3FB1]  }
0x2f: {  	lr =	sadd.s32 s0, s3;
	s0 =	sld [smem:$0x3FA8]  }
0x30: {  	s3 =	sld [smem:$0x3FAB]  }
0x31: {  	[smem:$0x3FB4] =	sst s10  }
0x32: {  	s10 =	sld [smem:$0x3FB2];
	_ =	sdelay $0x3  }
0x33: {  	p0 =	seq.s32 s10, $0x1;
	s10 =	sld [smem:$0x3FB4];
	_ =	sdelay $0x3  }
0x34: {  	[smem:$0x3FB4] =	sst s10  }
0x35: {  	s10 =	sld [smem:$0x3FB3];
	_ =	sdelay $0x3  }
0x36: {  	p1 =	seq.s32 s10, $0x1;
	s10 =	sld [smem:$0x3FB4];
	_ =	sdelay $0x3  }
0x37: {  	[smem:$0x3FB4] =	sst s10  }
0x38: {  	s10 =	sld [smem:$0x3FB5]  }
0x39: {  	_ = 	snop;
	(pc) =	sbr.ind lr, $3  }
0x3a: {  	_ = 	snop  }
0x3b: {  	_ = 	snop  }
0x3c: {  	p2 =	seq.s32 s10, $0x1;
	s10 =	sld [smem:$0x3FB4]  }
0x3d: {  	_ =	shalt  }
0x3e: {  	_ =	shalt  }
0x3f: {  	_ =	shalt  }
0x40: {  	_ =	shalt  }
0x41: {  	_ =	shalt  }
0x42: {  	_ =	shalt  }
0x43: {  	_ =	shalt  }
0x44: {  	_ =	shalt  }
0x45: {  	_ =	shalt  }
0x46: {  	_ =	shalt  }
0x47: {  	_ =	shalt  }
0x48: {  	_ =	shalt  }
0x49: {  	_ =	shalt  }
0x4a: {  	_ =	shalt  }
0x4b: {  	_ =	shalt  }
0x4c: {  	_ =	shalt  }
0x4d: {  	_ =	shalt  }
0x4e: {  	_ =	shalt  }
0x4f: {  	_ =	shalt  }
0x50: {  	_ =	shalt  }
0x51: {  	_ =	shalt  }
0x52: {  	_ =	shalt  }
0x53: {  	_ =	shalt  }
0x54: {  	_ =	shalt  }
0x55: {  	_ =	shalt  }
0x56: {  	_ =	shalt  }
0x57: {  	_ =	shalt  }
0x58: {  	_ =	shalt  }
0x59: {  	_ =	shalt  }
0x5a: {  	_ =	shalt  }
0x5b: {  	_ =	shalt  }
0x5c: {  	_ =	shalt  }
0x5d: {  	_ =	shalt  }
0x5e: {  	_ =	shalt  }
0x5f: {  	_ =	shalt  }
0x60: {  	_ =	shalt  }
0x61: {  	_ =	shalt  }
0x62: {  	_ =	shalt  }
0x63: {  	_ =	shalt  }
0x64: {  	_ =	shalt  }
0x65: {  	_ =	shalt  }
0x66: {  	_ =	shalt  }
0x67: {  	_ =	shalt  }
0x68: {  	_ =	shalt  }
0x69: {  	_ =	shalt  }
0x6a: {  	_ =	shalt  }
0x6b: {  	_ =	shalt  }
0x6c: {  	_ =	shalt  }
0x6d: {  	_ =	shalt  }
0x6e: {  	_ =	shalt  }
0x6f: {  	_ =	shalt  }
0x70: {  	_ =	shalt  }
0x71: {  	_ =	shalt  }
0x72: {  	_ =	shalt  }
0x73: {  	_ =	shalt  }
0x74: {  	_ =	shalt  }
0x75: {  	_ =	shalt  }
0x76: {  	_ =	shalt  }
0x77: {  	_ =	shalt  }
0x78: {  	_ =	shalt  }
0x79: {  	_ =	shalt  }
0x7a: {  	_ =	shalt  }
0x7b: {  	_ =	shalt  }
0x7c: {  	_ =	shalt  }
0x7d: {  	_ =	shalt  }
0x7e: {  	_ =	shalt  }
0x7f: {  	_ =	shalt  }
0x80: {  	_ =	shalt  }
0x81: {  	_ =	shalt  }
0x82: {  	_ =	shalt  }
0x83: {  	_ =	shalt  }
0x84: {  	_ =	shalt  }
0x85: {  	_ =	shalt  }
0x86: {  	_ =	shalt  }
0x87: {  	_ =	shalt  }
.Lfunc_end0:
.L_simem_size_0:
called_computation.3_lowered:
.L_overlay_start_0:
0x88: {  	s2 =	sld [smem:$0x3FD9]  }
0x89: {  	s3 =	sld [smem:$0x3FFE];
	_ =	sdelay $0x1  }
0x8a: {  	s1 =	srdreg.scid  }
0x8b: {  	s0 =	sand.u32 $0x1, s1  }
0x8c: {  	s17 =	sshll.u32 s0, $0xA;
	s2 =	sadd.s32 s3, s2  }
0x8d: {  	s2 =	sadd.s32 s2, s17  }
0x8e: {  	[smem:$0x3FC0] =	sst s2  }
0x8f: {  	_ = 	snop  }
0x90: {  	s2 =	sld [smem:$0x3FD0];
	(tm) =	ssettm $0x1  }
0x91: {  	s18 =	sld [smem:$0x3FFB];
	_ =	sdelay $0x3  }
0x92: {  	_ =	strace s18  }
0x93: {  	s3 =	sld [smem:$0x3FFC];
	_ =	sdelay $0x3  }
0x94: {  	_ =	strace s3  }
0x95: {  	s3 =	sld [smem:$0x3FFD];
	_ =	sdelay $0x3  }
0x96: {  	_ =	strace s3  }
0x97: {  	_ =	strace $0x8FFFFFFF  }
0x98: {  	s19 =	sld [smem:$0x3FDB];
	_ =	sdelay $0x1  }
0x99: {  	s4 =	simm.s32 $_scs_section_size  }
0x9a: {  	s5 =	simm.s32 $_size__tile_overlayer_lowered;
	s6 =	simm.s32 $_tile_overlayer_lowered  }
0x9b: {  	s22 =	simm.s32 $0x1BFF;
	s21 =	sshll.u32 s6, $0x1;
	s3 =	sadd.s32 s4, s19  }
0x9c: {  	s7 =	simm.s32 $0x0;
	s20 =	sshll.u32 s5, $0x1;
	s5 =	sadd.s32 s21, s3  }
0x9d: {  	[timem:s7], [sflag:s22] =	dma.local [hbm:s5], s20  }
0x9e: {  	_ =	swait.ge [sflag:s22], s20  }
0x9f: {  	s4 =	ssub.s32 $0x0, s20;
	[sflag:s22] =	ssyncset.done $0x0  }
0xa0: {  	[sflag:s22] =	ssyncadd.s32 s4;
	_ =	sdelay $0x1  }
0xa1: {  	s23 =	simm.s32 $0x1B8B  }
0xa2: {  	_ =	swait.ge [sflag:s23], $0x1  }
0xa3: {  	[sflag:s23] =	ssyncset.done $0x0  }
0xa4: {  	s25 =	simm.s32 $0x1B8E;
	s24 =	sld [smem:$0x3FFE];
	[sflag:s23] =	ssyncadd.s32 $0xFFFFFFFF  }
0xa5: {  	s26 =	simm.s32 $execute0_lowered;
	[smem:$0x3FD2] =	sst s25  }
0xa6: {  	s5 =	sshll.u32 s26, $0x1;
	_ =	strace $0x8000004F;
	[dreg:$0x1] =	wrdreg $0xFFFFFFFF  }
0xa7: {  	s28 =	simm.s32 $_size_execute0_lowered;
	s3 =	sadd.s32 s3, s5;
	[dreg:$0x0] =	wrdreg $0x0  }
0xa8: {  	s5 =	sshll.u32 s28, $0x1;
	[dreg:$0x2] =	wrdreg s3  }
0xa9: {  	[dreg:$0x3] =	wrdreg s5  }
0xaa: {  	[dreg:$0x4] =	wrdreg $0xC0  }
0xab: {  	_ =	task [dreg:s7], $0x5FFFF  }
0xac: {  	[dreg:$0x1] =	wrdreg $0xFFFFFFFF  }
0xad: {  	[dreg:$0x0] =	wrdreg $0x60  }
0xae: {  	[dreg:$0x2] =	wrdreg s24  }
0xaf: {  	[dreg:$0x3] =	wrdreg s2  }
0xb0: {  	[dreg:$0x4] =	wrdreg $0x8E800  }
0xb1: {  	[dreg:$0x5] =	wrdreg $0x9  }
0xb2: {  	_ =	task.clear_ibuf [dreg:s7], $0x6FFFF;
	_ =	strace $0x9000004F  }
0xb3: {  	s29 =	simm.s32 $0x9;
	_ =	strace $0x80000051  }
0xb4: {  	_ =	swait.ge [sflag:s29], $0x1  }
0xb5: {  	[sflag:s29] =	ssyncadd.s32 $0xFFFFFFFF  }
0xb6: {  	_ =	strace $0x90000051  }
0xb7: {  	_ =	sfence  }
0xb8: {  	s30 =	sld [smem:$0x0];
	_ =	sdelay $0x2  }
0xb9: {  	s31 =	sshll.u32 s1, $0xD;
	s1 =	sshrl.u32 s1, $0x2  }
0xba: {  	s3 =	sand.u32 $0x4000, s31;
	s1 =	sadd.s32 s1, s30  }
0xbb: {  	s0 =	sor.u32 s3, s0;
	s1 =	sshll.u32 s1, $0x11  }
0xbc: {  	s0 =	sor.u32 s1, s0  }
0xbd: {  	s0 =	sadd.s32 $0x8F2B, s0  }
0xbe: {  	[sflag:s0] =	ssyncadd.remote.s32 $0x1  }
0xbf: {  	_ =	sfence.sel $0xFFFF  }
0xc0: {  	[dreg:$0x0] =	wrdreg $0xFFFFFFFF;
	(pc) =	sbr.abs _section_cstart, $3  }
0xc1: {  	[dreg:$0x1] =	wrdreg $0xFFFFFFFF  }
0xc2: {  	_ =	task.clear_ibuf [dreg:s7], $0x2FFFF;
	_ =	strace $0x9FFFFFFF  }
0xc3: {  	(tm) =	ssettm $0x7FFFFFFF  }
tec
execute0_lowered:
.L_overlay_start_1:
0x0: {  	(tag) =	ssettag $0x1  }
0x1: {  	s0 =	srdreg.scid  }
0x2: {  	s1 =	rddreg [dreg:$0x0];
	s8 =	stileid.u32  }
0x3: {  	s3 =	rddreg [dreg:$0x2];
	s5 =	simm.s32 $0x0;
	s12 =	simm.s32 $0x11  }
0x4: {  	s14 =	simm.s32 $0x7D;
	s15 =	simm.s32 $0x86B0;
	s22 =	simm.s32 $0x5000  }
0x5: {  	s16 =	simm.s32 $0x1;
	s23 =	simm.s32 $0x57D0;
	s17 =	simm.s32 $0x2  }
0x6: {  	s24 =	simm.s32 $0x5FA0;
	s18 =	simm.s32 $0x3;
	s25 =	simm.s32 $0x6770  }
0x7: {  	s26 =	simm.s32 $0x6F40;
	s28 =	simm.s32 $0x7710;
	[smem:$0x7FF] =	sst s5  }
0x8: {  	s29 =	simm.s32 $0x7EE0;
	_ =	strace $0x80000050;
	[dreg:$0x4] =	wrdreg s22  }
0x9: {  	s30 =	simm.s32 $0xE;
	s31 =	simm.s32 $0xF;
	[dreg:$0x5] =	wrdreg s23  }
0xa: {  	s0 =	sand.u32 $0x1, s0;
	s4 =	smul.u32 $0x2800, s8;
	[dreg:$0x6] =	wrdreg s24  }
0xb: {  	s5 =	sadd.s32 $0x16600, s1;
	s20 =	sshll.u32 s8, $0x6;
	[dreg:$0x7] =	wrdreg s25  }
0xc: {  	s2 =	sshll.u32 s0, $0x4;
	s19 =	smul.u32 $0x28000, s0;
	[dreg:$0x8] =	wrdreg s26  }
0xd: {  	s0 =	ssub.s32 $0x2, s0;
	[dreg:$0x9] =	wrdreg s28;
	s22 =	simm.s32 $0x7  }
0xe: {  	[dreg:$0xa] =	wrdreg s29;
	s23 =	simm.s32 $0x8;
	s2 =	sor.u32 s8, s2  }
0xf: {  	s7 =	sshrl.u32 s0, $0x1;
	s2 =	smul.u32 $0x2800, s2;
	s6 =	sadd.s32 s4, s19  }
0x10: {  	s0 =	ssub.s32 s0, s7;
	s4 =	sadd.s32 s4, s3;
	s19 =	simm.s32 $0x4  }
0x11: {  	s6 =	sshrl.u32 s6, $0x3;
	s0 =	smax.u32 s0, $0x1;
	s2 =	sshrl.u32 s2, $0x3  }
0x12: {  	s11 =	sshrl.u32 s4, $0x3;
	[dreg:$0xe] =	wrdreg s0;
	s2 =	sadd.s32 s2, s1  }
0x13: {  	s0 =	simm.s32 $0x0;
	s1 =	sadd.s32 s6, s1;
	s21 =	sadd.s32 $0x2600, s2  }
0x14: {  	s6 =	sor.u32 $0x1C11, s20;
	s2 =	sadd.s32 $0xC600, s2;
	[dreg:$0xb] =	wrdreg s21  }
0x15: {  	s20 =	simm.s32 $0x5;
	s1 =	sadd.s32 $0x1B600, s1;
	[dreg:$0xc] =	wrdreg s2  }
0x16: {  	[dreg:$0xd] =	wrdreg s1;
	s21 =	simm.s32 $0x6;
	s1 =	simm.s32 $0x10  }
.LBB2_1:
0x17: {  	s2 =	rddreg [dreg:$0x1]  }
0x18: {  	[spmem:s11], [sflag:s6] =	dma.local [hbm:s2], $0x500  }
0x19: {  	_ =	swait.ge [sflag:s12], $0x500  }
0x1a: {  	[sflag:s12] =	ssyncset.done $0x0  }
0x1b: {  	[sflag:s12] =	ssyncadd.s32 $0xFFFFFB00  }
0x1c: {  	[bflag:$0x0] =	sbarrier.arrive $0xFFFF  }
0x1d: {  	s28 =	simm.s32 $0x0;
	s4 =	rddreg [dreg:$0xb]  }
0x1e: {  	[tilespmem:s28], [sflag:$0x11] =	stream.linear.gather [hbm4b:s4+s28], $0x2800, $0x38;
	[tilespmem:$0xB680] =	vst v63  }
0x1f: {  	_ =	swait.ge [sflag:s12], $0x2800  }
0x20: {  	[sflag:s12] =	ssyncset.done $0x0  }
0x21: {  	s7 =	simm.s32 $0x2800;
	s29 =	rddreg [dreg:$0xc];
	[sflag:s12] =	ssyncadd.s32 $0xFFFFD800  }
0x22: {  	[tilespmem:s7], [sflag:$0x11] =	stream.linear.gather [hbm4b:s29+s28], $0x2800, $0x38;
	[tilespmem:$0xB680] =	vst v63  }
0x23: {  	_ =	swait.ge [sflag:s12], $0x2800  }
0x24: {  	p0 =	por $0x0, $0x0;
	[sflag:s12] =	ssyncset.done $0x0  }
0x25: {  	s2 =	simm.s32 @p0 $0x9;
	[sflag:s12] =	ssyncadd.s32 $0xFFFFD800  }
0x26: {  	_ =	swait.ge @p0 [sflag:s2], $0x7D0  }
0x27: {  	s8 =	simm.s32 @p0 $0x7D;
	s4 =	simm.s32 @p0 $0x5000;
	[sflag:s2] =	ssyncset.done @p0 $0x0  }
0x28: {  	s7 =	simm.s32 @p0 $0xA;
	[sflag:s2] =	ssyncadd.s32 @p0 $0xFFFFF830;
	s2 =	simm.s32 @p0 $0x0  }
0x29: {  	[tilespmem:s4], [sflag:$0x1] =	stream.indirect.gather @p0 [hbm4b:s5+s8], $0x10, s2, s8, $0xb8;
	[tilespmem:$0xB680] =	vst v63  }
0x2a: {  	_ =	swait.ge @p0 [sflag:s7], $0x7D0  }
0x2b: {  	s2 =	simm.s32 @p0 $0x80;
	[sflag:s7] =	ssyncset.done @p0 $0x0  }
0x2c: {  	s4 =	simm.s32 @p0 $0x57D0;
	[sflag:s7] =	ssyncadd.s32 @p0 $0xFFFFF830;
	s7 =	simm.s32 @p0 $0xB  }
0x2d: {  	[tilespmem:s4], [sflag:$0x2] =	stream.indirect.gather @p0 [hbm4b:s5+s8], $0x10, s2, s8, $0xb8;
	[tilespmem:$0xB680] =	vst v63  }
0x2e: {  	_ =	swait.ge @p0 [sflag:s7], $0x7D0  }
0x2f: {  	s2 =	simm.s32 @p0 $0x100;
	[sflag:s7] =	ssyncset.done @p0 $0x0  }
0x30: {  	s4 =	simm.s32 @p0 $0x5FA0;
	[sflag:s7] =	ssyncadd.s32 @p0 $0xFFFFF830;
	s7 =	simm.s32 @p0 $0xC  }
0x31: {  	[tilespmem:s4], [sflag:$0x3] =	stream.indirect.gather @p0 [hbm4b:s5+s8], $0x10, s2, s8, $0xb8;
	[tilespmem:$0xB680] =	vst v63  }
0x32: {  	_ =	swait.ge @p0 [sflag:s7], $0x7D0  }
0x33: {  	s2 =	simm.s32 @p0 $0x180;
	[sflag:s7] =	ssyncset.done @p0 $0x0  }
0x34: {  	s4 =	simm.s32 @p0 $0x6770;
	[sflag:s7] =	ssyncadd.s32 @p0 $0xFFFFF830;
	s7 =	simm.s32 @p0 $0xD  }
0x35: {  	[tilespmem:s4], [sflag:$0x4] =	stream.indirect.gather @p0 [hbm4b:s5+s8], $0x10, s2, s8, $0xb8;
	[tilespmem:$0xB680] =	vst v63  }
0x36: {  	_ =	swait.ge @p0 [sflag:s7], $0x7D0  }
0x37: {  	s2 =	simm.s32 @p0 $0x200;
	[sflag:s7] =	ssyncset.done @p0 $0x0  }
0x38: {  	s4 =	simm.s32 @p0 $0x6F40;
	[sflag:s7] =	ssyncadd.s32 @p0 $0xFFFFF830;
	s7 =	simm.s32 @p0 $0xE  }
0x39: {  	[tilespmem:s4], [sflag:$0x5] =	stream.indirect.gather @p0 [hbm4b:s5+s8], $0x10, s2, s8, $0xb8;
	[tilespmem:$0xB680] =	vst v63  }
0x3a: {  	_ =	swait.ge @p0 [sflag:s7], $0x7D0  }
0x3b: {  	s2 =	simm.s32 @p0 $0x280;
	[sflag:s7] =	ssyncset.done @p0 $0x0  }
0x3c: {  	s4 =	simm.s32 @p0 $0x7710;
	[sflag:s7] =	ssyncadd.s32 @p0 $0xFFFFF830;
	s7 =	simm.s32 @p0 $0xF  }
0x3d: {  	[tilespmem:s4], [sflag:$0x6] =	stream.indirect.gather @p0 [hbm4b:s5+s8], $0x10, s2, s8, $0xb8;
	[tilespmem:$0xB680] =	vst v63  }
0x3e: {  	_ =	swait.ge @p0 [sflag:s7], $0x7D0  }
0x3f: {  	s2 =	simm.s32 @p0 $0x300;
	[sflag:s7] =	ssyncset.done @p0 $0x0  }
0x40: {  	s4 =	simm.s32 @p0 $0x7EE0;
	[sflag:s7] =	ssyncadd.s32 @p0 $0xFFFFF830;
	s7 =	simm.s32 @p0 $0x10  }
0x41: {  	[tilespmem:s4], [sflag:$0x7] =	stream.indirect.gather @p0 [hbm4b:s5+s8], $0x10, s2, s8, $0xb8;
	[tilespmem:$0xB680] =	vst v63  }
0x42: {  	_ =	swait.ge @p0 [sflag:s7], $0x7D0  }
0x43: {  	s2 =	simm.s32 @!p0 $0x5000;
	[sflag:s7] =	ssyncset.done @p0 $0x0  }
0x44: {  	s4 =	simm.s32 @!p0 $0x0;
	[sflag:s7] =	ssyncadd.s32 @p0 $0xFFFFF830;
	s7 =	simm.s32 @!p0 $0x7D  }
0x45: {  	[tilespmem:s2], [sflag:$0x1] =	stream.indirect.gather @!p0 [hbm4b:s5+s7], $0x10, s4, s7, $0xb8;
	[tilespmem:$0xB680] =	vst v63  }
0x46: {  	s2 =	simm.s32 @!p0 $0x80;
	s4 =	simm.s32 @!p0 $0x57D0  }
0x47: {  	[tilespmem:s4], [sflag:$0x2] =	stream.indirect.gather @!p0 [hbm4b:s5+s7], $0x10, s2, s7, $0xb8;
	[tilespmem:$0xB680] =	vst v63  }
0x48: {  	s2 =	simm.s32 @!p0 $0x100;
	s4 =	simm.s32 @!p0 $0x5FA0  }
0x49: {  	[tilespmem:s4], [sflag:$0x3] =	stream.indirect.gather @!p0 [hbm4b:s5+s7], $0x10, s2, s7, $0xb8;
	[tilespmem:$0xB680] =	vst v63  }
0x4a: {  	s2 =	simm.s32 @!p0 $0x180;
	s4 =	simm.s32 @!p0 $0x6770  }
0x4b: {  	[tilespmem:s4], [sflag:$0x4] =	stream.indirect.gather @!p0 [hbm4b:s5+s7], $0x10, s2, s7, $0xb8;
	[tilespmem:$0xB680] =	vst v63  }
0x4c: {  	s2 =	simm.s32 @!p0 $0x200;
	s4 =	simm.s32 @!p0 $0x6F40  }
0x4d: {  	[tilespmem:s4], [sflag:$0x5] =	stream.indirect.gather @!p0 [hbm4b:s5+s7], $0x10, s2, s7, $0xb8;
	[tilespmem:$0xB680] =	vst v63  }
0x4e: {  	s2 =	simm.s32 @!p0 $0x280;
	s4 =	simm.s32 @!p0 $0x7710  }
0x4f: {  	[tilespmem:s4], [sflag:$0x6] =	stream.indirect.gather @!p0 [hbm4b:s5+s7], $0x10, s2, s7, $0xb8;
	[tilespmem:$0xB680] =	vst v63  }
0x50: {  	s2 =	simm.s32 @!p0 $0x300;
	s4 =	simm.s32 @!p0 $0x7EE0  }
0x51: {  	[tilespmem:s4], [sflag:$0x7] =	stream.indirect.gather @!p0 [hbm4b:s5+s7], $0x10, s2, s7, $0xb8;
	[tilespmem:$0xB680] =	vst v63  }
0x52: {  	s8 =	simm.s32 $0x380  }
0x53: {  	[tilespmem:s15], [sflag:$0x8] =	stream.indirect.gather [hbm4b:s5+s14], $0x10, s8, s14, $0xb8;
	[tilespmem:$0xB680] =	vst v63  }
0x54: {  	_ =	swait.ge [sflag:s16], $0x7D0  }
0x55: {  	[sflag:s16] =	ssyncset.done $0x0  }
0x56: {  	s10 =	simm.s32 $0x2800;
	s9 =	rddreg [dreg:$0x4];
	[sflag:s16] =	ssyncadd.s32 $0xFFFFF830  }
0x57: {  	[spmem:s3] =	stream.indirect.scatter.add.f32 [tilespmem:s9], [sflag:$0x9], $0x10, s10, s14, $0xb8;
	[tilespmem:$0xB680] =	vst v63  }
0x58: {  	s2 =	simm.s32 @p0 $0x80;
	_ =	swait.ge [sflag:s17], $0x7D0  }
0x59: {  	s2 =	simm.s32 @!p0 $0x80;
	[sflag:s17] =	ssyncset.done $0x0  }
0x5a: {  	s2 =	sadd.s32 $0x2800, s2;
	s13 =	rddreg [dreg:$0x5];
	[sflag:s17] =	ssyncadd.s32 $0xFFFFF830  }
0x5b: {  	[spmem:s3] =	stream.indirect.scatter.add.f32 [tilespmem:s13], [sflag:$0xA], $0x10, s2, s14, $0xb8;
	[tilespmem:$0xB680] =	vst v63  }
0x5c: {  	s2 =	simm.s32 @p0 $0x100;
	_ =	swait.ge [sflag:s18], $0x7D0  }
0x5d: {  	s2 =	simm.s32 @!p0 $0x100;
	[sflag:s18] =	ssyncset.done $0x0  }
0x5e: {  	s24 =	rddreg [dreg:$0x6];
	s2 =	sadd.s32 $0x2800, s2;
	[sflag:s18] =	ssyncadd.s32 $0xFFFFF830  }
0x5f: {  	[spmem:s3] =	stream.indirect.scatter.add.f32 [tilespmem:s24], [sflag:$0xB], $0x10, s2, s14, $0xb8;
	[tilespmem:$0xB680] =	vst v63  }
0x60: {  	s2 =	simm.s32 @p0 $0x180;
	_ =	swait.ge [sflag:s19], $0x7D0  }
0x61: {  	s2 =	simm.s32 @!p0 $0x180;
	[sflag:s19] =	ssyncset.done $0x0  }
0x62: {  	s25 =	rddreg [dreg:$0x7];
	s2 =	sadd.s32 $0x2800, s2;
	[sflag:s19] =	ssyncadd.s32 $0xFFFFF830  }
0x63: {  	[spmem:s3] =	stream.indirect.scatter.add.f32 [tilespmem:s25], [sflag:$0xC], $0x10, s2, s14, $0xb8;
	[tilespmem:$0xB680] =	vst v63  }
0x64: {  	s2 =	simm.s32 @p0 $0x200;
	_ =	swait.ge [sflag:s20], $0x7D0  }
0x65: {  	s2 =	simm.s32 @!p0 $0x200;
	[sflag:s20] =	ssyncset.done $0x0  }
0x66: {  	s26 =	rddreg [dreg:$0x8];
	s2 =	sadd.s32 $0x2800, s2;
	[sflag:s20] =	ssyncadd.s32 $0xFFFFF830  }
0x67: {  	[spmem:s3] =	stream.indirect.scatter.add.f32 [tilespmem:s26], [sflag:$0xD], $0x10, s2, s14, $0xb8;
	[tilespmem:$0xB680] =	vst v63  }
0x68: {  	s2 =	simm.s32 @p0 $0x280;
	_ =	swait.ge [sflag:s21], $0x7D0  }
0x69: {  	s2 =	simm.s32 @!p0 $0x280;
	[sflag:s21] =	ssyncset.done $0x0  }
0x6a: {  	s28 =	rddreg [dreg:$0x9];
	s2 =	sadd.s32 $0x2800, s2;
	[sflag:s21] =	ssyncadd.s32 $0xFFFFF830  }
0x6b: {  	[spmem:s3] =	stream.indirect.scatter.add.f32 [tilespmem:s28], [sflag:$0xE], $0x10, s2, s14, $0xb8;
	[tilespmem:$0xB680] =	vst v63  }
0x6c: {  	s2 =	simm.s32 $0x300;
	_ =	swait.ge [sflag:s22], $0x7D0  }
0x6d: {  	s4 =	simm.s32 $0x2000;
	s2 =	simm.s32 @!p0 $0x300;
	[sflag:s22] =	ssyncset.done $0x0  }
0x6e: {  	s29 =	rddreg [dreg:$0xa];
	s2 =	sadd.s32 $0x2800, s2;
	[sflag:s22] =	ssyncadd.s32 $0xFFFFF830  }
0x6f: {  	[spmem:s3] =	stream.indirect.scatter.add.f32 [tilespmem:s29], [sflag:$0xF], $0x10, s2, s14, $0xb8;
	[tilespmem:$0xB680] =	vst v63  }
0x70: {  	s8 =	simm.s32 $0x2B80;
	s13 =	simm.s32 $0x1000;
	_ =	swait.ge [sflag:s23], $0x7D0  }
0x71: {  	p0 =	por $0x1, $0x1;
	s2 =	simm.s32 $0x700;
	[sflag:s23] =	ssyncset.done $0x0  }
.LBB2_2:
0x72: {  	s9 =	simm.s32 @p0 $0x9;
	[sflag:s23] =	ssyncadd.s32 $0xFFFFF830  }
0x73: {  	[spmem:s3] =	stream.indirect.scatter.add.f32 [tilespmem:s15], [sflag:$0x10], $0x10, s8, s14, $0xb8;
	[tilespmem:$0xB680] =	vst v63  }
0x74: {  	_ =	swait.ge @p0 [sflag:s9], $0x7D0  }
0x75: {  	s10 =	simm.s32 @p0 $0x5000;
	s24 =	simm.s32 @p0 $0xA;
	[sflag:s9] =	ssyncset.done @p0 $0x0  }
0x76: {  	s8 =	simm.s32 @p0 $0x7D;
	[sflag:s9] =	ssyncadd.s32 @p0 $0xFFFFF830;
	s9 =	sshra.s32 @p0 s13, $0x2  }
0x77: {  	[tilespmem:s10], [sflag:$0x1] =	stream.indirect.gather @p0 [hbm4b:s5+s8], $0x10, s9, s8, $0xb8;
	[tilespmem:$0xB680] =	vst v63  }
0x78: {  	_ =	swait.ge @p0 [sflag:s24], $0x7D0  }
0x79: {  	s29 =	simm.s32 @p0 $0xB;
	[sflag:s24] =	ssyncset.done @p0 $0x0  }
0x7a: {  	s10 =	sadd.s32 @p0 $0x80, s9;
	[sflag:s24] =	ssyncadd.s32 @p0 $0xFFFFF830;
	s24 =	simm.s32 @p0 $0x57D0  }
0x7b: {  	[tilespmem:s24], [sflag:$0x2] =	stream.indirect.gather @p0 [hbm4b:s5+s8], $0x10, s10, s8, $0xb8;
	[tilespmem:$0xB680] =	vst v63  }
0x7c: {  	_ =	swait.ge @p0 [sflag:s29], $0x7D0  }
0x7d: {  	s25 =	sadd.s32 @p0 $0x100, s9;
	[sflag:s29] =	ssyncset.done @p0 $0x0  }
0x7e: {  	s24 =	simm.s32 @p0 $0x5FA0;
	[sflag:s29] =	ssyncadd.s32 @p0 $0xFFFFF830;
	s29 =	simm.s32 @p0 $0xC  }
0x7f: {  	[tilespmem:s24], [sflag:$0x3] =	stream.indirect.gather @p0 [hbm4b:s5+s8], $0x10, s25, s8, $0xb8;
	[tilespmem:$0xB680] =	vst v63  }
0x80: {  	_ =	swait.ge @p0 [sflag:s29], $0x7D0  }
0x81: {  	s26 =	sadd.s32 @p0 $0x180, s9;
	[sflag:s29] =	ssyncset.done @p0 $0x0  }
0x82: {  	s24 =	simm.s32 @p0 $0x6770;
	s25 =	simm.s32 @p0 $0xD;
	[sflag:s29] =	ssyncadd.s32 @p0 $0xFFFFF830  }
0x83: {  	[tilespmem:s24], [sflag:$0x4] =	stream.indirect.gather @p0 [hbm4b:s5+s8], $0x10, s26, s8, $0xb8;
	[tilespmem:$0xB680] =	vst v63  }
0x84: {  	_ =	swait.ge @p0 [sflag:s25], $0x7D0  }
0x85: {  	s28 =	sadd.s32 @p0 $0x200, s9;
	[sflag:s25] =	ssyncset.done @p0 $0x0  }
0x86: {  	s24 =	simm.s32 @p0 $0x6F40;
	[sflag:s25] =	ssyncadd.s32 @p0 $0xFFFFF830;
	s25 =	simm.s32 @p0 $0xE  }
0x87: {  	[tilespmem:s24], [sflag:$0x5] =	stream.indirect.gather @p0 [hbm4b:s5+s8], $0x10, s28, s8, $0xb8;
	[tilespmem:$0xB680] =	vst v63  }
0x88: {  	_ =	swait.ge @p0 [sflag:s25], $0x7D0  }
0x89: {  	s10 =	sadd.s32 @p0 $0x280, s9;
	[sflag:s25] =	ssyncset.done @p0 $0x0  }
0x8a: {  	s24 =	simm.s32 @p0 $0x7710;
	[sflag:s25] =	ssyncadd.s32 @p0 $0xFFFFF830;
	s25 =	simm.s32 @p0 $0xF  }
0x8b: {  	[tilespmem:s24], [sflag:$0x6] =	stream.indirect.gather @p0 [hbm4b:s5+s8], $0x10, s10, s8, $0xb8;
	[tilespmem:$0xB680] =	vst v63  }
0x8c: {  	_ =	swait.ge @p0 [sflag:s25], $0x7D0  }
0x8d: {  	s9 =	sadd.s32 @p0 $0x300, s9;
	[sflag:s25] =	ssyncset.done @p0 $0x0  }
0x8e: {  	s10 =	simm.s32 @p0 $0x7EE0;
	s24 =	simm.s32 @p0 $0x10;
	[sflag:s25] =	ssyncadd.s32 @p0 $0xFFFFF830  }
0x8f: {  	[tilespmem:s10], [sflag:$0x7] =	stream.indirect.gather @p0 [hbm4b:s5+s8], $0x10, s9, s8, $0xb8;
	[tilespmem:$0xB680] =	vst v63  }
0x90: {  	_ =	swait.ge @p0 [sflag:s24], $0x7D0  }
0x91: {  	s8 =	simm.s32 @!p0 $0x5000;
	[sflag:s24] =	ssyncset.done @p0 $0x0  }
0x92: {  	s9 =	sshra.s32 @!p0 s13, $0x2;
	s10 =	simm.s32 @!p0 $0x7D;
	[sflag:s24] =	ssyncadd.s32 @p0 $0xFFFFF830  }
0x93: {  	[tilespmem:s8], [sflag:$0x1] =	stream.indirect.gather @!p0 [hbm4b:s5+s10], $0x10, s9, s10, $0xb8;
	[tilespmem:$0xB680] =	vst v63  }
0x94: {  	s8 =	simm.s32 @!p0 $0x80;
	s9 =	simm.s32 @!p0 $0x57D0  }
0x95: {  	[tilespmem:s9], [sflag:$0x2] =	stream.indirect.gather @!p0 [hbm4b:s5+s10], $0x10, s8, s10, $0xb8;
	[tilespmem:$0xB680] =	vst v63  }
0x96: {  	s8 =	simm.s32 @!p0 $0x100;
	s9 =	simm.s32 @!p0 $0x5FA0  }
0x97: {  	[tilespmem:s9], [sflag:$0x3] =	stream.indirect.gather @!p0 [hbm4b:s5+s10], $0x10, s8, s10, $0xb8;
	[tilespmem:$0xB680] =	vst v63  }
0x98: {  	s8 =	simm.s32 @!p0 $0x180;
	s9 =	simm.s32 @!p0 $0x6770  }
0x99: {  	[tilespmem:s9], [sflag:$0x4] =	stream.indirect.gather @!p0 [hbm4b:s5+s10], $0x10, s8, s10, $0xb8;
	[tilespmem:$0xB680] =	vst v63  }
0x9a: {  	s8 =	simm.s32 @!p0 $0x200;
	s9 =	simm.s32 @!p0 $0x6F40  }
0x9b: {  	[tilespmem:s9], [sflag:$0x5] =	stream.indirect.gather @!p0 [hbm4b:s5+s10], $0x10, s8, s10, $0xb8;
	[tilespmem:$0xB680] =	vst v63  }
0x9c: {  	s8 =	simm.s32 @!p0 $0x280;
	s9 =	simm.s32 @!p0 $0x7710  }
0x9d: {  	[tilespmem:s9], [sflag:$0x6] =	stream.indirect.gather @!p0 [hbm4b:s5+s10], $0x10, s8, s10, $0xb8;
	[tilespmem:$0xB680] =	vst v63  }
0x9e: {  	s24 =	simm.s32 @!p0 $0x7EE0;
	s9 =	simm.s32 @!p0 $0x300;
	s8 =	sshra.s32 s13, $0x2  }
0x9f: {  	[tilespmem:s24], [sflag:$0x7] =	stream.indirect.gather @!p0 [hbm4b:s5+s10], $0x10, s9, s10, $0xb8;
	[tilespmem:$0xB680] =	vst v63  }
0xa0: {  	s26 =	sadd.s32 $0x380, s8  }
0xa1: {  	[tilespmem:s15], [sflag:$0x8] =	stream.indirect.gather [hbm4b:s5+s14], $0x10, s26, s14, $0xb8;
	[tilespmem:$0xB680] =	vst v63  }
0xa2: {  	_ =	swait.ge [sflag:s16], $0x7D0  }
0xa3: {  	s7 =	smov.u32 s4;
	[sflag:s16] =	ssyncset.done $0x0  }
0xa4: {  	s29 =	sadd.s32 $0x2800, s8;
	s28 =	rddreg [dreg:$0x4];
	[sflag:s16] =	ssyncadd.s32 $0xFFFFF830  }
0xa5: {  	[spmem:s3] =	stream.indirect.scatter.add.f32 [tilespmem:s28], [sflag:$0x9], $0x10, s29, s14, $0xb8;
	[tilespmem:$0xB680] =	vst v63  }
0xa6: {  	s13 =	smov.u32 s7;
	s7 =	sadd.s32 @p0 $0xFFFFFD80, s2;
	_ =	swait.ge [sflag:s17], $0x7D0  }
0xa7: {  	s7 =	simm.s32 @!p0 $0x80;
	[sflag:s17] =	ssyncset.done $0x0  }
0xa8: {  	s7 =	sadd.s32 $0x2800, s7;
	s10 =	rddreg [dreg:$0x5];
	[sflag:s17] =	ssyncadd.s32 $0xFFFFF830  }
0xa9: {  	[spmem:s3] =	stream.indirect.scatter.add.f32 [tilespmem:s10], [sflag:$0xA], $0x10, s7, s14, $0xb8;
	[tilespmem:$0xB680] =	vst v63  }
0xaa: {  	s7 =	sadd.s32 @p0 $0xFFFFFE00, s2;
	_ =	swait.ge [sflag:s18], $0x7D0  }
0xab: {  	s7 =	simm.s32 @!p0 $0x100;
	[sflag:s18] =	ssyncset.done $0x0  }
0xac: {  	s24 =	rddreg [dreg:$0x6];
	s7 =	sadd.s32 $0x2800, s7;
	[sflag:s18] =	ssyncadd.s32 $0xFFFFF830  }
0xad: {  	[spmem:s3] =	stream.indirect.scatter.add.f32 [tilespmem:s24], [sflag:$0xB], $0x10, s7, s14, $0xb8;
	[tilespmem:$0xB680] =	vst v63  }
0xae: {  	s7 =	sadd.s32 @p0 $0xFFFFFE80, s2;
	_ =	swait.ge [sflag:s19], $0x7D0  }
0xaf: {  	s7 =	simm.s32 @!p0 $0x180;
	[sflag:s19] =	ssyncset.done $0x0  }
0xb0: {  	s25 =	rddreg [dreg:$0x7];
	s7 =	sadd.s32 $0x2800, s7;
	[sflag:s19] =	ssyncadd.s32 $0xFFFFF830  }
0xb1: {  	[spmem:s3] =	stream.indirect.scatter.add.f32 [tilespmem:s25], [sflag:$0xC], $0x10, s7, s14, $0xb8;
	[tilespmem:$0xB680] =	vst v63  }
0xb2: {  	s7 =	sadd.s32 @p0 $0xFFFFFF00, s2;
	_ =	swait.ge [sflag:s20], $0x7D0  }
0xb3: {  	s7 =	simm.s32 @!p0 $0x200;
	[sflag:s20] =	ssyncset.done $0x0  }
0xb4: {  	s26 =	rddreg [dreg:$0x8];
	s7 =	sadd.s32 $0x2800, s7;
	[sflag:s20] =	ssyncadd.s32 $0xFFFFF830  }
0xb5: {  	[spmem:s3] =	stream.indirect.scatter.add.f32 [tilespmem:s26], [sflag:$0xD], $0x10, s7, s14, $0xb8;
	[tilespmem:$0xB680] =	vst v63  }
0xb6: {  	s7 =	sadd.s32 @p0 $0xFFFFFF80, s2;
	_ =	swait.ge [sflag:s21], $0x7D0  }
0xb7: {  	s4 =	sadd.s32 $0x1000, s4;
	s7 =	simm.s32 @!p0 $0x280;
	[sflag:s21] =	ssyncset.done $0x0  }
0xb8: {  	s28 =	rddreg [dreg:$0x9];
	s7 =	sadd.s32 $0x2800, s7;
	[sflag:s21] =	ssyncadd.s32 $0xFFFFF830  }
0xb9: {  	[spmem:s3] =	stream.indirect.scatter.add.f32 [tilespmem:s28], [sflag:$0xE], $0x10, s7, s14, $0xb8;
	[tilespmem:$0xB680] =	vst v63  }
0xba: {  	p1 =	sne.s32 s4, $0xA000;
	s9 =	smov.u32 s2;
	_ =	swait.ge [sflag:s22], $0x7D0  }
.Ltmp0:
0xbb: {  	s9 =	simm.s32 @!p0 $0x300;
	[sflag:s22] =	ssyncset.done $0x0;
	(pc) =	sbr.rel @p1 .LBB2_2-.Ltmp0, $4  }
0xbc: {  	s9 =	sadd.s32 $0x2800, s9;
	s29 =	rddreg [dreg:$0xa];
	[sflag:s22] =	ssyncadd.s32 $0xFFFFF830  }
0xbd: {  	[spmem:s3] =	stream.indirect.scatter.add.f32 [tilespmem:s29], [sflag:$0xF], $0x10, s9, s14, $0xb8;
	[tilespmem:$0xB680] =	vst v63  }
0xbe: {  	s8 =	sadd.s32 $0x2B80, s8;
	_ =	swait.ge [sflag:s23], $0x7D0  }
0xbf: {  	s2 =	sadd.s32 $0x400, s2;
	p0 =	sne.s32 s13, $0x0;
	[sflag:s23] =	ssyncset.done $0x0  }
0xc0: {  	s4 =	simm.s32 @p0 $0x9;
	[sflag:s23] =	ssyncadd.s32 $0xFFFFF830  }
0xc1: {  	[spmem:s3] =	stream.indirect.scatter.add.f32 [tilespmem:s15], [sflag:$0x10], $0x10, s8, s14, $0xb8;
	[tilespmem:$0xB680] =	vst v63  }
0xc2: {  	_ =	swait.ge @p0 [sflag:s4], $0x7D0  }
0xc3: {  	s7 =	simm.s32 @p0 $0x5000;
	s9 =	simm.s32 @p0 $0x7D;
	[sflag:s4] =	ssyncset.done @p0 $0x0  }
0xc4: {  	s8 =	simm.s32 @p0 $0xA;
	[sflag:s4] =	ssyncadd.s32 @p0 $0xFFFFF830;
	s4 =	sshra.s32 @p0 s13, $0x2  }
0xc5: {  	[tilespmem:s7], [sflag:$0x1] =	stream.indirect.gather @p0 [hbm4b:s5+s9], $0x10, s4, s9, $0xb8;
	[tilespmem:$0xB680] =	vst v63  }
0xc6: {  	_ =	swait.ge @p0 [sflag:s8], $0x7D0  }
0xc7: {  	[sflag:s8] =	ssyncset.done @p0 $0x0  }
0xc8: {  	s7 =	sadd.s32 @p0 $0x80, s4;
	[sflag:s8] =	ssyncadd.s32 @p0 $0xFFFFF830;
	s8 =	simm.s32 @p0 $0x57D0  }
0xc9: {  	[tilespmem:s8], [sflag:$0x2] =	stream.indirect.gather @p0 [hbm4b:s5+s9], $0x10, s7, s9, $0xb8;
	[tilespmem:$0xB680] =	vst v63  }
0xca: {  	s7 =	simm.s32 @p0 $0xB  }
0xcb: {  	_ =	swait.ge @p0 [sflag:s7], $0x7D0  }
0xcc: {  	[sflag:s7] =	ssyncset.done @p0 $0x0  }
0xcd: {  	s8 =	sadd.s32 @p0 $0x100, s4;
	[sflag:s7] =	ssyncadd.s32 @p0 $0xFFFFF830;
	s7 =	simm.s32 @p0 $0x5FA0  }
0xce: {  	[tilespmem:s7], [sflag:$0x3] =	stream.indirect.gather @p0 [hbm4b:s5+s9], $0x10, s8, s9, $0xb8;
	[tilespmem:$0xB680] =	vst v63  }
0xcf: {  	s7 =	simm.s32 @p0 $0xC  }
0xd0: {  	_ =	swait.ge @p0 [sflag:s7], $0x7D0  }
0xd1: {  	[sflag:s7] =	ssyncset.done @p0 $0x0  }
0xd2: {  	s8 =	sadd.s32 @p0 $0x180, s4;
	[sflag:s7] =	ssyncadd.s32 @p0 $0xFFFFF830;
	s7 =	simm.s32 @p0 $0x6770  }
0xd3: {  	[tilespmem:s7], [sflag:$0x4] =	stream.indirect.gather @p0 [hbm4b:s5+s9], $0x10, s8, s9, $0xb8;
	[tilespmem:$0xB680] =	vst v63  }
0xd4: {  	s7 =	simm.s32 @p0 $0xD  }
0xd5: {  	_ =	swait.ge @p0 [sflag:s7], $0x7D0  }
0xd6: {  	[sflag:s7] =	ssyncset.done @p0 $0x0  }
0xd7: {  	s8 =	sadd.s32 @p0 $0x200, s4;
	[sflag:s7] =	ssyncadd.s32 @p0 $0xFFFFF830;
	s7 =	simm.s32 @p0 $0x6F40  }
0xd8: {  	[tilespmem:s7], [sflag:$0x5] =	stream.indirect.gather @p0 [hbm4b:s5+s9], $0x10, s8, s9, $0xb8;
	[tilespmem:$0xB680] =	vst v63  }
0xd9: {  	s7 =	simm.s32 @p0 $0xE  }
0xda: {  	_ =	swait.ge @p0 [sflag:s7], $0x7D0  }
0xdb: {  	[sflag:s7] =	ssyncset.done @p0 $0x0  }
0xdc: {  	s8 =	sadd.s32 @p0 $0x280, s4;
	[sflag:s7] =	ssyncadd.s32 @p0 $0xFFFFF830;
	s7 =	simm.s32 @p0 $0x7710  }
0xdd: {  	[tilespmem:s7], [sflag:$0x6] =	stream.indirect.gather @p0 [hbm4b:s5+s9], $0x10, s8, s9, $0xb8;
	[tilespmem:$0xB680] =	vst v63  }
0xde: {  	s7 =	simm.s32 @p0 $0xF  }
0xdf: {  	_ =	swait.ge @p0 [sflag:s7], $0x7D0  }
0xe0: {  	[sflag:s7] =	ssyncset.done @p0 $0x0  }
0xe1: {  	s4 =	sadd.s32 @p0 $0x300, s4;
	[sflag:s7] =	ssyncadd.s32 @p0 $0xFFFFF830;
	s7 =	simm.s32 @p0 $0x7EE0  }
0xe2: {  	[tilespmem:s7], [sflag:$0x7] =	stream.indirect.gather @p0 [hbm4b:s5+s9], $0x10, s4, s9, $0xb8;
	[tilespmem:$0xB680] =	vst v63  }
0xe3: {  	s4 =	simm.s32 @p0 $0x10  }
0xe4: {  	_ =	swait.ge @p0 [sflag:s4], $0x7D0  }
0xe5: {  	s8 =	simm.s32 @!p0 $0x7D;
	[sflag:s4] =	ssyncset.done @p0 $0x0  }
0xe6: {  	s7 =	simm.s32 @!p0 $0x5000;
	[sflag:s4] =	ssyncadd.s32 @p0 $0xFFFFF830;
	s4 =	sshra.s32 @!p0 s13, $0x2  }
0xe7: {  	[tilespmem:s7], [sflag:$0x1] =	stream.indirect.gather @!p0 [hbm4b:s5+s8], $0x10, s4, s8, $0xb8;
	[tilespmem:$0xB680] =	vst v63  }
0xe8: {  	s4 =	simm.s32 @!p0 $0x80;
	s7 =	simm.s32 @!p0 $0x57D0  }
0xe9: {  	[tilespmem:s7], [sflag:$0x2] =	stream.indirect.gather @!p0 [hbm4b:s5+s8], $0x10, s4, s8, $0xb8;
	[tilespmem:$0xB680] =	vst v63  }
0xea: {  	s4 =	simm.s32 @!p0 $0x100;
	s7 =	simm.s32 @!p0 $0x5FA0  }
0xeb: {  	[tilespmem:s7], [sflag:$0x3] =	stream.indirect.gather @!p0 [hbm4b:s5+s8], $0x10, s4, s8, $0xb8;
	[tilespmem:$0xB680] =	vst v63  }
0xec: {  	s4 =	simm.s32 @!p0 $0x180;
	s7 =	simm.s32 @!p0 $0x6770  }
0xed: {  	[tilespmem:s7], [sflag:$0x4] =	stream.indirect.gather @!p0 [hbm4b:s5+s8], $0x10, s4, s8, $0xb8;
	[tilespmem:$0xB680] =	vst v63  }
0xee: {  	s4 =	simm.s32 @!p0 $0x200;
	s7 =	simm.s32 @!p0 $0x6F40  }
0xef: {  	[tilespmem:s7], [sflag:$0x5] =	stream.indirect.gather @!p0 [hbm4b:s5+s8], $0x10, s4, s8, $0xb8;
	[tilespmem:$0xB680] =	vst v63  }
0xf0: {  	s4 =	simm.s32 @!p0 $0x280;
	s7 =	simm.s32 @!p0 $0x7710  }
0xf1: {  	[tilespmem:s7], [sflag:$0x6] =	stream.indirect.gather @!p0 [hbm4b:s5+s8], $0x10, s4, s8, $0xb8;
	[tilespmem:$0xB680] =	vst v63  }
0xf2: {  	s4 =	simm.s32 @!p0 $0x300;
	s7 =	simm.s32 @!p0 $0x7EE0  }
0xf3: {  	[tilespmem:s7], [sflag:$0x7] =	stream.indirect.gather @!p0 [hbm4b:s5+s8], $0x10, s4, s8, $0xb8;
	[tilespmem:$0xB680] =	vst v63  }
0xf4: {  	s4 =	sshra.s32 s13, $0x2  }
0xf5: {  	s9 =	sadd.s32 $0x380, s4  }
0xf6: {  	[tilespmem:s15], [sflag:$0x8] =	stream.indirect.gather [hbm4b:s5+s14], $0x10, s9, s14, $0xb8;
	[tilespmem:$0xB680] =	vst v63  }
0xf7: {  	_ =	swait.ge [sflag:s16], $0x7D0  }
0xf8: {  	[sflag:s16] =	ssyncset.done $0x0  }
0xf9: {  	s13 =	sadd.s32 $0x2800, s4;
	s10 =	rddreg [dreg:$0x4];
	[sflag:s16] =	ssyncadd.s32 $0xFFFFF830  }
0xfa: {  	[spmem:s3] =	stream.indirect.scatter.add.f32 [tilespmem:s10], [sflag:$0x9], $0x10, s13, s14, $0xb8;
	[tilespmem:$0xB680] =	vst v63  }
0xfb: {  	s7 =	sadd.s32 @p0 $0xFFFFFD80, s2;
	_ =	swait.ge [sflag:s17], $0x7D0  }
0xfc: {  	s7 =	simm.s32 @!p0 $0x80;
	[sflag:s17] =	ssyncset.done $0x0  }
0xfd: {  	s7 =	sadd.s32 $0x2800, s7;
	s24 =	rddreg [dreg:$0x5];
	[sflag:s17] =	ssyncadd.s32 $0xFFFFF830  }
0xfe: {  	[spmem:s3] =	stream.indirect.scatter.add.f32 [tilespmem:s24], [sflag:$0xA], $0x10, s7, s14, $0xb8;
	[tilespmem:$0xB680] =	vst v63  }
0xff: {  	s7 =	sadd.s32 @p0 $0xFFFFFE00, s2;
	_ =	swait.ge [sflag:s18], $0x7D0  }
0x100: {  	s7 =	simm.s32 @!p0 $0x100;
	[sflag:s18] =	ssyncset.done $0x0  }
0x101: {  	s25 =	rddreg [dreg:$0x6];
	s7 =	sadd.s32 $0x2800, s7;
	[sflag:s18] =	ssyncadd.s32 $0xFFFFF830  }
0x102: {  	[spmem:s3] =	stream.indirect.scatter.add.f32 [tilespmem:s25], [sflag:$0xB], $0x10, s7, s14, $0xb8;
	[tilespmem:$0xB680] =	vst v63  }
0x103: {  	s7 =	sadd.s32 @p0 $0xFFFFFE80, s2;
	_ =	swait.ge [sflag:s19], $0x7D0  }
0x104: {  	s7 =	simm.s32 @!p0 $0x180;
	[sflag:s19] =	ssyncset.done $0x0  }
0x105: {  	s26 =	rddreg [dreg:$0x7];
	s7 =	sadd.s32 $0x2800, s7;
	[sflag:s19] =	ssyncadd.s32 $0xFFFFF830  }
0x106: {  	[spmem:s3] =	stream.indirect.scatter.add.f32 [tilespmem:s26], [sflag:$0xC], $0x10, s7, s14, $0xb8;
	[tilespmem:$0xB680] =	vst v63  }
0x107: {  	s7 =	sadd.s32 @p0 $0xFFFFFF00, s2;
	_ =	swait.ge [sflag:s20], $0x7D0  }
0x108: {  	s7 =	simm.s32 @!p0 $0x200;
	[sflag:s20] =	ssyncset.done $0x0  }
0x109: {  	s28 =	rddreg [dreg:$0x8];
	s7 =	sadd.s32 $0x2800, s7;
	[sflag:s20] =	ssyncadd.s32 $0xFFFFF830  }
0x10a: {  	[spmem:s3] =	stream.indirect.scatter.add.f32 [tilespmem:s28], [sflag:$0xD], $0x10, s7, s14, $0xb8;
	[tilespmem:$0xB680] =	vst v63  }
0x10b: {  	s7 =	sadd.s32 @p0 $0xFFFFFF80, s2;
	_ =	swait.ge [sflag:s21], $0x7D0  }
0x10c: {  	s7 =	simm.s32 @!p0 $0x280;
	[sflag:s21] =	ssyncset.done $0x0  }
0x10d: {  	s29 =	rddreg [dreg:$0x9];
	s7 =	sadd.s32 $0x2800, s7;
	[sflag:s21] =	ssyncadd.s32 $0xFFFFF830  }
0x10e: {  	[spmem:s3] =	stream.indirect.scatter.add.f32 [tilespmem:s29], [sflag:$0xE], $0x10, s7, s14, $0xb8;
	[tilespmem:$0xB680] =	vst v63  }
0x10f: {  	_ =	swait.ge [sflag:s22], $0x7D0  }
0x110: {  	s2 =	simm.s32 @!p0 $0x300;
	[sflag:s22] =	ssyncset.done $0x0  }
0x111: {  	s2 =	sadd.s32 $0x2800, s2;
	s8 =	rddreg [dreg:$0xa];
	[sflag:s22] =	ssyncadd.s32 $0xFFFFF830  }
0x112: {  	[spmem:s3] =	stream.indirect.scatter.add.f32 [tilespmem:s8], [sflag:$0xF], $0x10, s2, s14, $0xb8;
	[tilespmem:$0xB680] =	vst v63  }
0x113: {  	_ =	swait.ge [sflag:s23], $0x7D0  }
0x114: {  	[sflag:s23] =	ssyncset.done $0x0  }
0x115: {  	s9 =	sadd.s32 $0x2B80, s4;
	s10 =	simm.s32 $0x9;
	[sflag:s23] =	ssyncadd.s32 $0xFFFFF830  }
0x116: {  	[spmem:s3] =	stream.indirect.scatter.add.f32 [tilespmem:s15], [sflag:$0x10], $0x10, s9, s14, $0xb8;
	[tilespmem:$0xB680] =	vst v63  }
0x117: {  	_ =	swait.ge [sflag:s10], $0x7D0  }
0x118: {  	[sflag:s10] =	ssyncset.done $0x0  }
0x119: {  	s13 =	simm.s32 $0xA;
	[sflag:s10] =	ssyncadd.s32 $0xFFFFF830  }
0x11a: {  	_ =	swait.ge [sflag:s13], $0x7D0  }
0x11b: {  	[sflag:s13] =	ssyncset.done $0x0  }
0x11c: {  	s24 =	simm.s32 $0xB;
	[sflag:s13] =	ssyncadd.s32 $0xFFFFF830  }
0x11d: {  	_ =	swait.ge [sflag:s24], $0x7D0  }
0x11e: {  	[sflag:s24] =	ssyncset.done $0x0  }
0x11f: {  	s25 =	simm.s32 $0xC;
	[sflag:s24] =	ssyncadd.s32 $0xFFFFF830  }
0x120: {  	_ =	swait.ge [sflag:s25], $0x7D0  }
0x121: {  	[sflag:s25] =	ssyncset.done $0x0  }
0x122: {  	s26 =	simm.s32 $0xD;
	[sflag:s25] =	ssyncadd.s32 $0xFFFFF830  }
0x123: {  	_ =	swait.ge [sflag:s26], $0x7D0  }
0x124: {  	[sflag:s26] =	ssyncset.done $0x0  }
0x125: {  	[sflag:s26] =	ssyncadd.s32 $0xFFFFF830  }
0x126: {  	_ =	swait.ge [sflag:s30], $0x7D0  }
0x127: {  	[sflag:s30] =	ssyncset.done $0x0  }
0x128: {  	[sflag:s30] =	ssyncadd.s32 $0xFFFFF830  }
0x129: {  	_ =	swait.ge [sflag:s31], $0x7D0  }
0x12a: {  	[sflag:s31] =	ssyncset.done $0x0  }
0x12b: {  	[sflag:s31] =	ssyncadd.s32 $0xFFFFF830  }
0x12c: {  	_ =	swait.ge [sflag:s1], $0x7D0  }
0x12d: {  	[sflag:s1] =	ssyncset.done $0x0  }
0x12e: {  	[sflag:s1] =	ssyncadd.s32 $0xFFFFF830  }
0x12f: {  	[bflag:$0x0] =	sbarrier.arrive $0xFFFF  }
0x130: {  	s28 =	rddreg [dreg:$0xd]  }
0x131: {  	[hbm:s28], [sflag:s6] =	dma.local [spmem:s11], $0x500  }
0x132: {  	_ =	swait.ge [sflag:s12], $0x500  }
0x133: {  	s0 =	sadd.s32 $0x1, s0;
	s29 =	rddreg [dreg:$0xe]  }
0x134: {  	p0 =	sne.s32 s0, s29  }
.Ltmp1:
0x135: {  	_ = 	snop;
	(pc) =	sbr.rel @p0 .LBB2_1-.Ltmp1, $3  }
0x136: {  	_ =	sdelay $0x1  }
0x137: {  	[sflag:s12] =	ssyncset.done $0x0  }
0x138: {  	[sflag:s12] =	ssyncadd.s32 $0xFFFFFB00  }
0x139: {  	_ =	sfence.sel $0x180000  }
0x13a: {  	[bflag:$0x0] =	sbarrier.arrive $0xFFFF  }
0x13b: {  	_ =	strace $0x90000050  }
0x13c: {  	s0 =	stileid.u32;
	[bflag:$0x2] =	sbarrier.arrive $0xFFFF  }
0x13d: {  	p0 =	sne.s32 s0, $0x0;
	s0 =	rddreg [dreg:$0x3]  }
0x13e: {  	s0 =	sadd.s32 @!p0 $0x100000, s0  }
0x13f: {  	[sflag:s0] =	ssyncadd.tile.s32 @!p0 $0x1;
	_ =	shalt  }
.Lfunc_end2:
_tile_overlayer_lowered:
.L_overlay_start_2:
0x140: {  	(tag) =	ssettag $0x2  }
0x141: {  	s0 =	rddreg [dreg:$0x0];
	s2 =	stileid.u32  }
0x142: {  	s1 =	rddreg [dreg:$0x1];
	p0 =	sne.s32 s2, $0x0  }
0x143: {  	s3 =	rddreg [dreg:$0x2];
	[bflag:$0x3] =	sbarrier.arrive $0xFFFF;
	s2 =	simm.s32 @!p0 $0x1C11  }
0x144: {  	[timem:s3], [sflag:s2] =	dma.local @!p0 [hbm:s0], s1  }
0x145: {  	s0 =	simm.s32 @!p0 $0x11  }
0x146: {  	_ =	swait.ge @!p0 [sflag:s0], s1  }
0x147: {  	s1 =	ssub.s32 @!p0 $0x0, s1;
	[sflag:s0] =	ssyncset.done @!p0 $0x0  }
0x148: {  	[sflag:s0] =	ssyncadd.s32 @!p0 s1  }
0x149: {  	[bflag:$0x3] =	sbarrier.arrive $0xFFFF  }
0x14a: {  	_ =	shalt  }

</sc_bundles>
